<compile_context>
chip_gen: v7x
topology: tpu7x:2x2x1
jax: 0.10.2.dev20260603
libtpu: 0.0.44.dev20260713+nightly
codegen_flags: <defaults>
</compile_context>

<pallas_src>
import functools

import jax
import jax.numpy as jnp
from jax import lax
from jax.experimental import pallas as pl
from jax.experimental.pallas import tpu as pltpu
from jax.experimental.pallas import tpu_sc as plsc

N = 10000
E = 320000
DIM_IN = 128
DIM_H = 16
HEADS = 8
DIM_OUT = 64

NPAD = 10240
JUNK = N
NW = 32
B = 128
EPW = 10496
EPAD = NW * EPW
ROWS_PER_TILE = NPAD // 16


D_SC = 64
CW = D_SC + 16
NV = D_SC // 16


NC = EPW // B
MSG_BYTES = B * CW * 4


def _edge_kernel_fn(H, NG):
    CH = D_SC // H

    def body(*args):
        (xls, xrs, rest) = (args[:NG], args[NG:2 * NG], args[2 * NG:])
        (sd_hbm, att_hbm, out_hbm,
         sd0, sd1, ds0, ds1, xl0, xl1, xr0, xr1, m0, m1, att_s,
         sI0, sI1, sG0, sG1, sS0, sS1, accum) = rest
        sd_v, ds_v = (sd0, sd1), (ds0, ds1)
        xl_v, xr_v, msg_v = (xl0, xl1), (xr0, xr1), (m0, m1)
        semI, semG, semS = (sI0, sI1), (sG0, sG1), (sS0, sS1)
        c = lax.axis_index("c")
        s = lax.axis_index("s")
        wid = s * 2 + c
        wbase = wid * EPW

        pltpu.sync_copy(att_hbm, att_s)
        iota16 = lax.broadcasted_iota(jnp.int32, (16,), 0)
        zero16 = jnp.zeros((16,), jnp.float32)

        def zrow(i, carry):
            for j in range(CW // 16):
                m0[i, pl.ds(16 * j, 16)] = zero16
                m1[i, pl.ds(16 * j, 16)] = zero16
            return carry
        lax.fori_loop(0, B, zrow, 0)

        def wait_idx(b):
            pltpu.make_async_copy(
                sd_hbm.at[:, pl.ds(0, B)], sd_v[b], semI[b]).wait()

        def wait_gathers(b, g):
            pltpu.make_async_copy(
                xls[g].at[pl.ds(0, B)], xl_v[b], semG[b]).wait()
            pltpu.make_async_copy(
                xrs[g].at[pl.ds(0, B)], xr_v[b], semG[b]).wait()

        def wait_scatter(b):
            pltpu.make_async_copy(
                msg_v[b], accum.at[ds_v[b]], semS[b]).wait()

        def issue_idx(b, ci):
            pltpu.async_copy(
                sd_hbm.at[:, pl.ds(wbase + ci * B, B)], sd_v[b], semI[b])

        def issue_gathers(b, g):
            pltpu.async_copy(xls[g].at[sd_v[b].at[0]], xl_v[b], semG[b])
            pltpu.async_copy(xrs[g].at[sd_v[b].at[1]], xr_v[b], semG[b])

        VPH = NV // H
        perms = [iota16 ^ st for st in (8, 4, 2, 1)]

        def compute_chunk(b, g):
            def erow(i, carry):
                den = zero16
                for h in range(H):
                    acc = zero16
                    avs = []
                    for k in range(VPH):
                        j = h * VPH + k
                        a = xl_v[b][i, pl.ds(16 * j, 16)]
                        bb = xr_v[b][i, pl.ds(16 * j, 16)]
                        avs.append(a)
                        sv = a + bb
                        tv = jnp.maximum(sv, 0.2 * sv)
                        acc = acc + tv * att_s[g * NV + j]
                    for p in perms:
                        acc = acc + acc.at[p].get(mode="promise_in_bounds")
                    exv = jnp.exp(acc)
                    for k in range(VPH):
                        j = h * VPH + k
                        msg_v[b][i, pl.ds(16 * j, 16)] = avs[k] * exv
                    den = jnp.where(iota16 == h, exv, den)
                msg_v[b][i, pl.ds(D_SC, 16)] = den
                return carry
            lax.fori_loop(0, B, erow, 0)

        for g in range(NG):
            for k in range(ROWS_PER_TILE // B):
                pltpu.sync_copy(
                    m0, accum.at[pl.ds(s * ROWS_PER_TILE + k * B, B)])
            plsc.subcore_barrier()

            junk16 = jnp.full((16,), JUNK, jnp.int32)
            def jrow(q, carry):
                ds_v[0][pl.ds(16 * q, 16)] = junk16
                ds_v[1][pl.ds(16 * q, 16)] = junk16
                return carry
            lax.fori_loop(0, B // 16, jrow, 0)
            pltpu.async_copy(msg_v[0], accum.at[ds_v[0]], semS[0], add=True)
            pltpu.async_copy(msg_v[1], accum.at[ds_v[1]], semS[1], add=True)
            cpI0 = pltpu.async_copy(
                sd_hbm.at[:, pl.ds(wbase, B)], sd_v[0], semI[0])
            pltpu.async_copy(
                sd_hbm.at[:, pl.ds(wbase + B, B)], sd_v[1], semI[1])
            cpI0.wait()
            issue_gathers(0, g)

            def pair_body(ci2, carry):
                for b in (0, 1):
                    ci = 2 * ci2 + b
                    wait_idx(1 - b)
                    issue_gathers(1 - b, g)
                    wait_gathers(b, g)
                    wait_scatter(b)
                    for q in range(B // 16):
                        ds_v[b][pl.ds(16 * q, 16)] = sd_v[b][1, pl.ds(16 * q, 16)]
                    issue_idx(b, ci + 2)
                    compute_chunk(b, g)
                    pltpu.async_copy(
                        msg_v[b], accum.at[ds_v[b]], semS[b], add=True)
                return carry

            lax.fori_loop(0, NC // 2, pair_body, 0)

            wait_gathers(0, g)
            wait_idx(1)
            wait_scatter(0)
            wait_scatter(1)
            plsc.subcore_barrier()

            pltpu.sync_copy(
                accum.at[pl.ds(s * ROWS_PER_TILE, ROWS_PER_TILE)],
                out_hbm.at[g, c, pl.ds(s * ROWS_PER_TILE, ROWS_PER_TILE)])
            plsc.subcore_barrier()

    return body


def _make_edge_call(H, NG):
    body = _edge_kernel_fn(H, NG)
    return pl.kernel(
        body,
        out_type=jax.ShapeDtypeStruct((NG, 2, NPAD, CW), jnp.float32),
        mesh=plsc.VectorSubcoreMesh(core_axis_name="c", subcore_axis_name="s"),
        compiler_params=pltpu.CompilerParams(
            needs_layout_passes=False, use_tc_tiling_on_sc=False),
        scratch_types=[
            pltpu.VMEM((2, B), jnp.int32),
            pltpu.VMEM((2, B), jnp.int32),
            pltpu.VMEM((B,), jnp.int32),
            pltpu.VMEM((B,), jnp.int32),
            pltpu.VMEM((B, D_SC), jnp.float32),
            pltpu.VMEM((B, D_SC), jnp.float32),
            pltpu.VMEM((B, D_SC), jnp.float32),
            pltpu.VMEM((B, D_SC), jnp.float32),
            pltpu.VMEM((B, CW), jnp.float32),
            pltpu.VMEM((B, CW), jnp.float32),
            pltpu.VMEM((NG * NV, 16), jnp.float32),
            pltpu.SemaphoreType.DMA,
            pltpu.SemaphoreType.DMA,
            pltpu.SemaphoreType.DMA,
            pltpu.SemaphoreType.DMA,
            pltpu.SemaphoreType.DMA,
            pltpu.SemaphoreType.DMA,
            pltpu.VMEM_SHARED((NPAD, CW), jnp.float32),
        ],
    )



RB = 1024


def _mm1_body(x_ref, w_ref, b_ref, xla_ref, xlb_ref, xra_ref, xrb_ref):
    acc = jnp.dot(x_ref[...], w_ref[...], preferred_element_type=jnp.float32,
                  precision=lax.Precision.HIGHEST) + b_ref[...]
    xla_ref[...] = acc[:, 0:64]
    xlb_ref[...] = acc[:, 64:128]
    xra_ref[...] = acc[:, 128:192]
    xrb_ref[...] = acc[:, 192:256]


def _mm1_call(x_pad, wcat, bcat):
    grid = (NPAD // RB,)
    tbl = jax.ShapeDtypeStruct((NPAD, 64), jnp.float32)
    return pl.pallas_call(
        _mm1_body,
        grid=grid,
        in_specs=[
            pl.BlockSpec((RB, DIM_IN), lambda i: (i, 0)),
            pl.BlockSpec((DIM_IN, 2 * DIM_IN), lambda i: (0, 0)),
            pl.BlockSpec((1, 2 * DIM_IN), lambda i: (0, 0)),
        ],
        out_specs=[pl.BlockSpec((RB, 64), lambda i: (i, 0))] * 4,
        out_shape=[tbl] * 4,
    )(x_pad, wcat, bcat)


def _mid_body(acc_ref, e4_ref, b1_ref, w2_ref, b2_ref, h2l_ref, h2r_ref):
    hs = []
    for g in range(2):
        a = acc_ref[g, 0] + acc_ref[g, 1]
        num = a[:, :D_SC]
        den = a[:, D_SC:D_SC + 4]
        r = 1.0 / (den + 1e-16)
        r64 = jnp.dot(r, e4_ref[...], preferred_element_type=jnp.float32,
                      precision=lax.Precision.HIGHEST)
        hs.append(num * r64)
    h = jnp.concatenate(hs, axis=1) + b1_ref[...]
    h = jnp.where(h > 0, h, jnp.exp(jnp.minimum(h, 0.0)) - 1.0)
    h2 = jnp.dot(h, w2_ref[...], preferred_element_type=jnp.float32,
                 precision=lax.Precision.HIGHEST) + b2_ref[...]
    h2l_ref[...] = h2[:, :DIM_OUT]
    h2r_ref[...] = h2[:, DIM_OUT:]


def _mid_call(accum1, e4, b1, w2cat, b2cat):
    grid = (NPAD // RB,)
    return pl.pallas_call(
        _mid_body,
        grid=grid,
        in_specs=[
            pl.BlockSpec((2, 2, RB, CW), lambda i: (0, 0, i, 0)),
            pl.BlockSpec((4, D_SC), lambda i: (0, 0)),
            pl.BlockSpec((1, DIM_IN), lambda i: (0, 0)),
            pl.BlockSpec((DIM_IN, 2 * DIM_OUT), lambda i: (0, 0)),
            pl.BlockSpec((1, 2 * DIM_OUT), lambda i: (0, 0)),
        ],
        out_specs=[
            pl.BlockSpec((RB, DIM_OUT), lambda i: (i, 0)),
            pl.BlockSpec((RB, DIM_OUT), lambda i: (i, 0)),
        ],
        out_shape=[
            jax.ShapeDtypeStruct((NPAD, DIM_OUT), jnp.float32),
            jax.ShapeDtypeStruct((NPAD, DIM_OUT), jnp.float32),
        ],
    )(accum1, e4, b1, w2cat, b2cat)


def _final_body(acc_ref, b2_ref, out_ref):
    a = acc_ref[0, 0] + acc_ref[0, 1]
    num = a[:, :DIM_OUT]
    den = a[:, DIM_OUT:DIM_OUT + 1]
    o = num / (den + 1e-16) + b2_ref[...]
    m = jnp.max(o, axis=1, keepdims=True)
    ls = m + jnp.log(jnp.sum(jnp.exp(o - m), axis=1, keepdims=True))
    out_ref[...] = o - ls


def _final_call(accum2, bias2):
    grid = (NPAD // RB,)
    return pl.pallas_call(
        _final_body,
        grid=grid,
        in_specs=[
            pl.BlockSpec((1, 2, RB, CW), lambda i: (0, 0, i, 0)),
            pl.BlockSpec((1, DIM_OUT), lambda i: (0, 0)),
        ],
        out_specs=pl.BlockSpec((RB, DIM_OUT), lambda i: (i, 0)),
        out_shape=jax.ShapeDtypeStruct((NPAD, DIM_OUT), jnp.float32),
    )(accum2, bias2)



def kernel(x, edge_index, Wl1, bl1, Wr1, br1, att1, bias1,
           Wl2, bl2, Wr2, br2, att2, bias2):
    f32 = jnp.float32
    src0 = edge_index[0]
    dst0 = edge_index[1]
    dstm = jnp.where(src0 != dst0, dst0, jnp.int32(JUNK))
    loops = jnp.arange(N, dtype=jnp.int32)
    npad_e = EPAD + 2 * B - (E + N)
    src = jnp.concatenate([src0, loops, jnp.zeros((npad_e,), jnp.int32)])
    dst = jnp.concatenate([dstm, loops, jnp.full((npad_e,), JUNK, jnp.int32)])
    sd = jnp.stack([src, dst])

    x_pad = jnp.pad(x, ((0, NPAD - N), (0, 0)))
    wcat1 = jnp.concatenate([Wl1, Wr1], axis=1)
    bcat1 = jnp.concatenate([bl1, br1]).reshape(1, -1)
    w2cat = jnp.concatenate([Wl2, Wr2], axis=1)
    b2cat = jnp.concatenate([bl2, br2]).reshape(1, -1)
    att1r = att1.reshape(HEADS, DIM_H)
    att2r = att2.reshape(DIM_OUT // 16, 16)
    e4 = jnp.repeat(jnp.eye(4, dtype=f32), DIM_H, axis=1)

    xla, xlb, xra, xrb = _mm1_call(x_pad, wcat1, bcat1)
    accum1 = _make_edge_call(4, 2)(xla, xlb, xra, xrb, sd, att1r)
    h2l, h2r = _mid_call(accum1, e4, bias1.reshape(1, -1), w2cat, b2cat)

    accum2 = _make_edge_call(1, 1)(h2l, h2r, sd, att2r)
    out = _final_call(accum2, bias2.reshape(1, -1))
    return out[:N]

# --- scband reference (transcript-rebuilt; emitter-appended) ---
"""Pipeline reference for scband-gat-46076409152403 (READ-ONLY COPY).

The authoritative reference and input builder live on the scoring server;
editing this copy changes nothing except your own understanding.
"""

import jax, jax.numpy as jnp
import numpy as np

N = 10000
E = 320000
DIM_IN = 128
DIM_H = 16
HEADS = 8
DIM_OUT = 64


def setup_inputs(seed: int = 0) -> dict:
    key = jax.random.key(seed)
    ks = jax.random.split(key, 16)
    x = jax.random.normal(ks[0], (N, DIM_IN), dtype=jnp.float32)
    edge_index = jax.random.randint(ks[1], (2, E), 0, N, dtype=jnp.int32)
    s_in = 1.0 / np.sqrt(DIM_IN)
    s_h = 1.0 / np.sqrt(DIM_H * HEADS)
    # layer 1: GATv2Conv(128, 16, heads=8)
    Wl1 = jax.random.normal(ks[2], (DIM_IN, DIM_H * HEADS), dtype=jnp.float32) * s_in
    bl1 = jnp.zeros((DIM_H * HEADS,), dtype=jnp.float32)
    Wr1 = jax.random.normal(ks[3], (DIM_IN, DIM_H * HEADS), dtype=jnp.float32) * s_in
    br1 = jnp.zeros((DIM_H * HEADS,), dtype=jnp.float32)
    att1 = jax.random.normal(ks[4], (1, HEADS, DIM_H), dtype=jnp.float32) * (1.0 / np.sqrt(DIM_H))
    bias1 = jnp.zeros((DIM_H * HEADS,), dtype=jnp.float32)
    # layer 2: GATv2Conv(128, 64, heads=1)
    Wl2 = jax.random.normal(ks[5], (DIM_H * HEADS, DIM_OUT), dtype=jnp.float32) * s_h
    bl2 = jnp.zeros((DIM_OUT,), dtype=jnp.float32)
    Wr2 = jax.random.normal(ks[6], (DIM_H * HEADS, DIM_OUT), dtype=jnp.float32) * s_h
    br2 = jnp.zeros((DIM_OUT,), dtype=jnp.float32)
    att2 = jax.random.normal(ks[7], (1, 1, DIM_OUT), dtype=jnp.float32) * (1.0 / np.sqrt(DIM_OUT))
    bias2 = jnp.zeros((DIM_OUT,), dtype=jnp.float32)
    return {"x": x, "edge_index": edge_index,
            "Wl1": Wl1, "bl1": bl1, "Wr1": Wr1, "br1": br1, "att1": att1, "bias1": bias1,
            "Wl2": Wl2, "bl2": bl2, "Wr2": Wr2, "br2": br2, "att2": att2, "bias2": bias2}


def _add_self_loops(edge_index):
    # PyG GATv2Conv default: remove existing self-loops, then add one per node
    mask = edge_index[0] != edge_index[1]
    dst = jnp.where(mask, edge_index[1], jnp.asarray(N, dtype=edge_index.dtype))
    ei = jnp.stack([edge_index[0], dst], axis=0)
    loops = jnp.arange(N, dtype=edge_index.dtype)
    loops = jnp.stack([loops, loops], axis=0)
    return jnp.concatenate([ei, loops], axis=1)


def _gatv2_conv(x, ei, Wl, bl, Wr, br, att, bias, heads, ch):
    src, dst = ei[0], ei[1]
    xl = (x @ Wl + bl).reshape(N, heads, ch)
    xr = (x @ Wr + br).reshape(N, heads, ch)
    x_j = xl[src]            # source features (lin_l)
    x_i = xr[dst]            # target features (lin_r)
    e = jax.nn.leaky_relu(x_j + x_i, negative_slope=0.2)
    alpha = jnp.sum(e * att, axis=-1)              # [E, H]
    amax = jax.ops.segment_max(alpha, dst, num_segments=N)
    amax = jnp.where(jnp.isfinite(amax), amax, 0.0)
    ex = jnp.exp(alpha - amax[dst])
    denom = jax.ops.segment_sum(ex, dst, num_segments=N)
    a = ex / (denom[dst] + 1e-16)
    out = jax.ops.segment_sum(x_j * a[..., None], dst, num_segments=N)
    return out.reshape(N, heads * ch) + bias


def reference(x, edge_index, Wl1, bl1, Wr1, br1, att1, bias1, Wl2, bl2, Wr2, br2, att2, bias2):
    ei = _add_self_loops(edge_index)
    # eval mode: dropout is identity; normalization='none' -> Identity
    h = _gatv2_conv(x, ei, Wl1, bl1, Wr1, br1, att1, bias1, HEADS, DIM_H)
    h = jax.nn.elu(h)
    h = _gatv2_conv(h, ei, Wl2, bl2, Wr2, br2, att2, bias2, 1, DIM_OUT)
    return jax.nn.log_softmax(h, axis=1)

if __name__ == "__main__":
    import jax
    _d = setup_inputs()
    print(jax.jit(kernel)(*tuple(_d.values())))

</pallas_src>

<mosaic_0001>
#map = affine_map<(d0, d1) -> (0, 0)>
#map1 = affine_map<(d0, d1) -> (0, 0, 0, 0)>
module attributes {stable_mosaic.version = 14 : i64} {
  func.func @body(%arg0: i32, %arg1: i32, %arg2: memref<10240x64xf32, #tpu.memory_space<hbm>>, %arg3: memref<10240x64xf32, #tpu.memory_space<hbm>>, %arg4: memref<10240x64xf32, #tpu.memory_space<hbm>>, %arg5: memref<10240x64xf32, #tpu.memory_space<hbm>>, %arg6: memref<2x336128xi32, #tpu.memory_space<hbm>>, %arg7: memref<8x16xf32, #tpu.memory_space<hbm>>, %arg8: memref<2x2x10240x80xf32, #tpu.memory_space<hbm>>, %arg9: memref<2x128xi32, #tpu.memory_space<vmem>>, %arg10: memref<2x128xi32, #tpu.memory_space<vmem>>, %arg11: memref<128xi32, #tpu.memory_space<vmem>>, %arg12: memref<128xi32, #tpu.memory_space<vmem>>, %arg13: memref<128x64xf32, #tpu.memory_space<vmem>>, %arg14: memref<128x64xf32, #tpu.memory_space<vmem>>, %arg15: memref<128x64xf32, #tpu.memory_space<vmem>>, %arg16: memref<128x64xf32, #tpu.memory_space<vmem>>, %arg17: memref<128x80xf32, #tpu.memory_space<vmem>>, %arg18: memref<128x80xf32, #tpu.memory_space<vmem>>, %arg19: memref<8x16xf32, #tpu.memory_space<vmem>>, %arg20: memref<!tpu.dma_semaphore, #tpu.memory_space<semaphore_mem>>, %arg21: memref<!tpu.dma_semaphore, #tpu.memory_space<semaphore_mem>>, %arg22: memref<!tpu.dma_semaphore, #tpu.memory_space<semaphore_mem>>, %arg23: memref<!tpu.dma_semaphore, #tpu.memory_space<semaphore_mem>>, %arg24: memref<!tpu.dma_semaphore, #tpu.memory_space<semaphore_mem>>, %arg25: memref<!tpu.dma_semaphore, #tpu.memory_space<semaphore_mem>>, %arg26: memref<10240x80xf32, #tpu.memory_space<vmem_shared>>) attributes {dimension_semantics = [#tpu.dimension_semantics<core_parallel>, #tpu.dimension_semantics<subcore_parallel>], iteration_bounds = array<i64: 2, 16>, scalar_prefetch = 0 : i64, scratch_operands = 18 : i64, tpu.core_type = #tpu.core_type<sc_vector_subcore>, window_params = [{transform_indices = #map}, {transform_indices = #map}, {transform_indices = #map}, {transform_indices = #map}, {transform_indices = #map}, {transform_indices = #map}, {transform_indices = #map1}]} {
    %mul3A = arith.constant 2 : i32
    %mul3A_0 = arith.muli %arg1, %mul3A : i32
    %add3A = arith.addi %mul3A_0, %arg0 : i32
    %mul3A_1 = arith.constant 10496 : i32
    %mul3A_2 = arith.muli %add3A, %mul3A_1 : i32
    "tpu.region"() ({
      %run_scoped3A_216 = tpu.sem_alloc : memref<!tpu.dma_semaphore, #tpu.memory_space<semaphore_mem>>
      tpu.enqueue_dma source(%arg7 : memref<8x16xf32, #tpu.memory_space<hbm>>) target(%arg19 : memref<8x16xf32, #tpu.memory_space<vmem>>) target_semaphore(%run_scoped3A_216 : memref<!tpu.dma_semaphore, #tpu.memory_space<semaphore_mem>>)
      tpu.wait_dma2 semaphore(%run_scoped3A_216 : memref<!tpu.dma_semaphore, #tpu.memory_space<semaphore_mem>>) src(%arg7 : memref<8x16xf32, #tpu.memory_space<hbm>>) dst(%arg19 : memref<8x16xf32, #tpu.memory_space<vmem>>)
      tpu.yield
    }) : () -> ()
    %iota3A = tpu.iota {dimensions = array<i32: 0>} : vector<16xi32>
    %broadcast_in_dim3A = arith.constant 0.000000e+00 : f32
    %broadcast_in_dim3A_3 = vector.broadcast %broadcast_in_dim3A : f32 to vector<16xf32>
    %scan3A = arith.constant 0 : i32
    %scan3A_4 = arith.constant 0 : i32
    %scan3A_5 = arith.constant 128 : i32
    %scan3A_6 = arith.addi %scan3A_4, %scan3A_5 : i32
    %scan3A_7 = arith.constant 1 : i32
    scf.for %scan3A_216 = %scan3A_4 to %scan3A_6 step %scan3A_7  : i32 {
      %swap3A = arith.index_cast %scan3A_216 : i32 to index
      %swap3A_217 = arith.constant 0 : index
      %swap3A_218 = tpu.vector_load %arg17[%swap3A, %swap3A_217] {strides = array<i32>} : memref<128x80xf32, #tpu.memory_space<vmem>>, vector<16xf32>,
      tpu.vector_store %arg17[%swap3A, %swap3A_217], %broadcast_in_dim3A_3 {strides = array<i32>} : memref<128x80xf32, #tpu.memory_space<vmem>>, vector<16xf32>,
      %swap3A_219 = arith.index_cast %scan3A_216 : i32 to index
      %swap3A_220 = arith.constant 0 : index
      %swap3A_221 = tpu.vector_load %arg18[%swap3A_219, %swap3A_220] {strides = array<i32>} : memref<128x80xf32, #tpu.memory_space<vmem>>, vector<16xf32>,
      tpu.vector_store %arg18[%swap3A_219, %swap3A_220], %broadcast_in_dim3A_3 {strides = array<i32>} : memref<128x80xf32, #tpu.memory_space<vmem>>, vector<16xf32>,
      %swap3A_222 = arith.index_cast %scan3A_216 : i32 to index
      %swap3A_223 = arith.constant 16 : index
      %swap3A_224 = tpu.vector_load %arg17[%swap3A_222, %swap3A_223] {strides = array<i32>} : memref<128x80xf32, #tpu.memory_space<vmem>>, vector<16xf32>,
      tpu.vector_store %arg17[%swap3A_222, %swap3A_223], %broadcast_in_dim3A_3 {strides = array<i32>} : memref<128x80xf32, #tpu.memory_space<vmem>>, vector<16xf32>,
      %swap3A_225 = arith.index_cast %scan3A_216 : i32 to index
      %swap3A_226 = arith.constant 16 : index
      %swap3A_227 = tpu.vector_load %arg18[%swap3A_225, %swap3A_226] {strides = array<i32>} : memref<128x80xf32, #tpu.memory_space<vmem>>, vector<16xf32>,
      tpu.vector_store %arg18[%swap3A_225, %swap3A_226], %broadcast_in_dim3A_3 {strides = array<i32>} : memref<128x80xf32, #tpu.memory_space<vmem>>, vector<16xf32>,
      %swap3A_228 = arith.index_cast %scan3A_216 : i32 to index
      %swap3A_229 = arith.constant 32 : index
      %swap3A_230 = tpu.vector_load %arg17[%swap3A_228, %swap3A_229] {strides = array<i32>} : memref<128x80xf32, #tpu.memory_space<vmem>>, vector<16xf32>,
      tpu.vector_store %arg17[%swap3A_228, %swap3A_229], %broadcast_in_dim3A_3 {strides = array<i32>} : memref<128x80xf32, #tpu.memory_space<vmem>>, vector<16xf32>,
      %swap3A_231 = arith.index_cast %scan3A_216 : i32 to index
      %swap3A_232 = arith.constant 32 : index
      %swap3A_233 = tpu.vector_load %arg18[%swap3A_231, %swap3A_232] {strides = array<i32>} : memref<128x80xf32, #tpu.memory_space<vmem>>, vector<16xf32>,
      tpu.vector_store %arg18[%swap3A_231, %swap3A_232], %broadcast_in_dim3A_3 {strides = array<i32>} : memref<128x80xf32, #tpu.memory_space<vmem>>, vector<16xf32>,
      %swap3A_234 = arith.index_cast %scan3A_216 : i32 to index
      %swap3A_235 = arith.constant 48 : index
      %swap3A_236 = tpu.vector_load %arg17[%swap3A_234, %swap3A_235] {strides = array<i32>} : memref<128x80xf32, #tpu.memory_space<vmem>>, vector<16xf32>,
      tpu.vector_store %arg17[%swap3A_234, %swap3A_235], %broadcast_in_dim3A_3 {strides = array<i32>} : memref<128x80xf32, #tpu.memory_space<vmem>>, vector<16xf32>,
      %swap3A_237 = arith.index_cast %scan3A_216 : i32 to index
      %swap3A_238 = arith.constant 48 : index
      %swap3A_239 = tpu.vector_load %arg18[%swap3A_237, %swap3A_238] {strides = array<i32>} : memref<128x80xf32, #tpu.memory_space<vmem>>, vector<16xf32>,
      tpu.vector_store %arg18[%swap3A_237, %swap3A_238], %broadcast_in_dim3A_3 {strides = array<i32>} : memref<128x80xf32, #tpu.memory_space<vmem>>, vector<16xf32>,
      %swap3A_240 = arith.index_cast %scan3A_216 : i32 to index
      %swap3A_241 = arith.constant 64 : index
      %swap3A_242 = tpu.vector_load %arg17[%swap3A_240, %swap3A_241] {strides = array<i32>} : memref<128x80xf32, #tpu.memory_space<vmem>>, vector<16xf32>,
      tpu.vector_store %arg17[%swap3A_240, %swap3A_241], %broadcast_in_dim3A_3 {strides = array<i32>} : memref<128x80xf32, #tpu.memory_space<vmem>>, vector<16xf32>,
      %swap3A_243 = arith.index_cast %scan3A_216 : i32 to index
      %swap3A_244 = arith.constant 64 : index
      %swap3A_245 = tpu.vector_load %arg18[%swap3A_243, %swap3A_244] {strides = array<i32>} : memref<128x80xf32, #tpu.memory_space<vmem>>, vector<16xf32>,
      tpu.vector_store %arg18[%swap3A_243, %swap3A_244], %broadcast_in_dim3A_3 {strides = array<i32>} : memref<128x80xf32, #tpu.memory_space<vmem>>, vector<16xf32>,
    }
    %scan3A_8 = arith.constant 128 : i32
    %xor3A = arith.constant 8 : i32
    %xor3A_9 = vector.broadcast %xor3A : i32 to vector<16xi32>
    %xor3A_10 = arith.xori %iota3A, %xor3A_9 : vector<16xi32>
    %xor3A_11 = arith.constant 4 : i32
    %xor3A_12 = vector.broadcast %xor3A_11 : i32 to vector<16xi32>
    %xor3A_13 = arith.xori %iota3A, %xor3A_12 : vector<16xi32>
    %xor3A_14 = arith.constant 2 : i32
    %xor3A_15 = vector.broadcast %xor3A_14 : i32 to vector<16xi32>
    %xor3A_16 = arith.xori %iota3A, %xor3A_15 : vector<16xi32>
    %xor3A_17 = arith.constant 1 : i32
    %xor3A_18 = vector.broadcast %xor3A_17 : i32 to vector<16xi32>
    %xor3A_19 = arith.xori %iota3A, %xor3A_18 : vector<16xi32>
    %mul3A_20 = arith.constant 640 : i32
    %mul3A_21 = arith.muli %arg1, %mul3A_20 : i32
    %add3A_22 = arith.constant 0 : i32
    %add3A_23 = arith.addi %mul3A_21, %add3A_22 : i32
    "tpu.region"() ({
      %run_scoped3A_216 = tpu.sem_alloc : memref<!tpu.dma_semaphore, #tpu.memory_space<semaphore_mem>>
      %dma_start3A_217 = arith.constant 0 : i32
      %dma_start3A_218 = tpu.memref_slice %arg26[%add3A_23, %dma_start3A_217] : memref<10240x80xf32, #tpu.memory_space<vmem_shared>> -> memref<128x80xf32, #tpu.memory_space<vmem_shared>>
      %dma_start3A_219 = arith.constant 0 : i32
      %dma_start3A_220 = tpu.memref_slice %arg26[%add3A_23, %dma_start3A_219] : memref<10240x80xf32, #tpu.memory_space<vmem_shared>> -> memref<128x80xf32, #tpu.memory_space<vmem_shared>>
      tpu.enqueue_dma source(%arg17 : memref<128x80xf32, #tpu.memory_space<vmem>>) target(%dma_start3A_220 : memref<128x80xf32, #tpu.memory_space<vmem_shared>>) target_semaphore(%run_scoped3A_216 : memref<!tpu.dma_semaphore, #tpu.memory_space<semaphore_mem>>)
      %dma_wait3A_221 = arith.constant 0 : i32
      %dma_wait3A_222 = tpu.memref_slice %arg26[%add3A_23, %dma_wait3A_221] : memref<10240x80xf32, #tpu.memory_space<vmem_shared>> -> memref<128x80xf32, #tpu.memory_space<vmem_shared>>
      %dma_wait3A_223 = arith.constant 0 : i32
      %dma_wait3A_224 = tpu.memref_slice %arg26[%add3A_23, %dma_wait3A_223] : memref<10240x80xf32, #tpu.memory_space<vmem_shared>> -> memref<128x80xf32, #tpu.memory_space<vmem_shared>>
      tpu.wait_dma2 semaphore(%run_scoped3A_216 : memref<!tpu.dma_semaphore, #tpu.memory_space<semaphore_mem>>) src(%arg17 : memref<128x80xf32, #tpu.memory_space<vmem>>) dst(%dma_wait3A_224 : memref<128x80xf32, #tpu.memory_space<vmem_shared>>)
      tpu.yield
    }) : () -> ()
    %mul3A_24 = arith.constant 640 : i32
    %mul3A_25 = arith.muli %arg1, %mul3A_24 : i32
    %add3A_26 = arith.constant 128 : i32
    %add3A_27 = arith.addi %mul3A_25, %add3A_26 : i32
    "tpu.region"() ({
      %run_scoped3A_216 = tpu.sem_alloc : memref<!tpu.dma_semaphore, #tpu.memory_space<semaphore_mem>>
      %dma_start3A_217 = arith.constant 0 : i32
      %dma_start3A_218 = tpu.memref_slice %arg26[%add3A_27, %dma_start3A_217] : memref<10240x80xf32, #tpu.memory_space<vmem_shared>> -> memref<128x80xf32, #tpu.memory_space<vmem_shared>>
      %dma_start3A_219 = arith.constant 0 : i32
      %dma_start3A_220 = tpu.memref_slice %arg26[%add3A_27, %dma_start3A_219] : memref<10240x80xf32, #tpu.memory_space<vmem_shared>> -> memref<128x80xf32, #tpu.memory_space<vmem_shared>>
      tpu.enqueue_dma source(%arg17 : memref<128x80xf32, #tpu.memory_space<vmem>>) target(%dma_start3A_220 : memref<128x80xf32, #tpu.memory_space<vmem_shared>>) target_semaphore(%run_scoped3A_216 : memref<!tpu.dma_semaphore, #tpu.memory_space<semaphore_mem>>)
      %dma_wait3A_221 = arith.constant 0 : i32
      %dma_wait3A_222 = tpu.memref_slice %arg26[%add3A_27, %dma_wait3A_221] : memref<10240x80xf32, #tpu.memory_space<vmem_shared>> -> memref<128x80xf32, #tpu.memory_space<vmem_shared>>
      %dma_wait3A_223 = arith.constant 0 : i32
      %dma_wait3A_224 = tpu.memref_slice %arg26[%add3A_27, %dma_wait3A_223] : memref<10240x80xf32, #tpu.memory_space<vmem_shared>> -> memref<128x80xf32, #tpu.memory_space<vmem_shared>>
      tpu.wait_dma2 semaphore(%run_scoped3A_216 : memref<!tpu.dma_semaphore, #tpu.memory_space<semaphore_mem>>) src(%arg17 : memref<128x80xf32, #tpu.memory_space<vmem>>) dst(%dma_wait3A_224 : memref<128x80xf32, #tpu.memory_space<vmem_shared>>)
      tpu.yield
    }) : () -> ()
    %mul3A_28 = arith.constant 640 : i32
    %mul3A_29 = arith.muli %arg1, %mul3A_28 : i32
    %add3A_30 = arith.constant 256 : i32
    %add3A_31 = arith.addi %mul3A_29, %add3A_30 : i32
    "tpu.region"() ({
      %run_scoped3A_216 = tpu.sem_alloc : memref<!tpu.dma_semaphore, #tpu.memory_space<semaphore_mem>>
      %dma_start3A_217 = arith.constant 0 : i32
      %dma_start3A_218 = tpu.memref_slice %arg26[%add3A_31, %dma_start3A_217] : memref<10240x80xf32, #tpu.memory_space<vmem_shared>> -> memref<128x80xf32, #tpu.memory_space<vmem_shared>>
      %dma_start3A_219 = arith.constant 0 : i32
      %dma_start3A_220 = tpu.memref_slice %arg26[%add3A_31, %dma_start3A_219] : memref<10240x80xf32, #tpu.memory_space<vmem_shared>> -> memref<128x80xf32, #tpu.memory_space<vmem_shared>>
      tpu.enqueue_dma source(%arg17 : memref<128x80xf32, #tpu.memory_space<vmem>>) target(%dma_start3A_220 : memref<128x80xf32, #tpu.memory_space<vmem_shared>>) target_semaphore(%run_scoped3A_216 : memref<!tpu.dma_semaphore, #tpu.memory_space<semaphore_mem>>)
      %dma_wait3A_221 = arith.constant 0 : i32
      %dma_wait3A_222 = tpu.memref_slice %arg26[%add3A_31, %dma_wait3A_221] : memref<10240x80xf32, #tpu.memory_space<vmem_shared>> -> memref<128x80xf32, #tpu.memory_space<vmem_shared>>
      %dma_wait3A_223 = arith.constant 0 : i32
      %dma_wait3A_224 = tpu.memref_slice %arg26[%add3A_31, %dma_wait3A_223] : memref<10240x80xf32, #tpu.memory_space<vmem_shared>> -> memref<128x80xf32, #tpu.memory_space<vmem_shared>>
      tpu.wait_dma2 semaphore(%run_scoped3A_216 : memref<!tpu.dma_semaphore, #tpu.memory_space<semaphore_mem>>) src(%arg17 : memref<128x80xf32, #tpu.memory_space<vmem>>) dst(%dma_wait3A_224 : memref<128x80xf32, #tpu.memory_space<vmem_shared>>)
      tpu.yield
    }) : () -> ()
    %mul3A_32 = arith.constant 640 : i32
    %mul3A_33 = arith.muli %arg1, %mul3A_32 : i32
    %add3A_34 = arith.constant 384 : i32
    %add3A_35 = arith.addi %mul3A_33, %add3A_34 : i32
    "tpu.region"() ({
      %run_scoped3A_216 = tpu.sem_alloc : memref<!tpu.dma_semaphore, #tpu.memory_space<semaphore_mem>>
      %dma_start3A_217 = arith.constant 0 : i32
      %dma_start3A_218 = tpu.memref_slice %arg26[%add3A_35, %dma_start3A_217] : memref<10240x80xf32, #tpu.memory_space<vmem_shared>> -> memref<128x80xf32, #tpu.memory_space<vmem_shared>>
      %dma_start3A_219 = arith.constant 0 : i32
      %dma_start3A_220 = tpu.memref_slice %arg26[%add3A_35, %dma_start3A_219] : memref<10240x80xf32, #tpu.memory_space<vmem_shared>> -> memref<128x80xf32, #tpu.memory_space<vmem_shared>>
      tpu.enqueue_dma source(%arg17 : memref<128x80xf32, #tpu.memory_space<vmem>>) target(%dma_start3A_220 : memref<128x80xf32, #tpu.memory_space<vmem_shared>>) target_semaphore(%run_scoped3A_216 : memref<!tpu.dma_semaphore, #tpu.memory_space<semaphore_mem>>)
      %dma_wait3A_221 = arith.constant 0 : i32
      %dma_wait3A_222 = tpu.memref_slice %arg26[%add3A_35, %dma_wait3A_221] : memref<10240x80xf32, #tpu.memory_space<vmem_shared>> -> memref<128x80xf32, #tpu.memory_space<vmem_shared>>
      %dma_wait3A_223 = arith.constant 0 : i32
      %dma_wait3A_224 = tpu.memref_slice %arg26[%add3A_35, %dma_wait3A_223] : memref<10240x80xf32, #tpu.memory_space<vmem_shared>> -> memref<128x80xf32, #tpu.memory_space<vmem_shared>>
      tpu.wait_dma2 semaphore(%run_scoped3A_216 : memref<!tpu.dma_semaphore, #tpu.memory_space<semaphore_mem>>) src(%arg17 : memref<128x80xf32, #tpu.memory_space<vmem>>) dst(%dma_wait3A_224 : memref<128x80xf32, #tpu.memory_space<vmem_shared>>)
      tpu.yield
    }) : () -> ()
    %mul3A_36 = arith.constant 640 : i32
    %mul3A_37 = arith.muli %arg1, %mul3A_36 : i32
    %add3A_38 = arith.constant 512 : i32
    %add3A_39 = arith.addi %mul3A_37, %add3A_38 : i32
    "tpu.region"() ({
      %run_scoped3A_216 = tpu.sem_alloc : memref<!tpu.dma_semaphore, #tpu.memory_space<semaphore_mem>>
      %dma_start3A_217 = arith.constant 0 : i32
      %dma_start3A_218 = tpu.memref_slice %arg26[%add3A_39, %dma_start3A_217] : memref<10240x80xf32, #tpu.memory_space<vmem_shared>> -> memref<128x80xf32, #tpu.memory_space<vmem_shared>>
      %dma_start3A_219 = arith.constant 0 : i32
      %dma_start3A_220 = tpu.memref_slice %arg26[%add3A_39, %dma_start3A_219] : memref<10240x80xf32, #tpu.memory_space<vmem_shared>> -> memref<128x80xf32, #tpu.memory_space<vmem_shared>>
      tpu.enqueue_dma source(%arg17 : memref<128x80xf32, #tpu.memory_space<vmem>>) target(%dma_start3A_220 : memref<128x80xf32, #tpu.memory_space<vmem_shared>>) target_semaphore(%run_scoped3A_216 : memref<!tpu.dma_semaphore, #tpu.memory_space<semaphore_mem>>)
      %dma_wait3A_221 = arith.constant 0 : i32
      %dma_wait3A_222 = tpu.memref_slice %arg26[%add3A_39, %dma_wait3A_221] : memref<10240x80xf32, #tpu.memory_space<vmem_shared>> -> memref<128x80xf32, #tpu.memory_space<vmem_shared>>
      %dma_wait3A_223 = arith.constant 0 : i32
      %dma_wait3A_224 = tpu.memref_slice %arg26[%add3A_39, %dma_wait3A_223] : memref<10240x80xf32, #tpu.memory_space<vmem_shared>> -> memref<128x80xf32, #tpu.memory_space<vmem_shared>>
      tpu.wait_dma2 semaphore(%run_scoped3A_216 : memref<!tpu.dma_semaphore, #tpu.memory_space<semaphore_mem>>) src(%arg17 : memref<128x80xf32, #tpu.memory_space<vmem>>) dst(%dma_wait3A_224 : memref<128x80xf32, #tpu.memory_space<vmem_shared>>)
      tpu.yield
    }) : () -> ()
    %barrier3A = arith.constant 0 : index
    tpu.barrier barrier_id(%barrier3A)
    %broadcast_in_dim3A_40 = arith.constant 10000 : i32
    %broadcast_in_dim3A_41 = vector.broadcast %broadcast_in_dim3A_40 : i32 to vector<16xi32>
    %scan3A_42 = arith.constant 0 : i32
    %scan3A_43 = arith.constant 0 : i32
    %scan3A_44 = arith.constant 8 : i32
    %scan3A_45 = arith.addi %scan3A_43, %scan3A_44 : i32
    %scan3A_46 = arith.constant 1 : i32
    scf.for %scan3A_216 = %scan3A_43 to %scan3A_45 step %scan3A_46  : i32 {
      %mul3A_217 = arith.constant 16 : i32
      %mul3A_218 = arith.muli %mul3A_217, %scan3A_216 : i32
      %swap3A = arith.index_cast %mul3A_218 : i32 to index
      %swap3A_219 = tpu.vector_load %arg11[%swap3A] {strides = array<i32>} : memref<128xi32, #tpu.memory_space<vmem>>, vector<16xi32>,
      tpu.vector_store %arg11[%swap3A], %broadcast_in_dim3A_41 {strides = array<i32>} : memref<128xi32, #tpu.memory_space<vmem>>, vector<16xi32>,
      %mul3A_220 = arith.constant 16 : i32
      %mul3A_221 = arith.muli %mul3A_220, %scan3A_216 : i32
      %swap3A_222 = arith.index_cast %mul3A_221 : i32 to index
      %swap3A_223 = tpu.vector_load %arg12[%swap3A_222] {strides = array<i32>} : memref<128xi32, #tpu.memory_space<vmem>>, vector<16xi32>,
      tpu.vector_store %arg12[%swap3A_222], %broadcast_in_dim3A_41 {strides = array<i32>} : memref<128xi32, #tpu.memory_space<vmem>>, vector<16xi32>,
    }
    %scan3A_47 = arith.constant 8 : i32
    %dma_start3A = arith.constant 0 : i32
    %dma_start3A_48 = arith.constant 0 : i32
    %dma_start3A_49 = tpu.memref_slice %arg26[%dma_start3A, %dma_start3A_48] : memref<10240x80xf32, #tpu.memory_space<vmem_shared>> -> memref<10240x80xf32, #tpu.memory_space<vmem_shared>>
    tpu.enqueue_indirect_dma source(%arg17 : memref<128x80xf32, #tpu.memory_space<vmem>>) target(%dma_start3A_49 : memref<10240x80xf32, #tpu.memory_space<vmem_shared>>) offsets(%arg11 : memref<128xi32, #tpu.memory_space<vmem>>) semaphore(%arg24 : memref<!tpu.dma_semaphore, #tpu.memory_space<semaphore_mem>>) {add = true}
    %dma_start3A_50 = arith.constant 0 : i32
    %dma_start3A_51 = arith.constant 0 : i32
    %dma_start3A_52 = tpu.memref_slice %arg26[%dma_start3A_50, %dma_start3A_51] : memref<10240x80xf32, #tpu.memory_space<vmem_shared>> -> memref<10240x80xf32, #tpu.memory_space<vmem_shared>>
    tpu.enqueue_indirect_dma source(%arg18 : memref<128x80xf32, #tpu.memory_space<vmem>>) target(%dma_start3A_52 : memref<10240x80xf32, #tpu.memory_space<vmem_shared>>) offsets(%arg12 : memref<128xi32, #tpu.memory_space<vmem>>) semaphore(%arg25 : memref<!tpu.dma_semaphore, #tpu.memory_space<semaphore_mem>>) {add = true}
    %dma_start3A_53 = arith.constant 0 : i32
    %dma_start3A_54 = tpu.memref_slice %arg6[%dma_start3A_53, %mul3A_2] : memref<2x336128xi32, #tpu.memory_space<hbm>> -> memref<2x128xi32, #tpu.memory_space<hbm>>
    %dma_start3A_55 = arith.constant 0 : i32
    %dma_start3A_56 = tpu.memref_slice %arg6[%dma_start3A_55, %mul3A_2] : memref<2x336128xi32, #tpu.memory_space<hbm>> -> memref<2x128xi32, #tpu.memory_space<hbm>>
    tpu.enqueue_dma source(%dma_start3A_56 : memref<2x128xi32, #tpu.memory_space<hbm>>) target(%arg9 : memref<2x128xi32, #tpu.memory_space<vmem>>) target_semaphore(%arg20 : memref<!tpu.dma_semaphore, #tpu.memory_space<semaphore_mem>>)
    %add3A_57 = arith.constant 128 : i32
    %add3A_58 = arith.addi %mul3A_2, %add3A_57 : i32
    %dma_start3A_59 = arith.constant 0 : i32
    %dma_start3A_60 = tpu.memref_slice %arg6[%dma_start3A_59, %add3A_58] : memref<2x336128xi32, #tpu.memory_space<hbm>> -> memref<2x128xi32, #tpu.memory_space<hbm>>
    %dma_start3A_61 = arith.constant 0 : i32
    %dma_start3A_62 = tpu.memref_slice %arg6[%dma_start3A_61, %add3A_58] : memref<2x336128xi32, #tpu.memory_space<hbm>> -> memref<2x128xi32, #tpu.memory_space<hbm>>
    tpu.enqueue_dma source(%dma_start3A_62 : memref<2x128xi32, #tpu.memory_space<hbm>>) target(%arg10 : memref<2x128xi32, #tpu.memory_space<vmem>>) target_semaphore(%arg21 : memref<!tpu.dma_semaphore, #tpu.memory_space<semaphore_mem>>)
    %dma_wait3A = arith.constant 0 : i32
    %dma_wait3A_63 = tpu.memref_slice %arg6[%dma_wait3A, %mul3A_2] : memref<2x336128xi32, #tpu.memory_space<hbm>> -> memref<2x128xi32, #tpu.memory_space<hbm>>
    %dma_wait3A_64 = arith.constant 0 : i32
    %dma_wait3A_65 = tpu.memref_slice %arg6[%dma_wait3A_64, %mul3A_2] : memref<2x336128xi32, #tpu.memory_space<hbm>> -> memref<2x128xi32, #tpu.memory_space<hbm>>
    tpu.wait_dma2 semaphore(%arg20 : memref<!tpu.dma_semaphore, #tpu.memory_space<semaphore_mem>>) src(%dma_wait3A_65 : memref<2x128xi32, #tpu.memory_space<hbm>>) dst(%arg9 : memref<2x128xi32, #tpu.memory_space<vmem>>)
    %dma_start3A_66 = arith.constant 0 : i32
    %dma_start3A_67 = arith.constant 0 : i32
    %dma_start3A_68 = tpu.memref_slice %arg9[%dma_start3A_66, %dma_start3A_67] : memref<2x128xi32, #tpu.memory_space<vmem>> -> memref<1x128xi32, #tpu.memory_space<vmem>>
    %dma_start3A_69 = tpu.memref_squeeze %dma_start3A_68 : memref<1x128xi32, #tpu.memory_space<vmem>> -> memref<128xi32, #tpu.memory_space<vmem>>
    %dma_start3A_70 = arith.constant 0 : i32
    %dma_start3A_71 = arith.constant 0 : i32
    %dma_start3A_72 = tpu.memref_slice %arg2[%dma_start3A_70, %dma_start3A_71] : memref<10240x64xf32, #tpu.memory_space<hbm>> -> memref<10240x64xf32, #tpu.memory_space<hbm>>
    tpu.enqueue_indirect_dma source(%dma_start3A_72 : memref<10240x64xf32, #tpu.memory_space<hbm>>) target(%arg13 : memref<128x64xf32, #tpu.memory_space<vmem>>) offsets(%dma_start3A_69 : memref<128xi32, #tpu.memory_space<vmem>>) semaphore(%arg22 : memref<!tpu.dma_semaphore, #tpu.memory_space<semaphore_mem>>)
    %dma_start3A_73 = arith.constant 1 : i32
    %dma_start3A_74 = arith.constant 0 : i32
    %dma_start3A_75 = tpu.memref_slice %arg9[%dma_start3A_73, %dma_start3A_74] : memref<2x128xi32, #tpu.memory_space<vmem>> -> memref<1x128xi32, #tpu.memory_space<vmem>>
    %dma_start3A_76 = tpu.memref_squeeze %dma_start3A_75 : memref<1x128xi32, #tpu.memory_space<vmem>> -> memref<128xi32, #tpu.memory_space<vmem>>
    %dma_start3A_77 = arith.constant 0 : i32
    %dma_start3A_78 = arith.constant 0 : i32
    %dma_start3A_79 = tpu.memref_slice %arg4[%dma_start3A_77, %dma_start3A_78] : memref<10240x64xf32, #tpu.memory_space<hbm>> -> memref<10240x64xf32, #tpu.memory_space<hbm>>
    tpu.enqueue_indirect_dma source(%dma_start3A_79 : memref<10240x64xf32, #tpu.memory_space<hbm>>) target(%arg15 : memref<128x64xf32, #tpu.memory_space<vmem>>) offsets(%dma_start3A_76 : memref<128xi32, #tpu.memory_space<vmem>>) semaphore(%arg22 : memref<!tpu.dma_semaphore, #tpu.memory_space<semaphore_mem>>)
    %scan3A_80 = arith.constant 0 : i32
    %scan3A_81 = arith.constant 0 : i32
    %scan3A_82 = arith.constant 41 : i32
    %scan3A_83 = arith.addi %scan3A_81, %scan3A_82 : i32
    %scan3A_84 = arith.constant 1 : i32
    scf.for %scan3A_216 = %scan3A_81 to %scan3A_83 step %scan3A_84  : i32 {
      %mul3A_217 = arith.constant 2 : i32
      %mul3A_218 = arith.muli %mul3A_217, %scan3A_216 : i32
      %add3A_219 = arith.constant 0 : i32
      %add3A_220 = arith.addi %mul3A_218, %add3A_219 : i32
      %dma_wait3A_221 = arith.constant 0 : i32
      %dma_wait3A_222 = arith.constant 0 : i32
      %dma_wait3A_223 = tpu.memref_slice %arg6[%dma_wait3A_221, %dma_wait3A_222] : memref<2x336128xi32, #tpu.memory_space<hbm>> -> memref<2x128xi32, #tpu.memory_space<hbm>>
      %dma_wait3A_224 = arith.constant 0 : i32
      %dma_wait3A_225 = arith.constant 0 : i32
      %dma_wait3A_226 = tpu.memref_slice %arg6[%dma_wait3A_224, %dma_wait3A_225] : memref<2x336128xi32, #tpu.memory_space<hbm>> -> memref<2x128xi32, #tpu.memory_space<hbm>>
      tpu.wait_dma2 semaphore(%arg21 : memref<!tpu.dma_semaphore, #tpu.memory_space<semaphore_mem>>) src(%dma_wait3A_226 : memref<2x128xi32, #tpu.memory_space<hbm>>) dst(%arg10 : memref<2x128xi32, #tpu.memory_space<vmem>>)
      %dma_start3A_227 = arith.constant 0 : i32
      %dma_start3A_228 = arith.constant 0 : i32
      %dma_start3A_229 = tpu.memref_slice %arg10[%dma_start3A_227, %dma_start3A_228] : memref<2x128xi32, #tpu.memory_space<vmem>> -> memref<1x128xi32, #tpu.memory_space<vmem>>
      %dma_start3A_230 = tpu.memref_squeeze %dma_start3A_229 : memref<1x128xi32, #tpu.memory_space<vmem>> -> memref<128xi32, #tpu.memory_space<vmem>>
      %dma_start3A_231 = arith.constant 0 : i32
      %dma_start3A_232 = arith.constant 0 : i32
      %dma_start3A_233 = tpu.memref_slice %arg2[%dma_start3A_231, %dma_start3A_232] : memref<10240x64xf32, #tpu.memory_space<hbm>> -> memref<10240x64xf32, #tpu.memory_space<hbm>>
      tpu.enqueue_indirect_dma source(%dma_start3A_233 : memref<10240x64xf32, #tpu.memory_space<hbm>>) target(%arg14 : memref<128x64xf32, #tpu.memory_space<vmem>>) offsets(%dma_start3A_230 : memref<128xi32, #tpu.memory_space<vmem>>) semaphore(%arg23 : memref<!tpu.dma_semaphore, #tpu.memory_space<semaphore_mem>>)
      %dma_start3A_234 = arith.constant 1 : i32
      %dma_start3A_235 = arith.constant 0 : i32
      %dma_start3A_236 = tpu.memref_slice %arg10[%dma_start3A_234, %dma_start3A_235] : memref<2x128xi32, #tpu.memory_space<vmem>> -> memref<1x128xi32, #tpu.memory_space<vmem>>
      %dma_start3A_237 = tpu.memref_squeeze %dma_start3A_236 : memref<1x128xi32, #tpu.memory_space<vmem>> -> memref<128xi32, #tpu.memory_space<vmem>>
      %dma_start3A_238 = arith.constant 0 : i32
      %dma_start3A_239 = arith.constant 0 : i32
      %dma_start3A_240 = tpu.memref_slice %arg4[%dma_start3A_238, %dma_start3A_239] : memref<10240x64xf32, #tpu.memory_space<hbm>> -> memref<10240x64xf32, #tpu.memory_space<hbm>>
      tpu.enqueue_indirect_dma source(%dma_start3A_240 : memref<10240x64xf32, #tpu.memory_space<hbm>>) target(%arg16 : memref<128x64xf32, #tpu.memory_space<vmem>>) offsets(%dma_start3A_237 : memref<128xi32, #tpu.memory_space<vmem>>) semaphore(%arg23 : memref<!tpu.dma_semaphore, #tpu.memory_space<semaphore_mem>>)
      %dma_wait3A_241 = arith.constant 0 : i32
      %dma_wait3A_242 = arith.constant 0 : i32
      %dma_wait3A_243 = tpu.memref_slice %arg2[%dma_wait3A_241, %dma_wait3A_242] : memref<10240x64xf32, #tpu.memory_space<hbm>> -> memref<128x64xf32, #tpu.memory_space<hbm>>
      %dma_wait3A_244 = arith.constant 0 : i32
      %dma_wait3A_245 = arith.constant 0 : i32
      %dma_wait3A_246 = tpu.memref_slice %arg2[%dma_wait3A_244, %dma_wait3A_245] : memref<10240x64xf32, #tpu.memory_space<hbm>> -> memref<128x64xf32, #tpu.memory_space<hbm>>
      tpu.wait_dma2 semaphore(%arg22 : memref<!tpu.dma_semaphore, #tpu.memory_space<semaphore_mem>>) src(%dma_wait3A_246 : memref<128x64xf32, #tpu.memory_space<hbm>>) dst(%arg13 : memref<128x64xf32, #tpu.memory_space<vmem>>)
      %dma_wait3A_247 = arith.constant 0 : i32
      %dma_wait3A_248 = arith.constant 0 : i32
      %dma_wait3A_249 = tpu.memref_slice %arg4[%dma_wait3A_247, %dma_wait3A_248] : memref<10240x64xf32, #tpu.memory_space<hbm>> -> memref<128x64xf32, #tpu.memory_space<hbm>>
      %dma_wait3A_250 = arith.constant 0 : i32
      %dma_wait3A_251 = arith.constant 0 : i32
      %dma_wait3A_252 = tpu.memref_slice %arg4[%dma_wait3A_250, %dma_wait3A_251] : memref<10240x64xf32, #tpu.memory_space<hbm>> -> memref<128x64xf32, #tpu.memory_space<hbm>>
      tpu.wait_dma2 semaphore(%arg22 : memref<!tpu.dma_semaphore, #tpu.memory_space<semaphore_mem>>) src(%dma_wait3A_252 : memref<128x64xf32, #tpu.memory_space<hbm>>) dst(%arg15 : memref<128x64xf32, #tpu.memory_space<vmem>>)
      %dma_wait3A_253 = arith.constant 0 : i32
      %dma_wait3A_254 = arith.constant 0 : i32
      %dma_wait3A_255 = tpu.memref_slice %arg26[%dma_wait3A_253, %dma_wait3A_254] : memref<10240x80xf32, #tpu.memory_space<vmem_shared>> -> memref<10240x80xf32, #tpu.memory_space<vmem_shared>>
      tpu.wait_indirect_dma semaphore(%arg24 : memref<!tpu.dma_semaphore, #tpu.memory_space<semaphore_mem>>) src(%arg17 : memref<128x80xf32, #tpu.memory_space<vmem>>) dst(%dma_wait3A_255 : memref<10240x80xf32, #tpu.memory_space<vmem_shared>>)
      %get3A = arith.constant 1 : i32
      %get3A_256 = arith.index_cast %get3A : i32 to index
      %get3A_257 = arith.constant 0 : index
      %get3A_258 = tpu.vector_load %arg9[%get3A_256, %get3A_257] {strides = array<i32>} : memref<2x128xi32, #tpu.memory_space<vmem>>, vector<16xi32>,
      %swap3A = arith.constant 0 : index
      %swap3A_259 = tpu.vector_load %arg11[%swap3A] {strides = array<i32>} : memref<128xi32, #tpu.memory_space<vmem>>, vector<16xi32>,
      tpu.vector_store %arg11[%swap3A], %get3A_258 {strides = array<i32>} : memref<128xi32, #tpu.memory_space<vmem>>, vector<16xi32>,
      %get3A_260 = arith.constant 1 : i32
      %get3A_261 = arith.index_cast %get3A_260 : i32 to index
      %get3A_262 = arith.constant 16 : index
      %get3A_263 = tpu.vector_load %arg9[%get3A_261, %get3A_262] {strides = array<i32>} : memref<2x128xi32, #tpu.memory_space<vmem>>, vector<16xi32>,
      %swap3A_264 = arith.constant 16 : index
      %swap3A_265 = tpu.vector_load %arg11[%swap3A_264] {strides = array<i32>} : memref<128xi32, #tpu.memory_space<vmem>>, vector<16xi32>,
      tpu.vector_store %arg11[%swap3A_264], %get3A_263 {strides = array<i32>} : memref<128xi32, #tpu.memory_space<vmem>>, vector<16xi32>,
      %get3A_266 = arith.constant 1 : i32
      %get3A_267 = arith.index_cast %get3A_266 : i32 to index
      %get3A_268 = arith.constant 32 : index
      %get3A_269 = tpu.vector_load %arg9[%get3A_267, %get3A_268] {strides = array<i32>} : memref<2x128xi32, #tpu.memory_space<vmem>>, vector<16xi32>,
      %swap3A_270 = arith.constant 32 : index
      %swap3A_271 = tpu.vector_load %arg11[%swap3A_270] {strides = array<i32>} : memref<128xi32, #tpu.memory_space<vmem>>, vector<16xi32>,
      tpu.vector_store %arg11[%swap3A_270], %get3A_269 {strides = array<i32>} : memref<128xi32, #tpu.memory_space<vmem>>, vector<16xi32>,
      %get3A_272 = arith.constant 1 : i32
      %get3A_273 = arith.index_cast %get3A_272 : i32 to index
      %get3A_274 = arith.constant 48 : index
      %get3A_275 = tpu.vector_load %arg9[%get3A_273, %get3A_274] {strides = array<i32>} : memref<2x128xi32, #tpu.memory_space<vmem>>, vector<16xi32>,
      %swap3A_276 = arith.constant 48 : index
      %swap3A_277 = tpu.vector_load %arg11[%swap3A_276] {strides = array<i32>} : memref<128xi32, #tpu.memory_space<vmem>>, vector<16xi32>,
      tpu.vector_store %arg11[%swap3A_276], %get3A_275 {strides = array<i32>} : memref<128xi32, #tpu.memory_space<vmem>>, vector<16xi32>,
      %get3A_278 = arith.constant 1 : i32
      %get3A_279 = arith.index_cast %get3A_278 : i32 to index
      %get3A_280 = arith.constant 64 : index
      %get3A_281 = tpu.vector_load %arg9[%get3A_279, %get3A_280] {strides = array<i32>} : memref<2x128xi32, #tpu.memory_space<vmem>>, vector<16xi32>,
      %swap3A_282 = arith.constant 64 : index
      %swap3A_283 = tpu.vector_load %arg11[%swap3A_282] {strides = array<i32>} : memref<128xi32, #tpu.memory_space<vmem>>, vector<16xi32>,
      tpu.vector_store %arg11[%swap3A_282], %get3A_281 {strides = array<i32>} : memref<128xi32, #tpu.memory_space<vmem>>, vector<16xi32>,
      %get3A_284 = arith.constant 1 : i32
      %get3A_285 = arith.index_cast %get3A_284 : i32 to index
      %get3A_286 = arith.constant 80 : index
      %get3A_287 = tpu.vector_load %arg9[%get3A_285, %get3A_286] {strides = array<i32>} : memref<2x128xi32, #tpu.memory_space<vmem>>, vector<16xi32>,
      %swap3A_288 = arith.constant 80 : index
      %swap3A_289 = tpu.vector_load %arg11[%swap3A_288] {strides = array<i32>} : memref<128xi32, #tpu.memory_space<vmem>>, vector<16xi32>,
      tpu.vector_store %arg11[%swap3A_288], %get3A_287 {strides = array<i32>} : memref<128xi32, #tpu.memory_space<vmem>>, vector<16xi32>,
      %get3A_290 = arith.constant 1 : i32
      %get3A_291 = arith.index_cast %get3A_290 : i32 to index
      %get3A_292 = arith.constant 96 : index
      %get3A_293 = tpu.vector_load %arg9[%get3A_291, %get3A_292] {strides = array<i32>} : memref<2x128xi32, #tpu.memory_space<vmem>>, vector<16xi32>,
      %swap3A_294 = arith.constant 96 : index
      %swap3A_295 = tpu.vector_load %arg11[%swap3A_294] {strides = array<i32>} : memref<128xi32, #tpu.memory_space<vmem>>, vector<16xi32>,
      tpu.vector_store %arg11[%swap3A_294], %get3A_293 {strides = array<i32>} : memref<128xi32, #tpu.memory_space<vmem>>, vector<16xi32>,
      %get3A_296 = arith.constant 1 : i32
      %get3A_297 = arith.index_cast %get3A_296 : i32 to index
      %get3A_298 = arith.constant 112 : index
      %get3A_299 = tpu.vector_load %arg9[%get3A_297, %get3A_298] {strides = array<i32>} : memref<2x128xi32, #tpu.memory_space<vmem>>, vector<16xi32>,
      %swap3A_300 = arith.constant 112 : index
      %swap3A_301 = tpu.vector_load %arg11[%swap3A_300] {strides = array<i32>} : memref<128xi32, #tpu.memory_space<vmem>>, vector<16xi32>,
      tpu.vector_store %arg11[%swap3A_300], %get3A_299 {strides = array<i32>} : memref<128xi32, #tpu.memory_space<vmem>>, vector<16xi32>,
      %add3A_302 = arith.constant 2 : i32
      %add3A_303 = arith.addi %add3A_220, %add3A_302 : i32
      %mul3A_304 = arith.constant 128 : i32
      %mul3A_305 = arith.muli %add3A_303, %mul3A_304 : i32
      %add3A_306 = arith.addi %mul3A_2, %mul3A_305 : i32
      %dma_start3A_307 = arith.constant 0 : i32
      %dma_start3A_308 = tpu.memref_slice %arg6[%dma_start3A_307, %add3A_306] : memref<2x336128xi32, #tpu.memory_space<hbm>> -> memref<2x128xi32, #tpu.memory_space<hbm>>
      %dma_start3A_309 = arith.constant 0 : i32
      %dma_start3A_310 = tpu.memref_slice %arg6[%dma_start3A_309, %add3A_306] : memref<2x336128xi32, #tpu.memory_space<hbm>> -> memref<2x128xi32, #tpu.memory_space<hbm>>
      tpu.enqueue_dma source(%dma_start3A_310 : memref<2x128xi32, #tpu.memory_space<hbm>>) target(%arg9 : memref<2x128xi32, #tpu.memory_space<vmem>>) target_semaphore(%arg20 : memref<!tpu.dma_semaphore, #tpu.memory_space<semaphore_mem>>)
      %scan3A_311 = arith.constant 0 : i32
      %scan3A_312 = arith.constant 0 : i32
      %scan3A_313 = arith.constant 128 : i32
      %scan3A_314 = arith.addi %scan3A_312, %scan3A_313 : i32
      %scan3A_315 = arith.constant 1 : i32
      scf.for %scan3A_425 = %scan3A_312 to %scan3A_314 step %scan3A_315  : i32 {
        %get3A_426 = arith.index_cast %scan3A_425 : i32 to index
        %get3A_427 = arith.constant 0 : index
        %get3A_428 = tpu.vector_load %arg13[%get3A_426, %get3A_427] {strides = array<i32>} : memref<128x64xf32, #tpu.memory_space<vmem>>, vector<16xf32>,
        %get3A_429 = arith.index_cast %scan3A_425 : i32 to index
        %get3A_430 = arith.constant 0 : index
        %get3A_431 = tpu.vector_load %arg15[%get3A_429, %get3A_430] {strides = array<i32>} : memref<128x64xf32, #tpu.memory_space<vmem>>, vector<16xf32>,
        %add3A_432 = arith.addf %get3A_428, %get3A_431 : vector<16xf32>
        %mul3A_433 = arith.constant 2.000000e-01 : f32
        %mul3A_434 = vector.broadcast %mul3A_433 : f32 to vector<16xf32>
        %mul3A_435 = arith.mulf %mul3A_434, %add3A_432 : vector<16xf32>
        %max3A = arith.maximumf %add3A_432, %mul3A_435 : vector<16xf32>
        %get3A_436 = arith.constant 0 : i32
        %get3A_437 = arith.index_cast %get3A_436 : i32 to index
        %get3A_438 = arith.constant 0 : index
        %get3A_439 = tpu.vector_load %arg19[%get3A_437, %get3A_438] {strides = array<i32>} : memref<8x16xf32, #tpu.memory_space<vmem>>, vector<16xf32>,
        %mul3A_440 = arith.mulf %max3A, %get3A_439 : vector<16xf32>
        %add3A_441 = arith.addf %broadcast_in_dim3A_3, %mul3A_440 : vector<16xf32>
        %lt3A = arith.constant 0 : i32
        %lt3A_442 = vector.broadcast %lt3A : i32 to vector<16xi32>
        %lt3A_443 = arith.cmpi slt, %xor3A_10, %lt3A_442 : vector<16xi32>
        %add3A_444 = arith.constant 16 : i32
        %add3A_445 = vector.broadcast %add3A_444 : i32 to vector<16xi32>
        %add3A_446 = arith.addi %xor3A_10, %add3A_445 : vector<16xi32>
        %select_n3A = arith.select %lt3A_443, %add3A_446, %xor3A_10 : vector<16xi1>, vector<16xi32>
        %broadcast_in_dim3A_447 = vector.shape_cast %select_n3A : vector<16xi32> to vector<16x1xi32>
        %gather3A = vector.shape_cast %broadcast_in_dim3A_447 : vector<16x1xi32> to vector<16xi32>
        %gather3A_448 = tpu.dynamic_gather %add3A_441[%gather3A] in [0] : vector<16xf32>, vector<16xi32> -> vector<16xf32>
        %add3A_449 = arith.addf %add3A_441, %gather3A_448 : vector<16xf32>
        %lt3A_450 = arith.constant 0 : i32
        %lt3A_451 = vector.broadcast %lt3A_450 : i32 to vector<16xi32>
        %lt3A_452 = arith.cmpi slt, %xor3A_13, %lt3A_451 : vector<16xi32>
        %add3A_453 = arith.constant 16 : i32
        %add3A_454 = vector.broadcast %add3A_453 : i32 to vector<16xi32>
        %add3A_455 = arith.addi %xor3A_13, %add3A_454 : vector<16xi32>
        %select_n3A_456 = arith.select %lt3A_452, %add3A_455, %xor3A_13 : vector<16xi1>, vector<16xi32>
        %broadcast_in_dim3A_457 = vector.shape_cast %select_n3A_456 : vector<16xi32> to vector<16x1xi32>
        %gather3A_458 = vector.shape_cast %broadcast_in_dim3A_457 : vector<16x1xi32> to vector<16xi32>
        %gather3A_459 = tpu.dynamic_gather %add3A_449[%gather3A_458] in [0] : vector<16xf32>, vector<16xi32> -> vector<16xf32>
        %add3A_460 = arith.addf %add3A_449, %gather3A_459 : vector<16xf32>
        %lt3A_461 = arith.constant 0 : i32
        %lt3A_462 = vector.broadcast %lt3A_461 : i32 to vector<16xi32>
        %lt3A_463 = arith.cmpi slt, %xor3A_16, %lt3A_462 : vector<16xi32>
        %add3A_464 = arith.constant 16 : i32
        %add3A_465 = vector.broadcast %add3A_464 : i32 to vector<16xi32>
        %add3A_466 = arith.addi %xor3A_16, %add3A_465 : vector<16xi32>
        %select_n3A_467 = arith.select %lt3A_463, %add3A_466, %xor3A_16 : vector<16xi1>, vector<16xi32>
        %broadcast_in_dim3A_468 = vector.shape_cast %select_n3A_467 : vector<16xi32> to vector<16x1xi32>
        %gather3A_469 = vector.shape_cast %broadcast_in_dim3A_468 : vector<16x1xi32> to vector<16xi32>
        %gather3A_470 = tpu.dynamic_gather %add3A_460[%gather3A_469] in [0] : vector<16xf32>, vector<16xi32> -> vector<16xf32>
        %add3A_471 = arith.addf %add3A_460, %gather3A_470 : vector<16xf32>
        %lt3A_472 = arith.constant 0 : i32
        %lt3A_473 = vector.broadcast %lt3A_472 : i32 to vector<16xi32>
        %lt3A_474 = arith.cmpi slt, %xor3A_19, %lt3A_473 : vector<16xi32>
        %add3A_475 = arith.constant 16 : i32
        %add3A_476 = vector.broadcast %add3A_475 : i32 to vector<16xi32>
        %add3A_477 = arith.addi %xor3A_19, %add3A_476 : vector<16xi32>
        %select_n3A_478 = arith.select %lt3A_474, %add3A_477, %xor3A_19 : vector<16xi1>, vector<16xi32>
        %broadcast_in_dim3A_479 = vector.shape_cast %select_n3A_478 : vector<16xi32> to vector<16x1xi32>
        %gather3A_480 = vector.shape_cast %broadcast_in_dim3A_479 : vector<16x1xi32> to vector<16xi32>
        %gather3A_481 = tpu.dynamic_gather %add3A_471[%gather3A_480] in [0] : vector<16xf32>, vector<16xi32> -> vector<16xf32>
        %add3A_482 = arith.addf %add3A_471, %gather3A_481 : vector<16xf32>
        %exp3A = math.exp %add3A_482 : vector<16xf32>
        %mul3A_483 = arith.mulf %get3A_428, %exp3A : vector<16xf32>
        %swap3A_484 = arith.index_cast %scan3A_425 : i32 to index
        %swap3A_485 = arith.constant 0 : index
        %swap3A_486 = tpu.vector_load %arg17[%swap3A_484, %swap3A_485] {strides = array<i32>} : memref<128x80xf32, #tpu.memory_space<vmem>>, vector<16xf32>,
        tpu.vector_store %arg17[%swap3A_484, %swap3A_485], %mul3A_483 {strides = array<i32>} : memref<128x80xf32, #tpu.memory_space<vmem>>, vector<16xf32>,
        %eq3A = arith.constant 0 : i32
        %eq3A_487 = vector.broadcast %eq3A : i32 to vector<16xi32>
        %eq3A_488 = arith.cmpi eq, %iota3A, %eq3A_487 : vector<16xi32>
        %select_n3A_489 = arith.select %eq3A_488, %exp3A, %broadcast_in_dim3A_3 : vector<16xi1>, vector<16xf32>
        %get3A_490 = arith.index_cast %scan3A_425 : i32 to index
        %get3A_491 = arith.constant 16 : index
        %get3A_492 = tpu.vector_load %arg13[%get3A_490, %get3A_491] {strides = array<i32>} : memref<128x64xf32, #tpu.memory_space<vmem>>, vector<16xf32>,
        %get3A_493 = arith.index_cast %scan3A_425 : i32 to index
        %get3A_494 = arith.constant 16 : index
        %get3A_495 = tpu.vector_load %arg15[%get3A_493, %get3A_494] {strides = array<i32>} : memref<128x64xf32, #tpu.memory_space<vmem>>, vector<16xf32>,
        %add3A_496 = arith.addf %get3A_492, %get3A_495 : vector<16xf32>
        %mul3A_497 = arith.constant 2.000000e-01 : f32
        %mul3A_498 = vector.broadcast %mul3A_497 : f32 to vector<16xf32>
        %mul3A_499 = arith.mulf %mul3A_498, %add3A_496 : vector<16xf32>
        %max3A_500 = arith.maximumf %add3A_496, %mul3A_499 : vector<16xf32>
        %get3A_501 = arith.constant 1 : i32
        %get3A_502 = arith.index_cast %get3A_501 : i32 to index
        %get3A_503 = arith.constant 0 : index
        %get3A_504 = tpu.vector_load %arg19[%get3A_502, %get3A_503] {strides = array<i32>} : memref<8x16xf32, #tpu.memory_space<vmem>>, vector<16xf32>,
        %mul3A_505 = arith.mulf %max3A_500, %get3A_504 : vector<16xf32>
        %add3A_506 = arith.addf %broadcast_in_dim3A_3, %mul3A_505 : vector<16xf32>
        %lt3A_507 = arith.constant 0 : i32
        %lt3A_508 = vector.broadcast %lt3A_507 : i32 to vector<16xi32>
        %lt3A_509 = arith.cmpi slt, %xor3A_10, %lt3A_508 : vector<16xi32>
        %add3A_510 = arith.constant 16 : i32
        %add3A_511 = vector.broadcast %add3A_510 : i32 to vector<16xi32>
        %add3A_512 = arith.addi %xor3A_10, %add3A_511 : vector<16xi32>
        %select_n3A_513 = arith.select %lt3A_509, %add3A_512, %xor3A_10 : vector<16xi1>, vector<16xi32>
        %broadcast_in_dim3A_514 = vector.shape_cast %select_n3A_513 : vector<16xi32> to vector<16x1xi32>
        %gather3A_515 = vector.shape_cast %broadcast_in_dim3A_514 : vector<16x1xi32> to vector<16xi32>
        %gather3A_516 = tpu.dynamic_gather %add3A_506[%gather3A_515] in [0] : vector<16xf32>, vector<16xi32> -> vector<16xf32>
        %add3A_517 = arith.addf %add3A_506, %gather3A_516 : vector<16xf32>
        %lt3A_518 = arith.constant 0 : i32
        %lt3A_519 = vector.broadcast %lt3A_518 : i32 to vector<16xi32>
        %lt3A_520 = arith.cmpi slt, %xor3A_13, %lt3A_519 : vector<16xi32>
        %add3A_521 = arith.constant 16 : i32
        %add3A_522 = vector.broadcast %add3A_521 : i32 to vector<16xi32>
        %add3A_523 = arith.addi %xor3A_13, %add3A_522 : vector<16xi32>
        %select_n3A_524 = arith.select %lt3A_520, %add3A_523, %xor3A_13 : vector<16xi1>, vector<16xi32>
        %broadcast_in_dim3A_525 = vector.shape_cast %select_n3A_524 : vector<16xi32> to vector<16x1xi32>
        %gather3A_526 = vector.shape_cast %broadcast_in_dim3A_525 : vector<16x1xi32> to vector<16xi32>
        %gather3A_527 = tpu.dynamic_gather %add3A_517[%gather3A_526] in [0] : vector<16xf32>, vector<16xi32> -> vector<16xf32>
        %add3A_528 = arith.addf %add3A_517, %gather3A_527 : vector<16xf32>
        %lt3A_529 = arith.constant 0 : i32
        %lt3A_530 = vector.broadcast %lt3A_529 : i32 to vector<16xi32>
        %lt3A_531 = arith.cmpi slt, %xor3A_16, %lt3A_530 : vector<16xi32>
        %add3A_532 = arith.constant 16 : i32
        %add3A_533 = vector.broadcast %add3A_532 : i32 to vector<16xi32>
        %add3A_534 = arith.addi %xor3A_16, %add3A_533 : vector<16xi32>
        %select_n3A_535 = arith.select %lt3A_531, %add3A_534, %xor3A_16 : vector<16xi1>, vector<16xi32>
        %broadcast_in_dim3A_536 = vector.shape_cast %select_n3A_535 : vector<16xi32> to vector<16x1xi32>
        %gather3A_537 = vector.shape_cast %broadcast_in_dim3A_536 : vector<16x1xi32> to vector<16xi32>
        %gather3A_538 = tpu.dynamic_gather %add3A_528[%gather3A_537] in [0] : vector<16xf32>, vector<16xi32> -> vector<16xf32>
        %add3A_539 = arith.addf %add3A_528, %gather3A_538 : vector<16xf32>
        %lt3A_540 = arith.constant 0 : i32
        %lt3A_541 = vector.broadcast %lt3A_540 : i32 to vector<16xi32>
        %lt3A_542 = arith.cmpi slt, %xor3A_19, %lt3A_541 : vector<16xi32>
        %add3A_543 = arith.constant 16 : i32
        %add3A_544 = vector.broadcast %add3A_543 : i32 to vector<16xi32>
        %add3A_545 = arith.addi %xor3A_19, %add3A_544 : vector<16xi32>
        %select_n3A_546 = arith.select %lt3A_542, %add3A_545, %xor3A_19 : vector<16xi1>, vector<16xi32>
        %broadcast_in_dim3A_547 = vector.shape_cast %select_n3A_546 : vector<16xi32> to vector<16x1xi32>
        %gather3A_548 = vector.shape_cast %broadcast_in_dim3A_547 : vector<16x1xi32> to vector<16xi32>
        %gather3A_549 = tpu.dynamic_gather %add3A_539[%gather3A_548] in [0] : vector<16xf32>, vector<16xi32> -> vector<16xf32>
        %add3A_550 = arith.addf %add3A_539, %gather3A_549 : vector<16xf32>
        %exp3A_551 = math.exp %add3A_550 : vector<16xf32>
        %mul3A_552 = arith.mulf %get3A_492, %exp3A_551 : vector<16xf32>
        %swap3A_553 = arith.index_cast %scan3A_425 : i32 to index
        %swap3A_554 = arith.constant 16 : index
        %swap3A_555 = tpu.vector_load %arg17[%swap3A_553, %swap3A_554] {strides = array<i32>} : memref<128x80xf32, #tpu.memory_space<vmem>>, vector<16xf32>,
        tpu.vector_store %arg17[%swap3A_553, %swap3A_554], %mul3A_552 {strides = array<i32>} : memref<128x80xf32, #tpu.memory_space<vmem>>, vector<16xf32>,
        %eq3A_556 = arith.constant 1 : i32
        %eq3A_557 = vector.broadcast %eq3A_556 : i32 to vector<16xi32>
        %eq3A_558 = arith.cmpi eq, %iota3A, %eq3A_557 : vector<16xi32>
        %select_n3A_559 = arith.select %eq3A_558, %exp3A_551, %select_n3A_489 : vector<16xi1>, vector<16xf32>
        %get3A_560 = arith.index_cast %scan3A_425 : i32 to index
        %get3A_561 = arith.constant 32 : index
        %get3A_562 = tpu.vector_load %arg13[%get3A_560, %get3A_561] {strides = array<i32>} : memref<128x64xf32, #tpu.memory_space<vmem>>, vector<16xf32>,
        %get3A_563 = arith.index_cast %scan3A_425 : i32 to index
        %get3A_564 = arith.constant 32 : index
        %get3A_565 = tpu.vector_load %arg15[%get3A_563, %get3A_564] {strides = array<i32>} : memref<128x64xf32, #tpu.memory_space<vmem>>, vector<16xf32>,
        %add3A_566 = arith.addf %get3A_562, %get3A_565 : vector<16xf32>
        %mul3A_567 = arith.constant 2.000000e-01 : f32
        %mul3A_568 = vector.broadcast %mul3A_567 : f32 to vector<16xf32>
        %mul3A_569 = arith.mulf %mul3A_568, %add3A_566 : vector<16xf32>
        %max3A_570 = arith.maximumf %add3A_566, %mul3A_569 : vector<16xf32>
        %get3A_571 = arith.constant 2 : i32
        %get3A_572 = arith.index_cast %get3A_571 : i32 to index
        %get3A_573 = arith.constant 0 : index
        %get3A_574 = tpu.vector_load %arg19[%get3A_572, %get3A_573] {strides = array<i32>} : memref<8x16xf32, #tpu.memory_space<vmem>>, vector<16xf32>,
        %mul3A_575 = arith.mulf %max3A_570, %get3A_574 : vector<16xf32>
        %add3A_576 = arith.addf %broadcast_in_dim3A_3, %mul3A_575 : vector<16xf32>
        %lt3A_577 = arith.constant 0 : i32
        %lt3A_578 = vector.broadcast %lt3A_577 : i32 to vector<16xi32>
        %lt3A_579 = arith.cmpi slt, %xor3A_10, %lt3A_578 : vector<16xi32>
        %add3A_580 = arith.constant 16 : i32
        %add3A_581 = vector.broadcast %add3A_580 : i32 to vector<16xi32>
        %add3A_582 = arith.addi %xor3A_10, %add3A_581 : vector<16xi32>
        %select_n3A_583 = arith.select %lt3A_579, %add3A_582, %xor3A_10 : vector<16xi1>, vector<16xi32>
        %broadcast_in_dim3A_584 = vector.shape_cast %select_n3A_583 : vector<16xi32> to vector<16x1xi32>
        %gather3A_585 = vector.shape_cast %broadcast_in_dim3A_584 : vector<16x1xi32> to vector<16xi32>
        %gather3A_586 = tpu.dynamic_gather %add3A_576[%gather3A_585] in [0] : vector<16xf32>, vector<16xi32> -> vector<16xf32>
        %add3A_587 = arith.addf %add3A_576, %gather3A_586 : vector<16xf32>
        %lt3A_588 = arith.constant 0 : i32
        %lt3A_589 = vector.broadcast %lt3A_588 : i32 to vector<16xi32>
        %lt3A_590 = arith.cmpi slt, %xor3A_13, %lt3A_589 : vector<16xi32>
        %add3A_591 = arith.constant 16 : i32
        %add3A_592 = vector.broadcast %add3A_591 : i32 to vector<16xi32>
        %add3A_593 = arith.addi %xor3A_13, %add3A_592 : vector<16xi32>
        %select_n3A_594 = arith.select %lt3A_590, %add3A_593, %xor3A_13 : vector<16xi1>, vector<16xi32>
        %broadcast_in_dim3A_595 = vector.shape_cast %select_n3A_594 : vector<16xi32> to vector<16x1xi32>
        %gather3A_596 = vector.shape_cast %broadcast_in_dim3A_595 : vector<16x1xi32> to vector<16xi32>
        %gather3A_597 = tpu.dynamic_gather %add3A_587[%gather3A_596] in [0] : vector<16xf32>, vector<16xi32> -> vector<16xf32>
        %add3A_598 = arith.addf %add3A_587, %gather3A_597 : vector<16xf32>
        %lt3A_599 = arith.constant 0 : i32
        %lt3A_600 = vector.broadcast %lt3A_599 : i32 to vector<16xi32>
        %lt3A_601 = arith.cmpi slt, %xor3A_16, %lt3A_600 : vector<16xi32>
        %add3A_602 = arith.constant 16 : i32
        %add3A_603 = vector.broadcast %add3A_602 : i32 to vector<16xi32>
        %add3A_604 = arith.addi %xor3A_16, %add3A_603 : vector<16xi32>
        %select_n3A_605 = arith.select %lt3A_601, %add3A_604, %xor3A_16 : vector<16xi1>, vector<16xi32>
        %broadcast_in_dim3A_606 = vector.shape_cast %select_n3A_605 : vector<16xi32> to vector<16x1xi32>
        %gather3A_607 = vector.shape_cast %broadcast_in_dim3A_606 : vector<16x1xi32> to vector<16xi32>
        %gather3A_608 = tpu.dynamic_gather %add3A_598[%gather3A_607] in [0] : vector<16xf32>, vector<16xi32> -> vector<16xf32>
        %add3A_609 = arith.addf %add3A_598, %gather3A_608 : vector<16xf32>
        %lt3A_610 = arith.constant 0 : i32
        %lt3A_611 = vector.broadcast %lt3A_610 : i32 to vector<16xi32>
        %lt3A_612 = arith.cmpi slt, %xor3A_19, %lt3A_611 : vector<16xi32>
        %add3A_613 = arith.constant 16 : i32
        %add3A_614 = vector.broadcast %add3A_613 : i32 to vector<16xi32>
        %add3A_615 = arith.addi %xor3A_19, %add3A_614 : vector<16xi32>
        %select_n3A_616 = arith.select %lt3A_612, %add3A_615, %xor3A_19 : vector<16xi1>, vector<16xi32>
        %broadcast_in_dim3A_617 = vector.shape_cast %select_n3A_616 : vector<16xi32> to vector<16x1xi32>
        %gather3A_618 = vector.shape_cast %broadcast_in_dim3A_617 : vector<16x1xi32> to vector<16xi32>
        %gather3A_619 = tpu.dynamic_gather %add3A_609[%gather3A_618] in [0] : vector<16xf32>, vector<16xi32> -> vector<16xf32>
        %add3A_620 = arith.addf %add3A_609, %gather3A_619 : vector<16xf32>
        %exp3A_621 = math.exp %add3A_620 : vector<16xf32>
        %mul3A_622 = arith.mulf %get3A_562, %exp3A_621 : vector<16xf32>
        %swap3A_623 = arith.index_cast %scan3A_425 : i32 to index
        %swap3A_624 = arith.constant 32 : index
        %swap3A_625 = tpu.vector_load %arg17[%swap3A_623, %swap3A_624] {strides = array<i32>} : memref<128x80xf32, #tpu.memory_space<vmem>>, vector<16xf32>,
        tpu.vector_store %arg17[%swap3A_623, %swap3A_624], %mul3A_622 {strides = array<i32>} : memref<128x80xf32, #tpu.memory_space<vmem>>, vector<16xf32>,
        %eq3A_626 = arith.constant 2 : i32
        %eq3A_627 = vector.broadcast %eq3A_626 : i32 to vector<16xi32>
        %eq3A_628 = arith.cmpi eq, %iota3A, %eq3A_627 : vector<16xi32>
        %select_n3A_629 = arith.select %eq3A_628, %exp3A_621, %select_n3A_559 : vector<16xi1>, vector<16xf32>
        %get3A_630 = arith.index_cast %scan3A_425 : i32 to index
        %get3A_631 = arith.constant 48 : index
        %get3A_632 = tpu.vector_load %arg13[%get3A_630, %get3A_631] {strides = array<i32>} : memref<128x64xf32, #tpu.memory_space<vmem>>, vector<16xf32>,
        %get3A_633 = arith.index_cast %scan3A_425 : i32 to index
        %get3A_634 = arith.constant 48 : index
        %get3A_635 = tpu.vector_load %arg15[%get3A_633, %get3A_634] {strides = array<i32>} : memref<128x64xf32, #tpu.memory_space<vmem>>, vector<16xf32>,
        %add3A_636 = arith.addf %get3A_632, %get3A_635 : vector<16xf32>
        %mul3A_637 = arith.constant 2.000000e-01 : f32
        %mul3A_638 = vector.broadcast %mul3A_637 : f32 to vector<16xf32>
        %mul3A_639 = arith.mulf %mul3A_638, %add3A_636 : vector<16xf32>
        %max3A_640 = arith.maximumf %add3A_636, %mul3A_639 : vector<16xf32>
        %get3A_641 = arith.constant 3 : i32
        %get3A_642 = arith.index_cast %get3A_641 : i32 to index
        %get3A_643 = arith.constant 0 : index
        %get3A_644 = tpu.vector_load %arg19[%get3A_642, %get3A_643] {strides = array<i32>} : memref<8x16xf32, #tpu.memory_space<vmem>>, vector<16xf32>,
        %mul3A_645 = arith.mulf %max3A_640, %get3A_644 : vector<16xf32>
        %add3A_646 = arith.addf %broadcast_in_dim3A_3, %mul3A_645 : vector<16xf32>
        %lt3A_647 = arith.constant 0 : i32
        %lt3A_648 = vector.broadcast %lt3A_647 : i32 to vector<16xi32>
        %lt3A_649 = arith.cmpi slt, %xor3A_10, %lt3A_648 : vector<16xi32>
        %add3A_650 = arith.constant 16 : i32
        %add3A_651 = vector.broadcast %add3A_650 : i32 to vector<16xi32>
        %add3A_652 = arith.addi %xor3A_10, %add3A_651 : vector<16xi32>
        %select_n3A_653 = arith.select %lt3A_649, %add3A_652, %xor3A_10 : vector<16xi1>, vector<16xi32>
        %broadcast_in_dim3A_654 = vector.shape_cast %select_n3A_653 : vector<16xi32> to vector<16x1xi32>
        %gather3A_655 = vector.shape_cast %broadcast_in_dim3A_654 : vector<16x1xi32> to vector<16xi32>
        %gather3A_656 = tpu.dynamic_gather %add3A_646[%gather3A_655] in [0] : vector<16xf32>, vector<16xi32> -> vector<16xf32>
        %add3A_657 = arith.addf %add3A_646, %gather3A_656 : vector<16xf32>
        %lt3A_658 = arith.constant 0 : i32
        %lt3A_659 = vector.broadcast %lt3A_658 : i32 to vector<16xi32>
        %lt3A_660 = arith.cmpi slt, %xor3A_13, %lt3A_659 : vector<16xi32>
        %add3A_661 = arith.constant 16 : i32
        %add3A_662 = vector.broadcast %add3A_661 : i32 to vector<16xi32>
        %add3A_663 = arith.addi %xor3A_13, %add3A_662 : vector<16xi32>
        %select_n3A_664 = arith.select %lt3A_660, %add3A_663, %xor3A_13 : vector<16xi1>, vector<16xi32>
        %broadcast_in_dim3A_665 = vector.shape_cast %select_n3A_664 : vector<16xi32> to vector<16x1xi32>
        %gather3A_666 = vector.shape_cast %broadcast_in_dim3A_665 : vector<16x1xi32> to vector<16xi32>
        %gather3A_667 = tpu.dynamic_gather %add3A_657[%gather3A_666] in [0] : vector<16xf32>, vector<16xi32> -> vector<16xf32>
        %add3A_668 = arith.addf %add3A_657, %gather3A_667 : vector<16xf32>
        %lt3A_669 = arith.constant 0 : i32
        %lt3A_670 = vector.broadcast %lt3A_669 : i32 to vector<16xi32>
        %lt3A_671 = arith.cmpi slt, %xor3A_16, %lt3A_670 : vector<16xi32>
        %add3A_672 = arith.constant 16 : i32
        %add3A_673 = vector.broadcast %add3A_672 : i32 to vector<16xi32>
        %add3A_674 = arith.addi %xor3A_16, %add3A_673 : vector<16xi32>
        %select_n3A_675 = arith.select %lt3A_671, %add3A_674, %xor3A_16 : vector<16xi1>, vector<16xi32>
        %broadcast_in_dim3A_676 = vector.shape_cast %select_n3A_675 : vector<16xi32> to vector<16x1xi32>
        %gather3A_677 = vector.shape_cast %broadcast_in_dim3A_676 : vector<16x1xi32> to vector<16xi32>
        %gather3A_678 = tpu.dynamic_gather %add3A_668[%gather3A_677] in [0] : vector<16xf32>, vector<16xi32> -> vector<16xf32>
        %add3A_679 = arith.addf %add3A_668, %gather3A_678 : vector<16xf32>
        %lt3A_680 = arith.constant 0 : i32
        %lt3A_681 = vector.broadcast %lt3A_680 : i32 to vector<16xi32>
        %lt3A_682 = arith.cmpi slt, %xor3A_19, %lt3A_681 : vector<16xi32>
        %add3A_683 = arith.constant 16 : i32
        %add3A_684 = vector.broadcast %add3A_683 : i32 to vector<16xi32>
        %add3A_685 = arith.addi %xor3A_19, %add3A_684 : vector<16xi32>
        %select_n3A_686 = arith.select %lt3A_682, %add3A_685, %xor3A_19 : vector<16xi1>, vector<16xi32>
        %broadcast_in_dim3A_687 = vector.shape_cast %select_n3A_686 : vector<16xi32> to vector<16x1xi32>
        %gather3A_688 = vector.shape_cast %broadcast_in_dim3A_687 : vector<16x1xi32> to vector<16xi32>
        %gather3A_689 = tpu.dynamic_gather %add3A_679[%gather3A_688] in [0] : vector<16xf32>, vector<16xi32> -> vector<16xf32>
        %add3A_690 = arith.addf %add3A_679, %gather3A_689 : vector<16xf32>
        %exp3A_691 = math.exp %add3A_690 : vector<16xf32>
        %mul3A_692 = arith.mulf %get3A_632, %exp3A_691 : vector<16xf32>
        %swap3A_693 = arith.index_cast %scan3A_425 : i32 to index
        %swap3A_694 = arith.constant 48 : index
        %swap3A_695 = tpu.vector_load %arg17[%swap3A_693, %swap3A_694] {strides = array<i32>} : memref<128x80xf32, #tpu.memory_space<vmem>>, vector<16xf32>,
        tpu.vector_store %arg17[%swap3A_693, %swap3A_694], %mul3A_692 {strides = array<i32>} : memref<128x80xf32, #tpu.memory_space<vmem>>, vector<16xf32>,
        %eq3A_696 = arith.constant 3 : i32
        %eq3A_697 = vector.broadcast %eq3A_696 : i32 to vector<16xi32>
        %eq3A_698 = arith.cmpi eq, %iota3A, %eq3A_697 : vector<16xi32>
        %select_n3A_699 = arith.select %eq3A_698, %exp3A_691, %select_n3A_629 : vector<16xi1>, vector<16xf32>
        %swap3A_700 = arith.index_cast %scan3A_425 : i32 to index
        %swap3A_701 = arith.constant 64 : index
        %swap3A_702 = tpu.vector_load %arg17[%swap3A_700, %swap3A_701] {strides = array<i32>} : memref<128x80xf32, #tpu.memory_space<vmem>>, vector<16xf32>,
        tpu.vector_store %arg17[%swap3A_700, %swap3A_701], %select_n3A_699 {strides = array<i32>} : memref<128x80xf32, #tpu.memory_space<vmem>>, vector<16xf32>,
      }
      %scan3A_316 = arith.constant 128 : i32
      %dma_start3A_317 = arith.constant 0 : i32
      %dma_start3A_318 = arith.constant 0 : i32
      %dma_start3A_319 = tpu.memref_slice %arg26[%dma_start3A_317, %dma_start3A_318] : memref<10240x80xf32, #tpu.memory_space<vmem_shared>> -> memref<10240x80xf32, #tpu.memory_space<vmem_shared>>
      tpu.enqueue_indirect_dma source(%arg17 : memref<128x80xf32, #tpu.memory_space<vmem>>) target(%dma_start3A_319 : memref<10240x80xf32, #tpu.memory_space<vmem_shared>>) offsets(%arg11 : memref<128xi32, #tpu.memory_space<vmem>>) semaphore(%arg24 : memref<!tpu.dma_semaphore, #tpu.memory_space<semaphore_mem>>) {add = true}
      %mul3A_320 = arith.constant 2 : i32
      %mul3A_321 = arith.muli %mul3A_320, %scan3A_216 : i32
      %add3A_322 = arith.constant 1 : i32
      %add3A_323 = arith.addi %mul3A_321, %add3A_322 : i32
      %dma_wait3A_324 = arith.constant 0 : i32
      %dma_wait3A_325 = arith.constant 0 : i32
      %dma_wait3A_326 = tpu.memref_slice %arg6[%dma_wait3A_324, %dma_wait3A_325] : memref<2x336128xi32, #tpu.memory_space<hbm>> -> memref<2x128xi32, #tpu.memory_space<hbm>>
      %dma_wait3A_327 = arith.constant 0 : i32
      %dma_wait3A_328 = arith.constant 0 : i32
      %dma_wait3A_329 = tpu.memref_slice %arg6[%dma_wait3A_327, %dma_wait3A_328] : memref<2x336128xi32, #tpu.memory_space<hbm>> -> memref<2x128xi32, #tpu.memory_space<hbm>>
      tpu.wait_dma2 semaphore(%arg20 : memref<!tpu.dma_semaphore, #tpu.memory_space<semaphore_mem>>) src(%dma_wait3A_329 : memref<2x128xi32, #tpu.memory_space<hbm>>) dst(%arg9 : memref<2x128xi32, #tpu.memory_space<vmem>>)
      %dma_start3A_330 = arith.constant 0 : i32
      %dma_start3A_331 = arith.constant 0 : i32
      %dma_start3A_332 = tpu.memref_slice %arg9[%dma_start3A_330, %dma_start3A_331] : memref<2x128xi32, #tpu.memory_space<vmem>> -> memref<1x128xi32, #tpu.memory_space<vmem>>
      %dma_start3A_333 = tpu.memref_squeeze %dma_start3A_332 : memref<1x128xi32, #tpu.memory_space<vmem>> -> memref<128xi32, #tpu.memory_space<vmem>>
      %dma_start3A_334 = arith.constant 0 : i32
      %dma_start3A_335 = arith.constant 0 : i32
      %dma_start3A_336 = tpu.memref_slice %arg2[%dma_start3A_334, %dma_start3A_335] : memref<10240x64xf32, #tpu.memory_space<hbm>> -> memref<10240x64xf32, #tpu.memory_space<hbm>>
      tpu.enqueue_indirect_dma source(%dma_start3A_336 : memref<10240x64xf32, #tpu.memory_space<hbm>>) target(%arg13 : memref<128x64xf32, #tpu.memory_space<vmem>>) offsets(%dma_start3A_333 : memref<128xi32, #tpu.memory_space<vmem>>) semaphore(%arg22 : memref<!tpu.dma_semaphore, #tpu.memory_space<semaphore_mem>>)
      %dma_start3A_337 = arith.constant 1 : i32
      %dma_start3A_338 = arith.constant 0 : i32
      %dma_start3A_339 = tpu.memref_slice %arg9[%dma_start3A_337, %dma_start3A_338] : memref<2x128xi32, #tpu.memory_space<vmem>> -> memref<1x128xi32, #tpu.memory_space<vmem>>
      %dma_start3A_340 = tpu.memref_squeeze %dma_start3A_339 : memref<1x128xi32, #tpu.memory_space<vmem>> -> memref<128xi32, #tpu.memory_space<vmem>>
      %dma_start3A_341 = arith.constant 0 : i32
      %dma_start3A_342 = arith.constant 0 : i32
      %dma_start3A_343 = tpu.memref_slice %arg4[%dma_start3A_341, %dma_start3A_342] : memref<10240x64xf32, #tpu.memory_space<hbm>> -> memref<10240x64xf32, #tpu.memory_space<hbm>>
      tpu.enqueue_indirect_dma source(%dma_start3A_343 : memref<10240x64xf32, #tpu.memory_space<hbm>>) target(%arg15 : memref<128x64xf32, #tpu.memory_space<vmem>>) offsets(%dma_start3A_340 : memref<128xi32, #tpu.memory_space<vmem>>) semaphore(%arg22 : memref<!tpu.dma_semaphore, #tpu.memory_space<semaphore_mem>>)
      %dma_wait3A_344 = arith.constant 0 : i32
      %dma_wait3A_345 = arith.constant 0 : i32
      %dma_wait3A_346 = tpu.memref_slice %arg2[%dma_wait3A_344, %dma_wait3A_345] : memref<10240x64xf32, #tpu.memory_space<hbm>> -> memref<128x64xf32, #tpu.memory_space<hbm>>
      %dma_wait3A_347 = arith.constant 0 : i32
      %dma_wait3A_348 = arith.constant 0 : i32
      %dma_wait3A_349 = tpu.memref_slice %arg2[%dma_wait3A_347, %dma_wait3A_348] : memref<10240x64xf32, #tpu.memory_space<hbm>> -> memref<128x64xf32, #tpu.memory_space<hbm>>
      tpu.wait_dma2 semaphore(%arg23 : memref<!tpu.dma_semaphore, #tpu.memory_space<semaphore_mem>>) src(%dma_wait3A_349 : memref<128x64xf32, #tpu.memory_space<hbm>>) dst(%arg14 : memref<128x64xf32, #tpu.memory_space<vmem>>)
      %dma_wait3A_350 = arith.constant 0 : i32
      %dma_wait3A_351 = arith.constant 0 : i32
      %dma_wait3A_352 = tpu.memref_slice %arg4[%dma_wait3A_350, %dma_wait3A_351] : memref<10240x64xf32, #tpu.memory_space<hbm>> -> memref<128x64xf32, #tpu.memory_space<hbm>>
      %dma_wait3A_353 = arith.constant 0 : i32
      %dma_wait3A_354 = arith.constant 0 : i32
      %dma_wait3A_355 = tpu.memref_slice %arg4[%dma_wait3A_353, %dma_wait3A_354] : memref<10240x64xf32, #tpu.memory_space<hbm>> -> memref<128x64xf32, #tpu.memory_space<hbm>>
      tpu.wait_dma2 semaphore(%arg23 : memref<!tpu.dma_semaphore, #tpu.memory_space<semaphore_mem>>) src(%dma_wait3A_355 : memref<128x64xf32, #tpu.memory_space<hbm>>) dst(%arg16 : memref<128x64xf32, #tpu.memory_space<vmem>>)
      %dma_wait3A_356 = arith.constant 0 : i32
      %dma_wait3A_357 = arith.constant 0 : i32
      %dma_wait3A_358 = tpu.memref_slice %arg26[%dma_wait3A_356, %dma_wait3A_357] : memref<10240x80xf32, #tpu.memory_space<vmem_shared>> -> memref<10240x80xf32, #tpu.memory_space<vmem_shared>>
      tpu.wait_indirect_dma semaphore(%arg25 : memref<!tpu.dma_semaphore, #tpu.memory_space<semaphore_mem>>) src(%arg18 : memref<128x80xf32, #tpu.memory_space<vmem>>) dst(%dma_wait3A_358 : memref<10240x80xf32, #tpu.memory_space<vmem_shared>>)
      %get3A_359 = arith.constant 1 : i32
      %get3A_360 = arith.index_cast %get3A_359 : i32 to index
      %get3A_361 = arith.constant 0 : index
      %get3A_362 = tpu.vector_load %arg10[%get3A_360, %get3A_361] {strides = array<i32>} : memref<2x128xi32, #tpu.memory_space<vmem>>, vector<16xi32>,
      %swap3A_363 = arith.constant 0 : index
      %swap3A_364 = tpu.vector_load %arg12[%swap3A_363] {strides = array<i32>} : memref<128xi32, #tpu.memory_space<vmem>>, vector<16xi32>,
      tpu.vector_store %arg12[%swap3A_363], %get3A_362 {strides = array<i32>} : memref<128xi32, #tpu.memory_space<vmem>>, vector<16xi32>,
      %get3A_365 = arith.constant 1 : i32
      %get3A_366 = arith.index_cast %get3A_365 : i32 to index
      %get3A_367 = arith.constant 16 : index
      %get3A_368 = tpu.vector_load %arg10[%get3A_366, %get3A_367] {strides = array<i32>} : memref<2x128xi32, #tpu.memory_space<vmem>>, vector<16xi32>,
      %swap3A_369 = arith.constant 16 : index
      %swap3A_370 = tpu.vector_load %arg12[%swap3A_369] {strides = array<i32>} : memref<128xi32, #tpu.memory_space<vmem>>, vector<16xi32>,
      tpu.vector_store %arg12[%swap3A_369], %get3A_368 {strides = array<i32>} : memref<128xi32, #tpu.memory_space<vmem>>, vector<16xi32>,
      %get3A_371 = arith.constant 1 : i32
      %get3A_372 = arith.index_cast %get3A_371 : i32 to index
      %get3A_373 = arith.constant 32 : index
      %get3A_374 = tpu.vector_load %arg10[%get3A_372, %get3A_373] {strides = array<i32>} : memref<2x128xi32, #tpu.memory_space<vmem>>, vector<16xi32>,
      %swap3A_375 = arith.constant 32 : index
      %swap3A_376 = tpu.vector_load %arg12[%swap3A_375] {strides = array<i32>} : memref<128xi32, #tpu.memory_space<vmem>>, vector<16xi32>,
      tpu.vector_store %arg12[%swap3A_375], %get3A_374 {strides = array<i32>} : memref<128xi32, #tpu.memory_space<vmem>>, vector<16xi32>,
      %get3A_377 = arith.constant 1 : i32
      %get3A_378 = arith.index_cast %get3A_377 : i32 to index
      %get3A_379 = arith.constant 48 : index
      %get3A_380 = tpu.vector_load %arg10[%get3A_378, %get3A_379] {strides = array<i32>} : memref<2x128xi32, #tpu.memory_space<vmem>>, vector<16xi32>,
      %swap3A_381 = arith.constant 48 : index
      %swap3A_382 = tpu.vector_load %arg12[%swap3A_381] {strides = array<i32>} : memref<128xi32, #tpu.memory_space<vmem>>, vector<16xi32>,
      tpu.vector_store %arg12[%swap3A_381], %get3A_380 {strides = array<i32>} : memref<128xi32, #tpu.memory_space<vmem>>, vector<16xi32>,
      %get3A_383 = arith.constant 1 : i32
      %get3A_384 = arith.index_cast %get3A_383 : i32 to index
      %get3A_385 = arith.constant 64 : index
      %get3A_386 = tpu.vector_load %arg10[%get3A_384, %get3A_385] {strides = array<i32>} : memref<2x128xi32, #tpu.memory_space<vmem>>, vector<16xi32>,
      %swap3A_387 = arith.constant 64 : index
      %swap3A_388 = tpu.vector_load %arg12[%swap3A_387] {strides = array<i32>} : memref<128xi32, #tpu.memory_space<vmem>>, vector<16xi32>,
      tpu.vector_store %arg12[%swap3A_387], %get3A_386 {strides = array<i32>} : memref<128xi32, #tpu.memory_space<vmem>>, vector<16xi32>,
      %get3A_389 = arith.constant 1 : i32
      %get3A_390 = arith.index_cast %get3A_389 : i32 to index
      %get3A_391 = arith.constant 80 : index
      %get3A_392 = tpu.vector_load %arg10[%get3A_390, %get3A_391] {strides = array<i32>} : memref<2x128xi32, #tpu.memory_space<vmem>>, vector<16xi32>,
      %swap3A_393 = arith.constant 80 : index
      %swap3A_394 = tpu.vector_load %arg12[%swap3A_393] {strides = array<i32>} : memref<128xi32, #tpu.memory_space<vmem>>, vector<16xi32>,
      tpu.vector_store %arg12[%swap3A_393], %get3A_392 {strides = array<i32>} : memref<128xi32, #tpu.memory_space<vmem>>, vector<16xi32>,
      %get3A_395 = arith.constant 1 : i32
      %get3A_396 = arith.index_cast %get3A_395 : i32 to index
      %get3A_397 = arith.constant 96 : index
      %get3A_398 = tpu.vector_load %arg10[%get3A_396, %get3A_397] {strides = array<i32>} : memref<2x128xi32, #tpu.memory_space<vmem>>, vector<16xi32>,
      %swap3A_399 = arith.constant 96 : index
      %swap3A_400 = tpu.vector_load %arg12[%swap3A_399] {strides = array<i32>} : memref<128xi32, #tpu.memory_space<vmem>>, vector<16xi32>,
      tpu.vector_store %arg12[%swap3A_399], %get3A_398 {strides = array<i32>} : memref<128xi32, #tpu.memory_space<vmem>>, vector<16xi32>,
      %get3A_401 = arith.constant 1 : i32
      %get3A_402 = arith.index_cast %get3A_401 : i32 to index
      %get3A_403 = arith.constant 112 : index
      %get3A_404 = tpu.vector_load %arg10[%get3A_402, %get3A_403] {strides = array<i32>} : memref<2x128xi32, #tpu.memory_space<vmem>>, vector<16xi32>,
      %swap3A_405 = arith.constant 112 : index
      %swap3A_406 = tpu.vector_load %arg12[%swap3A_405] {strides = array<i32>} : memref<128xi32, #tpu.memory_space<vmem>>, vector<16xi32>,
      tpu.vector_store %arg12[%swap3A_405], %get3A_404 {strides = array<i32>} : memref<128xi32, #tpu.memory_space<vmem>>, vector<16xi32>,
      %add3A_407 = arith.constant 2 : i32
      %add3A_408 = arith.addi %add3A_323, %add3A_407 : i32
      %mul3A_409 = arith.constant 128 : i32
      %mul3A_410 = arith.muli %add3A_408, %mul3A_409 : i32
      %add3A_411 = arith.addi %mul3A_2, %mul3A_410 : i32
      %dma_start3A_412 = arith.constant 0 : i32
      %dma_start3A_413 = tpu.memref_slice %arg6[%dma_start3A_412, %add3A_411] : memref<2x336128xi32, #tpu.memory_space<hbm>> -> memref<2x128xi32, #tpu.memory_space<hbm>>
      %dma_start3A_414 = arith.constant 0 : i32
      %dma_start3A_415 = tpu.memref_slice %arg6[%dma_start3A_414, %add3A_411] : memref<2x336128xi32, #tpu.memory_space<hbm>> -> memref<2x128xi32, #tpu.memory_space<hbm>>
      tpu.enqueue_dma source(%dma_start3A_415 : memref<2x128xi32, #tpu.memory_space<hbm>>) target(%arg10 : memref<2x128xi32, #tpu.memory_space<vmem>>) target_semaphore(%arg21 : memref<!tpu.dma_semaphore, #tpu.memory_space<semaphore_mem>>)
      %scan3A_416 = arith.constant 0 : i32
      %scan3A_417 = arith.constant 0 : i32
      %scan3A_418 = arith.constant 128 : i32
      %scan3A_419 = arith.addi %scan3A_417, %scan3A_418 : i32
      %scan3A_420 = arith.constant 1 : i32
      scf.for %scan3A_425 = %scan3A_417 to %scan3A_419 step %scan3A_420  : i32 {
        %get3A_426 = arith.index_cast %scan3A_425 : i32 to index
        %get3A_427 = arith.constant 0 : index
        %get3A_428 = tpu.vector_load %arg14[%get3A_426, %get3A_427] {strides = array<i32>} : memref<128x64xf32, #tpu.memory_space<vmem>>, vector<16xf32>,
        %get3A_429 = arith.index_cast %scan3A_425 : i32 to index
        %get3A_430 = arith.constant 0 : index
        %get3A_431 = tpu.vector_load %arg16[%get3A_429, %get3A_430] {strides = array<i32>} : memref<128x64xf32, #tpu.memory_space<vmem>>, vector<16xf32>,
        %add3A_432 = arith.addf %get3A_428, %get3A_431 : vector<16xf32>
        %mul3A_433 = arith.constant 2.000000e-01 : f32
        %mul3A_434 = vector.broadcast %mul3A_433 : f32 to vector<16xf32>
        %mul3A_435 = arith.mulf %mul3A_434, %add3A_432 : vector<16xf32>
        %max3A = arith.maximumf %add3A_432, %mul3A_435 : vector<16xf32>
        %get3A_436 = arith.constant 0 : i32
        %get3A_437 = arith.index_cast %get3A_436 : i32 to index
        %get3A_438 = arith.constant 0 : index
        %get3A_439 = tpu.vector_load %arg19[%get3A_437, %get3A_438] {strides = array<i32>} : memref<8x16xf32, #tpu.memory_space<vmem>>, vector<16xf32>,
        %mul3A_440 = arith.mulf %max3A, %get3A_439 : vector<16xf32>
        %add3A_441 = arith.addf %broadcast_in_dim3A_3, %mul3A_440 : vector<16xf32>
        %lt3A = arith.constant 0 : i32
        %lt3A_442 = vector.broadcast %lt3A : i32 to vector<16xi32>
        %lt3A_443 = arith.cmpi slt, %xor3A_10, %lt3A_442 : vector<16xi32>
        %add3A_444 = arith.constant 16 : i32
        %add3A_445 = vector.broadcast %add3A_444 : i32 to vector<16xi32>
        %add3A_446 = arith.addi %xor3A_10, %add3A_445 : vector<16xi32>
        %select_n3A = arith.select %lt3A_443, %add3A_446, %xor3A_10 : vector<16xi1>, vector<16xi32>
        %broadcast_in_dim3A_447 = vector.shape_cast %select_n3A : vector<16xi32> to vector<16x1xi32>
        %gather3A = vector.shape_cast %broadcast_in_dim3A_447 : vector<16x1xi32> to vector<16xi32>
        %gather3A_448 = tpu.dynamic_gather %add3A_441[%gather3A] in [0] : vector<16xf32>, vector<16xi32> -> vector<16xf32>
        %add3A_449 = arith.addf %add3A_441, %gather3A_448 : vector<16xf32>
        %lt3A_450 = arith.constant 0 : i32
        %lt3A_451 = vector.broadcast %lt3A_450 : i32 to vector<16xi32>
        %lt3A_452 = arith.cmpi slt, %xor3A_13, %lt3A_451 : vector<16xi32>
        %add3A_453 = arith.constant 16 : i32
        %add3A_454 = vector.broadcast %add3A_453 : i32 to vector<16xi32>
        %add3A_455 = arith.addi %xor3A_13, %add3A_454 : vector<16xi32>
        %select_n3A_456 = arith.select %lt3A_452, %add3A_455, %xor3A_13 : vector<16xi1>, vector<16xi32>
        %broadcast_in_dim3A_457 = vector.shape_cast %select_n3A_456 : vector<16xi32> to vector<16x1xi32>
        %gather3A_458 = vector.shape_cast %broadcast_in_dim3A_457 : vector<16x1xi32> to vector<16xi32>
        %gather3A_459 = tpu.dynamic_gather %add3A_449[%gather3A_458] in [0] : vector<16xf32>, vector<16xi32> -> vector<16xf32>
        %add3A_460 = arith.addf %add3A_449, %gather3A_459 : vector<16xf32>
        %lt3A_461 = arith.constant 0 : i32
        %lt3A_462 = vector.broadcast %lt3A_461 : i32 to vector<16xi32>
        %lt3A_463 = arith.cmpi slt, %xor3A_16, %lt3A_462 : vector<16xi32>
        %add3A_464 = arith.constant 16 : i32
        %add3A_465 = vector.broadcast %add3A_464 : i32 to vector<16xi32>
        %add3A_466 = arith.addi %xor3A_16, %add3A_465 : vector<16xi32>
        %select_n3A_467 = arith.select %lt3A_463, %add3A_466, %xor3A_16 : vector<16xi1>, vector<16xi32>
        %broadcast_in_dim3A_468 = vector.shape_cast %select_n3A_467 : vector<16xi32> to vector<16x1xi32>
        %gather3A_469 = vector.shape_cast %broadcast_in_dim3A_468 : vector<16x1xi32> to vector<16xi32>
        %gather3A_470 = tpu.dynamic_gather %add3A_460[%gather3A_469] in [0] : vector<16xf32>, vector<16xi32> -> vector<16xf32>
        %add3A_471 = arith.addf %add3A_460, %gather3A_470 : vector<16xf32>
        %lt3A_472 = arith.constant 0 : i32
        %lt3A_473 = vector.broadcast %lt3A_472 : i32 to vector<16xi32>
        %lt3A_474 = arith.cmpi slt, %xor3A_19, %lt3A_473 : vector<16xi32>
        %add3A_475 = arith.constant 16 : i32
        %add3A_476 = vector.broadcast %add3A_475 : i32 to vector<16xi32>
        %add3A_477 = arith.addi %xor3A_19, %add3A_476 : vector<16xi32>
        %select_n3A_478 = arith.select %lt3A_474, %add3A_477, %xor3A_19 : vector<16xi1>, vector<16xi32>
        %broadcast_in_dim3A_479 = vector.shape_cast %select_n3A_478 : vector<16xi32> to vector<16x1xi32>
        %gather3A_480 = vector.shape_cast %broadcast_in_dim3A_479 : vector<16x1xi32> to vector<16xi32>
        %gather3A_481 = tpu.dynamic_gather %add3A_471[%gather3A_480] in [0] : vector<16xf32>, vector<16xi32> -> vector<16xf32>
        %add3A_482 = arith.addf %add3A_471, %gather3A_481 : vector<16xf32>
        %exp3A = math.exp %add3A_482 : vector<16xf32>
        %mul3A_483 = arith.mulf %get3A_428, %exp3A : vector<16xf32>
        %swap3A_484 = arith.index_cast %scan3A_425 : i32 to index
        %swap3A_485 = arith.constant 0 : index
        %swap3A_486 = tpu.vector_load %arg18[%swap3A_484, %swap3A_485] {strides = array<i32>} : memref<128x80xf32, #tpu.memory_space<vmem>>, vector<16xf32>,
        tpu.vector_store %arg18[%swap3A_484, %swap3A_485], %mul3A_483 {strides = array<i32>} : memref<128x80xf32, #tpu.memory_space<vmem>>, vector<16xf32>,
        %eq3A = arith.constant 0 : i32
        %eq3A_487 = vector.broadcast %eq3A : i32 to vector<16xi32>
        %eq3A_488 = arith.cmpi eq, %iota3A, %eq3A_487 : vector<16xi32>
        %select_n3A_489 = arith.select %eq3A_488, %exp3A, %broadcast_in_dim3A_3 : vector<16xi1>, vector<16xf32>
        %get3A_490 = arith.index_cast %scan3A_425 : i32 to index
        %get3A_491 = arith.constant 16 : index
        %get3A_492 = tpu.vector_load %arg14[%get3A_490, %get3A_491] {strides = array<i32>} : memref<128x64xf32, #tpu.memory_space<vmem>>, vector<16xf32>,
        %get3A_493 = arith.index_cast %scan3A_425 : i32 to index
        %get3A_494 = arith.constant 16 : index
        %get3A_495 = tpu.vector_load %arg16[%get3A_493, %get3A_494] {strides = array<i32>} : memref<128x64xf32, #tpu.memory_space<vmem>>, vector<16xf32>,
        %add3A_496 = arith.addf %get3A_492, %get3A_495 : vector<16xf32>
        %mul3A_497 = arith.constant 2.000000e-01 : f32
        %mul3A_498 = vector.broadcast %mul3A_497 : f32 to vector<16xf32>
        %mul3A_499 = arith.mulf %mul3A_498, %add3A_496 : vector<16xf32>
        %max3A_500 = arith.maximumf %add3A_496, %mul3A_499 : vector<16xf32>
        %get3A_501 = arith.constant 1 : i32
        %get3A_502 = arith.index_cast %get3A_501 : i32 to index
        %get3A_503 = arith.constant 0 : index
        %get3A_504 = tpu.vector_load %arg19[%get3A_502, %get3A_503] {strides = array<i32>} : memref<8x16xf32, #tpu.memory_space<vmem>>, vector<16xf32>,
        %mul3A_505 = arith.mulf %max3A_500, %get3A_504 : vector<16xf32>
        %add3A_506 = arith.addf %broadcast_in_dim3A_3, %mul3A_505 : vector<16xf32>
        %lt3A_507 = arith.constant 0 : i32
        %lt3A_508 = vector.broadcast %lt3A_507 : i32 to vector<16xi32>
        %lt3A_509 = arith.cmpi slt, %xor3A_10, %lt3A_508 : vector<16xi32>
        %add3A_510 = arith.constant 16 : i32
        %add3A_511 = vector.broadcast %add3A_510 : i32 to vector<16xi32>
        %add3A_512 = arith.addi %xor3A_10, %add3A_511 : vector<16xi32>
        %select_n3A_513 = arith.select %lt3A_509, %add3A_512, %xor3A_10 : vector<16xi1>, vector<16xi32>
        %broadcast_in_dim3A_514 = vector.shape_cast %select_n3A_513 : vector<16xi32> to vector<16x1xi32>
        %gather3A_515 = vector.shape_cast %broadcast_in_dim3A_514 : vector<16x1xi32> to vector<16xi32>
        %gather3A_516 = tpu.dynamic_gather %add3A_506[%gather3A_515] in [0] : vector<16xf32>, vector<16xi32> -> vector<16xf32>
        %add3A_517 = arith.addf %add3A_506, %gather3A_516 : vector<16xf32>
        %lt3A_518 = arith.constant 0 : i32
        %lt3A_519 = vector.broadcast %lt3A_518 : i32 to vector<16xi32>
        %lt3A_520 = arith.cmpi slt, %xor3A_13, %lt3A_519 : vector<16xi32>
        %add3A_521 = arith.constant 16 : i32
        %add3A_522 = vector.broadcast %add3A_521 : i32 to vector<16xi32>
        %add3A_523 = arith.addi %xor3A_13, %add3A_522 : vector<16xi32>
        %select_n3A_524 = arith.select %lt3A_520, %add3A_523, %xor3A_13 : vector<16xi1>, vector<16xi32>
        %broadcast_in_dim3A_525 = vector.shape_cast %select_n3A_524 : vector<16xi32> to vector<16x1xi32>
        %gather3A_526 = vector.shape_cast %broadcast_in_dim3A_525 : vector<16x1xi32> to vector<16xi32>
        %gather3A_527 = tpu.dynamic_gather %add3A_517[%gather3A_526] in [0] : vector<16xf32>, vector<16xi32> -> vector<16xf32>
        %add3A_528 = arith.addf %add3A_517, %gather3A_527 : vector<16xf32>
        %lt3A_529 = arith.constant 0 : i32
        %lt3A_530 = vector.broadcast %lt3A_529 : i32 to vector<16xi32>
        %lt3A_531 = arith.cmpi slt, %xor3A_16, %lt3A_530 : vector<16xi32>
        %add3A_532 = arith.constant 16 : i32
        %add3A_533 = vector.broadcast %add3A_532 : i32 to vector<16xi32>
        %add3A_534 = arith.addi %xor3A_16, %add3A_533 : vector<16xi32>
        %select_n3A_535 = arith.select %lt3A_531, %add3A_534, %xor3A_16 : vector<16xi1>, vector<16xi32>
        %broadcast_in_dim3A_536 = vector.shape_cast %select_n3A_535 : vector<16xi32> to vector<16x1xi32>
        %gather3A_537 = vector.shape_cast %broadcast_in_dim3A_536 : vector<16x1xi32> to vector<16xi32>
        %gather3A_538 = tpu.dynamic_gather %add3A_528[%gather3A_537] in [0] : vector<16xf32>, vector<16xi32> -> vector<16xf32>
        %add3A_539 = arith.addf %add3A_528, %gather3A_538 : vector<16xf32>
        %lt3A_540 = arith.constant 0 : i32
        %lt3A_541 = vector.broadcast %lt3A_540 : i32 to vector<16xi32>
        %lt3A_542 = arith.cmpi slt, %xor3A_19, %lt3A_541 : vector<16xi32>
        %add3A_543 = arith.constant 16 : i32
        %add3A_544 = vector.broadcast %add3A_543 : i32 to vector<16xi32>
        %add3A_545 = arith.addi %xor3A_19, %add3A_544 : vector<16xi32>
        %select_n3A_546 = arith.select %lt3A_542, %add3A_545, %xor3A_19 : vector<16xi1>, vector<16xi32>
        %broadcast_in_dim3A_547 = vector.shape_cast %select_n3A_546 : vector<16xi32> to vector<16x1xi32>
        %gather3A_548 = vector.shape_cast %broadcast_in_dim3A_547 : vector<16x1xi32> to vector<16xi32>
        %gather3A_549 = tpu.dynamic_gather %add3A_539[%gather3A_548] in [0] : vector<16xf32>, vector<16xi32> -> vector<16xf32>
        %add3A_550 = arith.addf %add3A_539, %gather3A_549 : vector<16xf32>
        %exp3A_551 = math.exp %add3A_550 : vector<16xf32>
        %mul3A_552 = arith.mulf %get3A_492, %exp3A_551 : vector<16xf32>
        %swap3A_553 = arith.index_cast %scan3A_425 : i32 to index
        %swap3A_554 = arith.constant 16 : index
        %swap3A_555 = tpu.vector_load %arg18[%swap3A_553, %swap3A_554] {strides = array<i32>} : memref<128x80xf32, #tpu.memory_space<vmem>>, vector<16xf32>,
        tpu.vector_store %arg18[%swap3A_553, %swap3A_554], %mul3A_552 {strides = array<i32>} : memref<128x80xf32, #tpu.memory_space<vmem>>, vector<16xf32>,
        %eq3A_556 = arith.constant 1 : i32
        %eq3A_557 = vector.broadcast %eq3A_556 : i32 to vector<16xi32>
        %eq3A_558 = arith.cmpi eq, %iota3A, %eq3A_557 : vector<16xi32>
        %select_n3A_559 = arith.select %eq3A_558, %exp3A_551, %select_n3A_489 : vector<16xi1>, vector<16xf32>
        %get3A_560 = arith.index_cast %scan3A_425 : i32 to index
        %get3A_561 = arith.constant 32 : index
        %get3A_562 = tpu.vector_load %arg14[%get3A_560, %get3A_561] {strides = array<i32>} : memref<128x64xf32, #tpu.memory_space<vmem>>, vector<16xf32>,
        %get3A_563 = arith.index_cast %scan3A_425 : i32 to index
        %get3A_564 = arith.constant 32 : index
        %get3A_565 = tpu.vector_load %arg16[%get3A_563, %get3A_564] {strides = array<i32>} : memref<128x64xf32, #tpu.memory_space<vmem>>, vector<16xf32>,
        %add3A_566 = arith.addf %get3A_562, %get3A_565 : vector<16xf32>
        %mul3A_567 = arith.constant 2.000000e-01 : f32
        %mul3A_568 = vector.broadcast %mul3A_567 : f32 to vector<16xf32>
        %mul3A_569 = arith.mulf %mul3A_568, %add3A_566 : vector<16xf32>
        %max3A_570 = arith.maximumf %add3A_566, %mul3A_569 : vector<16xf32>
        %get3A_571 = arith.constant 2 : i32
        %get3A_572 = arith.index_cast %get3A_571 : i32 to index
        %get3A_573 = arith.constant 0 : index
        %get3A_574 = tpu.vector_load %arg19[%get3A_572, %get3A_573] {strides = array<i32>} : memref<8x16xf32, #tpu.memory_space<vmem>>, vector<16xf32>,
        %mul3A_575 = arith.mulf %max3A_570, %get3A_574 : vector<16xf32>
        %add3A_576 = arith.addf %broadcast_in_dim3A_3, %mul3A_575 : vector<16xf32>
        %lt3A_577 = arith.constant 0 : i32
        %lt3A_578 = vector.broadcast %lt3A_577 : i32 to vector<16xi32>
        %lt3A_579 = arith.cmpi slt, %xor3A_10, %lt3A_578 : vector<16xi32>
        %add3A_580 = arith.constant 16 : i32
        %add3A_581 = vector.broadcast %add3A_580 : i32 to vector<16xi32>
        %add3A_582 = arith.addi %xor3A_10, %add3A_581 : vector<16xi32>
        %select_n3A_583 = arith.select %lt3A_579, %add3A_582, %xor3A_10 : vector<16xi1>, vector<16xi32>
        %broadcast_in_dim3A_584 = vector.shape_cast %select_n3A_583 : vector<16xi32> to vector<16x1xi32>
        %gather3A_585 = vector.shape_cast %broadcast_in_dim3A_584 : vector<16x1xi32> to vector<16xi32>
        %gather3A_586 = tpu.dynamic_gather %add3A_576[%gather3A_585] in [0] : vector<16xf32>, vector<16xi32> -> vector<16xf32>
        %add3A_587 = arith.addf %add3A_576, %gather3A_586 : vector<16xf32>
        %lt3A_588 = arith.constant 0 : i32
        %lt3A_589 = vector.broadcast %lt3A_588 : i32 to vector<16xi32>
        %lt3A_590 = arith.cmpi slt, %xor3A_13, %lt3A_589 : vector<16xi32>
        %add3A_591 = arith.constant 16 : i32
        %add3A_592 = vector.broadcast %add3A_591 : i32 to vector<16xi32>
        %add3A_593 = arith.addi %xor3A_13, %add3A_592 : vector<16xi32>
        %select_n3A_594 = arith.select %lt3A_590, %add3A_593, %xor3A_13 : vector<16xi1>, vector<16xi32>
        %broadcast_in_dim3A_595 = vector.shape_cast %select_n3A_594 : vector<16xi32> to vector<16x1xi32>
        %gather3A_596 = vector.shape_cast %broadcast_in_dim3A_595 : vector<16x1xi32> to vector<16xi32>
        %gather3A_597 = tpu.dynamic_gather %add3A_587[%gather3A_596] in [0] : vector<16xf32>, vector<16xi32> -> vector<16xf32>
        %add3A_598 = arith.addf %add3A_587, %gather3A_597 : vector<16xf32>
        %lt3A_599 = arith.constant 0 : i32
        %lt3A_600 = vector.broadcast %lt3A_599 : i32 to vector<16xi32>
        %lt3A_601 = arith.cmpi slt, %xor3A_16, %lt3A_600 : vector<16xi32>
        %add3A_602 = arith.constant 16 : i32
        %add3A_603 = vector.broadcast %add3A_602 : i32 to vector<16xi32>
        %add3A_604 = arith.addi %xor3A_16, %add3A_603 : vector<16xi32>
        %select_n3A_605 = arith.select %lt3A_601, %add3A_604, %xor3A_16 : vector<16xi1>, vector<16xi32>
        %broadcast_in_dim3A_606 = vector.shape_cast %select_n3A_605 : vector<16xi32> to vector<16x1xi32>
        %gather3A_607 = vector.shape_cast %broadcast_in_dim3A_606 : vector<16x1xi32> to vector<16xi32>
        %gather3A_608 = tpu.dynamic_gather %add3A_598[%gather3A_607] in [0] : vector<16xf32>, vector<16xi32> -> vector<16xf32>
        %add3A_609 = arith.addf %add3A_598, %gather3A_608 : vector<16xf32>
        %lt3A_610 = arith.constant 0 : i32
        %lt3A_611 = vector.broadcast %lt3A_610 : i32 to vector<16xi32>
        %lt3A_612 = arith.cmpi slt, %xor3A_19, %lt3A_611 : vector<16xi32>
        %add3A_613 = arith.constant 16 : i32
        %add3A_614 = vector.broadcast %add3A_613 : i32 to vector<16xi32>
        %add3A_615 = arith.addi %xor3A_19, %add3A_614 : vector<16xi32>
        %select_n3A_616 = arith.select %lt3A_612, %add3A_615, %xor3A_19 : vector<16xi1>, vector<16xi32>
        %broadcast_in_dim3A_617 = vector.shape_cast %select_n3A_616 : vector<16xi32> to vector<16x1xi32>
        %gather3A_618 = vector.shape_cast %broadcast_in_dim3A_617 : vector<16x1xi32> to vector<16xi32>
        %gather3A_619 = tpu.dynamic_gather %add3A_609[%gather3A_618] in [0] : vector<16xf32>, vector<16xi32> -> vector<16xf32>
        %add3A_620 = arith.addf %add3A_609, %gather3A_619 : vector<16xf32>
        %exp3A_621 = math.exp %add3A_620 : vector<16xf32>
        %mul3A_622 = arith.mulf %get3A_562, %exp3A_621 : vector<16xf32>
        %swap3A_623 = arith.index_cast %scan3A_425 : i32 to index
        %swap3A_624 = arith.constant 32 : index
        %swap3A_625 = tpu.vector_load %arg18[%swap3A_623, %swap3A_624] {strides = array<i32>} : memref<128x80xf32, #tpu.memory_space<vmem>>, vector<16xf32>,
        tpu.vector_store %arg18[%swap3A_623, %swap3A_624], %mul3A_622 {strides = array<i32>} : memref<128x80xf32, #tpu.memory_space<vmem>>, vector<16xf32>,
        %eq3A_626 = arith.constant 2 : i32
        %eq3A_627 = vector.broadcast %eq3A_626 : i32 to vector<16xi32>
        %eq3A_628 = arith.cmpi eq, %iota3A, %eq3A_627 : vector<16xi32>
        %select_n3A_629 = arith.select %eq3A_628, %exp3A_621, %select_n3A_559 : vector<16xi1>, vector<16xf32>
        %get3A_630 = arith.index_cast %scan3A_425 : i32 to index
        %get3A_631 = arith.constant 48 : index
        %get3A_632 = tpu.vector_load %arg14[%get3A_630, %get3A_631] {strides = array<i32>} : memref<128x64xf32, #tpu.memory_space<vmem>>, vector<16xf32>,
        %get3A_633 = arith.index_cast %scan3A_425 : i32 to index
        %get3A_634 = arith.constant 48 : index
        %get3A_635 = tpu.vector_load %arg16[%get3A_633, %get3A_634] {strides = array<i32>} : memref<128x64xf32, #tpu.memory_space<vmem>>, vector<16xf32>,
        %add3A_636 = arith.addf %get3A_632, %get3A_635 : vector<16xf32>
        %mul3A_637 = arith.constant 2.000000e-01 : f32
        %mul3A_638 = vector.broadcast %mul3A_637 : f32 to vector<16xf32>
        %mul3A_639 = arith.mulf %mul3A_638, %add3A_636 : vector<16xf32>
        %max3A_640 = arith.maximumf %add3A_636, %mul3A_639 : vector<16xf32>
        %get3A_641 = arith.constant 3 : i32
        %get3A_642 = arith.index_cast %get3A_641 : i32 to index
        %get3A_643 = arith.constant 0 : index
        %get3A_644 = tpu.vector_load %arg19[%get3A_642, %get3A_643] {strides = array<i32>} : memref<8x16xf32, #tpu.memory_space<vmem>>, vector<16xf32>,
        %mul3A_645 = arith.mulf %max3A_640, %get3A_644 : vector<16xf32>
        %add3A_646 = arith.addf %broadcast_in_dim3A_3, %mul3A_645 : vector<16xf32>
        %lt3A_647 = arith.constant 0 : i32
        %lt3A_648 = vector.broadcast %lt3A_647 : i32 to vector<16xi32>
        %lt3A_649 = arith.cmpi slt, %xor3A_10, %lt3A_648 : vector<16xi32>
        %add3A_650 = arith.constant 16 : i32
        %add3A_651 = vector.broadcast %add3A_650 : i32 to vector<16xi32>
        %add3A_652 = arith.addi %xor3A_10, %add3A_651 : vector<16xi32>
        %select_n3A_653 = arith.select %lt3A_649, %add3A_652, %xor3A_10 : vector<16xi1>, vector<16xi32>
        %broadcast_in_dim3A_654 = vector.shape_cast %select_n3A_653 : vector<16xi32> to vector<16x1xi32>
        %gather3A_655 = vector.shape_cast %broadcast_in_dim3A_654 : vector<16x1xi32> to vector<16xi32>
        %gather3A_656 = tpu.dynamic_gather %add3A_646[%gather3A_655] in [0] : vector<16xf32>, vector<16xi32> -> vector<16xf32>
        %add3A_657 = arith.addf %add3A_646, %gather3A_656 : vector<16xf32>
        %lt3A_658 = arith.constant 0 : i32
        %lt3A_659 = vector.broadcast %lt3A_658 : i32 to vector<16xi32>
        %lt3A_660 = arith.cmpi slt, %xor3A_13, %lt3A_659 : vector<16xi32>
        %add3A_661 = arith.constant 16 : i32
        %add3A_662 = vector.broadcast %add3A_661 : i32 to vector<16xi32>
        %add3A_663 = arith.addi %xor3A_13, %add3A_662 : vector<16xi32>
        %select_n3A_664 = arith.select %lt3A_660, %add3A_663, %xor3A_13 : vector<16xi1>, vector<16xi32>
        %broadcast_in_dim3A_665 = vector.shape_cast %select_n3A_664 : vector<16xi32> to vector<16x1xi32>
        %gather3A_666 = vector.shape_cast %broadcast_in_dim3A_665 : vector<16x1xi32> to vector<16xi32>
        %gather3A_667 = tpu.dynamic_gather %add3A_657[%gather3A_666] in [0] : vector<16xf32>, vector<16xi32> -> vector<16xf32>
        %add3A_668 = arith.addf %add3A_657, %gather3A_667 : vector<16xf32>
        %lt3A_669 = arith.constant 0 : i32
        %lt3A_670 = vector.broadcast %lt3A_669 : i32 to vector<16xi32>
        %lt3A_671 = arith.cmpi slt, %xor3A_16, %lt3A_670 : vector<16xi32>
        %add3A_672 = arith.constant 16 : i32
        %add3A_673 = vector.broadcast %add3A_672 : i32 to vector<16xi32>
        %add3A_674 = arith.addi %xor3A_16, %add3A_673 : vector<16xi32>
        %select_n3A_675 = arith.select %lt3A_671, %add3A_674, %xor3A_16 : vector<16xi1>, vector<16xi32>
        %broadcast_in_dim3A_676 = vector.shape_cast %select_n3A_675 : vector<16xi32> to vector<16x1xi32>
        %gather3A_677 = vector.shape_cast %broadcast_in_dim3A_676 : vector<16x1xi32> to vector<16xi32>
        %gather3A_678 = tpu.dynamic_gather %add3A_668[%gather3A_677] in [0] : vector<16xf32>, vector<16xi32> -> vector<16xf32>
        %add3A_679 = arith.addf %add3A_668, %gather3A_678 : vector<16xf32>
        %lt3A_680 = arith.constant 0 : i32
        %lt3A_681 = vector.broadcast %lt3A_680 : i32 to vector<16xi32>
        %lt3A_682 = arith.cmpi slt, %xor3A_19, %lt3A_681 : vector<16xi32>
        %add3A_683 = arith.constant 16 : i32
        %add3A_684 = vector.broadcast %add3A_683 : i32 to vector<16xi32>
        %add3A_685 = arith.addi %xor3A_19, %add3A_684 : vector<16xi32>
        %select_n3A_686 = arith.select %lt3A_682, %add3A_685, %xor3A_19 : vector<16xi1>, vector<16xi32>
        %broadcast_in_dim3A_687 = vector.shape_cast %select_n3A_686 : vector<16xi32> to vector<16x1xi32>
        %gather3A_688 = vector.shape_cast %broadcast_in_dim3A_687 : vector<16x1xi32> to vector<16xi32>
        %gather3A_689 = tpu.dynamic_gather %add3A_679[%gather3A_688] in [0] : vector<16xf32>, vector<16xi32> -> vector<16xf32>
        %add3A_690 = arith.addf %add3A_679, %gather3A_689 : vector<16xf32>
        %exp3A_691 = math.exp %add3A_690 : vector<16xf32>
        %mul3A_692 = arith.mulf %get3A_632, %exp3A_691 : vector<16xf32>
        %swap3A_693 = arith.index_cast %scan3A_425 : i32 to index
        %swap3A_694 = arith.constant 48 : index
        %swap3A_695 = tpu.vector_load %arg18[%swap3A_693, %swap3A_694] {strides = array<i32>} : memref<128x80xf32, #tpu.memory_space<vmem>>, vector<16xf32>,
        tpu.vector_store %arg18[%swap3A_693, %swap3A_694], %mul3A_692 {strides = array<i32>} : memref<128x80xf32, #tpu.memory_space<vmem>>, vector<16xf32>,
        %eq3A_696 = arith.constant 3 : i32
        %eq3A_697 = vector.broadcast %eq3A_696 : i32 to vector<16xi32>
        %eq3A_698 = arith.cmpi eq, %iota3A, %eq3A_697 : vector<16xi32>
        %select_n3A_699 = arith.select %eq3A_698, %exp3A_691, %select_n3A_629 : vector<16xi1>, vector<16xf32>
        %swap3A_700 = arith.index_cast %scan3A_425 : i32 to index
        %swap3A_701 = arith.constant 64 : index
        %swap3A_702 = tpu.vector_load %arg18[%swap3A_700, %swap3A_701] {strides = array<i32>} : memref<128x80xf32, #tpu.memory_space<vmem>>, vector<16xf32>,
        tpu.vector_store %arg18[%swap3A_700, %swap3A_701], %select_n3A_699 {strides = array<i32>} : memref<128x80xf32, #tpu.memory_space<vmem>>, vector<16xf32>,
      }
      %scan3A_421 = arith.constant 128 : i32
      %dma_start3A_422 = arith.constant 0 : i32
      %dma_start3A_423 = arith.constant 0 : i32
      %dma_start3A_424 = tpu.memref_slice %arg26[%dma_start3A_422, %dma_start3A_423] : memref<10240x80xf32, #tpu.memory_space<vmem_shared>> -> memref<10240x80xf32, #tpu.memory_space<vmem_shared>>
      tpu.enqueue_indirect_dma source(%arg18 : memref<128x80xf32, #tpu.memory_space<vmem>>) target(%dma_start3A_424 : memref<10240x80xf32, #tpu.memory_space<vmem_shared>>) offsets(%arg12 : memref<128xi32, #tpu.memory_space<vmem>>) semaphore(%arg25 : memref<!tpu.dma_semaphore, #tpu.memory_space<semaphore_mem>>) {add = true}
    }
    %scan3A_85 = arith.constant 41 : i32
    %dma_wait3A_86 = arith.constant 0 : i32
    %dma_wait3A_87 = arith.constant 0 : i32
    %dma_wait3A_88 = tpu.memref_slice %arg2[%dma_wait3A_86, %dma_wait3A_87] : memref<10240x64xf32, #tpu.memory_space<hbm>> -> memref<128x64xf32, #tpu.memory_space<hbm>>
    %dma_wait3A_89 = arith.constant 0 : i32
    %dma_wait3A_90 = arith.constant 0 : i32
    %dma_wait3A_91 = tpu.memref_slice %arg2[%dma_wait3A_89, %dma_wait3A_90] : memref<10240x64xf32, #tpu.memory_space<hbm>> -> memref<128x64xf32, #tpu.memory_space<hbm>>
    tpu.wait_dma2 semaphore(%arg22 : memref<!tpu.dma_semaphore, #tpu.memory_space<semaphore_mem>>) src(%dma_wait3A_91 : memref<128x64xf32, #tpu.memory_space<hbm>>) dst(%arg13 : memref<128x64xf32, #tpu.memory_space<vmem>>)
    %dma_wait3A_92 = arith.constant 0 : i32
    %dma_wait3A_93 = arith.constant 0 : i32
    %dma_wait3A_94 = tpu.memref_slice %arg4[%dma_wait3A_92, %dma_wait3A_93] : memref<10240x64xf32, #tpu.memory_space<hbm>> -> memref<128x64xf32, #tpu.memory_space<hbm>>
    %dma_wait3A_95 = arith.constant 0 : i32
    %dma_wait3A_96 = arith.constant 0 : i32
    %dma_wait3A_97 = tpu.memref_slice %arg4[%dma_wait3A_95, %dma_wait3A_96] : memref<10240x64xf32, #tpu.memory_space<hbm>> -> memref<128x64xf32, #tpu.memory_space<hbm>>
    tpu.wait_dma2 semaphore(%arg22 : memref<!tpu.dma_semaphore, #tpu.memory_space<semaphore_mem>>) src(%dma_wait3A_97 : memref<128x64xf32, #tpu.memory_space<hbm>>) dst(%arg15 : memref<128x64xf32, #tpu.memory_space<vmem>>)
    %dma_wait3A_98 = arith.constant 0 : i32
    %dma_wait3A_99 = arith.constant 0 : i32
    %dma_wait3A_100 = tpu.memref_slice %arg6[%dma_wait3A_98, %dma_wait3A_99] : memref<2x336128xi32, #tpu.memory_space<hbm>> -> memref<2x128xi32, #tpu.memory_space<hbm>>
    %dma_wait3A_101 = arith.constant 0 : i32
    %dma_wait3A_102 = arith.constant 0 : i32
    %dma_wait3A_103 = tpu.memref_slice %arg6[%dma_wait3A_101, %dma_wait3A_102] : memref<2x336128xi32, #tpu.memory_space<hbm>> -> memref<2x128xi32, #tpu.memory_space<hbm>>
    tpu.wait_dma2 semaphore(%arg21 : memref<!tpu.dma_semaphore, #tpu.memory_space<semaphore_mem>>) src(%dma_wait3A_103 : memref<2x128xi32, #tpu.memory_space<hbm>>) dst(%arg10 : memref<2x128xi32, #tpu.memory_space<vmem>>)
    %dma_wait3A_104 = arith.constant 0 : i32
    %dma_wait3A_105 = arith.constant 0 : i32
    %dma_wait3A_106 = tpu.memref_slice %arg26[%dma_wait3A_104, %dma_wait3A_105] : memref<10240x80xf32, #tpu.memory_space<vmem_shared>> -> memref<10240x80xf32, #tpu.memory_space<vmem_shared>>
    tpu.wait_indirect_dma semaphore(%arg24 : memref<!tpu.dma_semaphore, #tpu.memory_space<semaphore_mem>>) src(%arg17 : memref<128x80xf32, #tpu.memory_space<vmem>>) dst(%dma_wait3A_106 : memref<10240x80xf32, #tpu.memory_space<vmem_shared>>)
    %dma_wait3A_107 = arith.constant 0 : i32
    %dma_wait3A_108 = arith.constant 0 : i32
    %dma_wait3A_109 = tpu.memref_slice %arg26[%dma_wait3A_107, %dma_wait3A_108] : memref<10240x80xf32, #tpu.memory_space<vmem_shared>> -> memref<10240x80xf32, #tpu.memory_space<vmem_shared>>
    tpu.wait_indirect_dma semaphore(%arg25 : memref<!tpu.dma_semaphore, #tpu.memory_space<semaphore_mem>>) src(%arg18 : memref<128x80xf32, #tpu.memory_space<vmem>>) dst(%dma_wait3A_109 : memref<10240x80xf32, #tpu.memory_space<vmem_shared>>)
    %barrier3A_110 = arith.constant 0 : index
    tpu.barrier barrier_id(%barrier3A_110)
    %mul3A_111 = arith.constant 640 : i32
    %mul3A_112 = arith.muli %arg1, %mul3A_111 : i32
    %mul3A_113 = arith.constant 640 : i32
    %mul3A_114 = arith.muli %arg1, %mul3A_113 : i32
    %run_scoped3A = arith.constant 0 : i32
    "tpu.region"() ({
      %run_scoped3A_216 = tpu.sem_alloc : memref<!tpu.dma_semaphore, #tpu.memory_space<semaphore_mem>>
      %dma_start3A_217 = arith.constant 0 : i32
      %dma_start3A_218 = tpu.memref_slice %arg8[%run_scoped3A, %arg0, %mul3A_114, %dma_start3A_217] : memref<2x2x10240x80xf32, #tpu.memory_space<hbm>> -> memref<1x1x640x80xf32, #tpu.memory_space<hbm>>
      %dma_start3A_219 = tpu.memref_squeeze %dma_start3A_218 : memref<1x1x640x80xf32, #tpu.memory_space<hbm>> -> memref<640x80xf32, #tpu.memory_space<hbm>>
      %dma_start3A_220 = arith.constant 0 : i32
      %dma_start3A_221 = tpu.memref_slice %arg26[%mul3A_112, %dma_start3A_220] : memref<10240x80xf32, #tpu.memory_space<vmem_shared>> -> memref<640x80xf32, #tpu.memory_space<vmem_shared>>
      tpu.enqueue_dma source(%dma_start3A_221 : memref<640x80xf32, #tpu.memory_space<vmem_shared>>) target(%dma_start3A_219 : memref<640x80xf32, #tpu.memory_space<hbm>>) target_semaphore(%run_scoped3A_216 : memref<!tpu.dma_semaphore, #tpu.memory_space<semaphore_mem>>)
      %dma_wait3A_222 = arith.constant 0 : i32
      %dma_wait3A_223 = tpu.memref_slice %arg8[%run_scoped3A, %arg0, %mul3A_114, %dma_wait3A_222] : memref<2x2x10240x80xf32, #tpu.memory_space<hbm>> -> memref<1x1x640x80xf32, #tpu.memory_space<hbm>>
      %dma_wait3A_224 = tpu.memref_squeeze %dma_wait3A_223 : memref<1x1x640x80xf32, #tpu.memory_space<hbm>> -> memref<640x80xf32, #tpu.memory_space<hbm>>
      %dma_wait3A_225 = arith.constant 0 : i32
      %dma_wait3A_226 = tpu.memref_slice %arg26[%mul3A_112, %dma_wait3A_225] : memref<10240x80xf32, #tpu.memory_space<vmem_shared>> -> memref<640x80xf32, #tpu.memory_space<vmem_shared>>
      tpu.wait_dma2 semaphore(%run_scoped3A_216 : memref<!tpu.dma_semaphore, #tpu.memory_space<semaphore_mem>>) src(%dma_wait3A_226 : memref<640x80xf32, #tpu.memory_space<vmem_shared>>) dst(%dma_wait3A_224 : memref<640x80xf32, #tpu.memory_space<hbm>>)
      tpu.yield
    }) : () -> ()
    %barrier3A_115 = arith.constant 0 : index
    tpu.barrier barrier_id(%barrier3A_115)
    %mul3A_116 = arith.constant 640 : i32
    %mul3A_117 = arith.muli %arg1, %mul3A_116 : i32
    %add3A_118 = arith.constant 0 : i32
    %add3A_119 = arith.addi %mul3A_117, %add3A_118 : i32
    "tpu.region"() ({
      %run_scoped3A_216 = tpu.sem_alloc : memref<!tpu.dma_semaphore, #tpu.memory_space<semaphore_mem>>
      %dma_start3A_217 = arith.constant 0 : i32
      %dma_start3A_218 = tpu.memref_slice %arg26[%add3A_119, %dma_start3A_217] : memref<10240x80xf32, #tpu.memory_space<vmem_shared>> -> memref<128x80xf32, #tpu.memory_space<vmem_shared>>
      %dma_start3A_219 = arith.constant 0 : i32
      %dma_start3A_220 = tpu.memref_slice %arg26[%add3A_119, %dma_start3A_219] : memref<10240x80xf32, #tpu.memory_space<vmem_shared>> -> memref<128x80xf32, #tpu.memory_space<vmem_shared>>
      tpu.enqueue_dma source(%arg17 : memref<128x80xf32, #tpu.memory_space<vmem>>) target(%dma_start3A_220 : memref<128x80xf32, #tpu.memory_space<vmem_shared>>) target_semaphore(%run_scoped3A_216 : memref<!tpu.dma_semaphore, #tpu.memory_space<semaphore_mem>>)
      %dma_wait3A_221 = arith.constant 0 : i32
      %dma_wait3A_222 = tpu.memref_slice %arg26[%add3A_119, %dma_wait3A_221] : memref<10240x80xf32, #tpu.memory_space<vmem_shared>> -> memref<128x80xf32, #tpu.memory_space<vmem_shared>>
      %dma_wait3A_223 = arith.constant 0 : i32
      %dma_wait3A_224 = tpu.memref_slice %arg26[%add3A_119, %dma_wait3A_223] : memref<10240x80xf32, #tpu.memory_space<vmem_shared>> -> memref<128x80xf32, #tpu.memory_space<vmem_shared>>
      tpu.wait_dma2 semaphore(%run_scoped3A_216 : memref<!tpu.dma_semaphore, #tpu.memory_space<semaphore_mem>>) src(%arg17 : memref<128x80xf32, #tpu.memory_space<vmem>>) dst(%dma_wait3A_224 : memref<128x80xf32, #tpu.memory_space<vmem_shared>>)
      tpu.yield
    }) : () -> ()
    %mul3A_120 = arith.constant 640 : i32
    %mul3A_121 = arith.muli %arg1, %mul3A_120 : i32
    %add3A_122 = arith.constant 128 : i32
    %add3A_123 = arith.addi %mul3A_121, %add3A_122 : i32
    "tpu.region"() ({
      %run_scoped3A_216 = tpu.sem_alloc : memref<!tpu.dma_semaphore, #tpu.memory_space<semaphore_mem>>
      %dma_start3A_217 = arith.constant 0 : i32
      %dma_start3A_218 = tpu.memref_slice %arg26[%add3A_123, %dma_start3A_217] : memref<10240x80xf32, #tpu.memory_space<vmem_shared>> -> memref<128x80xf32, #tpu.memory_space<vmem_shared>>
      %dma_start3A_219 = arith.constant 0 : i32
      %dma_start3A_220 = tpu.memref_slice %arg26[%add3A_123, %dma_start3A_219] : memref<10240x80xf32, #tpu.memory_space<vmem_shared>> -> memref<128x80xf32, #tpu.memory_space<vmem_shared>>
      tpu.enqueue_dma source(%arg17 : memref<128x80xf32, #tpu.memory_space<vmem>>) target(%dma_start3A_220 : memref<128x80xf32, #tpu.memory_space<vmem_shared>>) target_semaphore(%run_scoped3A_216 : memref<!tpu.dma_semaphore, #tpu.memory_space<semaphore_mem>>)
      %dma_wait3A_221 = arith.constant 0 : i32
      %dma_wait3A_222 = tpu.memref_slice %arg26[%add3A_123, %dma_wait3A_221] : memref<10240x80xf32, #tpu.memory_space<vmem_shared>> -> memref<128x80xf32, #tpu.memory_space<vmem_shared>>
      %dma_wait3A_223 = arith.constant 0 : i32
      %dma_wait3A_224 = tpu.memref_slice %arg26[%add3A_123, %dma_wait3A_223] : memref<10240x80xf32, #tpu.memory_space<vmem_shared>> -> memref<128x80xf32, #tpu.memory_space<vmem_shared>>
      tpu.wait_dma2 semaphore(%run_scoped3A_216 : memref<!tpu.dma_semaphore, #tpu.memory_space<semaphore_mem>>) src(%arg17 : memref<128x80xf32, #tpu.memory_space<vmem>>) dst(%dma_wait3A_224 : memref<128x80xf32, #tpu.memory_space<vmem_shared>>)
      tpu.yield
    }) : () -> ()
    %mul3A_124 = arith.constant 640 : i32
    %mul3A_125 = arith.muli %arg1, %mul3A_124 : i32
    %add3A_126 = arith.constant 256 : i32
    %add3A_127 = arith.addi %mul3A_125, %add3A_126 : i32
    "tpu.region"() ({
      %run_scoped3A_216 = tpu.sem_alloc : memref<!tpu.dma_semaphore, #tpu.memory_space<semaphore_mem>>
      %dma_start3A_217 = arith.constant 0 : i32
      %dma_start3A_218 = tpu.memref_slice %arg26[%add3A_127, %dma_start3A_217] : memref<10240x80xf32, #tpu.memory_space<vmem_shared>> -> memref<128x80xf32, #tpu.memory_space<vmem_shared>>
      %dma_start3A_219 = arith.constant 0 : i32
      %dma_start3A_220 = tpu.memref_slice %arg26[%add3A_127, %dma_start3A_219] : memref<10240x80xf32, #tpu.memory_space<vmem_shared>> -> memref<128x80xf32, #tpu.memory_space<vmem_shared>>
      tpu.enqueue_dma source(%arg17 : memref<128x80xf32, #tpu.memory_space<vmem>>) target(%dma_start3A_220 : memref<128x80xf32, #tpu.memory_space<vmem_shared>>) target_semaphore(%run_scoped3A_216 : memref<!tpu.dma_semaphore, #tpu.memory_space<semaphore_mem>>)
      %dma_wait3A_221 = arith.constant 0 : i32
      %dma_wait3A_222 = tpu.memref_slice %arg26[%add3A_127, %dma_wait3A_221] : memref<10240x80xf32, #tpu.memory_space<vmem_shared>> -> memref<128x80xf32, #tpu.memory_space<vmem_shared>>
      %dma_wait3A_223 = arith.constant 0 : i32
      %dma_wait3A_224 = tpu.memref_slice %arg26[%add3A_127, %dma_wait3A_223] : memref<10240x80xf32, #tpu.memory_space<vmem_shared>> -> memref<128x80xf32, #tpu.memory_space<vmem_shared>>
      tpu.wait_dma2 semaphore(%run_scoped3A_216 : memref<!tpu.dma_semaphore, #tpu.memory_space<semaphore_mem>>) src(%arg17 : memref<128x80xf32, #tpu.memory_space<vmem>>) dst(%dma_wait3A_224 : memref<128x80xf32, #tpu.memory_space<vmem_shared>>)
      tpu.yield
    }) : () -> ()
    %mul3A_128 = arith.constant 640 : i32
    %mul3A_129 = arith.muli %arg1, %mul3A_128 : i32
    %add3A_130 = arith.constant 384 : i32
    %add3A_131 = arith.addi %mul3A_129, %add3A_130 : i32
    "tpu.region"() ({
      %run_scoped3A_216 = tpu.sem_alloc : memref<!tpu.dma_semaphore, #tpu.memory_space<semaphore_mem>>
      %dma_start3A_217 = arith.constant 0 : i32
      %dma_start3A_218 = tpu.memref_slice %arg26[%add3A_131, %dma_start3A_217] : memref<10240x80xf32, #tpu.memory_space<vmem_shared>> -> memref<128x80xf32, #tpu.memory_space<vmem_shared>>
      %dma_start3A_219 = arith.constant 0 : i32
      %dma_start3A_220 = tpu.memref_slice %arg26[%add3A_131, %dma_start3A_219] : memref<10240x80xf32, #tpu.memory_space<vmem_shared>> -> memref<128x80xf32, #tpu.memory_space<vmem_shared>>
      tpu.enqueue_dma source(%arg17 : memref<128x80xf32, #tpu.memory_space<vmem>>) target(%dma_start3A_220 : memref<128x80xf32, #tpu.memory_space<vmem_shared>>) target_semaphore(%run_scoped3A_216 : memref<!tpu.dma_semaphore, #tpu.memory_space<semaphore_mem>>)
      %dma_wait3A_221 = arith.constant 0 : i32
      %dma_wait3A_222 = tpu.memref_slice %arg26[%add3A_131, %dma_wait3A_221] : memref<10240x80xf32, #tpu.memory_space<vmem_shared>> -> memref<128x80xf32, #tpu.memory_space<vmem_shared>>
      %dma_wait3A_223 = arith.constant 0 : i32
      %dma_wait3A_224 = tpu.memref_slice %arg26[%add3A_131, %dma_wait3A_223] : memref<10240x80xf32, #tpu.memory_space<vmem_shared>> -> memref<128x80xf32, #tpu.memory_space<vmem_shared>>
      tpu.wait_dma2 semaphore(%run_scoped3A_216 : memref<!tpu.dma_semaphore, #tpu.memory_space<semaphore_mem>>) src(%arg17 : memref<128x80xf32, #tpu.memory_space<vmem>>) dst(%dma_wait3A_224 : memref<128x80xf32, #tpu.memory_space<vmem_shared>>)
      tpu.yield
    }) : () -> ()
    %mul3A_132 = arith.constant 640 : i32
    %mul3A_133 = arith.muli %arg1, %mul3A_132 : i32
    %add3A_134 = arith.constant 512 : i32
    %add3A_135 = arith.addi %mul3A_133, %add3A_134 : i32
    "tpu.region"() ({
      %run_scoped3A_216 = tpu.sem_alloc : memref<!tpu.dma_semaphore, #tpu.memory_space<semaphore_mem>>
      %dma_start3A_217 = arith.constant 0 : i32
      %dma_start3A_218 = tpu.memref_slice %arg26[%add3A_135, %dma_start3A_217] : memref<10240x80xf32, #tpu.memory_space<vmem_shared>> -> memref<128x80xf32, #tpu.memory_space<vmem_shared>>
      %dma_start3A_219 = arith.constant 0 : i32
      %dma_start3A_220 = tpu.memref_slice %arg26[%add3A_135, %dma_start3A_219] : memref<10240x80xf32, #tpu.memory_space<vmem_shared>> -> memref<128x80xf32, #tpu.memory_space<vmem_shared>>
      tpu.enqueue_dma source(%arg17 : memref<128x80xf32, #tpu.memory_space<vmem>>) target(%dma_start3A_220 : memref<128x80xf32, #tpu.memory_space<vmem_shared>>) target_semaphore(%run_scoped3A_216 : memref<!tpu.dma_semaphore, #tpu.memory_space<semaphore_mem>>)
      %dma_wait3A_221 = arith.constant 0 : i32
      %dma_wait3A_222 = tpu.memref_slice %arg26[%add3A_135, %dma_wait3A_221] : memref<10240x80xf32, #tpu.memory_space<vmem_shared>> -> memref<128x80xf32, #tpu.memory_space<vmem_shared>>
      %dma_wait3A_223 = arith.constant 0 : i32
      %dma_wait3A_224 = tpu.memref_slice %arg26[%add3A_135, %dma_wait3A_223] : memref<10240x80xf32, #tpu.memory_space<vmem_shared>> -> memref<128x80xf32, #tpu.memory_space<vmem_shared>>
      tpu.wait_dma2 semaphore(%run_scoped3A_216 : memref<!tpu.dma_semaphore, #tpu.memory_space<semaphore_mem>>) src(%arg17 : memref<128x80xf32, #tpu.memory_space<vmem>>) dst(%dma_wait3A_224 : memref<128x80xf32, #tpu.memory_space<vmem_shared>>)
      tpu.yield
    }) : () -> ()
    %barrier3A_136 = arith.constant 0 : index
    tpu.barrier barrier_id(%barrier3A_136)
    %broadcast_in_dim3A_137 = arith.constant 10000 : i32
    %broadcast_in_dim3A_138 = vector.broadcast %broadcast_in_dim3A_137 : i32 to vector<16xi32>
    %scan3A_139 = arith.constant 0 : i32
    %scan3A_140 = arith.constant 0 : i32
    %scan3A_141 = arith.constant 8 : i32
    %scan3A_142 = arith.addi %scan3A_140, %scan3A_141 : i32
    %scan3A_143 = arith.constant 1 : i32
    scf.for %scan3A_216 = %scan3A_140 to %scan3A_142 step %scan3A_143  : i32 {
      %mul3A_217 = arith.constant 16 : i32
      %mul3A_218 = arith.muli %mul3A_217, %scan3A_216 : i32
      %swap3A = arith.index_cast %mul3A_218 : i32 to index
      %swap3A_219 = tpu.vector_load %arg11[%swap3A] {strides = array<i32>} : memref<128xi32, #tpu.memory_space<vmem>>, vector<16xi32>,
      tpu.vector_store %arg11[%swap3A], %broadcast_in_dim3A_138 {strides = array<i32>} : memref<128xi32, #tpu.memory_space<vmem>>, vector<16xi32>,
      %mul3A_220 = arith.constant 16 : i32
      %mul3A_221 = arith.muli %mul3A_220, %scan3A_216 : i32
      %swap3A_222 = arith.index_cast %mul3A_221 : i32 to index
      %swap3A_223 = tpu.vector_load %arg12[%swap3A_222] {strides = array<i32>} : memref<128xi32, #tpu.memory_space<vmem>>, vector<16xi32>,
      tpu.vector_store %arg12[%swap3A_222], %broadcast_in_dim3A_138 {strides = array<i32>} : memref<128xi32, #tpu.memory_space<vmem>>, vector<16xi32>,
    }
    %scan3A_144 = arith.constant 8 : i32
    %dma_start3A_145 = arith.constant 0 : i32
    %dma_start3A_146 = arith.constant 0 : i32
    %dma_start3A_147 = tpu.memref_slice %arg26[%dma_start3A_145, %dma_start3A_146] : memref<10240x80xf32, #tpu.memory_space<vmem_shared>> -> memref<10240x80xf32, #tpu.memory_space<vmem_shared>>
    tpu.enqueue_indirect_dma source(%arg17 : memref<128x80xf32, #tpu.memory_space<vmem>>) target(%dma_start3A_147 : memref<10240x80xf32, #tpu.memory_space<vmem_shared>>) offsets(%arg11 : memref<128xi32, #tpu.memory_space<vmem>>) semaphore(%arg24 : memref<!tpu.dma_semaphore, #tpu.memory_space<semaphore_mem>>) {add = true}
    %dma_start3A_148 = arith.constant 0 : i32
    %dma_start3A_149 = arith.constant 0 : i32
    %dma_start3A_150 = tpu.memref_slice %arg26[%dma_start3A_148, %dma_start3A_149] : memref<10240x80xf32, #tpu.memory_space<vmem_shared>> -> memref<10240x80xf32, #tpu.memory_space<vmem_shared>>
    tpu.enqueue_indirect_dma source(%arg18 : memref<128x80xf32, #tpu.memory_space<vmem>>) target(%dma_start3A_150 : memref<10240x80xf32, #tpu.memory_space<vmem_shared>>) offsets(%arg12 : memref<128xi32, #tpu.memory_space<vmem>>) semaphore(%arg25 : memref<!tpu.dma_semaphore, #tpu.memory_space<semaphore_mem>>) {add = true}
    %dma_start3A_151 = arith.constant 0 : i32
    %dma_start3A_152 = tpu.memref_slice %arg6[%dma_start3A_151, %mul3A_2] : memref<2x336128xi32, #tpu.memory_space<hbm>> -> memref<2x128xi32, #tpu.memory_space<hbm>>
    %dma_start3A_153 = arith.constant 0 : i32
    %dma_start3A_154 = tpu.memref_slice %arg6[%dma_start3A_153, %mul3A_2] : memref<2x336128xi32, #tpu.memory_space<hbm>> -> memref<2x128xi32, #tpu.memory_space<hbm>>
    tpu.enqueue_dma source(%dma_start3A_154 : memref<2x128xi32, #tpu.memory_space<hbm>>) target(%arg9 : memref<2x128xi32, #tpu.memory_space<vmem>>) target_semaphore(%arg20 : memref<!tpu.dma_semaphore, #tpu.memory_space<semaphore_mem>>)
    %add3A_155 = arith.constant 128 : i32
    %add3A_156 = arith.addi %mul3A_2, %add3A_155 : i32
    %dma_start3A_157 = arith.constant 0 : i32
    %dma_start3A_158 = tpu.memref_slice %arg6[%dma_start3A_157, %add3A_156] : memref<2x336128xi32, #tpu.memory_space<hbm>> -> memref<2x128xi32, #tpu.memory_space<hbm>>
    %dma_start3A_159 = arith.constant 0 : i32
    %dma_start3A_160 = tpu.memref_slice %arg6[%dma_start3A_159, %add3A_156] : memref<2x336128xi32, #tpu.memory_space<hbm>> -> memref<2x128xi32, #tpu.memory_space<hbm>>
    tpu.enqueue_dma source(%dma_start3A_160 : memref<2x128xi32, #tpu.memory_space<hbm>>) target(%arg10 : memref<2x128xi32, #tpu.memory_space<vmem>>) target_semaphore(%arg21 : memref<!tpu.dma_semaphore, #tpu.memory_space<semaphore_mem>>)
    %dma_wait3A_161 = arith.constant 0 : i32
    %dma_wait3A_162 = tpu.memref_slice %arg6[%dma_wait3A_161, %mul3A_2] : memref<2x336128xi32, #tpu.memory_space<hbm>> -> memref<2x128xi32, #tpu.memory_space<hbm>>
    %dma_wait3A_163 = arith.constant 0 : i32
    %dma_wait3A_164 = tpu.memref_slice %arg6[%dma_wait3A_163, %mul3A_2] : memref<2x336128xi32, #tpu.memory_space<hbm>> -> memref<2x128xi32, #tpu.memory_space<hbm>>
    tpu.wait_dma2 semaphore(%arg20 : memref<!tpu.dma_semaphore, #tpu.memory_space<semaphore_mem>>) src(%dma_wait3A_164 : memref<2x128xi32, #tpu.memory_space<hbm>>) dst(%arg9 : memref<2x128xi32, #tpu.memory_space<vmem>>)
    %dma_start3A_165 = arith.constant 0 : i32
    %dma_start3A_166 = arith.constant 0 : i32
    %dma_start3A_167 = tpu.memref_slice %arg9[%dma_start3A_165, %dma_start3A_166] : memref<2x128xi32, #tpu.memory_space<vmem>> -> memref<1x128xi32, #tpu.memory_space<vmem>>
    %dma_start3A_168 = tpu.memref_squeeze %dma_start3A_167 : memref<1x128xi32, #tpu.memory_space<vmem>> -> memref<128xi32, #tpu.memory_space<vmem>>
    %dma_start3A_169 = arith.constant 0 : i32
    %dma_start3A_170 = arith.constant 0 : i32
    %dma_start3A_171 = tpu.memref_slice %arg3[%dma_start3A_169, %dma_start3A_170] : memref<10240x64xf32, #tpu.memory_space<hbm>> -> memref<10240x64xf32, #tpu.memory_space<hbm>>
    tpu.enqueue_indirect_dma source(%dma_start3A_171 : memref<10240x64xf32, #tpu.memory_space<hbm>>) target(%arg13 : memref<128x64xf32, #tpu.memory_space<vmem>>) offsets(%dma_start3A_168 : memref<128xi32, #tpu.memory_space<vmem>>) semaphore(%arg22 : memref<!tpu.dma_semaphore, #tpu.memory_space<semaphore_mem>>)
    %dma_start3A_172 = arith.constant 1 : i32
    %dma_start3A_173 = arith.constant 0 : i32
    %dma_start3A_174 = tpu.memref_slice %arg9[%dma_start3A_172, %dma_start3A_173] : memref<2x128xi32, #tpu.memory_space<vmem>> -> memref<1x128xi32, #tpu.memory_space<vmem>>
    %dma_start3A_175 = tpu.memref_squeeze %dma_start3A_174 : memref<1x128xi32, #tpu.memory_space<vmem>> -> memref<128xi32, #tpu.memory_space<vmem>>
    %dma_start3A_176 = arith.constant 0 : i32
    %dma_start3A_177 = arith.constant 0 : i32
    %dma_start3A_178 = tpu.memref_slice %arg5[%dma_start3A_176, %dma_start3A_177] : memref<10240x64xf32, #tpu.memory_space<hbm>> -> memref<10240x64xf32, #tpu.memory_space<hbm>>
    tpu.enqueue_indirect_dma source(%dma_start3A_178 : memref<10240x64xf32, #tpu.memory_space<hbm>>) target(%arg15 : memref<128x64xf32, #tpu.memory_space<vmem>>) offsets(%dma_start3A_175 : memref<128xi32, #tpu.memory_space<vmem>>) semaphore(%arg22 : memref<!tpu.dma_semaphore, #tpu.memory_space<semaphore_mem>>)
    %scan3A_179 = arith.constant 0 : i32
    %scan3A_180 = arith.constant 0 : i32
    %scan3A_181 = arith.constant 41 : i32
    %scan3A_182 = arith.addi %scan3A_180, %scan3A_181 : i32
    %scan3A_183 = arith.constant 1 : i32
    scf.for %scan3A_216 = %scan3A_180 to %scan3A_182 step %scan3A_183  : i32 {
      %mul3A_217 = arith.constant 2 : i32
      %mul3A_218 = arith.muli %mul3A_217, %scan3A_216 : i32
      %add3A_219 = arith.constant 0 : i32
      %add3A_220 = arith.addi %mul3A_218, %add3A_219 : i32
      %dma_wait3A_221 = arith.constant 0 : i32
      %dma_wait3A_222 = arith.constant 0 : i32
      %dma_wait3A_223 = tpu.memref_slice %arg6[%dma_wait3A_221, %dma_wait3A_222] : memref<2x336128xi32, #tpu.memory_space<hbm>> -> memref<2x128xi32, #tpu.memory_space<hbm>>
      %dma_wait3A_224 = arith.constant 0 : i32
      %dma_wait3A_225 = arith.constant 0 : i32
      %dma_wait3A_226 = tpu.memref_slice %arg6[%dma_wait3A_224, %dma_wait3A_225] : memref<2x336128xi32, #tpu.memory_space<hbm>> -> memref<2x128xi32, #tpu.memory_space<hbm>>
      tpu.wait_dma2 semaphore(%arg21 : memref<!tpu.dma_semaphore, #tpu.memory_space<semaphore_mem>>) src(%dma_wait3A_226 : memref<2x128xi32, #tpu.memory_space<hbm>>) dst(%arg10 : memref<2x128xi32, #tpu.memory_space<vmem>>)
      %dma_start3A_227 = arith.constant 0 : i32
      %dma_start3A_228 = arith.constant 0 : i32
      %dma_start3A_229 = tpu.memref_slice %arg10[%dma_start3A_227, %dma_start3A_228] : memref<2x128xi32, #tpu.memory_space<vmem>> -> memref<1x128xi32, #tpu.memory_space<vmem>>
      %dma_start3A_230 = tpu.memref_squeeze %dma_start3A_229 : memref<1x128xi32, #tpu.memory_space<vmem>> -> memref<128xi32, #tpu.memory_space<vmem>>
      %dma_start3A_231 = arith.constant 0 : i32
      %dma_start3A_232 = arith.constant 0 : i32
      %dma_start3A_233 = tpu.memref_slice %arg3[%dma_start3A_231, %dma_start3A_232] : memref<10240x64xf32, #tpu.memory_space<hbm>> -> memref<10240x64xf32, #tpu.memory_space<hbm>>
      tpu.enqueue_indirect_dma source(%dma_start3A_233 : memref<10240x64xf32, #tpu.memory_space<hbm>>) target(%arg14 : memref<128x64xf32, #tpu.memory_space<vmem>>) offsets(%dma_start3A_230 : memref<128xi32, #tpu.memory_space<vmem>>) semaphore(%arg23 : memref<!tpu.dma_semaphore, #tpu.memory_space<semaphore_mem>>)
      %dma_start3A_234 = arith.constant 1 : i32
      %dma_start3A_235 = arith.constant 0 : i32
      %dma_start3A_236 = tpu.memref_slice %arg10[%dma_start3A_234, %dma_start3A_235] : memref<2x128xi32, #tpu.memory_space<vmem>> -> memref<1x128xi32, #tpu.memory_space<vmem>>
      %dma_start3A_237 = tpu.memref_squeeze %dma_start3A_236 : memref<1x128xi32, #tpu.memory_space<vmem>> -> memref<128xi32, #tpu.memory_space<vmem>>
      %dma_start3A_238 = arith.constant 0 : i32
      %dma_start3A_239 = arith.constant 0 : i32
      %dma_start3A_240 = tpu.memref_slice %arg5[%dma_start3A_238, %dma_start3A_239] : memref<10240x64xf32, #tpu.memory_space<hbm>> -> memref<10240x64xf32, #tpu.memory_space<hbm>>
      tpu.enqueue_indirect_dma source(%dma_start3A_240 : memref<10240x64xf32, #tpu.memory_space<hbm>>) target(%arg16 : memref<128x64xf32, #tpu.memory_space<vmem>>) offsets(%dma_start3A_237 : memref<128xi32, #tpu.memory_space<vmem>>) semaphore(%arg23 : memref<!tpu.dma_semaphore, #tpu.memory_space<semaphore_mem>>)
      %dma_wait3A_241 = arith.constant 0 : i32
      %dma_wait3A_242 = arith.constant 0 : i32
      %dma_wait3A_243 = tpu.memref_slice %arg3[%dma_wait3A_241, %dma_wait3A_242] : memref<10240x64xf32, #tpu.memory_space<hbm>> -> memref<128x64xf32, #tpu.memory_space<hbm>>
      %dma_wait3A_244 = arith.constant 0 : i32
      %dma_wait3A_245 = arith.constant 0 : i32
      %dma_wait3A_246 = tpu.memref_slice %arg3[%dma_wait3A_244, %dma_wait3A_245] : memref<10240x64xf32, #tpu.memory_space<hbm>> -> memref<128x64xf32, #tpu.memory_space<hbm>>
      tpu.wait_dma2 semaphore(%arg22 : memref<!tpu.dma_semaphore, #tpu.memory_space<semaphore_mem>>) src(%dma_wait3A_246 : memref<128x64xf32, #tpu.memory_space<hbm>>) dst(%arg13 : memref<128x64xf32, #tpu.memory_space<vmem>>)
      %dma_wait3A_247 = arith.constant 0 : i32
      %dma_wait3A_248 = arith.constant 0 : i32
      %dma_wait3A_249 = tpu.memref_slice %arg5[%dma_wait3A_247, %dma_wait3A_248] : memref<10240x64xf32, #tpu.memory_space<hbm>> -> memref<128x64xf32, #tpu.memory_space<hbm>>
      %dma_wait3A_250 = arith.constant 0 : i32
      %dma_wait3A_251 = arith.constant 0 : i32
      %dma_wait3A_252 = tpu.memref_slice %arg5[%dma_wait3A_250, %dma_wait3A_251] : memref<10240x64xf32, #tpu.memory_space<hbm>> -> memref<128x64xf32, #tpu.memory_space<hbm>>
      tpu.wait_dma2 semaphore(%arg22 : memref<!tpu.dma_semaphore, #tpu.memory_space<semaphore_mem>>) src(%dma_wait3A_252 : memref<128x64xf32, #tpu.memory_space<hbm>>) dst(%arg15 : memref<128x64xf32, #tpu.memory_space<vmem>>)
      %dma_wait3A_253 = arith.constant 0 : i32
      %dma_wait3A_254 = arith.constant 0 : i32
      %dma_wait3A_255 = tpu.memref_slice %arg26[%dma_wait3A_253, %dma_wait3A_254] : memref<10240x80xf32, #tpu.memory_space<vmem_shared>> -> memref<10240x80xf32, #tpu.memory_space<vmem_shared>>
      tpu.wait_indirect_dma semaphore(%arg24 : memref<!tpu.dma_semaphore, #tpu.memory_space<semaphore_mem>>) src(%arg17 : memref<128x80xf32, #tpu.memory_space<vmem>>) dst(%dma_wait3A_255 : memref<10240x80xf32, #tpu.memory_space<vmem_shared>>)
      %get3A = arith.constant 1 : i32
      %get3A_256 = arith.index_cast %get3A : i32 to index
      %get3A_257 = arith.constant 0 : index
      %get3A_258 = tpu.vector_load %arg9[%get3A_256, %get3A_257] {strides = array<i32>} : memref<2x128xi32, #tpu.memory_space<vmem>>, vector<16xi32>,
      %swap3A = arith.constant 0 : index
      %swap3A_259 = tpu.vector_load %arg11[%swap3A] {strides = array<i32>} : memref<128xi32, #tpu.memory_space<vmem>>, vector<16xi32>,
      tpu.vector_store %arg11[%swap3A], %get3A_258 {strides = array<i32>} : memref<128xi32, #tpu.memory_space<vmem>>, vector<16xi32>,
      %get3A_260 = arith.constant 1 : i32
      %get3A_261 = arith.index_cast %get3A_260 : i32 to index
      %get3A_262 = arith.constant 16 : index
      %get3A_263 = tpu.vector_load %arg9[%get3A_261, %get3A_262] {strides = array<i32>} : memref<2x128xi32, #tpu.memory_space<vmem>>, vector<16xi32>,
      %swap3A_264 = arith.constant 16 : index
      %swap3A_265 = tpu.vector_load %arg11[%swap3A_264] {strides = array<i32>} : memref<128xi32, #tpu.memory_space<vmem>>, vector<16xi32>,
      tpu.vector_store %arg11[%swap3A_264], %get3A_263 {strides = array<i32>} : memref<128xi32, #tpu.memory_space<vmem>>, vector<16xi32>,
      %get3A_266 = arith.constant 1 : i32
      %get3A_267 = arith.index_cast %get3A_266 : i32 to index
      %get3A_268 = arith.constant 32 : index
      %get3A_269 = tpu.vector_load %arg9[%get3A_267, %get3A_268] {strides = array<i32>} : memref<2x128xi32, #tpu.memory_space<vmem>>, vector<16xi32>,
      %swap3A_270 = arith.constant 32 : index
      %swap3A_271 = tpu.vector_load %arg11[%swap3A_270] {strides = array<i32>} : memref<128xi32, #tpu.memory_space<vmem>>, vector<16xi32>,
      tpu.vector_store %arg11[%swap3A_270], %get3A_269 {strides = array<i32>} : memref<128xi32, #tpu.memory_space<vmem>>, vector<16xi32>,
      %get3A_272 = arith.constant 1 : i32
      %get3A_273 = arith.index_cast %get3A_272 : i32 to index
      %get3A_274 = arith.constant 48 : index
      %get3A_275 = tpu.vector_load %arg9[%get3A_273, %get3A_274] {strides = array<i32>} : memref<2x128xi32, #tpu.memory_space<vmem>>, vector<16xi32>,
      %swap3A_276 = arith.constant 48 : index
      %swap3A_277 = tpu.vector_load %arg11[%swap3A_276] {strides = array<i32>} : memref<128xi32, #tpu.memory_space<vmem>>, vector<16xi32>,
      tpu.vector_store %arg11[%swap3A_276], %get3A_275 {strides = array<i32>} : memref<128xi32, #tpu.memory_space<vmem>>, vector<16xi32>,
      %get3A_278 = arith.constant 1 : i32
      %get3A_279 = arith.index_cast %get3A_278 : i32 to index
      %get3A_280 = arith.constant 64 : index
      %get3A_281 = tpu.vector_load %arg9[%get3A_279, %get3A_280] {strides = array<i32>} : memref<2x128xi32, #tpu.memory_space<vmem>>, vector<16xi32>,
      %swap3A_282 = arith.constant 64 : index
      %swap3A_283 = tpu.vector_load %arg11[%swap3A_282] {strides = array<i32>} : memref<128xi32, #tpu.memory_space<vmem>>, vector<16xi32>,
      tpu.vector_store %arg11[%swap3A_282], %get3A_281 {strides = array<i32>} : memref<128xi32, #tpu.memory_space<vmem>>, vector<16xi32>,
      %get3A_284 = arith.constant 1 : i32
      %get3A_285 = arith.index_cast %get3A_284 : i32 to index
      %get3A_286 = arith.constant 80 : index
      %get3A_287 = tpu.vector_load %arg9[%get3A_285, %get3A_286] {strides = array<i32>} : memref<2x128xi32, #tpu.memory_space<vmem>>, vector<16xi32>,
      %swap3A_288 = arith.constant 80 : index
      %swap3A_289 = tpu.vector_load %arg11[%swap3A_288] {strides = array<i32>} : memref<128xi32, #tpu.memory_space<vmem>>, vector<16xi32>,
      tpu.vector_store %arg11[%swap3A_288], %get3A_287 {strides = array<i32>} : memref<128xi32, #tpu.memory_space<vmem>>, vector<16xi32>,
      %get3A_290 = arith.constant 1 : i32
      %get3A_291 = arith.index_cast %get3A_290 : i32 to index
      %get3A_292 = arith.constant 96 : index
      %get3A_293 = tpu.vector_load %arg9[%get3A_291, %get3A_292] {strides = array<i32>} : memref<2x128xi32, #tpu.memory_space<vmem>>, vector<16xi32>,
      %swap3A_294 = arith.constant 96 : index
      %swap3A_295 = tpu.vector_load %arg11[%swap3A_294] {strides = array<i32>} : memref<128xi32, #tpu.memory_space<vmem>>, vector<16xi32>,
      tpu.vector_store %arg11[%swap3A_294], %get3A_293 {strides = array<i32>} : memref<128xi32, #tpu.memory_space<vmem>>, vector<16xi32>,
      %get3A_296 = arith.constant 1 : i32
      %get3A_297 = arith.index_cast %get3A_296 : i32 to index
      %get3A_298 = arith.constant 112 : index
      %get3A_299 = tpu.vector_load %arg9[%get3A_297, %get3A_298] {strides = array<i32>} : memref<2x128xi32, #tpu.memory_space<vmem>>, vector<16xi32>,
      %swap3A_300 = arith.constant 112 : index
      %swap3A_301 = tpu.vector_load %arg11[%swap3A_300] {strides = array<i32>} : memref<128xi32, #tpu.memory_space<vmem>>, vector<16xi32>,
      tpu.vector_store %arg11[%swap3A_300], %get3A_299 {strides = array<i32>} : memref<128xi32, #tpu.memory_space<vmem>>, vector<16xi32>,
      %add3A_302 = arith.constant 2 : i32
      %add3A_303 = arith.addi %add3A_220, %add3A_302 : i32
      %mul3A_304 = arith.constant 128 : i32
      %mul3A_305 = arith.muli %add3A_303, %mul3A_304 : i32
      %add3A_306 = arith.addi %mul3A_2, %mul3A_305 : i32
      %dma_start3A_307 = arith.constant 0 : i32
      %dma_start3A_308 = tpu.memref_slice %arg6[%dma_start3A_307, %add3A_306] : memref<2x336128xi32, #tpu.memory_space<hbm>> -> memref<2x128xi32, #tpu.memory_space<hbm>>
      %dma_start3A_309 = arith.constant 0 : i32
      %dma_start3A_310 = tpu.memref_slice %arg6[%dma_start3A_309, %add3A_306] : memref<2x336128xi32, #tpu.memory_space<hbm>> -> memref<2x128xi32, #tpu.memory_space<hbm>>
      tpu.enqueue_dma source(%dma_start3A_310 : memref<2x128xi32, #tpu.memory_space<hbm>>) target(%arg9 : memref<2x128xi32, #tpu.memory_space<vmem>>) target_semaphore(%arg20 : memref<!tpu.dma_semaphore, #tpu.memory_space<semaphore_mem>>)
      %scan3A_311 = arith.constant 0 : i32
      %scan3A_312 = arith.constant 0 : i32
      %scan3A_313 = arith.constant 128 : i32
      %scan3A_314 = arith.addi %scan3A_312, %scan3A_313 : i32
      %scan3A_315 = arith.constant 1 : i32
      scf.for %scan3A_425 = %scan3A_312 to %scan3A_314 step %scan3A_315  : i32 {
        %get3A_426 = arith.index_cast %scan3A_425 : i32 to index
        %get3A_427 = arith.constant 0 : index
        %get3A_428 = tpu.vector_load %arg13[%get3A_426, %get3A_427] {strides = array<i32>} : memref<128x64xf32, #tpu.memory_space<vmem>>, vector<16xf32>,
        %get3A_429 = arith.index_cast %scan3A_425 : i32 to index
        %get3A_430 = arith.constant 0 : index
        %get3A_431 = tpu.vector_load %arg15[%get3A_429, %get3A_430] {strides = array<i32>} : memref<128x64xf32, #tpu.memory_space<vmem>>, vector<16xf32>,
        %add3A_432 = arith.addf %get3A_428, %get3A_431 : vector<16xf32>
        %mul3A_433 = arith.constant 2.000000e-01 : f32
        %mul3A_434 = vector.broadcast %mul3A_433 : f32 to vector<16xf32>
        %mul3A_435 = arith.mulf %mul3A_434, %add3A_432 : vector<16xf32>
        %max3A = arith.maximumf %add3A_432, %mul3A_435 : vector<16xf32>
        %get3A_436 = arith.constant 4 : i32
        %get3A_437 = arith.index_cast %get3A_436 : i32 to index
        %get3A_438 = arith.constant 0 : index
        %get3A_439 = tpu.vector_load %arg19[%get3A_437, %get3A_438] {strides = array<i32>} : memref<8x16xf32, #tpu.memory_space<vmem>>, vector<16xf32>,
        %mul3A_440 = arith.mulf %max3A, %get3A_439 : vector<16xf32>
        %add3A_441 = arith.addf %broadcast_in_dim3A_3, %mul3A_440 : vector<16xf32>
        %lt3A = arith.constant 0 : i32
        %lt3A_442 = vector.broadcast %lt3A : i32 to vector<16xi32>
        %lt3A_443 = arith.cmpi slt, %xor3A_10, %lt3A_442 : vector<16xi32>
        %add3A_444 = arith.constant 16 : i32
        %add3A_445 = vector.broadcast %add3A_444 : i32 to vector<16xi32>
        %add3A_446 = arith.addi %xor3A_10, %add3A_445 : vector<16xi32>
        %select_n3A = arith.select %lt3A_443, %add3A_446, %xor3A_10 : vector<16xi1>, vector<16xi32>
        %broadcast_in_dim3A_447 = vector.shape_cast %select_n3A : vector<16xi32> to vector<16x1xi32>
        %gather3A = vector.shape_cast %broadcast_in_dim3A_447 : vector<16x1xi32> to vector<16xi32>
        %gather3A_448 = tpu.dynamic_gather %add3A_441[%gather3A] in [0] : vector<16xf32>, vector<16xi32> -> vector<16xf32>
        %add3A_449 = arith.addf %add3A_441, %gather3A_448 : vector<16xf32>
        %lt3A_450 = arith.constant 0 : i32
        %lt3A_451 = vector.broadcast %lt3A_450 : i32 to vector<16xi32>
        %lt3A_452 = arith.cmpi slt, %xor3A_13, %lt3A_451 : vector<16xi32>
        %add3A_453 = arith.constant 16 : i32
        %add3A_454 = vector.broadcast %add3A_453 : i32 to vector<16xi32>
        %add3A_455 = arith.addi %xor3A_13, %add3A_454 : vector<16xi32>
        %select_n3A_456 = arith.select %lt3A_452, %add3A_455, %xor3A_13 : vector<16xi1>, vector<16xi32>
        %broadcast_in_dim3A_457 = vector.shape_cast %select_n3A_456 : vector<16xi32> to vector<16x1xi32>
        %gather3A_458 = vector.shape_cast %broadcast_in_dim3A_457 : vector<16x1xi32> to vector<16xi32>
        %gather3A_459 = tpu.dynamic_gather %add3A_449[%gather3A_458] in [0] : vector<16xf32>, vector<16xi32> -> vector<16xf32>
        %add3A_460 = arith.addf %add3A_449, %gather3A_459 : vector<16xf32>
        %lt3A_461 = arith.constant 0 : i32
        %lt3A_462 = vector.broadcast %lt3A_461 : i32 to vector<16xi32>
        %lt3A_463 = arith.cmpi slt, %xor3A_16, %lt3A_462 : vector<16xi32>
        %add3A_464 = arith.constant 16 : i32
        %add3A_465 = vector.broadcast %add3A_464 : i32 to vector<16xi32>
        %add3A_466 = arith.addi %xor3A_16, %add3A_465 : vector<16xi32>
        %select_n3A_467 = arith.select %lt3A_463, %add3A_466, %xor3A_16 : vector<16xi1>, vector<16xi32>
        %broadcast_in_dim3A_468 = vector.shape_cast %select_n3A_467 : vector<16xi32> to vector<16x1xi32>
        %gather3A_469 = vector.shape_cast %broadcast_in_dim3A_468 : vector<16x1xi32> to vector<16xi32>
        %gather3A_470 = tpu.dynamic_gather %add3A_460[%gather3A_469] in [0] : vector<16xf32>, vector<16xi32> -> vector<16xf32>
        %add3A_471 = arith.addf %add3A_460, %gather3A_470 : vector<16xf32>
        %lt3A_472 = arith.constant 0 : i32
        %lt3A_473 = vector.broadcast %lt3A_472 : i32 to vector<16xi32>
        %lt3A_474 = arith.cmpi slt, %xor3A_19, %lt3A_473 : vector<16xi32>
        %add3A_475 = arith.constant 16 : i32
        %add3A_476 = vector.broadcast %add3A_475 : i32 to vector<16xi32>
        %add3A_477 = arith.addi %xor3A_19, %add3A_476 : vector<16xi32>
        %select_n3A_478 = arith.select %lt3A_474, %add3A_477, %xor3A_19 : vector<16xi1>, vector<16xi32>
        %broadcast_in_dim3A_479 = vector.shape_cast %select_n3A_478 : vector<16xi32> to vector<16x1xi32>
        %gather3A_480 = vector.shape_cast %broadcast_in_dim3A_479 : vector<16x1xi32> to vector<16xi32>
        %gather3A_481 = tpu.dynamic_gather %add3A_471[%gather3A_480] in [0] : vector<16xf32>, vector<16xi32> -> vector<16xf32>
        %add3A_482 = arith.addf %add3A_471, %gather3A_481 : vector<16xf32>
        %exp3A = math.exp %add3A_482 : vector<16xf32>
        %mul3A_483 = arith.mulf %get3A_428, %exp3A : vector<16xf32>
        %swap3A_484 = arith.index_cast %scan3A_425 : i32 to index
        %swap3A_485 = arith.constant 0 : index
        %swap3A_486 = tpu.vector_load %arg17[%swap3A_484, %swap3A_485] {strides = array<i32>} : memref<128x80xf32, #tpu.memory_space<vmem>>, vector<16xf32>,
        tpu.vector_store %arg17[%swap3A_484, %swap3A_485], %mul3A_483 {strides = array<i32>} : memref<128x80xf32, #tpu.memory_space<vmem>>, vector<16xf32>,
        %eq3A = arith.constant 0 : i32
        %eq3A_487 = vector.broadcast %eq3A : i32 to vector<16xi32>
        %eq3A_488 = arith.cmpi eq, %iota3A, %eq3A_487 : vector<16xi32>
        %select_n3A_489 = arith.select %eq3A_488, %exp3A, %broadcast_in_dim3A_3 : vector<16xi1>, vector<16xf32>
        %get3A_490 = arith.index_cast %scan3A_425 : i32 to index
        %get3A_491 = arith.constant 16 : index
        %get3A_492 = tpu.vector_load %arg13[%get3A_490, %get3A_491] {strides = array<i32>} : memref<128x64xf32, #tpu.memory_space<vmem>>, vector<16xf32>,
        %get3A_493 = arith.index_cast %scan3A_425 : i32 to index
        %get3A_494 = arith.constant 16 : index
        %get3A_495 = tpu.vector_load %arg15[%get3A_493, %get3A_494] {strides = array<i32>} : memref<128x64xf32, #tpu.memory_space<vmem>>, vector<16xf32>,
        %add3A_496 = arith.addf %get3A_492, %get3A_495 : vector<16xf32>
        %mul3A_497 = arith.constant 2.000000e-01 : f32
        %mul3A_498 = vector.broadcast %mul3A_497 : f32 to vector<16xf32>
        %mul3A_499 = arith.mulf %mul3A_498, %add3A_496 : vector<16xf32>
        %max3A_500 = arith.maximumf %add3A_496, %mul3A_499 : vector<16xf32>
        %get3A_501 = arith.constant 5 : i32
        %get3A_502 = arith.index_cast %get3A_501 : i32 to index
        %get3A_503 = arith.constant 0 : index
        %get3A_504 = tpu.vector_load %arg19[%get3A_502, %get3A_503] {strides = array<i32>} : memref<8x16xf32, #tpu.memory_space<vmem>>, vector<16xf32>,
        %mul3A_505 = arith.mulf %max3A_500, %get3A_504 : vector<16xf32>
        %add3A_506 = arith.addf %broadcast_in_dim3A_3, %mul3A_505 : vector<16xf32>
        %lt3A_507 = arith.constant 0 : i32
        %lt3A_508 = vector.broadcast %lt3A_507 : i32 to vector<16xi32>
        %lt3A_509 = arith.cmpi slt, %xor3A_10, %lt3A_508 : vector<16xi32>
        %add3A_510 = arith.constant 16 : i32
        %add3A_511 = vector.broadcast %add3A_510 : i32 to vector<16xi32>
        %add3A_512 = arith.addi %xor3A_10, %add3A_511 : vector<16xi32>
        %select_n3A_513 = arith.select %lt3A_509, %add3A_512, %xor3A_10 : vector<16xi1>, vector<16xi32>
        %broadcast_in_dim3A_514 = vector.shape_cast %select_n3A_513 : vector<16xi32> to vector<16x1xi32>
        %gather3A_515 = vector.shape_cast %broadcast_in_dim3A_514 : vector<16x1xi32> to vector<16xi32>
        %gather3A_516 = tpu.dynamic_gather %add3A_506[%gather3A_515] in [0] : vector<16xf32>, vector<16xi32> -> vector<16xf32>
        %add3A_517 = arith.addf %add3A_506, %gather3A_516 : vector<16xf32>
        %lt3A_518 = arith.constant 0 : i32
        %lt3A_519 = vector.broadcast %lt3A_518 : i32 to vector<16xi32>
        %lt3A_520 = arith.cmpi slt, %xor3A_13, %lt3A_519 : vector<16xi32>
        %add3A_521 = arith.constant 16 : i32
        %add3A_522 = vector.broadcast %add3A_521 : i32 to vector<16xi32>
        %add3A_523 = arith.addi %xor3A_13, %add3A_522 : vector<16xi32>
        %select_n3A_524 = arith.select %lt3A_520, %add3A_523, %xor3A_13 : vector<16xi1>, vector<16xi32>
        %broadcast_in_dim3A_525 = vector.shape_cast %select_n3A_524 : vector<16xi32> to vector<16x1xi32>
        %gather3A_526 = vector.shape_cast %broadcast_in_dim3A_525 : vector<16x1xi32> to vector<16xi32>
        %gather3A_527 = tpu.dynamic_gather %add3A_517[%gather3A_526] in [0] : vector<16xf32>, vector<16xi32> -> vector<16xf32>
        %add3A_528 = arith.addf %add3A_517, %gather3A_527 : vector<16xf32>
        %lt3A_529 = arith.constant 0 : i32
        %lt3A_530 = vector.broadcast %lt3A_529 : i32 to vector<16xi32>
        %lt3A_531 = arith.cmpi slt, %xor3A_16, %lt3A_530 : vector<16xi32>
        %add3A_532 = arith.constant 16 : i32
        %add3A_533 = vector.broadcast %add3A_532 : i32 to vector<16xi32>
        %add3A_534 = arith.addi %xor3A_16, %add3A_533 : vector<16xi32>
        %select_n3A_535 = arith.select %lt3A_531, %add3A_534, %xor3A_16 : vector<16xi1>, vector<16xi32>
        %broadcast_in_dim3A_536 = vector.shape_cast %select_n3A_535 : vector<16xi32> to vector<16x1xi32>
        %gather3A_537 = vector.shape_cast %broadcast_in_dim3A_536 : vector<16x1xi32> to vector<16xi32>
        %gather3A_538 = tpu.dynamic_gather %add3A_528[%gather3A_537] in [0] : vector<16xf32>, vector<16xi32> -> vector<16xf32>
        %add3A_539 = arith.addf %add3A_528, %gather3A_538 : vector<16xf32>
        %lt3A_540 = arith.constant 0 : i32
        %lt3A_541 = vector.broadcast %lt3A_540 : i32 to vector<16xi32>
        %lt3A_542 = arith.cmpi slt, %xor3A_19, %lt3A_541 : vector<16xi32>
        %add3A_543 = arith.constant 16 : i32
        %add3A_544 = vector.broadcast %add3A_543 : i32 to vector<16xi32>
        %add3A_545 = arith.addi %xor3A_19, %add3A_544 : vector<16xi32>
        %select_n3A_546 = arith.select %lt3A_542, %add3A_545, %xor3A_19 : vector<16xi1>, vector<16xi32>
        %broadcast_in_dim3A_547 = vector.shape_cast %select_n3A_546 : vector<16xi32> to vector<16x1xi32>
        %gather3A_548 = vector.shape_cast %broadcast_in_dim3A_547 : vector<16x1xi32> to vector<16xi32>
        %gather3A_549 = tpu.dynamic_gather %add3A_539[%gather3A_548] in [0] : vector<16xf32>, vector<16xi32> -> vector<16xf32>
        %add3A_550 = arith.addf %add3A_539, %gather3A_549 : vector<16xf32>
        %exp3A_551 = math.exp %add3A_550 : vector<16xf32>
        %mul3A_552 = arith.mulf %get3A_492, %exp3A_551 : vector<16xf32>
        %swap3A_553 = arith.index_cast %scan3A_425 : i32 to index
        %swap3A_554 = arith.constant 16 : index
        %swap3A_555 = tpu.vector_load %arg17[%swap3A_553, %swap3A_554] {strides = array<i32>} : memref<128x80xf32, #tpu.memory_space<vmem>>, vector<16xf32>,
        tpu.vector_store %arg17[%swap3A_553, %swap3A_554], %mul3A_552 {strides = array<i32>} : memref<128x80xf32, #tpu.memory_space<vmem>>, vector<16xf32>,
        %eq3A_556 = arith.constant 1 : i32
        %eq3A_557 = vector.broadcast %eq3A_556 : i32 to vector<16xi32>
        %eq3A_558 = arith.cmpi eq, %iota3A, %eq3A_557 : vector<16xi32>
        %select_n3A_559 = arith.select %eq3A_558, %exp3A_551, %select_n3A_489 : vector<16xi1>, vector<16xf32>
        %get3A_560 = arith.index_cast %scan3A_425 : i32 to index
        %get3A_561 = arith.constant 32 : index
        %get3A_562 = tpu.vector_load %arg13[%get3A_560, %get3A_561] {strides = array<i32>} : memref<128x64xf32, #tpu.memory_space<vmem>>, vector<16xf32>,
        %get3A_563 = arith.index_cast %scan3A_425 : i32 to index
        %get3A_564 = arith.constant 32 : index
        %get3A_565 = tpu.vector_load %arg15[%get3A_563, %get3A_564] {strides = array<i32>} : memref<128x64xf32, #tpu.memory_space<vmem>>, vector<16xf32>,
        %add3A_566 = arith.addf %get3A_562, %get3A_565 : vector<16xf32>
        %mul3A_567 = arith.constant 2.000000e-01 : f32
        %mul3A_568 = vector.broadcast %mul3A_567 : f32 to vector<16xf32>
        %mul3A_569 = arith.mulf %mul3A_568, %add3A_566 : vector<16xf32>
        %max3A_570 = arith.maximumf %add3A_566, %mul3A_569 : vector<16xf32>
        %get3A_571 = arith.constant 6 : i32
        %get3A_572 = arith.index_cast %get3A_571 : i32 to index
        %get3A_573 = arith.constant 0 : index
        %get3A_574 = tpu.vector_load %arg19[%get3A_572, %get3A_573] {strides = array<i32>} : memref<8x16xf32, #tpu.memory_space<vmem>>, vector<16xf32>,
        %mul3A_575 = arith.mulf %max3A_570, %get3A_574 : vector<16xf32>
        %add3A_576 = arith.addf %broadcast_in_dim3A_3, %mul3A_575 : vector<16xf32>
        %lt3A_577 = arith.constant 0 : i32
        %lt3A_578 = vector.broadcast %lt3A_577 : i32 to vector<16xi32>
        %lt3A_579 = arith.cmpi slt, %xor3A_10, %lt3A_578 : vector<16xi32>
        %add3A_580 = arith.constant 16 : i32
        %add3A_581 = vector.broadcast %add3A_580 : i32 to vector<16xi32>
        %add3A_582 = arith.addi %xor3A_10, %add3A_581 : vector<16xi32>
        %select_n3A_583 = arith.select %lt3A_579, %add3A_582, %xor3A_10 : vector<16xi1>, vector<16xi32>
        %broadcast_in_dim3A_584 = vector.shape_cast %select_n3A_583 : vector<16xi32> to vector<16x1xi32>
        %gather3A_585 = vector.shape_cast %broadcast_in_dim3A_584 : vector<16x1xi32> to vector<16xi32>
        %gather3A_586 = tpu.dynamic_gather %add3A_576[%gather3A_585] in [0] : vector<16xf32>, vector<16xi32> -> vector<16xf32>
        %add3A_587 = arith.addf %add3A_576, %gather3A_586 : vector<16xf32>
        %lt3A_588 = arith.constant 0 : i32
        %lt3A_589 = vector.broadcast %lt3A_588 : i32 to vector<16xi32>
        %lt3A_590 = arith.cmpi slt, %xor3A_13, %lt3A_589 : vector<16xi32>
        %add3A_591 = arith.constant 16 : i32
        %add3A_592 = vector.broadcast %add3A_591 : i32 to vector<16xi32>
        %add3A_593 = arith.addi %xor3A_13, %add3A_592 : vector<16xi32>
        %select_n3A_594 = arith.select %lt3A_590, %add3A_593, %xor3A_13 : vector<16xi1>, vector<16xi32>
        %broadcast_in_dim3A_595 = vector.shape_cast %select_n3A_594 : vector<16xi32> to vector<16x1xi32>
        %gather3A_596 = vector.shape_cast %broadcast_in_dim3A_595 : vector<16x1xi32> to vector<16xi32>
        %gather3A_597 = tpu.dynamic_gather %add3A_587[%gather3A_596] in [0] : vector<16xf32>, vector<16xi32> -> vector<16xf32>
        %add3A_598 = arith.addf %add3A_587, %gather3A_597 : vector<16xf32>
        %lt3A_599 = arith.constant 0 : i32
        %lt3A_600 = vector.broadcast %lt3A_599 : i32 to vector<16xi32>
        %lt3A_601 = arith.cmpi slt, %xor3A_16, %lt3A_600 : vector<16xi32>
        %add3A_602 = arith.constant 16 : i32
        %add3A_603 = vector.broadcast %add3A_602 : i32 to vector<16xi32>
        %add3A_604 = arith.addi %xor3A_16, %add3A_603 : vector<16xi32>
        %select_n3A_605 = arith.select %lt3A_601, %add3A_604, %xor3A_16 : vector<16xi1>, vector<16xi32>
        %broadcast_in_dim3A_606 = vector.shape_cast %select_n3A_605 : vector<16xi32> to vector<16x1xi32>
        %gather3A_607 = vector.shape_cast %broadcast_in_dim3A_606 : vector<16x1xi32> to vector<16xi32>
        %gather3A_608 = tpu.dynamic_gather %add3A_598[%gather3A_607] in [0] : vector<16xf32>, vector<16xi32> -> vector<16xf32>
        %add3A_609 = arith.addf %add3A_598, %gather3A_608 : vector<16xf32>
        %lt3A_610 = arith.constant 0 : i32
        %lt3A_611 = vector.broadcast %lt3A_610 : i32 to vector<16xi32>
        %lt3A_612 = arith.cmpi slt, %xor3A_19, %lt3A_611 : vector<16xi32>
        %add3A_613 = arith.constant 16 : i32
        %add3A_614 = vector.broadcast %add3A_613 : i32 to vector<16xi32>
        %add3A_615 = arith.addi %xor3A_19, %add3A_614 : vector<16xi32>
        %select_n3A_616 = arith.select %lt3A_612, %add3A_615, %xor3A_19 : vector<16xi1>, vector<16xi32>
        %broadcast_in_dim3A_617 = vector.shape_cast %select_n3A_616 : vector<16xi32> to vector<16x1xi32>
        %gather3A_618 = vector.shape_cast %broadcast_in_dim3A_617 : vector<16x1xi32> to vector<16xi32>
        %gather3A_619 = tpu.dynamic_gather %add3A_609[%gather3A_618] in [0] : vector<16xf32>, vector<16xi32> -> vector<16xf32>
        %add3A_620 = arith.addf %add3A_609, %gather3A_619 : vector<16xf32>
        %exp3A_621 = math.exp %add3A_620 : vector<16xf32>
        %mul3A_622 = arith.mulf %get3A_562, %exp3A_621 : vector<16xf32>
        %swap3A_623 = arith.index_cast %scan3A_425 : i32 to index
        %swap3A_624 = arith.constant 32 : index
        %swap3A_625 = tpu.vector_load %arg17[%swap3A_623, %swap3A_624] {strides = array<i32>} : memref<128x80xf32, #tpu.memory_space<vmem>>, vector<16xf32>,
        tpu.vector_store %arg17[%swap3A_623, %swap3A_624], %mul3A_622 {strides = array<i32>} : memref<128x80xf32, #tpu.memory_space<vmem>>, vector<16xf32>,
        %eq3A_626 = arith.constant 2 : i32
        %eq3A_627 = vector.broadcast %eq3A_626 : i32 to vector<16xi32>
        %eq3A_628 = arith.cmpi eq, %iota3A, %eq3A_627 : vector<16xi32>
        %select_n3A_629 = arith.select %eq3A_628, %exp3A_621, %select_n3A_559 : vector<16xi1>, vector<16xf32>
        %get3A_630 = arith.index_cast %scan3A_425 : i32 to index
        %get3A_631 = arith.constant 48 : index
        %get3A_632 = tpu.vector_load %arg13[%get3A_630, %get3A_631] {strides = array<i32>} : memref<128x64xf32, #tpu.memory_space<vmem>>, vector<16xf32>,
        %get3A_633 = arith.index_cast %scan3A_425 : i32 to index
        %get3A_634 = arith.constant 48 : index
        %get3A_635 = tpu.vector_load %arg15[%get3A_633, %get3A_634] {strides = array<i32>} : memref<128x64xf32, #tpu.memory_space<vmem>>, vector<16xf32>,
        %add3A_636 = arith.addf %get3A_632, %get3A_635 : vector<16xf32>
        %mul3A_637 = arith.constant 2.000000e-01 : f32
        %mul3A_638 = vector.broadcast %mul3A_637 : f32 to vector<16xf32>
        %mul3A_639 = arith.mulf %mul3A_638, %add3A_636 : vector<16xf32>
        %max3A_640 = arith.maximumf %add3A_636, %mul3A_639 : vector<16xf32>
        %get3A_641 = arith.constant 7 : i32
        %get3A_642 = arith.index_cast %get3A_641 : i32 to index
        %get3A_643 = arith.constant 0 : index
        %get3A_644 = tpu.vector_load %arg19[%get3A_642, %get3A_643] {strides = array<i32>} : memref<8x16xf32, #tpu.memory_space<vmem>>, vector<16xf32>,
        %mul3A_645 = arith.mulf %max3A_640, %get3A_644 : vector<16xf32>
        %add3A_646 = arith.addf %broadcast_in_dim3A_3, %mul3A_645 : vector<16xf32>
        %lt3A_647 = arith.constant 0 : i32
        %lt3A_648 = vector.broadcast %lt3A_647 : i32 to vector<16xi32>
        %lt3A_649 = arith.cmpi slt, %xor3A_10, %lt3A_648 : vector<16xi32>
        %add3A_650 = arith.constant 16 : i32
        %add3A_651 = vector.broadcast %add3A_650 : i32 to vector<16xi32>
        %add3A_652 = arith.addi %xor3A_10, %add3A_651 : vector<16xi32>
        %select_n3A_653 = arith.select %lt3A_649, %add3A_652, %xor3A_10 : vector<16xi1>, vector<16xi32>
        %broadcast_in_dim3A_654 = vector.shape_cast %select_n3A_653 : vector<16xi32> to vector<16x1xi32>
        %gather3A_655 = vector.shape_cast %broadcast_in_dim3A_654 : vector<16x1xi32> to vector<16xi32>
        %gather3A_656 = tpu.dynamic_gather %add3A_646[%gather3A_655] in [0] : vector<16xf32>, vector<16xi32> -> vector<16xf32>
        %add3A_657 = arith.addf %add3A_646, %gather3A_656 : vector<16xf32>
        %lt3A_658 = arith.constant 0 : i32
        %lt3A_659 = vector.broadcast %lt3A_658 : i32 to vector<16xi32>
        %lt3A_660 = arith.cmpi slt, %xor3A_13, %lt3A_659 : vector<16xi32>
        %add3A_661 = arith.constant 16 : i32
        %add3A_662 = vector.broadcast %add3A_661 : i32 to vector<16xi32>
        %add3A_663 = arith.addi %xor3A_13, %add3A_662 : vector<16xi32>
        %select_n3A_664 = arith.select %lt3A_660, %add3A_663, %xor3A_13 : vector<16xi1>, vector<16xi32>
        %broadcast_in_dim3A_665 = vector.shape_cast %select_n3A_664 : vector<16xi32> to vector<16x1xi32>
        %gather3A_666 = vector.shape_cast %broadcast_in_dim3A_665 : vector<16x1xi32> to vector<16xi32>
        %gather3A_667 = tpu.dynamic_gather %add3A_657[%gather3A_666] in [0] : vector<16xf32>, vector<16xi32> -> vector<16xf32>
        %add3A_668 = arith.addf %add3A_657, %gather3A_667 : vector<16xf32>
        %lt3A_669 = arith.constant 0 : i32
        %lt3A_670 = vector.broadcast %lt3A_669 : i32 to vector<16xi32>
        %lt3A_671 = arith.cmpi slt, %xor3A_16, %lt3A_670 : vector<16xi32>
        %add3A_672 = arith.constant 16 : i32
        %add3A_673 = vector.broadcast %add3A_672 : i32 to vector<16xi32>
        %add3A_674 = arith.addi %xor3A_16, %add3A_673 : vector<16xi32>
        %select_n3A_675 = arith.select %lt3A_671, %add3A_674, %xor3A_16 : vector<16xi1>, vector<16xi32>
        %broadcast_in_dim3A_676 = vector.shape_cast %select_n3A_675 : vector<16xi32> to vector<16x1xi32>
        %gather3A_677 = vector.shape_cast %broadcast_in_dim3A_676 : vector<16x1xi32> to vector<16xi32>
        %gather3A_678 = tpu.dynamic_gather %add3A_668[%gather3A_677] in [0] : vector<16xf32>, vector<16xi32> -> vector<16xf32>
        %add3A_679 = arith.addf %add3A_668, %gather3A_678 : vector<16xf32>
        %lt3A_680 = arith.constant 0 : i32
        %lt3A_681 = vector.broadcast %lt3A_680 : i32 to vector<16xi32>
        %lt3A_682 = arith.cmpi slt, %xor3A_19, %lt3A_681 : vector<16xi32>
        %add3A_683 = arith.constant 16 : i32
        %add3A_684 = vector.broadcast %add3A_683 : i32 to vector<16xi32>
        %add3A_685 = arith.addi %xor3A_19, %add3A_684 : vector<16xi32>
        %select_n3A_686 = arith.select %lt3A_682, %add3A_685, %xor3A_19 : vector<16xi1>, vector<16xi32>
        %broadcast_in_dim3A_687 = vector.shape_cast %select_n3A_686 : vector<16xi32> to vector<16x1xi32>
        %gather3A_688 = vector.shape_cast %broadcast_in_dim3A_687 : vector<16x1xi32> to vector<16xi32>
        %gather3A_689 = tpu.dynamic_gather %add3A_679[%gather3A_688] in [0] : vector<16xf32>, vector<16xi32> -> vector<16xf32>
        %add3A_690 = arith.addf %add3A_679, %gather3A_689 : vector<16xf32>
        %exp3A_691 = math.exp %add3A_690 : vector<16xf32>
        %mul3A_692 = arith.mulf %get3A_632, %exp3A_691 : vector<16xf32>
        %swap3A_693 = arith.index_cast %scan3A_425 : i32 to index
        %swap3A_694 = arith.constant 48 : index
        %swap3A_695 = tpu.vector_load %arg17[%swap3A_693, %swap3A_694] {strides = array<i32>} : memref<128x80xf32, #tpu.memory_space<vmem>>, vector<16xf32>,
        tpu.vector_store %arg17[%swap3A_693, %swap3A_694], %mul3A_692 {strides = array<i32>} : memref<128x80xf32, #tpu.memory_space<vmem>>, vector<16xf32>,
        %eq3A_696 = arith.constant 3 : i32
        %eq3A_697 = vector.broadcast %eq3A_696 : i32 to vector<16xi32>
        %eq3A_698 = arith.cmpi eq, %iota3A, %eq3A_697 : vector<16xi32>
        %select_n3A_699 = arith.select %eq3A_698, %exp3A_691, %select_n3A_629 : vector<16xi1>, vector<16xf32>
        %swap3A_700 = arith.index_cast %scan3A_425 : i32 to index
        %swap3A_701 = arith.constant 64 : index
        %swap3A_702 = tpu.vector_load %arg17[%swap3A_700, %swap3A_701] {strides = array<i32>} : memref<128x80xf32, #tpu.memory_space<vmem>>, vector<16xf32>,
        tpu.vector_store %arg17[%swap3A_700, %swap3A_701], %select_n3A_699 {strides = array<i32>} : memref<128x80xf32, #tpu.memory_space<vmem>>, vector<16xf32>,
      }
      %scan3A_316 = arith.constant 128 : i32
      %dma_start3A_317 = arith.constant 0 : i32
      %dma_start3A_318 = arith.constant 0 : i32
      %dma_start3A_319 = tpu.memref_slice %arg26[%dma_start3A_317, %dma_start3A_318] : memref<10240x80xf32, #tpu.memory_space<vmem_shared>> -> memref<10240x80xf32, #tpu.memory_space<vmem_shared>>
      tpu.enqueue_indirect_dma source(%arg17 : memref<128x80xf32, #tpu.memory_space<vmem>>) target(%dma_start3A_319 : memref<10240x80xf32, #tpu.memory_space<vmem_shared>>) offsets(%arg11 : memref<128xi32, #tpu.memory_space<vmem>>) semaphore(%arg24 : memref<!tpu.dma_semaphore, #tpu.memory_space<semaphore_mem>>) {add = true}
      %mul3A_320 = arith.constant 2 : i32
      %mul3A_321 = arith.muli %mul3A_320, %scan3A_216 : i32
      %add3A_322 = arith.constant 1 : i32
      %add3A_323 = arith.addi %mul3A_321, %add3A_322 : i32
      %dma_wait3A_324 = arith.constant 0 : i32
      %dma_wait3A_325 = arith.constant 0 : i32
      %dma_wait3A_326 = tpu.memref_slice %arg6[%dma_wait3A_324, %dma_wait3A_325] : memref<2x336128xi32, #tpu.memory_space<hbm>> -> memref<2x128xi32, #tpu.memory_space<hbm>>
      %dma_wait3A_327 = arith.constant 0 : i32
      %dma_wait3A_328 = arith.constant 0 : i32
      %dma_wait3A_329 = tpu.memref_slice %arg6[%dma_wait3A_327, %dma_wait3A_328] : memref<2x336128xi32, #tpu.memory_space<hbm>> -> memref<2x128xi32, #tpu.memory_space<hbm>>
      tpu.wait_dma2 semaphore(%arg20 : memref<!tpu.dma_semaphore, #tpu.memory_space<semaphore_mem>>) src(%dma_wait3A_329 : memref<2x128xi32, #tpu.memory_space<hbm>>) dst(%arg9 : memref<2x128xi32, #tpu.memory_space<vmem>>)
      %dma_start3A_330 = arith.constant 0 : i32
      %dma_start3A_331 = arith.constant 0 : i32
      %dma_start3A_332 = tpu.memref_slice %arg9[%dma_start3A_330, %dma_start3A_331] : memref<2x128xi32, #tpu.memory_space<vmem>> -> memref<1x128xi32, #tpu.memory_space<vmem>>
      %dma_start3A_333 = tpu.memref_squeeze %dma_start3A_332 : memref<1x128xi32, #tpu.memory_space<vmem>> -> memref<128xi32, #tpu.memory_space<vmem>>
      %dma_start3A_334 = arith.constant 0 : i32
      %dma_start3A_335 = arith.constant 0 : i32
      %dma_start3A_336 = tpu.memref_slice %arg3[%dma_start3A_334, %dma_start3A_335] : memref<10240x64xf32, #tpu.memory_space<hbm>> -> memref<10240x64xf32, #tpu.memory_space<hbm>>
      tpu.enqueue_indirect_dma source(%dma_start3A_336 : memref<10240x64xf32, #tpu.memory_space<hbm>>) target(%arg13 : memref<128x64xf32, #tpu.memory_space<vmem>>) offsets(%dma_start3A_333 : memref<128xi32, #tpu.memory_space<vmem>>) semaphore(%arg22 : memref<!tpu.dma_semaphore, #tpu.memory_space<semaphore_mem>>)
      %dma_start3A_337 = arith.constant 1 : i32
      %dma_start3A_338 = arith.constant 0 : i32
      %dma_start3A_339 = tpu.memref_slice %arg9[%dma_start3A_337, %dma_start3A_338] : memref<2x128xi32, #tpu.memory_space<vmem>> -> memref<1x128xi32, #tpu.memory_space<vmem>>
      %dma_start3A_340 = tpu.memref_squeeze %dma_start3A_339 : memref<1x128xi32, #tpu.memory_space<vmem>> -> memref<128xi32, #tpu.memory_space<vmem>>
      %dma_start3A_341 = arith.constant 0 : i32
      %dma_start3A_342 = arith.constant 0 : i32
      %dma_start3A_343 = tpu.memref_slice %arg5[%dma_start3A_341, %dma_start3A_342] : memref<10240x64xf32, #tpu.memory_space<hbm>> -> memref<10240x64xf32, #tpu.memory_space<hbm>>
      tpu.enqueue_indirect_dma source(%dma_start3A_343 : memref<10240x64xf32, #tpu.memory_space<hbm>>) target(%arg15 : memref<128x64xf32, #tpu.memory_space<vmem>>) offsets(%dma_start3A_340 : memref<128xi32, #tpu.memory_space<vmem>>) semaphore(%arg22 : memref<!tpu.dma_semaphore, #tpu.memory_space<semaphore_mem>>)
      %dma_wait3A_344 = arith.constant 0 : i32
      %dma_wait3A_345 = arith.constant 0 : i32
      %dma_wait3A_346 = tpu.memref_slice %arg3[%dma_wait3A_344, %dma_wait3A_345] : memref<10240x64xf32, #tpu.memory_space<hbm>> -> memref<128x64xf32, #tpu.memory_space<hbm>>
      %dma_wait3A_347 = arith.constant 0 : i32
      %dma_wait3A_348 = arith.constant 0 : i32
      %dma_wait3A_349 = tpu.memref_slice %arg3[%dma_wait3A_347, %dma_wait3A_348] : memref<10240x64xf32, #tpu.memory_space<hbm>> -> memref<128x64xf32, #tpu.memory_space<hbm>>
      tpu.wait_dma2 semaphore(%arg23 : memref<!tpu.dma_semaphore, #tpu.memory_space<semaphore_mem>>) src(%dma_wait3A_349 : memref<128x64xf32, #tpu.memory_space<hbm>>) dst(%arg14 : memref<128x64xf32, #tpu.memory_space<vmem>>)
      %dma_wait3A_350 = arith.constant 0 : i32
      %dma_wait3A_351 = arith.constant 0 : i32
      %dma_wait3A_352 = tpu.memref_slice %arg5[%dma_wait3A_350, %dma_wait3A_351] : memref<10240x64xf32, #tpu.memory_space<hbm>> -> memref<128x64xf32, #tpu.memory_space<hbm>>
      %dma_wait3A_353 = arith.constant 0 : i32
      %dma_wait3A_354 = arith.constant 0 : i32
      %dma_wait3A_355 = tpu.memref_slice %arg5[%dma_wait3A_353, %dma_wait3A_354] : memref<10240x64xf32, #tpu.memory_space<hbm>> -> memref<128x64xf32, #tpu.memory_space<hbm>>
      tpu.wait_dma2 semaphore(%arg23 : memref<!tpu.dma_semaphore, #tpu.memory_space<semaphore_mem>>) src(%dma_wait3A_355 : memref<128x64xf32, #tpu.memory_space<hbm>>) dst(%arg16 : memref<128x64xf32, #tpu.memory_space<vmem>>)
      %dma_wait3A_356 = arith.constant 0 : i32
      %dma_wait3A_357 = arith.constant 0 : i32
      %dma_wait3A_358 = tpu.memref_slice %arg26[%dma_wait3A_356, %dma_wait3A_357] : memref<10240x80xf32, #tpu.memory_space<vmem_shared>> -> memref<10240x80xf32, #tpu.memory_space<vmem_shared>>
      tpu.wait_indirect_dma semaphore(%arg25 : memref<!tpu.dma_semaphore, #tpu.memory_space<semaphore_mem>>) src(%arg18 : memref<128x80xf32, #tpu.memory_space<vmem>>) dst(%dma_wait3A_358 : memref<10240x80xf32, #tpu.memory_space<vmem_shared>>)
      %get3A_359 = arith.constant 1 : i32
      %get3A_360 = arith.index_cast %get3A_359 : i32 to index
      %get3A_361 = arith.constant 0 : index
      %get3A_362 = tpu.vector_load %arg10[%get3A_360, %get3A_361] {strides = array<i32>} : memref<2x128xi32, #tpu.memory_space<vmem>>, vector<16xi32>,
      %swap3A_363 = arith.constant 0 : index
      %swap3A_364 = tpu.vector_load %arg12[%swap3A_363] {strides = array<i32>} : memref<128xi32, #tpu.memory_space<vmem>>, vector<16xi32>,
      tpu.vector_store %arg12[%swap3A_363], %get3A_362 {strides = array<i32>} : memref<128xi32, #tpu.memory_space<vmem>>, vector<16xi32>,
      %get3A_365 = arith.constant 1 : i32
      %get3A_366 = arith.index_cast %get3A_365 : i32 to index
      %get3A_367 = arith.constant 16 : index
      %get3A_368 = tpu.vector_load %arg10[%get3A_366, %get3A_367] {strides = array<i32>} : memref<2x128xi32, #tpu.memory_space<vmem>>, vector<16xi32>,
      %swap3A_369 = arith.constant 16 : index
      %swap3A_370 = tpu.vector_load %arg12[%swap3A_369] {strides = array<i32>} : memref<128xi32, #tpu.memory_space<vmem>>, vector<16xi32>,
      tpu.vector_store %arg12[%swap3A_369], %get3A_368 {strides = array<i32>} : memref<128xi32, #tpu.memory_space<vmem>>, vector<16xi32>,
      %get3A_371 = arith.constant 1 : i32
      %get3A_372 = arith.index_cast %get3A_371 : i32 to index
      %get3A_373 = arith.constant 32 : index
      %get3A_374 = tpu.vector_load %arg10[%get3A_372, %get3A_373] {strides = array<i32>} : memref<2x128xi32, #tpu.memory_space<vmem>>, vector<16xi32>,
      %swap3A_375 = arith.constant 32 : index
      %swap3A_376 = tpu.vector_load %arg12[%swap3A_375] {strides = array<i32>} : memref<128xi32, #tpu.memory_space<vmem>>, vector<16xi32>,
      tpu.vector_store %arg12[%swap3A_375], %get3A_374 {strides = array<i32>} : memref<128xi32, #tpu.memory_space<vmem>>, vector<16xi32>,
      %get3A_377 = arith.constant 1 : i32
      %get3A_378 = arith.index_cast %get3A_377 : i32 to index
      %get3A_379 = arith.constant 48 : index
      %get3A_380 = tpu.vector_load %arg10[%get3A_378, %get3A_379] {strides = array<i32>} : memref<2x128xi32, #tpu.memory_space<vmem>>, vector<16xi32>,
      %swap3A_381 = arith.constant 48 : index
      %swap3A_382 = tpu.vector_load %arg12[%swap3A_381] {strides = array<i32>} : memref<128xi32, #tpu.memory_space<vmem>>, vector<16xi32>,
      tpu.vector_store %arg12[%swap3A_381], %get3A_380 {strides = array<i32>} : memref<128xi32, #tpu.memory_space<vmem>>, vector<16xi32>,
      %get3A_383 = arith.constant 1 : i32
      %get3A_384 = arith.index_cast %get3A_383 : i32 to index
      %get3A_385 = arith.constant 64 : index
      %get3A_386 = tpu.vector_load %arg10[%get3A_384, %get3A_385] {strides = array<i32>} : memref<2x128xi32, #tpu.memory_space<vmem>>, vector<16xi32>,
      %swap3A_387 = arith.constant 64 : index
      %swap3A_388 = tpu.vector_load %arg12[%swap3A_387] {strides = array<i32>} : memref<128xi32, #tpu.memory_space<vmem>>, vector<16xi32>,
      tpu.vector_store %arg12[%swap3A_387], %get3A_386 {strides = array<i32>} : memref<128xi32, #tpu.memory_space<vmem>>, vector<16xi32>,
      %get3A_389 = arith.constant 1 : i32
      %get3A_390 = arith.index_cast %get3A_389 : i32 to index
      %get3A_391 = arith.constant 80 : index
      %get3A_392 = tpu.vector_load %arg10[%get3A_390, %get3A_391] {strides = array<i32>} : memref<2x128xi32, #tpu.memory_space<vmem>>, vector<16xi32>,
      %swap3A_393 = arith.constant 80 : index
      %swap3A_394 = tpu.vector_load %arg12[%swap3A_393] {strides = array<i32>} : memref<128xi32, #tpu.memory_space<vmem>>, vector<16xi32>,
      tpu.vector_store %arg12[%swap3A_393], %get3A_392 {strides = array<i32>} : memref<128xi32, #tpu.memory_space<vmem>>, vector<16xi32>,
      %get3A_395 = arith.constant 1 : i32
      %get3A_396 = arith.index_cast %get3A_395 : i32 to index
      %get3A_397 = arith.constant 96 : index
      %get3A_398 = tpu.vector_load %arg10[%get3A_396, %get3A_397] {strides = array<i32>} : memref<2x128xi32, #tpu.memory_space<vmem>>, vector<16xi32>,
      %swap3A_399 = arith.constant 96 : index
      %swap3A_400 = tpu.vector_load %arg12[%swap3A_399] {strides = array<i32>} : memref<128xi32, #tpu.memory_space<vmem>>, vector<16xi32>,
      tpu.vector_store %arg12[%swap3A_399], %get3A_398 {strides = array<i32>} : memref<128xi32, #tpu.memory_space<vmem>>, vector<16xi32>,
      %get3A_401 = arith.constant 1 : i32
      %get3A_402 = arith.index_cast %get3A_401 : i32 to index
      %get3A_403 = arith.constant 112 : index
      %get3A_404 = tpu.vector_load %arg10[%get3A_402, %get3A_403] {strides = array<i32>} : memref<2x128xi32, #tpu.memory_space<vmem>>, vector<16xi32>,
      %swap3A_405 = arith.constant 112 : index
      %swap3A_406 = tpu.vector_load %arg12[%swap3A_405] {strides = array<i32>} : memref<128xi32, #tpu.memory_space<vmem>>, vector<16xi32>,
      tpu.vector_store %arg12[%swap3A_405], %get3A_404 {strides = array<i32>} : memref<128xi32, #tpu.memory_space<vmem>>, vector<16xi32>,
      %add3A_407 = arith.constant 2 : i32
      %add3A_408 = arith.addi %add3A_323, %add3A_407 : i32
      %mul3A_409 = arith.constant 128 : i32
      %mul3A_410 = arith.muli %add3A_408, %mul3A_409 : i32
      %add3A_411 = arith.addi %mul3A_2, %mul3A_410 : i32
      %dma_start3A_412 = arith.constant 0 : i32
      %dma_start3A_413 = tpu.memref_slice %arg6[%dma_start3A_412, %add3A_411] : memref<2x336128xi32, #tpu.memory_space<hbm>> -> memref<2x128xi32, #tpu.memory_space<hbm>>
      %dma_start3A_414 = arith.constant 0 : i32
      %dma_start3A_415 = tpu.memref_slice %arg6[%dma_start3A_414, %add3A_411] : memref<2x336128xi32, #tpu.memory_space<hbm>> -> memref<2x128xi32, #tpu.memory_space<hbm>>
      tpu.enqueue_dma source(%dma_start3A_415 : memref<2x128xi32, #tpu.memory_space<hbm>>) target(%arg10 : memref<2x128xi32, #tpu.memory_space<vmem>>) target_semaphore(%arg21 : memref<!tpu.dma_semaphore, #tpu.memory_space<semaphore_mem>>)
      %scan3A_416 = arith.constant 0 : i32
      %scan3A_417 = arith.constant 0 : i32
      %scan3A_418 = arith.constant 128 : i32
      %scan3A_419 = arith.addi %scan3A_417, %scan3A_418 : i32
      %scan3A_420 = arith.constant 1 : i32
      scf.for %scan3A_425 = %scan3A_417 to %scan3A_419 step %scan3A_420  : i32 {
        %get3A_426 = arith.index_cast %scan3A_425 : i32 to index
        %get3A_427 = arith.constant 0 : index
        %get3A_428 = tpu.vector_load %arg14[%get3A_426, %get3A_427] {strides = array<i32>} : memref<128x64xf32, #tpu.memory_space<vmem>>, vector<16xf32>,
        %get3A_429 = arith.index_cast %scan3A_425 : i32 to index
        %get3A_430 = arith.constant 0 : index
        %get3A_431 = tpu.vector_load %arg16[%get3A_429, %get3A_430] {strides = array<i32>} : memref<128x64xf32, #tpu.memory_space<vmem>>, vector<16xf32>,
        %add3A_432 = arith.addf %get3A_428, %get3A_431 : vector<16xf32>
        %mul3A_433 = arith.constant 2.000000e-01 : f32
        %mul3A_434 = vector.broadcast %mul3A_433 : f32 to vector<16xf32>
        %mul3A_435 = arith.mulf %mul3A_434, %add3A_432 : vector<16xf32>
        %max3A = arith.maximumf %add3A_432, %mul3A_435 : vector<16xf32>
        %get3A_436 = arith.constant 4 : i32
        %get3A_437 = arith.index_cast %get3A_436 : i32 to index
        %get3A_438 = arith.constant 0 : index
        %get3A_439 = tpu.vector_load %arg19[%get3A_437, %get3A_438] {strides = array<i32>} : memref<8x16xf32, #tpu.memory_space<vmem>>, vector<16xf32>,
        %mul3A_440 = arith.mulf %max3A, %get3A_439 : vector<16xf32>
        %add3A_441 = arith.addf %broadcast_in_dim3A_3, %mul3A_440 : vector<16xf32>
        %lt3A = arith.constant 0 : i32
        %lt3A_442 = vector.broadcast %lt3A : i32 to vector<16xi32>
        %lt3A_443 = arith.cmpi slt, %xor3A_10, %lt3A_442 : vector<16xi32>
        %add3A_444 = arith.constant 16 : i32
        %add3A_445 = vector.broadcast %add3A_444 : i32 to vector<16xi32>
        %add3A_446 = arith.addi %xor3A_10, %add3A_445 : vector<16xi32>
        %select_n3A = arith.select %lt3A_443, %add3A_446, %xor3A_10 : vector<16xi1>, vector<16xi32>
        %broadcast_in_dim3A_447 = vector.shape_cast %select_n3A : vector<16xi32> to vector<16x1xi32>
        %gather3A = vector.shape_cast %broadcast_in_dim3A_447 : vector<16x1xi32> to vector<16xi32>
        %gather3A_448 = tpu.dynamic_gather %add3A_441[%gather3A] in [0] : vector<16xf32>, vector<16xi32> -> vector<16xf32>
        %add3A_449 = arith.addf %add3A_441, %gather3A_448 : vector<16xf32>
        %lt3A_450 = arith.constant 0 : i32
        %lt3A_451 = vector.broadcast %lt3A_450 : i32 to vector<16xi32>
        %lt3A_452 = arith.cmpi slt, %xor3A_13, %lt3A_451 : vector<16xi32>
        %add3A_453 = arith.constant 16 : i32
        %add3A_454 = vector.broadcast %add3A_453 : i32 to vector<16xi32>
        %add3A_455 = arith.addi %xor3A_13, %add3A_454 : vector<16xi32>
        %select_n3A_456 = arith.select %lt3A_452, %add3A_455, %xor3A_13 : vector<16xi1>, vector<16xi32>
        %broadcast_in_dim3A_457 = vector.shape_cast %select_n3A_456 : vector<16xi32> to vector<16x1xi32>
        %gather3A_458 = vector.shape_cast %broadcast_in_dim3A_457 : vector<16x1xi32> to vector<16xi32>
        %gather3A_459 = tpu.dynamic_gather %add3A_449[%gather3A_458] in [0] : vector<16xf32>, vector<16xi32> -> vector<16xf32>
        %add3A_460 = arith.addf %add3A_449, %gather3A_459 : vector<16xf32>
        %lt3A_461 = arith.constant 0 : i32
        %lt3A_462 = vector.broadcast %lt3A_461 : i32 to vector<16xi32>
        %lt3A_463 = arith.cmpi slt, %xor3A_16, %lt3A_462 : vector<16xi32>
        %add3A_464 = arith.constant 16 : i32
        %add3A_465 = vector.broadcast %add3A_464 : i32 to vector<16xi32>
        %add3A_466 = arith.addi %xor3A_16, %add3A_465 : vector<16xi32>
        %select_n3A_467 = arith.select %lt3A_463, %add3A_466, %xor3A_16 : vector<16xi1>, vector<16xi32>
        %broadcast_in_dim3A_468 = vector.shape_cast %select_n3A_467 : vector<16xi32> to vector<16x1xi32>
        %gather3A_469 = vector.shape_cast %broadcast_in_dim3A_468 : vector<16x1xi32> to vector<16xi32>
        %gather3A_470 = tpu.dynamic_gather %add3A_460[%gather3A_469] in [0] : vector<16xf32>, vector<16xi32> -> vector<16xf32>
        %add3A_471 = arith.addf %add3A_460, %gather3A_470 : vector<16xf32>
        %lt3A_472 = arith.constant 0 : i32
        %lt3A_473 = vector.broadcast %lt3A_472 : i32 to vector<16xi32>
        %lt3A_474 = arith.cmpi slt, %xor3A_19, %lt3A_473 : vector<16xi32>
        %add3A_475 = arith.constant 16 : i32
        %add3A_476 = vector.broadcast %add3A_475 : i32 to vector<16xi32>
        %add3A_477 = arith.addi %xor3A_19, %add3A_476 : vector<16xi32>
        %select_n3A_478 = arith.select %lt3A_474, %add3A_477, %xor3A_19 : vector<16xi1>, vector<16xi32>
        %broadcast_in_dim3A_479 = vector.shape_cast %select_n3A_478 : vector<16xi32> to vector<16x1xi32>
        %gather3A_480 = vector.shape_cast %broadcast_in_dim3A_479 : vector<16x1xi32> to vector<16xi32>
        %gather3A_481 = tpu.dynamic_gather %add3A_471[%gather3A_480] in [0] : vector<16xf32>, vector<16xi32> -> vector<16xf32>
        %add3A_482 = arith.addf %add3A_471, %gather3A_481 : vector<16xf32>
        %exp3A = math.exp %add3A_482 : vector<16xf32>
        %mul3A_483 = arith.mulf %get3A_428, %exp3A : vector<16xf32>
        %swap3A_484 = arith.index_cast %scan3A_425 : i32 to index
        %swap3A_485 = arith.constant 0 : index
        %swap3A_486 = tpu.vector_load %arg18[%swap3A_484, %swap3A_485] {strides = array<i32>} : memref<128x80xf32, #tpu.memory_space<vmem>>, vector<16xf32>,
        tpu.vector_store %arg18[%swap3A_484, %swap3A_485], %mul3A_483 {strides = array<i32>} : memref<128x80xf32, #tpu.memory_space<vmem>>, vector<16xf32>,
        %eq3A = arith.constant 0 : i32
        %eq3A_487 = vector.broadcast %eq3A : i32 to vector<16xi32>
        %eq3A_488 = arith.cmpi eq, %iota3A, %eq3A_487 : vector<16xi32>
        %select_n3A_489 = arith.select %eq3A_488, %exp3A, %broadcast_in_dim3A_3 : vector<16xi1>, vector<16xf32>
        %get3A_490 = arith.index_cast %scan3A_425 : i32 to index
        %get3A_491 = arith.constant 16 : index
        %get3A_492 = tpu.vector_load %arg14[%get3A_490, %get3A_491] {strides = array<i32>} : memref<128x64xf32, #tpu.memory_space<vmem>>, vector<16xf32>,
        %get3A_493 = arith.index_cast %scan3A_425 : i32 to index
        %get3A_494 = arith.constant 16 : index
        %get3A_495 = tpu.vector_load %arg16[%get3A_493, %get3A_494] {strides = array<i32>} : memref<128x64xf32, #tpu.memory_space<vmem>>, vector<16xf32>,
        %add3A_496 = arith.addf %get3A_492, %get3A_495 : vector<16xf32>
        %mul3A_497 = arith.constant 2.000000e-01 : f32
        %mul3A_498 = vector.broadcast %mul3A_497 : f32 to vector<16xf32>
        %mul3A_499 = arith.mulf %mul3A_498, %add3A_496 : vector<16xf32>
        %max3A_500 = arith.maximumf %add3A_496, %mul3A_499 : vector<16xf32>
        %get3A_501 = arith.constant 5 : i32
        %get3A_502 = arith.index_cast %get3A_501 : i32 to index
        %get3A_503 = arith.constant 0 : index
        %get3A_504 = tpu.vector_load %arg19[%get3A_502, %get3A_503] {strides = array<i32>} : memref<8x16xf32, #tpu.memory_space<vmem>>, vector<16xf32>,
        %mul3A_505 = arith.mulf %max3A_500, %get3A_504 : vector<16xf32>
        %add3A_506 = arith.addf %broadcast_in_dim3A_3, %mul3A_505 : vector<16xf32>
        %lt3A_507 = arith.constant 0 : i32
        %lt3A_508 = vector.broadcast %lt3A_507 : i32 to vector<16xi32>
        %lt3A_509 = arith.cmpi slt, %xor3A_10, %lt3A_508 : vector<16xi32>
        %add3A_510 = arith.constant 16 : i32
        %add3A_511 = vector.broadcast %add3A_510 : i32 to vector<16xi32>
        %add3A_512 = arith.addi %xor3A_10, %add3A_511 : vector<16xi32>
        %select_n3A_513 = arith.select %lt3A_509, %add3A_512, %xor3A_10 : vector<16xi1>, vector<16xi32>
        %broadcast_in_dim3A_514 = vector.shape_cast %select_n3A_513 : vector<16xi32> to vector<16x1xi32>
        %gather3A_515 = vector.shape_cast %broadcast_in_dim3A_514 : vector<16x1xi32> to vector<16xi32>
        %gather3A_516 = tpu.dynamic_gather %add3A_506[%gather3A_515] in [0] : vector<16xf32>, vector<16xi32> -> vector<16xf32>
        %add3A_517 = arith.addf %add3A_506, %gather3A_516 : vector<16xf32>
        %lt3A_518 = arith.constant 0 : i32
        %lt3A_519 = vector.broadcast %lt3A_518 : i32 to vector<16xi32>
        %lt3A_520 = arith.cmpi slt, %xor3A_13, %lt3A_519 : vector<16xi32>
        %add3A_521 = arith.constant 16 : i32
        %add3A_522 = vector.broadcast %add3A_521 : i32 to vector<16xi32>
        %add3A_523 = arith.addi %xor3A_13, %add3A_522 : vector<16xi32>
        %select_n3A_524 = arith.select %lt3A_520, %add3A_523, %xor3A_13 : vector<16xi1>, vector<16xi32>
        %broadcast_in_dim3A_525 = vector.shape_cast %select_n3A_524 : vector<16xi32> to vector<16x1xi32>
        %gather3A_526 = vector.shape_cast %broadcast_in_dim3A_525 : vector<16x1xi32> to vector<16xi32>
        %gather3A_527 = tpu.dynamic_gather %add3A_517[%gather3A_526] in [0] : vector<16xf32>, vector<16xi32> -> vector<16xf32>
        %add3A_528 = arith.addf %add3A_517, %gather3A_527 : vector<16xf32>
        %lt3A_529 = arith.constant 0 : i32
        %lt3A_530 = vector.broadcast %lt3A_529 : i32 to vector<16xi32>
        %lt3A_531 = arith.cmpi slt, %xor3A_16, %lt3A_530 : vector<16xi32>
        %add3A_532 = arith.constant 16 : i32
        %add3A_533 = vector.broadcast %add3A_532 : i32 to vector<16xi32>
        %add3A_534 = arith.addi %xor3A_16, %add3A_533 : vector<16xi32>
        %select_n3A_535 = arith.select %lt3A_531, %add3A_534, %xor3A_16 : vector<16xi1>, vector<16xi32>
        %broadcast_in_dim3A_536 = vector.shape_cast %select_n3A_535 : vector<16xi32> to vector<16x1xi32>
        %gather3A_537 = vector.shape_cast %broadcast_in_dim3A_536 : vector<16x1xi32> to vector<16xi32>
        %gather3A_538 = tpu.dynamic_gather %add3A_528[%gather3A_537] in [0] : vector<16xf32>, vector<16xi32> -> vector<16xf32>
        %add3A_539 = arith.addf %add3A_528, %gather3A_538 : vector<16xf32>
        %lt3A_540 = arith.constant 0 : i32
        %lt3A_541 = vector.broadcast %lt3A_540 : i32 to vector<16xi32>
        %lt3A_542 = arith.cmpi slt, %xor3A_19, %lt3A_541 : vector<16xi32>
        %add3A_543 = arith.constant 16 : i32
        %add3A_544 = vector.broadcast %add3A_543 : i32 to vector<16xi32>
        %add3A_545 = arith.addi %xor3A_19, %add3A_544 : vector<16xi32>
        %select_n3A_546 = arith.select %lt3A_542, %add3A_545, %xor3A_19 : vector<16xi1>, vector<16xi32>
        %broadcast_in_dim3A_547 = vector.shape_cast %select_n3A_546 : vector<16xi32> to vector<16x1xi32>
        %gather3A_548 = vector.shape_cast %broadcast_in_dim3A_547 : vector<16x1xi32> to vector<16xi32>
        %gather3A_549 = tpu.dynamic_gather %add3A_539[%gather3A_548] in [0] : vector<16xf32>, vector<16xi32> -> vector<16xf32>
        %add3A_550 = arith.addf %add3A_539, %gather3A_549 : vector<16xf32>
        %exp3A_551 = math.exp %add3A_550 : vector<16xf32>
        %mul3A_552 = arith.mulf %get3A_492, %exp3A_551 : vector<16xf32>
        %swap3A_553 = arith.index_cast %scan3A_425 : i32 to index
        %swap3A_554 = arith.constant 16 : index
        %swap3A_555 = tpu.vector_load %arg18[%swap3A_553, %swap3A_554] {strides = array<i32>} : memref<128x80xf32, #tpu.memory_space<vmem>>, vector<16xf32>,
        tpu.vector_store %arg18[%swap3A_553, %swap3A_554], %mul3A_552 {strides = array<i32>} : memref<128x80xf32, #tpu.memory_space<vmem>>, vector<16xf32>,
        %eq3A_556 = arith.constant 1 : i32
        %eq3A_557 = vector.broadcast %eq3A_556 : i32 to vector<16xi32>
        %eq3A_558 = arith.cmpi eq, %iota3A, %eq3A_557 : vector<16xi32>
        %select_n3A_559 = arith.select %eq3A_558, %exp3A_551, %select_n3A_489 : vector<16xi1>, vector<16xf32>
        %get3A_560 = arith.index_cast %scan3A_425 : i32 to index
        %get3A_561 = arith.constant 32 : index
        %get3A_562 = tpu.vector_load %arg14[%get3A_560, %get3A_561] {strides = array<i32>} : memref<128x64xf32, #tpu.memory_space<vmem>>, vector<16xf32>,
        %get3A_563 = arith.index_cast %scan3A_425 : i32 to index
        %get3A_564 = arith.constant 32 : index
        %get3A_565 = tpu.vector_load %arg16[%get3A_563, %get3A_564] {strides = array<i32>} : memref<128x64xf32, #tpu.memory_space<vmem>>, vector<16xf32>,
        %add3A_566 = arith.addf %get3A_562, %get3A_565 : vector<16xf32>
        %mul3A_567 = arith.constant 2.000000e-01 : f32
        %mul3A_568 = vector.broadcast %mul3A_567 : f32 to vector<16xf32>
        %mul3A_569 = arith.mulf %mul3A_568, %add3A_566 : vector<16xf32>
        %max3A_570 = arith.maximumf %add3A_566, %mul3A_569 : vector<16xf32>
        %get3A_571 = arith.constant 6 : i32
        %get3A_572 = arith.index_cast %get3A_571 : i32 to index
        %get3A_573 = arith.constant 0 : index
        %get3A_574 = tpu.vector_load %arg19[%get3A_572, %get3A_573] {strides = array<i32>} : memref<8x16xf32, #tpu.memory_space<vmem>>, vector<16xf32>,
        %mul3A_575 = arith.mulf %max3A_570, %get3A_574 : vector<16xf32>
        %add3A_576 = arith.addf %broadcast_in_dim3A_3, %mul3A_575 : vector<16xf32>
        %lt3A_577 = arith.constant 0 : i32
        %lt3A_578 = vector.broadcast %lt3A_577 : i32 to vector<16xi32>
        %lt3A_579 = arith.cmpi slt, %xor3A_10, %lt3A_578 : vector<16xi32>
        %add3A_580 = arith.constant 16 : i32
        %add3A_581 = vector.broadcast %add3A_580 : i32 to vector<16xi32>
        %add3A_582 = arith.addi %xor3A_10, %add3A_581 : vector<16xi32>
        %select_n3A_583 = arith.select %lt3A_579, %add3A_582, %xor3A_10 : vector<16xi1>, vector<16xi32>
        %broadcast_in_dim3A_584 = vector.shape_cast %select_n3A_583 : vector<16xi32> to vector<16x1xi32>
        %gather3A_585 = vector.shape_cast %broadcast_in_dim3A_584 : vector<16x1xi32> to vector<16xi32>
        %gather3A_586 = tpu.dynamic_gather %add3A_576[%gather3A_585] in [0] : vector<16xf32>, vector<16xi32> -> vector<16xf32>
        %add3A_587 = arith.addf %add3A_576, %gather3A_586 : vector<16xf32>
        %lt3A_588 = arith.constant 0 : i32
        %lt3A_589 = vector.broadcast %lt3A_588 : i32 to vector<16xi32>
        %lt3A_590 = arith.cmpi slt, %xor3A_13, %lt3A_589 : vector<16xi32>
        %add3A_591 = arith.constant 16 : i32
        %add3A_592 = vector.broadcast %add3A_591 : i32 to vector<16xi32>
        %add3A_593 = arith.addi %xor3A_13, %add3A_592 : vector<16xi32>
        %select_n3A_594 = arith.select %lt3A_590, %add3A_593, %xor3A_13 : vector<16xi1>, vector<16xi32>
        %broadcast_in_dim3A_595 = vector.shape_cast %select_n3A_594 : vector<16xi32> to vector<16x1xi32>
        %gather3A_596 = vector.shape_cast %broadcast_in_dim3A_595 : vector<16x1xi32> to vector<16xi32>
        %gather3A_597 = tpu.dynamic_gather %add3A_587[%gather3A_596] in [0] : vector<16xf32>, vector<16xi32> -> vector<16xf32>
        %add3A_598 = arith.addf %add3A_587, %gather3A_597 : vector<16xf32>
        %lt3A_599 = arith.constant 0 : i32
        %lt3A_600 = vector.broadcast %lt3A_599 : i32 to vector<16xi32>
        %lt3A_601 = arith.cmpi slt, %xor3A_16, %lt3A_600 : vector<16xi32>
        %add3A_602 = arith.constant 16 : i32
        %add3A_603 = vector.broadcast %add3A_602 : i32 to vector<16xi32>
        %add3A_604 = arith.addi %xor3A_16, %add3A_603 : vector<16xi32>
        %select_n3A_605 = arith.select %lt3A_601, %add3A_604, %xor3A_16 : vector<16xi1>, vector<16xi32>
        %broadcast_in_dim3A_606 = vector.shape_cast %select_n3A_605 : vector<16xi32> to vector<16x1xi32>
        %gather3A_607 = vector.shape_cast %broadcast_in_dim3A_606 : vector<16x1xi32> to vector<16xi32>
        %gather3A_608 = tpu.dynamic_gather %add3A_598[%gather3A_607] in [0] : vector<16xf32>, vector<16xi32> -> vector<16xf32>
        %add3A_609 = arith.addf %add3A_598, %gather3A_608 : vector<16xf32>
        %lt3A_610 = arith.constant 0 : i32
        %lt3A_611 = vector.broadcast %lt3A_610 : i32 to vector<16xi32>
        %lt3A_612 = arith.cmpi slt, %xor3A_19, %lt3A_611 : vector<16xi32>
        %add3A_613 = arith.constant 16 : i32
        %add3A_614 = vector.broadcast %add3A_613 : i32 to vector<16xi32>
        %add3A_615 = arith.addi %xor3A_19, %add3A_614 : vector<16xi32>
        %select_n3A_616 = arith.select %lt3A_612, %add3A_615, %xor3A_19 : vector<16xi1>, vector<16xi32>
        %broadcast_in_dim3A_617 = vector.shape_cast %select_n3A_616 : vector<16xi32> to vector<16x1xi32>
        %gather3A_618 = vector.shape_cast %broadcast_in_dim3A_617 : vector<16x1xi32> to vector<16xi32>
        %gather3A_619 = tpu.dynamic_gather %add3A_609[%gather3A_618] in [0] : vector<16xf32>, vector<16xi32> -> vector<16xf32>
        %add3A_620 = arith.addf %add3A_609, %gather3A_619 : vector<16xf32>
        %exp3A_621 = math.exp %add3A_620 : vector<16xf32>
        %mul3A_622 = arith.mulf %get3A_562, %exp3A_621 : vector<16xf32>
        %swap3A_623 = arith.index_cast %scan3A_425 : i32 to index
        %swap3A_624 = arith.constant 32 : index
        %swap3A_625 = tpu.vector_load %arg18[%swap3A_623, %swap3A_624] {strides = array<i32>} : memref<128x80xf32, #tpu.memory_space<vmem>>, vector<16xf32>,
        tpu.vector_store %arg18[%swap3A_623, %swap3A_624], %mul3A_622 {strides = array<i32>} : memref<128x80xf32, #tpu.memory_space<vmem>>, vector<16xf32>,
        %eq3A_626 = arith.constant 2 : i32
        %eq3A_627 = vector.broadcast %eq3A_626 : i32 to vector<16xi32>
        %eq3A_628 = arith.cmpi eq, %iota3A, %eq3A_627 : vector<16xi32>
        %select_n3A_629 = arith.select %eq3A_628, %exp3A_621, %select_n3A_559 : vector<16xi1>, vector<16xf32>
        %get3A_630 = arith.index_cast %scan3A_425 : i32 to index
        %get3A_631 = arith.constant 48 : index
        %get3A_632 = tpu.vector_load %arg14[%get3A_630, %get3A_631] {strides = array<i32>} : memref<128x64xf32, #tpu.memory_space<vmem>>, vector<16xf32>,
        %get3A_633 = arith.index_cast %scan3A_425 : i32 to index
        %get3A_634 = arith.constant 48 : index
        %get3A_635 = tpu.vector_load %arg16[%get3A_633, %get3A_634] {strides = array<i32>} : memref<128x64xf32, #tpu.memory_space<vmem>>, vector<16xf32>,
        %add3A_636 = arith.addf %get3A_632, %get3A_635 : vector<16xf32>
        %mul3A_637 = arith.constant 2.000000e-01 : f32
        %mul3A_638 = vector.broadcast %mul3A_637 : f32 to vector<16xf32>
        %mul3A_639 = arith.mulf %mul3A_638, %add3A_636 : vector<16xf32>
        %max3A_640 = arith.maximumf %add3A_636, %mul3A_639 : vector<16xf32>
        %get3A_641 = arith.constant 7 : i32
        %get3A_642 = arith.index_cast %get3A_641 : i32 to index
        %get3A_643 = arith.constant 0 : index
        %get3A_644 = tpu.vector_load %arg19[%get3A_642, %get3A_643] {strides = array<i32>} : memref<8x16xf32, #tpu.memory_space<vmem>>, vector<16xf32>,
        %mul3A_645 = arith.mulf %max3A_640, %get3A_644 : vector<16xf32>
        %add3A_646 = arith.addf %broadcast_in_dim3A_3, %mul3A_645 : vector<16xf32>
        %lt3A_647 = arith.constant 0 : i32
        %lt3A_648 = vector.broadcast %lt3A_647 : i32 to vector<16xi32>
        %lt3A_649 = arith.cmpi slt, %xor3A_10, %lt3A_648 : vector<16xi32>
        %add3A_650 = arith.constant 16 : i32
        %add3A_651 = vector.broadcast %add3A_650 : i32 to vector<16xi32>
        %add3A_652 = arith.addi %xor3A_10, %add3A_651 : vector<16xi32>
        %select_n3A_653 = arith.select %lt3A_649, %add3A_652, %xor3A_10 : vector<16xi1>, vector<16xi32>
        %broadcast_in_dim3A_654 = vector.shape_cast %select_n3A_653 : vector<16xi32> to vector<16x1xi32>
        %gather3A_655 = vector.shape_cast %broadcast_in_dim3A_654 : vector<16x1xi32> to vector<16xi32>
        %gather3A_656 = tpu.dynamic_gather %add3A_646[%gather3A_655] in [0] : vector<16xf32>, vector<16xi32> -> vector<16xf32>
        %add3A_657 = arith.addf %add3A_646, %gather3A_656 : vector<16xf32>
        %lt3A_658 = arith.constant 0 : i32
        %lt3A_659 = vector.broadcast %lt3A_658 : i32 to vector<16xi32>
        %lt3A_660 = arith.cmpi slt, %xor3A_13, %lt3A_659 : vector<16xi32>
        %add3A_661 = arith.constant 16 : i32
        %add3A_662 = vector.broadcast %add3A_661 : i32 to vector<16xi32>
        %add3A_663 = arith.addi %xor3A_13, %add3A_662 : vector<16xi32>
        %select_n3A_664 = arith.select %lt3A_660, %add3A_663, %xor3A_13 : vector<16xi1>, vector<16xi32>
        %broadcast_in_dim3A_665 = vector.shape_cast %select_n3A_664 : vector<16xi32> to vector<16x1xi32>
        %gather3A_666 = vector.shape_cast %broadcast_in_dim3A_665 : vector<16x1xi32> to vector<16xi32>
        %gather3A_667 = tpu.dynamic_gather %add3A_657[%gather3A_666] in [0] : vector<16xf32>, vector<16xi32> -> vector<16xf32>
        %add3A_668 = arith.addf %add3A_657, %gather3A_667 : vector<16xf32>
        %lt3A_669 = arith.constant 0 : i32
        %lt3A_670 = vector.broadcast %lt3A_669 : i32 to vector<16xi32>
        %lt3A_671 = arith.cmpi slt, %xor3A_16, %lt3A_670 : vector<16xi32>
        %add3A_672 = arith.constant 16 : i32
        %add3A_673 = vector.broadcast %add3A_672 : i32 to vector<16xi32>
        %add3A_674 = arith.addi %xor3A_16, %add3A_673 : vector<16xi32>
        %select_n3A_675 = arith.select %lt3A_671, %add3A_674, %xor3A_16 : vector<16xi1>, vector<16xi32>
        %broadcast_in_dim3A_676 = vector.shape_cast %select_n3A_675 : vector<16xi32> to vector<16x1xi32>
        %gather3A_677 = vector.shape_cast %broadcast_in_dim3A_676 : vector<16x1xi32> to vector<16xi32>
        %gather3A_678 = tpu.dynamic_gather %add3A_668[%gather3A_677] in [0] : vector<16xf32>, vector<16xi32> -> vector<16xf32>
        %add3A_679 = arith.addf %add3A_668, %gather3A_678 : vector<16xf32>
        %lt3A_680 = arith.constant 0 : i32
        %lt3A_681 = vector.broadcast %lt3A_680 : i32 to vector<16xi32>
        %lt3A_682 = arith.cmpi slt, %xor3A_19, %lt3A_681 : vector<16xi32>
        %add3A_683 = arith.constant 16 : i32
        %add3A_684 = vector.broadcast %add3A_683 : i32 to vector<16xi32>
        %add3A_685 = arith.addi %xor3A_19, %add3A_684 : vector<16xi32>
        %select_n3A_686 = arith.select %lt3A_682, %add3A_685, %xor3A_19 : vector<16xi1>, vector<16xi32>
        %broadcast_in_dim3A_687 = vector.shape_cast %select_n3A_686 : vector<16xi32> to vector<16x1xi32>
        %gather3A_688 = vector.shape_cast %broadcast_in_dim3A_687 : vector<16x1xi32> to vector<16xi32>
        %gather3A_689 = tpu.dynamic_gather %add3A_679[%gather3A_688] in [0] : vector<16xf32>, vector<16xi32> -> vector<16xf32>
        %add3A_690 = arith.addf %add3A_679, %gather3A_689 : vector<16xf32>
        %exp3A_691 = math.exp %add3A_690 : vector<16xf32>
        %mul3A_692 = arith.mulf %get3A_632, %exp3A_691 : vector<16xf32>
        %swap3A_693 = arith.index_cast %scan3A_425 : i32 to index
        %swap3A_694 = arith.constant 48 : index
        %swap3A_695 = tpu.vector_load %arg18[%swap3A_693, %swap3A_694] {strides = array<i32>} : memref<128x80xf32, #tpu.memory_space<vmem>>, vector<16xf32>,
        tpu.vector_store %arg18[%swap3A_693, %swap3A_694], %mul3A_692 {strides = array<i32>} : memref<128x80xf32, #tpu.memory_space<vmem>>, vector<16xf32>,
        %eq3A_696 = arith.constant 3 : i32
        %eq3A_697 = vector.broadcast %eq3A_696 : i32 to vector<16xi32>
        %eq3A_698 = arith.cmpi eq, %iota3A, %eq3A_697 : vector<16xi32>
        %select_n3A_699 = arith.select %eq3A_698, %exp3A_691, %select_n3A_629 : vector<16xi1>, vector<16xf32>
        %swap3A_700 = arith.index_cast %scan3A_425 : i32 to index
        %swap3A_701 = arith.constant 64 : index
        %swap3A_702 = tpu.vector_load %arg18[%swap3A_700, %swap3A_701] {strides = array<i32>} : memref<128x80xf32, #tpu.memory_space<vmem>>, vector<16xf32>,
        tpu.vector_store %arg18[%swap3A_700, %swap3A_701], %select_n3A_699 {strides = array<i32>} : memref<128x80xf32, #tpu.memory_space<vmem>>, vector<16xf32>,
      }
      %scan3A_421 = arith.constant 128 : i32
      %dma_start3A_422 = arith.constant 0 : i32
      %dma_start3A_423 = arith.constant 0 : i32
      %dma_start3A_424 = tpu.memref_slice %arg26[%dma_start3A_422, %dma_start3A_423] : memref<10240x80xf32, #tpu.memory_space<vmem_shared>> -> memref<10240x80xf32, #tpu.memory_space<vmem_shared>>
      tpu.enqueue_indirect_dma source(%arg18 : memref<128x80xf32, #tpu.memory_space<vmem>>) target(%dma_start3A_424 : memref<10240x80xf32, #tpu.memory_space<vmem_shared>>) offsets(%arg12 : memref<128xi32, #tpu.memory_space<vmem>>) semaphore(%arg25 : memref<!tpu.dma_semaphore, #tpu.memory_space<semaphore_mem>>) {add = true}
    }
    %scan3A_184 = arith.constant 41 : i32
    %dma_wait3A_185 = arith.constant 0 : i32
    %dma_wait3A_186 = arith.constant 0 : i32
    %dma_wait3A_187 = tpu.memref_slice %arg3[%dma_wait3A_185, %dma_wait3A_186] : memref<10240x64xf32, #tpu.memory_space<hbm>> -> memref<128x64xf32, #tpu.memory_space<hbm>>
    %dma_wait3A_188 = arith.constant 0 : i32
    %dma_wait3A_189 = arith.constant 0 : i32
    %dma_wait3A_190 = tpu.memref_slice %arg3[%dma_wait3A_188, %dma_wait3A_189] : memref<10240x64xf32, #tpu.memory_space<hbm>> -> memref<128x64xf32, #tpu.memory_space<hbm>>
    tpu.wait_dma2 semaphore(%arg22 : memref<!tpu.dma_semaphore, #tpu.memory_space<semaphore_mem>>) src(%dma_wait3A_190 : memref<128x64xf32, #tpu.memory_space<hbm>>) dst(%arg13 : memref<128x64xf32, #tpu.memory_space<vmem>>)
    %dma_wait3A_191 = arith.constant 0 : i32
    %dma_wait3A_192 = arith.constant 0 : i32
    %dma_wait3A_193 = tpu.memref_slice %arg5[%dma_wait3A_191, %dma_wait3A_192] : memref<10240x64xf32, #tpu.memory_space<hbm>> -> memref<128x64xf32, #tpu.memory_space<hbm>>
    %dma_wait3A_194 = arith.constant 0 : i32
    %dma_wait3A_195 = arith.constant 0 : i32
    %dma_wait3A_196 = tpu.memref_slice %arg5[%dma_wait3A_194, %dma_wait3A_195] : memref<10240x64xf32, #tpu.memory_space<hbm>> -> memref<128x64xf32, #tpu.memory_space<hbm>>
    tpu.wait_dma2 semaphore(%arg22 : memref<!tpu.dma_semaphore, #tpu.memory_space<semaphore_mem>>) src(%dma_wait3A_196 : memref<128x64xf32, #tpu.memory_space<hbm>>) dst(%arg15 : memref<128x64xf32, #tpu.memory_space<vmem>>)
    %dma_wait3A_197 = arith.constant 0 : i32
    %dma_wait3A_198 = arith.constant 0 : i32
    %dma_wait3A_199 = tpu.memref_slice %arg6[%dma_wait3A_197, %dma_wait3A_198] : memref<2x336128xi32, #tpu.memory_space<hbm>> -> memref<2x128xi32, #tpu.memory_space<hbm>>
    %dma_wait3A_200 = arith.constant 0 : i32
    %dma_wait3A_201 = arith.constant 0 : i32
    %dma_wait3A_202 = tpu.memref_slice %arg6[%dma_wait3A_200, %dma_wait3A_201] : memref<2x336128xi32, #tpu.memory_space<hbm>> -> memref<2x128xi32, #tpu.memory_space<hbm>>
    tpu.wait_dma2 semaphore(%arg21 : memref<!tpu.dma_semaphore, #tpu.memory_space<semaphore_mem>>) src(%dma_wait3A_202 : memref<2x128xi32, #tpu.memory_space<hbm>>) dst(%arg10 : memref<2x128xi32, #tpu.memory_space<vmem>>)
    %dma_wait3A_203 = arith.constant 0 : i32
    %dma_wait3A_204 = arith.constant 0 : i32
    %dma_wait3A_205 = tpu.memref_slice %arg26[%dma_wait3A_203, %dma_wait3A_204] : memref<10240x80xf32, #tpu.memory_space<vmem_shared>> -> memref<10240x80xf32, #tpu.memory_space<vmem_shared>>
    tpu.wait_indirect_dma semaphore(%arg24 : memref<!tpu.dma_semaphore, #tpu.memory_space<semaphore_mem>>) src(%arg17 : memref<128x80xf32, #tpu.memory_space<vmem>>) dst(%dma_wait3A_205 : memref<10240x80xf32, #tpu.memory_space<vmem_shared>>)
    %dma_wait3A_206 = arith.constant 0 : i32
    %dma_wait3A_207 = arith.constant 0 : i32
    %dma_wait3A_208 = tpu.memref_slice %arg26[%dma_wait3A_206, %dma_wait3A_207] : memref<10240x80xf32, #tpu.memory_space<vmem_shared>> -> memref<10240x80xf32, #tpu.memory_space<vmem_shared>>
    tpu.wait_indirect_dma semaphore(%arg25 : memref<!tpu.dma_semaphore, #tpu.memory_space<semaphore_mem>>) src(%arg18 : memref<128x80xf32, #tpu.memory_space<vmem>>) dst(%dma_wait3A_208 : memref<10240x80xf32, #tpu.memory_space<vmem_shared>>)
    %barrier3A_209 = arith.constant 0 : index
    tpu.barrier barrier_id(%barrier3A_209)
    %mul3A_210 = arith.constant 640 : i32
    %mul3A_211 = arith.muli %arg1, %mul3A_210 : i32
    %mul3A_212 = arith.constant 640 : i32
    %mul3A_213 = arith.muli %arg1, %mul3A_212 : i32
    %run_scoped3A_214 = arith.constant 1 : i32
    "tpu.region"() ({
      %run_scoped3A_216 = tpu.sem_alloc : memref<!tpu.dma_semaphore, #tpu.memory_space<semaphore_mem>>
      %dma_start3A_217 = arith.constant 0 : i32
      %dma_start3A_218 = tpu.memref_slice %arg8[%run_scoped3A_214, %arg0, %mul3A_213, %dma_start3A_217] : memref<2x2x10240x80xf32, #tpu.memory_space<hbm>> -> memref<1x1x640x80xf32, #tpu.memory_space<hbm>>
      %dma_start3A_219 = tpu.memref_squeeze %dma_start3A_218 : memref<1x1x640x80xf32, #tpu.memory_space<hbm>> -> memref<640x80xf32, #tpu.memory_space<hbm>>
      %dma_start3A_220 = arith.constant 0 : i32
      %dma_start3A_221 = tpu.memref_slice %arg26[%mul3A_211, %dma_start3A_220] : memref<10240x80xf32, #tpu.memory_space<vmem_shared>> -> memref<640x80xf32, #tpu.memory_space<vmem_shared>>
      tpu.enqueue_dma source(%dma_start3A_221 : memref<640x80xf32, #tpu.memory_space<vmem_shared>>) target(%dma_start3A_219 : memref<640x80xf32, #tpu.memory_space<hbm>>) target_semaphore(%run_scoped3A_216 : memref<!tpu.dma_semaphore, #tpu.memory_space<semaphore_mem>>)
      %dma_wait3A_222 = arith.constant 0 : i32
      %dma_wait3A_223 = tpu.memref_slice %arg8[%run_scoped3A_214, %arg0, %mul3A_213, %dma_wait3A_222] : memref<2x2x10240x80xf32, #tpu.memory_space<hbm>> -> memref<1x1x640x80xf32, #tpu.memory_space<hbm>>
      %dma_wait3A_224 = tpu.memref_squeeze %dma_wait3A_223 : memref<1x1x640x80xf32, #tpu.memory_space<hbm>> -> memref<640x80xf32, #tpu.memory_space<hbm>>
      %dma_wait3A_225 = arith.constant 0 : i32
      %dma_wait3A_226 = tpu.memref_slice %arg26[%mul3A_211, %dma_wait3A_225] : memref<10240x80xf32, #tpu.memory_space<vmem_shared>> -> memref<640x80xf32, #tpu.memory_space<vmem_shared>>
      tpu.wait_dma2 semaphore(%run_scoped3A_216 : memref<!tpu.dma_semaphore, #tpu.memory_space<semaphore_mem>>) src(%dma_wait3A_226 : memref<640x80xf32, #tpu.memory_space<vmem_shared>>) dst(%dma_wait3A_224 : memref<640x80xf32, #tpu.memory_space<hbm>>)
      tpu.yield
    }) : () -> ()
    %barrier3A_215 = arith.constant 0 : index
    tpu.barrier barrier_id(%barrier3A_215)
    return
  }
}

#map = affine_map<(d0, d1) -> (0, 0)>
#map1 = affine_map<(d0, d1) -> (0, 0, 0, 0)>
module attributes {stable_mosaic.version = 14 : i64} {
  func.func @body(%arg0: i32, %arg1: i32, %arg2: memref<10240x64xf32, #tpu.memory_space<hbm>>, %arg3: memref<10240x64xf32, #tpu.memory_space<hbm>>, %arg4: memref<2x336128xi32, #tpu.memory_space<hbm>>, %arg5: memref<4x16xf32, #tpu.memory_space<hbm>>, %arg6: memref<1x2x10240x80xf32, #tpu.memory_space<hbm>>, %arg7: memref<2x128xi32, #tpu.memory_space<vmem>>, %arg8: memref<2x128xi32, #tpu.memory_space<vmem>>, %arg9: memref<128xi32, #tpu.memory_space<vmem>>, %arg10: memref<128xi32, #tpu.memory_space<vmem>>, %arg11: memref<128x64xf32, #tpu.memory_space<vmem>>, %arg12: memref<128x64xf32, #tpu.memory_space<vmem>>, %arg13: memref<128x64xf32, #tpu.memory_space<vmem>>, %arg14: memref<128x64xf32, #tpu.memory_space<vmem>>, %arg15: memref<128x80xf32, #tpu.memory_space<vmem>>, %arg16: memref<128x80xf32, #tpu.memory_space<vmem>>, %arg17: memref<4x16xf32, #tpu.memory_space<vmem>>, %arg18: memref<!tpu.dma_semaphore, #tpu.memory_space<semaphore_mem>>, %arg19: memref<!tpu.dma_semaphore, #tpu.memory_space<semaphore_mem>>, %arg20: memref<!tpu.dma_semaphore, #tpu.memory_space<semaphore_mem>>, %arg21: memref<!tpu.dma_semaphore, #tpu.memory_space<semaphore_mem>>, %arg22: memref<!tpu.dma_semaphore, #tpu.memory_space<semaphore_mem>>, %arg23: memref<!tpu.dma_semaphore, #tpu.memory_space<semaphore_mem>>, %arg24: memref<10240x80xf32, #tpu.memory_space<vmem_shared>>) attributes {dimension_semantics = [#tpu.dimension_semantics<core_parallel>, #tpu.dimension_semantics<subcore_parallel>], iteration_bounds = array<i64: 2, 16>, scalar_prefetch = 0 : i64, scratch_operands = 18 : i64, tpu.core_type = #tpu.core_type<sc_vector_subcore>, window_params = [{transform_indices = #map}, {transform_indices = #map}, {transform_indices = #map}, {transform_indices = #map}, {transform_indices = #map1}]} {
    %mul3A = arith.constant 2 : i32
    %mul3A_0 = arith.muli %arg1, %mul3A : i32
    %add3A = arith.addi %mul3A_0, %arg0 : i32
    %mul3A_1 = arith.constant 10496 : i32
    %mul3A_2 = arith.muli %add3A, %mul3A_1 : i32
    "tpu.region"() ({
      %run_scoped3A_116 = tpu.sem_alloc : memref<!tpu.dma_semaphore, #tpu.memory_space<semaphore_mem>>
      tpu.enqueue_dma source(%arg5 : memref<4x16xf32, #tpu.memory_space<hbm>>) target(%arg17 : memref<4x16xf32, #tpu.memory_space<vmem>>) target_semaphore(%run_scoped3A_116 : memref<!tpu.dma_semaphore, #tpu.memory_space<semaphore_mem>>)
      tpu.wait_dma2 semaphore(%run_scoped3A_116 : memref<!tpu.dma_semaphore, #tpu.memory_space<semaphore_mem>>) src(%arg5 : memref<4x16xf32, #tpu.memory_space<hbm>>) dst(%arg17 : memref<4x16xf32, #tpu.memory_space<vmem>>)
      tpu.yield
    }) : () -> ()
    %iota3A = tpu.iota {dimensions = array<i32: 0>} : vector<16xi32>
    %broadcast_in_dim3A = arith.constant 0.000000e+00 : f32
    %broadcast_in_dim3A_3 = vector.broadcast %broadcast_in_dim3A : f32 to vector<16xf32>
    %scan3A = arith.constant 0 : i32
    %scan3A_4 = arith.constant 0 : i32
    %scan3A_5 = arith.constant 128 : i32
    %scan3A_6 = arith.addi %scan3A_4, %scan3A_5 : i32
    %scan3A_7 = arith.constant 1 : i32
    scf.for %scan3A_116 = %scan3A_4 to %scan3A_6 step %scan3A_7  : i32 {
      %swap3A = arith.index_cast %scan3A_116 : i32 to index
      %swap3A_117 = arith.constant 0 : index
      %swap3A_118 = tpu.vector_load %arg15[%swap3A, %swap3A_117] {strides = array<i32>} : memref<128x80xf32, #tpu.memory_space<vmem>>, vector<16xf32>,
      tpu.vector_store %arg15[%swap3A, %swap3A_117], %broadcast_in_dim3A_3 {strides = array<i32>} : memref<128x80xf32, #tpu.memory_space<vmem>>, vector<16xf32>,
      %swap3A_119 = arith.index_cast %scan3A_116 : i32 to index
      %swap3A_120 = arith.constant 0 : index
      %swap3A_121 = tpu.vector_load %arg16[%swap3A_119, %swap3A_120] {strides = array<i32>} : memref<128x80xf32, #tpu.memory_space<vmem>>, vector<16xf32>,
      tpu.vector_store %arg16[%swap3A_119, %swap3A_120], %broadcast_in_dim3A_3 {strides = array<i32>} : memref<128x80xf32, #tpu.memory_space<vmem>>, vector<16xf32>,
      %swap3A_122 = arith.index_cast %scan3A_116 : i32 to index
      %swap3A_123 = arith.constant 16 : index
      %swap3A_124 = tpu.vector_load %arg15[%swap3A_122, %swap3A_123] {strides = array<i32>} : memref<128x80xf32, #tpu.memory_space<vmem>>, vector<16xf32>,
      tpu.vector_store %arg15[%swap3A_122, %swap3A_123], %broadcast_in_dim3A_3 {strides = array<i32>} : memref<128x80xf32, #tpu.memory_space<vmem>>, vector<16xf32>,
      %swap3A_125 = arith.index_cast %scan3A_116 : i32 to index
      %swap3A_126 = arith.constant 16 : index
      %swap3A_127 = tpu.vector_load %arg16[%swap3A_125, %swap3A_126] {strides = array<i32>} : memref<128x80xf32, #tpu.memory_space<vmem>>, vector<16xf32>,
      tpu.vector_store %arg16[%swap3A_125, %swap3A_126], %broadcast_in_dim3A_3 {strides = array<i32>} : memref<128x80xf32, #tpu.memory_space<vmem>>, vector<16xf32>,
      %swap3A_128 = arith.index_cast %scan3A_116 : i32 to index
      %swap3A_129 = arith.constant 32 : index
      %swap3A_130 = tpu.vector_load %arg15[%swap3A_128, %swap3A_129] {strides = array<i32>} : memref<128x80xf32, #tpu.memory_space<vmem>>, vector<16xf32>,
      tpu.vector_store %arg15[%swap3A_128, %swap3A_129], %broadcast_in_dim3A_3 {strides = array<i32>} : memref<128x80xf32, #tpu.memory_space<vmem>>, vector<16xf32>,
      %swap3A_131 = arith.index_cast %scan3A_116 : i32 to index
      %swap3A_132 = arith.constant 32 : index
      %swap3A_133 = tpu.vector_load %arg16[%swap3A_131, %swap3A_132] {strides = array<i32>} : memref<128x80xf32, #tpu.memory_space<vmem>>, vector<16xf32>,
      tpu.vector_store %arg16[%swap3A_131, %swap3A_132], %broadcast_in_dim3A_3 {strides = array<i32>} : memref<128x80xf32, #tpu.memory_space<vmem>>, vector<16xf32>,
      %swap3A_134 = arith.index_cast %scan3A_116 : i32 to index
      %swap3A_135 = arith.constant 48 : index
      %swap3A_136 = tpu.vector_load %arg15[%swap3A_134, %swap3A_135] {strides = array<i32>} : memref<128x80xf32, #tpu.memory_space<vmem>>, vector<16xf32>,
      tpu.vector_store %arg15[%swap3A_134, %swap3A_135], %broadcast_in_dim3A_3 {strides = array<i32>} : memref<128x80xf32, #tpu.memory_space<vmem>>, vector<16xf32>,
      %swap3A_137 = arith.index_cast %scan3A_116 : i32 to index
      %swap3A_138 = arith.constant 48 : index
      %swap3A_139 = tpu.vector_load %arg16[%swap3A_137, %swap3A_138] {strides = array<i32>} : memref<128x80xf32, #tpu.memory_space<vmem>>, vector<16xf32>,
      tpu.vector_store %arg16[%swap3A_137, %swap3A_138], %broadcast_in_dim3A_3 {strides = array<i32>} : memref<128x80xf32, #tpu.memory_space<vmem>>, vector<16xf32>,
      %swap3A_140 = arith.index_cast %scan3A_116 : i32 to index
      %swap3A_141 = arith.constant 64 : index
      %swap3A_142 = tpu.vector_load %arg15[%swap3A_140, %swap3A_141] {strides = array<i32>} : memref<128x80xf32, #tpu.memory_space<vmem>>, vector<16xf32>,
      tpu.vector_store %arg15[%swap3A_140, %swap3A_141], %broadcast_in_dim3A_3 {strides = array<i32>} : memref<128x80xf32, #tpu.memory_space<vmem>>, vector<16xf32>,
      %swap3A_143 = arith.index_cast %scan3A_116 : i32 to index
      %swap3A_144 = arith.constant 64 : index
      %swap3A_145 = tpu.vector_load %arg16[%swap3A_143, %swap3A_144] {strides = array<i32>} : memref<128x80xf32, #tpu.memory_space<vmem>>, vector<16xf32>,
      tpu.vector_store %arg16[%swap3A_143, %swap3A_144], %broadcast_in_dim3A_3 {strides = array<i32>} : memref<128x80xf32, #tpu.memory_space<vmem>>, vector<16xf32>,
    }
    %scan3A_8 = arith.constant 128 : i32
    %xor3A = arith.constant 8 : i32
    %xor3A_9 = vector.broadcast %xor3A : i32 to vector<16xi32>
    %xor3A_10 = arith.xori %iota3A, %xor3A_9 : vector<16xi32>
    %xor3A_11 = arith.constant 4 : i32
    %xor3A_12 = vector.broadcast %xor3A_11 : i32 to vector<16xi32>
    %xor3A_13 = arith.xori %iota3A, %xor3A_12 : vector<16xi32>
    %xor3A_14 = arith.constant 2 : i32
    %xor3A_15 = vector.broadcast %xor3A_14 : i32 to vector<16xi32>
    %xor3A_16 = arith.xori %iota3A, %xor3A_15 : vector<16xi32>
    %xor3A_17 = arith.constant 1 : i32
    %xor3A_18 = vector.broadcast %xor3A_17 : i32 to vector<16xi32>
    %xor3A_19 = arith.xori %iota3A, %xor3A_18 : vector<16xi32>
    %mul3A_20 = arith.constant 640 : i32
    %mul3A_21 = arith.muli %arg1, %mul3A_20 : i32
    %add3A_22 = arith.constant 0 : i32
    %add3A_23 = arith.addi %mul3A_21, %add3A_22 : i32
    "tpu.region"() ({
      %run_scoped3A_116 = tpu.sem_alloc : memref<!tpu.dma_semaphore, #tpu.memory_space<semaphore_mem>>
      %dma_start3A_117 = arith.constant 0 : i32
      %dma_start3A_118 = tpu.memref_slice %arg24[%add3A_23, %dma_start3A_117] : memref<10240x80xf32, #tpu.memory_space<vmem_shared>> -> memref<128x80xf32, #tpu.memory_space<vmem_shared>>
      %dma_start3A_119 = arith.constant 0 : i32
      %dma_start3A_120 = tpu.memref_slice %arg24[%add3A_23, %dma_start3A_119] : memref<10240x80xf32, #tpu.memory_space<vmem_shared>> -> memref<128x80xf32, #tpu.memory_space<vmem_shared>>
      tpu.enqueue_dma source(%arg15 : memref<128x80xf32, #tpu.memory_space<vmem>>) target(%dma_start3A_120 : memref<128x80xf32, #tpu.memory_space<vmem_shared>>) target_semaphore(%run_scoped3A_116 : memref<!tpu.dma_semaphore, #tpu.memory_space<semaphore_mem>>)
      %dma_wait3A_121 = arith.constant 0 : i32
      %dma_wait3A_122 = tpu.memref_slice %arg24[%add3A_23, %dma_wait3A_121] : memref<10240x80xf32, #tpu.memory_space<vmem_shared>> -> memref<128x80xf32, #tpu.memory_space<vmem_shared>>
      %dma_wait3A_123 = arith.constant 0 : i32
      %dma_wait3A_124 = tpu.memref_slice %arg24[%add3A_23, %dma_wait3A_123] : memref<10240x80xf32, #tpu.memory_space<vmem_shared>> -> memref<128x80xf32, #tpu.memory_space<vmem_shared>>
      tpu.wait_dma2 semaphore(%run_scoped3A_116 : memref<!tpu.dma_semaphore, #tpu.memory_space<semaphore_mem>>) src(%arg15 : memref<128x80xf32, #tpu.memory_space<vmem>>) dst(%dma_wait3A_124 : memref<128x80xf32, #tpu.memory_space<vmem_shared>>)
      tpu.yield
    }) : () -> ()
    %mul3A_24 = arith.constant 640 : i32
    %mul3A_25 = arith.muli %arg1, %mul3A_24 : i32
    %add3A_26 = arith.constant 128 : i32
    %add3A_27 = arith.addi %mul3A_25, %add3A_26 : i32
    "tpu.region"() ({
      %run_scoped3A_116 = tpu.sem_alloc : memref<!tpu.dma_semaphore, #tpu.memory_space<semaphore_mem>>
      %dma_start3A_117 = arith.constant 0 : i32
      %dma_start3A_118 = tpu.memref_slice %arg24[%add3A_27, %dma_start3A_117] : memref<10240x80xf32, #tpu.memory_space<vmem_shared>> -> memref<128x80xf32, #tpu.memory_space<vmem_shared>>
      %dma_start3A_119 = arith.constant 0 : i32
      %dma_start3A_120 = tpu.memref_slice %arg24[%add3A_27, %dma_start3A_119] : memref<10240x80xf32, #tpu.memory_space<vmem_shared>> -> memref<128x80xf32, #tpu.memory_space<vmem_shared>>
      tpu.enqueue_dma source(%arg15 : memref<128x80xf32, #tpu.memory_space<vmem>>) target(%dma_start3A_120 : memref<128x80xf32, #tpu.memory_space<vmem_shared>>) target_semaphore(%run_scoped3A_116 : memref<!tpu.dma_semaphore, #tpu.memory_space<semaphore_mem>>)
      %dma_wait3A_121 = arith.constant 0 : i32
      %dma_wait3A_122 = tpu.memref_slice %arg24[%add3A_27, %dma_wait3A_121] : memref<10240x80xf32, #tpu.memory_space<vmem_shared>> -> memref<128x80xf32, #tpu.memory_space<vmem_shared>>
      %dma_wait3A_123 = arith.constant 0 : i32
      %dma_wait3A_124 = tpu.memref_slice %arg24[%add3A_27, %dma_wait3A_123] : memref<10240x80xf32, #tpu.memory_space<vmem_shared>> -> memref<128x80xf32, #tpu.memory_space<vmem_shared>>
      tpu.wait_dma2 semaphore(%run_scoped3A_116 : memref<!tpu.dma_semaphore, #tpu.memory_space<semaphore_mem>>) src(%arg15 : memref<128x80xf32, #tpu.memory_space<vmem>>) dst(%dma_wait3A_124 : memref<128x80xf32, #tpu.memory_space<vmem_shared>>)
      tpu.yield
    }) : () -> ()
    %mul3A_28 = arith.constant 640 : i32
    %mul3A_29 = arith.muli %arg1, %mul3A_28 : i32
    %add3A_30 = arith.constant 256 : i32
    %add3A_31 = arith.addi %mul3A_29, %add3A_30 : i32
    "tpu.region"() ({
      %run_scoped3A_116 = tpu.sem_alloc : memref<!tpu.dma_semaphore, #tpu.memory_space<semaphore_mem>>
      %dma_start3A_117 = arith.constant 0 : i32
      %dma_start3A_118 = tpu.memref_slice %arg24[%add3A_31, %dma_start3A_117] : memref<10240x80xf32, #tpu.memory_space<vmem_shared>> -> memref<128x80xf32, #tpu.memory_space<vmem_shared>>
      %dma_start3A_119 = arith.constant 0 : i32
      %dma_start3A_120 = tpu.memref_slice %arg24[%add3A_31, %dma_start3A_119] : memref<10240x80xf32, #tpu.memory_space<vmem_shared>> -> memref<128x80xf32, #tpu.memory_space<vmem_shared>>
      tpu.enqueue_dma source(%arg15 : memref<128x80xf32, #tpu.memory_space<vmem>>) target(%dma_start3A_120 : memref<128x80xf32, #tpu.memory_space<vmem_shared>>) target_semaphore(%run_scoped3A_116 : memref<!tpu.dma_semaphore, #tpu.memory_space<semaphore_mem>>)
      %dma_wait3A_121 = arith.constant 0 : i32
      %dma_wait3A_122 = tpu.memref_slice %arg24[%add3A_31, %dma_wait3A_121] : memref<10240x80xf32, #tpu.memory_space<vmem_shared>> -> memref<128x80xf32, #tpu.memory_space<vmem_shared>>
      %dma_wait3A_123 = arith.constant 0 : i32
      %dma_wait3A_124 = tpu.memref_slice %arg24[%add3A_31, %dma_wait3A_123] : memref<10240x80xf32, #tpu.memory_space<vmem_shared>> -> memref<128x80xf32, #tpu.memory_space<vmem_shared>>
      tpu.wait_dma2 semaphore(%run_scoped3A_116 : memref<!tpu.dma_semaphore, #tpu.memory_space<semaphore_mem>>) src(%arg15 : memref<128x80xf32, #tpu.memory_space<vmem>>) dst(%dma_wait3A_124 : memref<128x80xf32, #tpu.memory_space<vmem_shared>>)
      tpu.yield
    }) : () -> ()
    %mul3A_32 = arith.constant 640 : i32
    %mul3A_33 = arith.muli %arg1, %mul3A_32 : i32
    %add3A_34 = arith.constant 384 : i32
    %add3A_35 = arith.addi %mul3A_33, %add3A_34 : i32
    "tpu.region"() ({
      %run_scoped3A_116 = tpu.sem_alloc : memref<!tpu.dma_semaphore, #tpu.memory_space<semaphore_mem>>
      %dma_start3A_117 = arith.constant 0 : i32
      %dma_start3A_118 = tpu.memref_slice %arg24[%add3A_35, %dma_start3A_117] : memref<10240x80xf32, #tpu.memory_space<vmem_shared>> -> memref<128x80xf32, #tpu.memory_space<vmem_shared>>
      %dma_start3A_119 = arith.constant 0 : i32
      %dma_start3A_120 = tpu.memref_slice %arg24[%add3A_35, %dma_start3A_119] : memref<10240x80xf32, #tpu.memory_space<vmem_shared>> -> memref<128x80xf32, #tpu.memory_space<vmem_shared>>
      tpu.enqueue_dma source(%arg15 : memref<128x80xf32, #tpu.memory_space<vmem>>) target(%dma_start3A_120 : memref<128x80xf32, #tpu.memory_space<vmem_shared>>) target_semaphore(%run_scoped3A_116 : memref<!tpu.dma_semaphore, #tpu.memory_space<semaphore_mem>>)
      %dma_wait3A_121 = arith.constant 0 : i32
      %dma_wait3A_122 = tpu.memref_slice %arg24[%add3A_35, %dma_wait3A_121] : memref<10240x80xf32, #tpu.memory_space<vmem_shared>> -> memref<128x80xf32, #tpu.memory_space<vmem_shared>>
      %dma_wait3A_123 = arith.constant 0 : i32
      %dma_wait3A_124 = tpu.memref_slice %arg24[%add3A_35, %dma_wait3A_123] : memref<10240x80xf32, #tpu.memory_space<vmem_shared>> -> memref<128x80xf32, #tpu.memory_space<vmem_shared>>
      tpu.wait_dma2 semaphore(%run_scoped3A_116 : memref<!tpu.dma_semaphore, #tpu.memory_space<semaphore_mem>>) src(%arg15 : memref<128x80xf32, #tpu.memory_space<vmem>>) dst(%dma_wait3A_124 : memref<128x80xf32, #tpu.memory_space<vmem_shared>>)
      tpu.yield
    }) : () -> ()
    %mul3A_36 = arith.constant 640 : i32
    %mul3A_37 = arith.muli %arg1, %mul3A_36 : i32
    %add3A_38 = arith.constant 512 : i32
    %add3A_39 = arith.addi %mul3A_37, %add3A_38 : i32
    "tpu.region"() ({
      %run_scoped3A_116 = tpu.sem_alloc : memref<!tpu.dma_semaphore, #tpu.memory_space<semaphore_mem>>
      %dma_start3A_117 = arith.constant 0 : i32
      %dma_start3A_118 = tpu.memref_slice %arg24[%add3A_39, %dma_start3A_117] : memref<10240x80xf32, #tpu.memory_space<vmem_shared>> -> memref<128x80xf32, #tpu.memory_space<vmem_shared>>
      %dma_start3A_119 = arith.constant 0 : i32
      %dma_start3A_120 = tpu.memref_slice %arg24[%add3A_39, %dma_start3A_119] : memref<10240x80xf32, #tpu.memory_space<vmem_shared>> -> memref<128x80xf32, #tpu.memory_space<vmem_shared>>
      tpu.enqueue_dma source(%arg15 : memref<128x80xf32, #tpu.memory_space<vmem>>) target(%dma_start3A_120 : memref<128x80xf32, #tpu.memory_space<vmem_shared>>) target_semaphore(%run_scoped3A_116 : memref<!tpu.dma_semaphore, #tpu.memory_space<semaphore_mem>>)
      %dma_wait3A_121 = arith.constant 0 : i32
      %dma_wait3A_122 = tpu.memref_slice %arg24[%add3A_39, %dma_wait3A_121] : memref<10240x80xf32, #tpu.memory_space<vmem_shared>> -> memref<128x80xf32, #tpu.memory_space<vmem_shared>>
      %dma_wait3A_123 = arith.constant 0 : i32
      %dma_wait3A_124 = tpu.memref_slice %arg24[%add3A_39, %dma_wait3A_123] : memref<10240x80xf32, #tpu.memory_space<vmem_shared>> -> memref<128x80xf32, #tpu.memory_space<vmem_shared>>
      tpu.wait_dma2 semaphore(%run_scoped3A_116 : memref<!tpu.dma_semaphore, #tpu.memory_space<semaphore_mem>>) src(%arg15 : memref<128x80xf32, #tpu.memory_space<vmem>>) dst(%dma_wait3A_124 : memref<128x80xf32, #tpu.memory_space<vmem_shared>>)
      tpu.yield
    }) : () -> ()
    %barrier3A = arith.constant 0 : index
    tpu.barrier barrier_id(%barrier3A)
    %broadcast_in_dim3A_40 = arith.constant 10000 : i32
    %broadcast_in_dim3A_41 = vector.broadcast %broadcast_in_dim3A_40 : i32 to vector<16xi32>
    %scan3A_42 = arith.constant 0 : i32
    %scan3A_43 = arith.constant 0 : i32
    %scan3A_44 = arith.constant 8 : i32
    %scan3A_45 = arith.addi %scan3A_43, %scan3A_44 : i32
    %scan3A_46 = arith.constant 1 : i32
    scf.for %scan3A_116 = %scan3A_43 to %scan3A_45 step %scan3A_46  : i32 {
      %mul3A_117 = arith.constant 16 : i32
      %mul3A_118 = arith.muli %mul3A_117, %scan3A_116 : i32
      %swap3A = arith.index_cast %mul3A_118 : i32 to index
      %swap3A_119 = tpu.vector_load %arg9[%swap3A] {strides = array<i32>} : memref<128xi32, #tpu.memory_space<vmem>>, vector<16xi32>,
      tpu.vector_store %arg9[%swap3A], %broadcast_in_dim3A_41 {strides = array<i32>} : memref<128xi32, #tpu.memory_space<vmem>>, vector<16xi32>,
      %mul3A_120 = arith.constant 16 : i32
      %mul3A_121 = arith.muli %mul3A_120, %scan3A_116 : i32
      %swap3A_122 = arith.index_cast %mul3A_121 : i32 to index
      %swap3A_123 = tpu.vector_load %arg10[%swap3A_122] {strides = array<i32>} : memref<128xi32, #tpu.memory_space<vmem>>, vector<16xi32>,
      tpu.vector_store %arg10[%swap3A_122], %broadcast_in_dim3A_41 {strides = array<i32>} : memref<128xi32, #tpu.memory_space<vmem>>, vector<16xi32>,
    }
    %scan3A_47 = arith.constant 8 : i32
    %dma_start3A = arith.constant 0 : i32
    %dma_start3A_48 = arith.constant 0 : i32
    %dma_start3A_49 = tpu.memref_slice %arg24[%dma_start3A, %dma_start3A_48] : memref<10240x80xf32, #tpu.memory_space<vmem_shared>> -> memref<10240x80xf32, #tpu.memory_space<vmem_shared>>
    tpu.enqueue_indirect_dma source(%arg15 : memref<128x80xf32, #tpu.memory_space<vmem>>) target(%dma_start3A_49 : memref<10240x80xf32, #tpu.memory_space<vmem_shared>>) offsets(%arg9 : memref<128xi32, #tpu.memory_space<vmem>>) semaphore(%arg22 : memref<!tpu.dma_semaphore, #tpu.memory_space<semaphore_mem>>) {add = true}
    %dma_start3A_50 = arith.constant 0 : i32
    %dma_start3A_51 = arith.constant 0 : i32
    %dma_start3A_52 = tpu.memref_slice %arg24[%dma_start3A_50, %dma_start3A_51] : memref<10240x80xf32, #tpu.memory_space<vmem_shared>> -> memref<10240x80xf32, #tpu.memory_space<vmem_shared>>
    tpu.enqueue_indirect_dma source(%arg16 : memref<128x80xf32, #tpu.memory_space<vmem>>) target(%dma_start3A_52 : memref<10240x80xf32, #tpu.memory_space<vmem_shared>>) offsets(%arg10 : memref<128xi32, #tpu.memory_space<vmem>>) semaphore(%arg23 : memref<!tpu.dma_semaphore, #tpu.memory_space<semaphore_mem>>) {add = true}
    %dma_start3A_53 = arith.constant 0 : i32
    %dma_start3A_54 = tpu.memref_slice %arg4[%dma_start3A_53, %mul3A_2] : memref<2x336128xi32, #tpu.memory_space<hbm>> -> memref<2x128xi32, #tpu.memory_space<hbm>>
    %dma_start3A_55 = arith.constant 0 : i32
    %dma_start3A_56 = tpu.memref_slice %arg4[%dma_start3A_55, %mul3A_2] : memref<2x336128xi32, #tpu.memory_space<hbm>> -> memref<2x128xi32, #tpu.memory_space<hbm>>
    tpu.enqueue_dma source(%dma_start3A_56 : memref<2x128xi32, #tpu.memory_space<hbm>>) target(%arg7 : memref<2x128xi32, #tpu.memory_space<vmem>>) target_semaphore(%arg18 : memref<!tpu.dma_semaphore, #tpu.memory_space<semaphore_mem>>)
    %add3A_57 = arith.constant 128 : i32
    %add3A_58 = arith.addi %mul3A_2, %add3A_57 : i32
    %dma_start3A_59 = arith.constant 0 : i32
    %dma_start3A_60 = tpu.memref_slice %arg4[%dma_start3A_59, %add3A_58] : memref<2x336128xi32, #tpu.memory_space<hbm>> -> memref<2x128xi32, #tpu.memory_space<hbm>>
    %dma_start3A_61 = arith.constant 0 : i32
    %dma_start3A_62 = tpu.memref_slice %arg4[%dma_start3A_61, %add3A_58] : memref<2x336128xi32, #tpu.memory_space<hbm>> -> memref<2x128xi32, #tpu.memory_space<hbm>>
    tpu.enqueue_dma source(%dma_start3A_62 : memref<2x128xi32, #tpu.memory_space<hbm>>) target(%arg8 : memref<2x128xi32, #tpu.memory_space<vmem>>) target_semaphore(%arg19 : memref<!tpu.dma_semaphore, #tpu.memory_space<semaphore_mem>>)
    %dma_wait3A = arith.constant 0 : i32
    %dma_wait3A_63 = tpu.memref_slice %arg4[%dma_wait3A, %mul3A_2] : memref<2x336128xi32, #tpu.memory_space<hbm>> -> memref<2x128xi32, #tpu.memory_space<hbm>>
    %dma_wait3A_64 = arith.constant 0 : i32
    %dma_wait3A_65 = tpu.memref_slice %arg4[%dma_wait3A_64, %mul3A_2] : memref<2x336128xi32, #tpu.memory_space<hbm>> -> memref<2x128xi32, #tpu.memory_space<hbm>>
    tpu.wait_dma2 semaphore(%arg18 : memref<!tpu.dma_semaphore, #tpu.memory_space<semaphore_mem>>) src(%dma_wait3A_65 : memref<2x128xi32, #tpu.memory_space<hbm>>) dst(%arg7 : memref<2x128xi32, #tpu.memory_space<vmem>>)
    %dma_start3A_66 = arith.constant 0 : i32
    %dma_start3A_67 = arith.constant 0 : i32
    %dma_start3A_68 = tpu.memref_slice %arg7[%dma_start3A_66, %dma_start3A_67] : memref<2x128xi32, #tpu.memory_space<vmem>> -> memref<1x128xi32, #tpu.memory_space<vmem>>
    %dma_start3A_69 = tpu.memref_squeeze %dma_start3A_68 : memref<1x128xi32, #tpu.memory_space<vmem>> -> memref<128xi32, #tpu.memory_space<vmem>>
    %dma_start3A_70 = arith.constant 0 : i32
    %dma_start3A_71 = arith.constant 0 : i32
    %dma_start3A_72 = tpu.memref_slice %arg2[%dma_start3A_70, %dma_start3A_71] : memref<10240x64xf32, #tpu.memory_space<hbm>> -> memref<10240x64xf32, #tpu.memory_space<hbm>>
    tpu.enqueue_indirect_dma source(%dma_start3A_72 : memref<10240x64xf32, #tpu.memory_space<hbm>>) target(%arg11 : memref<128x64xf32, #tpu.memory_space<vmem>>) offsets(%dma_start3A_69 : memref<128xi32, #tpu.memory_space<vmem>>) semaphore(%arg20 : memref<!tpu.dma_semaphore, #tpu.memory_space<semaphore_mem>>)
    %dma_start3A_73 = arith.constant 1 : i32
    %dma_start3A_74 = arith.constant 0 : i32
    %dma_start3A_75 = tpu.memref_slice %arg7[%dma_start3A_73, %dma_start3A_74] : memref<2x128xi32, #tpu.memory_space<vmem>> -> memref<1x128xi32, #tpu.memory_space<vmem>>
    %dma_start3A_76 = tpu.memref_squeeze %dma_start3A_75 : memref<1x128xi32, #tpu.memory_space<vmem>> -> memref<128xi32, #tpu.memory_space<vmem>>
    %dma_start3A_77 = arith.constant 0 : i32
    %dma_start3A_78 = arith.constant 0 : i32
    %dma_start3A_79 = tpu.memref_slice %arg3[%dma_start3A_77, %dma_start3A_78] : memref<10240x64xf32, #tpu.memory_space<hbm>> -> memref<10240x64xf32, #tpu.memory_space<hbm>>
    tpu.enqueue_indirect_dma source(%dma_start3A_79 : memref<10240x64xf32, #tpu.memory_space<hbm>>) target(%arg13 : memref<128x64xf32, #tpu.memory_space<vmem>>) offsets(%dma_start3A_76 : memref<128xi32, #tpu.memory_space<vmem>>) semaphore(%arg20 : memref<!tpu.dma_semaphore, #tpu.memory_space<semaphore_mem>>)
    %scan3A_80 = arith.constant 0 : i32
    %scan3A_81 = arith.constant 0 : i32
    %scan3A_82 = arith.constant 41 : i32
    %scan3A_83 = arith.addi %scan3A_81, %scan3A_82 : i32
    %scan3A_84 = arith.constant 1 : i32
    scf.for %scan3A_116 = %scan3A_81 to %scan3A_83 step %scan3A_84  : i32 {
      %mul3A_117 = arith.constant 2 : i32
      %mul3A_118 = arith.muli %mul3A_117, %scan3A_116 : i32
      %add3A_119 = arith.constant 0 : i32
      %add3A_120 = arith.addi %mul3A_118, %add3A_119 : i32
      %dma_wait3A_121 = arith.constant 0 : i32
      %dma_wait3A_122 = arith.constant 0 : i32
      %dma_wait3A_123 = tpu.memref_slice %arg4[%dma_wait3A_121, %dma_wait3A_122] : memref<2x336128xi32, #tpu.memory_space<hbm>> -> memref<2x128xi32, #tpu.memory_space<hbm>>
      %dma_wait3A_124 = arith.constant 0 : i32
      %dma_wait3A_125 = arith.constant 0 : i32
      %dma_wait3A_126 = tpu.memref_slice %arg4[%dma_wait3A_124, %dma_wait3A_125] : memref<2x336128xi32, #tpu.memory_space<hbm>> -> memref<2x128xi32, #tpu.memory_space<hbm>>
      tpu.wait_dma2 semaphore(%arg19 : memref<!tpu.dma_semaphore, #tpu.memory_space<semaphore_mem>>) src(%dma_wait3A_126 : memref<2x128xi32, #tpu.memory_space<hbm>>) dst(%arg8 : memref<2x128xi32, #tpu.memory_space<vmem>>)
      %dma_start3A_127 = arith.constant 0 : i32
      %dma_start3A_128 = arith.constant 0 : i32
      %dma_start3A_129 = tpu.memref_slice %arg8[%dma_start3A_127, %dma_start3A_128] : memref<2x128xi32, #tpu.memory_space<vmem>> -> memref<1x128xi32, #tpu.memory_space<vmem>>
      %dma_start3A_130 = tpu.memref_squeeze %dma_start3A_129 : memref<1x128xi32, #tpu.memory_space<vmem>> -> memref<128xi32, #tpu.memory_space<vmem>>
      %dma_start3A_131 = arith.constant 0 : i32
      %dma_start3A_132 = arith.constant 0 : i32
      %dma_start3A_133 = tpu.memref_slice %arg2[%dma_start3A_131, %dma_start3A_132] : memref<10240x64xf32, #tpu.memory_space<hbm>> -> memref<10240x64xf32, #tpu.memory_space<hbm>>
      tpu.enqueue_indirect_dma source(%dma_start3A_133 : memref<10240x64xf32, #tpu.memory_space<hbm>>) target(%arg12 : memref<128x64xf32, #tpu.memory_space<vmem>>) offsets(%dma_start3A_130 : memref<128xi32, #tpu.memory_space<vmem>>) semaphore(%arg21 : memref<!tpu.dma_semaphore, #tpu.memory_space<semaphore_mem>>)
      %dma_start3A_134 = arith.constant 1 : i32
      %dma_start3A_135 = arith.constant 0 : i32
      %dma_start3A_136 = tpu.memref_slice %arg8[%dma_start3A_134, %dma_start3A_135] : memref<2x128xi32, #tpu.memory_space<vmem>> -> memref<1x128xi32, #tpu.memory_space<vmem>>
      %dma_start3A_137 = tpu.memref_squeeze %dma_start3A_136 : memref<1x128xi32, #tpu.memory_space<vmem>> -> memref<128xi32, #tpu.memory_space<vmem>>
      %dma_start3A_138 = arith.constant 0 : i32
      %dma_start3A_139 = arith.constant 0 : i32
      %dma_start3A_140 = tpu.memref_slice %arg3[%dma_start3A_138, %dma_start3A_139] : memref<10240x64xf32, #tpu.memory_space<hbm>> -> memref<10240x64xf32, #tpu.memory_space<hbm>>
      tpu.enqueue_indirect_dma source(%dma_start3A_140 : memref<10240x64xf32, #tpu.memory_space<hbm>>) target(%arg14 : memref<128x64xf32, #tpu.memory_space<vmem>>) offsets(%dma_start3A_137 : memref<128xi32, #tpu.memory_space<vmem>>) semaphore(%arg21 : memref<!tpu.dma_semaphore, #tpu.memory_space<semaphore_mem>>)
      %dma_wait3A_141 = arith.constant 0 : i32
      %dma_wait3A_142 = arith.constant 0 : i32
      %dma_wait3A_143 = tpu.memref_slice %arg2[%dma_wait3A_141, %dma_wait3A_142] : memref<10240x64xf32, #tpu.memory_space<hbm>> -> memref<128x64xf32, #tpu.memory_space<hbm>>
      %dma_wait3A_144 = arith.constant 0 : i32
      %dma_wait3A_145 = arith.constant 0 : i32
      %dma_wait3A_146 = tpu.memref_slice %arg2[%dma_wait3A_144, %dma_wait3A_145] : memref<10240x64xf32, #tpu.memory_space<hbm>> -> memref<128x64xf32, #tpu.memory_space<hbm>>
      tpu.wait_dma2 semaphore(%arg20 : memref<!tpu.dma_semaphore, #tpu.memory_space<semaphore_mem>>) src(%dma_wait3A_146 : memref<128x64xf32, #tpu.memory_space<hbm>>) dst(%arg11 : memref<128x64xf32, #tpu.memory_space<vmem>>)
      %dma_wait3A_147 = arith.constant 0 : i32
      %dma_wait3A_148 = arith.constant 0 : i32
      %dma_wait3A_149 = tpu.memref_slice %arg3[%dma_wait3A_147, %dma_wait3A_148] : memref<10240x64xf32, #tpu.memory_space<hbm>> -> memref<128x64xf32, #tpu.memory_space<hbm>>
      %dma_wait3A_150 = arith.constant 0 : i32
      %dma_wait3A_151 = arith.constant 0 : i32
      %dma_wait3A_152 = tpu.memref_slice %arg3[%dma_wait3A_150, %dma_wait3A_151] : memref<10240x64xf32, #tpu.memory_space<hbm>> -> memref<128x64xf32, #tpu.memory_space<hbm>>
      tpu.wait_dma2 semaphore(%arg20 : memref<!tpu.dma_semaphore, #tpu.memory_space<semaphore_mem>>) src(%dma_wait3A_152 : memref<128x64xf32, #tpu.memory_space<hbm>>) dst(%arg13 : memref<128x64xf32, #tpu.memory_space<vmem>>)
      %dma_wait3A_153 = arith.constant 0 : i32
      %dma_wait3A_154 = arith.constant 0 : i32
      %dma_wait3A_155 = tpu.memref_slice %arg24[%dma_wait3A_153, %dma_wait3A_154] : memref<10240x80xf32, #tpu.memory_space<vmem_shared>> -> memref<10240x80xf32, #tpu.memory_space<vmem_shared>>
      tpu.wait_indirect_dma semaphore(%arg22 : memref<!tpu.dma_semaphore, #tpu.memory_space<semaphore_mem>>) src(%arg15 : memref<128x80xf32, #tpu.memory_space<vmem>>) dst(%dma_wait3A_155 : memref<10240x80xf32, #tpu.memory_space<vmem_shared>>)
      %get3A = arith.constant 1 : i32
      %get3A_156 = arith.index_cast %get3A : i32 to index
      %get3A_157 = arith.constant 0 : index
      %get3A_158 = tpu.vector_load %arg7[%get3A_156, %get3A_157] {strides = array<i32>} : memref<2x128xi32, #tpu.memory_space<vmem>>, vector<16xi32>,
      %swap3A = arith.constant 0 : index
      %swap3A_159 = tpu.vector_load %arg9[%swap3A] {strides = array<i32>} : memref<128xi32, #tpu.memory_space<vmem>>, vector<16xi32>,
      tpu.vector_store %arg9[%swap3A], %get3A_158 {strides = array<i32>} : memref<128xi32, #tpu.memory_space<vmem>>, vector<16xi32>,
      %get3A_160 = arith.constant 1 : i32
      %get3A_161 = arith.index_cast %get3A_160 : i32 to index
      %get3A_162 = arith.constant 16 : index
      %get3A_163 = tpu.vector_load %arg7[%get3A_161, %get3A_162] {strides = array<i32>} : memref<2x128xi32, #tpu.memory_space<vmem>>, vector<16xi32>,
      %swap3A_164 = arith.constant 16 : index
      %swap3A_165 = tpu.vector_load %arg9[%swap3A_164] {strides = array<i32>} : memref<128xi32, #tpu.memory_space<vmem>>, vector<16xi32>,
      tpu.vector_store %arg9[%swap3A_164], %get3A_163 {strides = array<i32>} : memref<128xi32, #tpu.memory_space<vmem>>, vector<16xi32>,
      %get3A_166 = arith.constant 1 : i32
      %get3A_167 = arith.index_cast %get3A_166 : i32 to index
      %get3A_168 = arith.constant 32 : index
      %get3A_169 = tpu.vector_load %arg7[%get3A_167, %get3A_168] {strides = array<i32>} : memref<2x128xi32, #tpu.memory_space<vmem>>, vector<16xi32>,
      %swap3A_170 = arith.constant 32 : index
      %swap3A_171 = tpu.vector_load %arg9[%swap3A_170] {strides = array<i32>} : memref<128xi32, #tpu.memory_space<vmem>>, vector<16xi32>,
      tpu.vector_store %arg9[%swap3A_170], %get3A_169 {strides = array<i32>} : memref<128xi32, #tpu.memory_space<vmem>>, vector<16xi32>,
      %get3A_172 = arith.constant 1 : i32
      %get3A_173 = arith.index_cast %get3A_172 : i32 to index
      %get3A_174 = arith.constant 48 : index
      %get3A_175 = tpu.vector_load %arg7[%get3A_173, %get3A_174] {strides = array<i32>} : memref<2x128xi32, #tpu.memory_space<vmem>>, vector<16xi32>,
      %swap3A_176 = arith.constant 48 : index
      %swap3A_177 = tpu.vector_load %arg9[%swap3A_176] {strides = array<i32>} : memref<128xi32, #tpu.memory_space<vmem>>, vector<16xi32>,
      tpu.vector_store %arg9[%swap3A_176], %get3A_175 {strides = array<i32>} : memref<128xi32, #tpu.memory_space<vmem>>, vector<16xi32>,
      %get3A_178 = arith.constant 1 : i32
      %get3A_179 = arith.index_cast %get3A_178 : i32 to index
      %get3A_180 = arith.constant 64 : index
      %get3A_181 = tpu.vector_load %arg7[%get3A_179, %get3A_180] {strides = array<i32>} : memref<2x128xi32, #tpu.memory_space<vmem>>, vector<16xi32>,
      %swap3A_182 = arith.constant 64 : index
      %swap3A_183 = tpu.vector_load %arg9[%swap3A_182] {strides = array<i32>} : memref<128xi32, #tpu.memory_space<vmem>>, vector<16xi32>,
      tpu.vector_store %arg9[%swap3A_182], %get3A_181 {strides = array<i32>} : memref<128xi32, #tpu.memory_space<vmem>>, vector<16xi32>,
      %get3A_184 = arith.constant 1 : i32
      %get3A_185 = arith.index_cast %get3A_184 : i32 to index
      %get3A_186 = arith.constant 80 : index
      %get3A_187 = tpu.vector_load %arg7[%get3A_185, %get3A_186] {strides = array<i32>} : memref<2x128xi32, #tpu.memory_space<vmem>>, vector<16xi32>,
      %swap3A_188 = arith.constant 80 : index
      %swap3A_189 = tpu.vector_load %arg9[%swap3A_188] {strides = array<i32>} : memref<128xi32, #tpu.memory_space<vmem>>, vector<16xi32>,
      tpu.vector_store %arg9[%swap3A_188], %get3A_187 {strides = array<i32>} : memref<128xi32, #tpu.memory_space<vmem>>, vector<16xi32>,
      %get3A_190 = arith.constant 1 : i32
      %get3A_191 = arith.index_cast %get3A_190 : i32 to index
      %get3A_192 = arith.constant 96 : index
      %get3A_193 = tpu.vector_load %arg7[%get3A_191, %get3A_192] {strides = array<i32>} : memref<2x128xi32, #tpu.memory_space<vmem>>, vector<16xi32>,
      %swap3A_194 = arith.constant 96 : index
      %swap3A_195 = tpu.vector_load %arg9[%swap3A_194] {strides = array<i32>} : memref<128xi32, #tpu.memory_space<vmem>>, vector<16xi32>,
      tpu.vector_store %arg9[%swap3A_194], %get3A_193 {strides = array<i32>} : memref<128xi32, #tpu.memory_space<vmem>>, vector<16xi32>,
      %get3A_196 = arith.constant 1 : i32
      %get3A_197 = arith.index_cast %get3A_196 : i32 to index
      %get3A_198 = arith.constant 112 : index
      %get3A_199 = tpu.vector_load %arg7[%get3A_197, %get3A_198] {strides = array<i32>} : memref<2x128xi32, #tpu.memory_space<vmem>>, vector<16xi32>,
      %swap3A_200 = arith.constant 112 : index
      %swap3A_201 = tpu.vector_load %arg9[%swap3A_200] {strides = array<i32>} : memref<128xi32, #tpu.memory_space<vmem>>, vector<16xi32>,
      tpu.vector_store %arg9[%swap3A_200], %get3A_199 {strides = array<i32>} : memref<128xi32, #tpu.memory_space<vmem>>, vector<16xi32>,
      %add3A_202 = arith.constant 2 : i32
      %add3A_203 = arith.addi %add3A_120, %add3A_202 : i32
      %mul3A_204 = arith.constant 128 : i32
      %mul3A_205 = arith.muli %add3A_203, %mul3A_204 : i32
      %add3A_206 = arith.addi %mul3A_2, %mul3A_205 : i32
      %dma_start3A_207 = arith.constant 0 : i32
      %dma_start3A_208 = tpu.memref_slice %arg4[%dma_start3A_207, %add3A_206] : memref<2x336128xi32, #tpu.memory_space<hbm>> -> memref<2x128xi32, #tpu.memory_space<hbm>>
      %dma_start3A_209 = arith.constant 0 : i32
      %dma_start3A_210 = tpu.memref_slice %arg4[%dma_start3A_209, %add3A_206] : memref<2x336128xi32, #tpu.memory_space<hbm>> -> memref<2x128xi32, #tpu.memory_space<hbm>>
      tpu.enqueue_dma source(%dma_start3A_210 : memref<2x128xi32, #tpu.memory_space<hbm>>) target(%arg7 : memref<2x128xi32, #tpu.memory_space<vmem>>) target_semaphore(%arg18 : memref<!tpu.dma_semaphore, #tpu.memory_space<semaphore_mem>>)
      %scan3A_211 = arith.constant 0 : i32
      %scan3A_212 = arith.constant 0 : i32
      %scan3A_213 = arith.constant 128 : i32
      %scan3A_214 = arith.addi %scan3A_212, %scan3A_213 : i32
      %scan3A_215 = arith.constant 1 : i32
      scf.for %scan3A_325 = %scan3A_212 to %scan3A_214 step %scan3A_215  : i32 {
        %get3A_326 = arith.index_cast %scan3A_325 : i32 to index
        %get3A_327 = arith.constant 0 : index
        %get3A_328 = tpu.vector_load %arg11[%get3A_326, %get3A_327] {strides = array<i32>} : memref<128x64xf32, #tpu.memory_space<vmem>>, vector<16xf32>,
        %get3A_329 = arith.index_cast %scan3A_325 : i32 to index
        %get3A_330 = arith.constant 0 : index
        %get3A_331 = tpu.vector_load %arg13[%get3A_329, %get3A_330] {strides = array<i32>} : memref<128x64xf32, #tpu.memory_space<vmem>>, vector<16xf32>,
        %add3A_332 = arith.addf %get3A_328, %get3A_331 : vector<16xf32>
        %mul3A_333 = arith.constant 2.000000e-01 : f32
        %mul3A_334 = vector.broadcast %mul3A_333 : f32 to vector<16xf32>
        %mul3A_335 = arith.mulf %mul3A_334, %add3A_332 : vector<16xf32>
        %max3A = arith.maximumf %add3A_332, %mul3A_335 : vector<16xf32>
        %get3A_336 = arith.constant 0 : i32
        %get3A_337 = arith.index_cast %get3A_336 : i32 to index
        %get3A_338 = arith.constant 0 : index
        %get3A_339 = tpu.vector_load %arg17[%get3A_337, %get3A_338] {strides = array<i32>} : memref<4x16xf32, #tpu.memory_space<vmem>>, vector<16xf32>,
        %mul3A_340 = arith.mulf %max3A, %get3A_339 : vector<16xf32>
        %add3A_341 = arith.addf %broadcast_in_dim3A_3, %mul3A_340 : vector<16xf32>
        %get3A_342 = arith.index_cast %scan3A_325 : i32 to index
        %get3A_343 = arith.constant 16 : index
        %get3A_344 = tpu.vector_load %arg11[%get3A_342, %get3A_343] {strides = array<i32>} : memref<128x64xf32, #tpu.memory_space<vmem>>, vector<16xf32>,
        %get3A_345 = arith.index_cast %scan3A_325 : i32 to index
        %get3A_346 = arith.constant 16 : index
        %get3A_347 = tpu.vector_load %arg13[%get3A_345, %get3A_346] {strides = array<i32>} : memref<128x64xf32, #tpu.memory_space<vmem>>, vector<16xf32>,
        %add3A_348 = arith.addf %get3A_344, %get3A_347 : vector<16xf32>
        %mul3A_349 = arith.constant 2.000000e-01 : f32
        %mul3A_350 = vector.broadcast %mul3A_349 : f32 to vector<16xf32>
        %mul3A_351 = arith.mulf %mul3A_350, %add3A_348 : vector<16xf32>
        %max3A_352 = arith.maximumf %add3A_348, %mul3A_351 : vector<16xf32>
        %get3A_353 = arith.constant 1 : i32
        %get3A_354 = arith.index_cast %get3A_353 : i32 to index
        %get3A_355 = arith.constant 0 : index
        %get3A_356 = tpu.vector_load %arg17[%get3A_354, %get3A_355] {strides = array<i32>} : memref<4x16xf32, #tpu.memory_space<vmem>>, vector<16xf32>,
        %mul3A_357 = arith.mulf %max3A_352, %get3A_356 : vector<16xf32>
        %add3A_358 = arith.addf %add3A_341, %mul3A_357 : vector<16xf32>
        %get3A_359 = arith.index_cast %scan3A_325 : i32 to index
        %get3A_360 = arith.constant 32 : index
        %get3A_361 = tpu.vector_load %arg11[%get3A_359, %get3A_360] {strides = array<i32>} : memref<128x64xf32, #tpu.memory_space<vmem>>, vector<16xf32>,
        %get3A_362 = arith.index_cast %scan3A_325 : i32 to index
        %get3A_363 = arith.constant 32 : index
        %get3A_364 = tpu.vector_load %arg13[%get3A_362, %get3A_363] {strides = array<i32>} : memref<128x64xf32, #tpu.memory_space<vmem>>, vector<16xf32>,
        %add3A_365 = arith.addf %get3A_361, %get3A_364 : vector<16xf32>
        %mul3A_366 = arith.constant 2.000000e-01 : f32
        %mul3A_367 = vector.broadcast %mul3A_366 : f32 to vector<16xf32>
        %mul3A_368 = arith.mulf %mul3A_367, %add3A_365 : vector<16xf32>
        %max3A_369 = arith.maximumf %add3A_365, %mul3A_368 : vector<16xf32>
        %get3A_370 = arith.constant 2 : i32
        %get3A_371 = arith.index_cast %get3A_370 : i32 to index
        %get3A_372 = arith.constant 0 : index
        %get3A_373 = tpu.vector_load %arg17[%get3A_371, %get3A_372] {strides = array<i32>} : memref<4x16xf32, #tpu.memory_space<vmem>>, vector<16xf32>,
        %mul3A_374 = arith.mulf %max3A_369, %get3A_373 : vector<16xf32>
        %add3A_375 = arith.addf %add3A_358, %mul3A_374 : vector<16xf32>
        %get3A_376 = arith.index_cast %scan3A_325 : i32 to index
        %get3A_377 = arith.constant 48 : index
        %get3A_378 = tpu.vector_load %arg11[%get3A_376, %get3A_377] {strides = array<i32>} : memref<128x64xf32, #tpu.memory_space<vmem>>, vector<16xf32>,
        %get3A_379 = arith.index_cast %scan3A_325 : i32 to index
        %get3A_380 = arith.constant 48 : index
        %get3A_381 = tpu.vector_load %arg13[%get3A_379, %get3A_380] {strides = array<i32>} : memref<128x64xf32, #tpu.memory_space<vmem>>, vector<16xf32>,
        %add3A_382 = arith.addf %get3A_378, %get3A_381 : vector<16xf32>
        %mul3A_383 = arith.constant 2.000000e-01 : f32
        %mul3A_384 = vector.broadcast %mul3A_383 : f32 to vector<16xf32>
        %mul3A_385 = arith.mulf %mul3A_384, %add3A_382 : vector<16xf32>
        %max3A_386 = arith.maximumf %add3A_382, %mul3A_385 : vector<16xf32>
        %get3A_387 = arith.constant 3 : i32
        %get3A_388 = arith.index_cast %get3A_387 : i32 to index
        %get3A_389 = arith.constant 0 : index
        %get3A_390 = tpu.vector_load %arg17[%get3A_388, %get3A_389] {strides = array<i32>} : memref<4x16xf32, #tpu.memory_space<vmem>>, vector<16xf32>,
        %mul3A_391 = arith.mulf %max3A_386, %get3A_390 : vector<16xf32>
        %add3A_392 = arith.addf %add3A_375, %mul3A_391 : vector<16xf32>
        %lt3A = arith.constant 0 : i32
        %lt3A_393 = vector.broadcast %lt3A : i32 to vector<16xi32>
        %lt3A_394 = arith.cmpi slt, %xor3A_10, %lt3A_393 : vector<16xi32>
        %add3A_395 = arith.constant 16 : i32
        %add3A_396 = vector.broadcast %add3A_395 : i32 to vector<16xi32>
        %add3A_397 = arith.addi %xor3A_10, %add3A_396 : vector<16xi32>
        %select_n3A = arith.select %lt3A_394, %add3A_397, %xor3A_10 : vector<16xi1>, vector<16xi32>
        %broadcast_in_dim3A_398 = vector.shape_cast %select_n3A : vector<16xi32> to vector<16x1xi32>
        %gather3A = vector.shape_cast %broadcast_in_dim3A_398 : vector<16x1xi32> to vector<16xi32>
        %gather3A_399 = tpu.dynamic_gather %add3A_392[%gather3A] in [0] : vector<16xf32>, vector<16xi32> -> vector<16xf32>
        %add3A_400 = arith.addf %add3A_392, %gather3A_399 : vector<16xf32>
        %lt3A_401 = arith.constant 0 : i32
        %lt3A_402 = vector.broadcast %lt3A_401 : i32 to vector<16xi32>
        %lt3A_403 = arith.cmpi slt, %xor3A_13, %lt3A_402 : vector<16xi32>
        %add3A_404 = arith.constant 16 : i32
        %add3A_405 = vector.broadcast %add3A_404 : i32 to vector<16xi32>
        %add3A_406 = arith.addi %xor3A_13, %add3A_405 : vector<16xi32>
        %select_n3A_407 = arith.select %lt3A_403, %add3A_406, %xor3A_13 : vector<16xi1>, vector<16xi32>
        %broadcast_in_dim3A_408 = vector.shape_cast %select_n3A_407 : vector<16xi32> to vector<16x1xi32>
        %gather3A_409 = vector.shape_cast %broadcast_in_dim3A_408 : vector<16x1xi32> to vector<16xi32>
        %gather3A_410 = tpu.dynamic_gather %add3A_400[%gather3A_409] in [0] : vector<16xf32>, vector<16xi32> -> vector<16xf32>
        %add3A_411 = arith.addf %add3A_400, %gather3A_410 : vector<16xf32>
        %lt3A_412 = arith.constant 0 : i32
        %lt3A_413 = vector.broadcast %lt3A_412 : i32 to vector<16xi32>
        %lt3A_414 = arith.cmpi slt, %xor3A_16, %lt3A_413 : vector<16xi32>
        %add3A_415 = arith.constant 16 : i32
        %add3A_416 = vector.broadcast %add3A_415 : i32 to vector<16xi32>
        %add3A_417 = arith.addi %xor3A_16, %add3A_416 : vector<16xi32>
        %select_n3A_418 = arith.select %lt3A_414, %add3A_417, %xor3A_16 : vector<16xi1>, vector<16xi32>
        %broadcast_in_dim3A_419 = vector.shape_cast %select_n3A_418 : vector<16xi32> to vector<16x1xi32>
        %gather3A_420 = vector.shape_cast %broadcast_in_dim3A_419 : vector<16x1xi32> to vector<16xi32>
        %gather3A_421 = tpu.dynamic_gather %add3A_411[%gather3A_420] in [0] : vector<16xf32>, vector<16xi32> -> vector<16xf32>
        %add3A_422 = arith.addf %add3A_411, %gather3A_421 : vector<16xf32>
        %lt3A_423 = arith.constant 0 : i32
        %lt3A_424 = vector.broadcast %lt3A_423 : i32 to vector<16xi32>
        %lt3A_425 = arith.cmpi slt, %xor3A_19, %lt3A_424 : vector<16xi32>
        %add3A_426 = arith.constant 16 : i32
        %add3A_427 = vector.broadcast %add3A_426 : i32 to vector<16xi32>
        %add3A_428 = arith.addi %xor3A_19, %add3A_427 : vector<16xi32>
        %select_n3A_429 = arith.select %lt3A_425, %add3A_428, %xor3A_19 : vector<16xi1>, vector<16xi32>
        %broadcast_in_dim3A_430 = vector.shape_cast %select_n3A_429 : vector<16xi32> to vector<16x1xi32>
        %gather3A_431 = vector.shape_cast %broadcast_in_dim3A_430 : vector<16x1xi32> to vector<16xi32>
        %gather3A_432 = tpu.dynamic_gather %add3A_422[%gather3A_431] in [0] : vector<16xf32>, vector<16xi32> -> vector<16xf32>
        %add3A_433 = arith.addf %add3A_422, %gather3A_432 : vector<16xf32>
        %exp3A = math.exp %add3A_433 : vector<16xf32>
        %mul3A_434 = arith.mulf %get3A_328, %exp3A : vector<16xf32>
        %swap3A_435 = arith.index_cast %scan3A_325 : i32 to index
        %swap3A_436 = arith.constant 0 : index
        %swap3A_437 = tpu.vector_load %arg15[%swap3A_435, %swap3A_436] {strides = array<i32>} : memref<128x80xf32, #tpu.memory_space<vmem>>, vector<16xf32>,
        tpu.vector_store %arg15[%swap3A_435, %swap3A_436], %mul3A_434 {strides = array<i32>} : memref<128x80xf32, #tpu.memory_space<vmem>>, vector<16xf32>,
        %mul3A_438 = arith.mulf %get3A_344, %exp3A : vector<16xf32>
        %swap3A_439 = arith.index_cast %scan3A_325 : i32 to index
        %swap3A_440 = arith.constant 16 : index
        %swap3A_441 = tpu.vector_load %arg15[%swap3A_439, %swap3A_440] {strides = array<i32>} : memref<128x80xf32, #tpu.memory_space<vmem>>, vector<16xf32>,
        tpu.vector_store %arg15[%swap3A_439, %swap3A_440], %mul3A_438 {strides = array<i32>} : memref<128x80xf32, #tpu.memory_space<vmem>>, vector<16xf32>,
        %mul3A_442 = arith.mulf %get3A_361, %exp3A : vector<16xf32>
        %swap3A_443 = arith.index_cast %scan3A_325 : i32 to index
        %swap3A_444 = arith.constant 32 : index
        %swap3A_445 = tpu.vector_load %arg15[%swap3A_443, %swap3A_444] {strides = array<i32>} : memref<128x80xf32, #tpu.memory_space<vmem>>, vector<16xf32>,
        tpu.vector_store %arg15[%swap3A_443, %swap3A_444], %mul3A_442 {strides = array<i32>} : memref<128x80xf32, #tpu.memory_space<vmem>>, vector<16xf32>,
        %mul3A_446 = arith.mulf %get3A_378, %exp3A : vector<16xf32>
        %swap3A_447 = arith.index_cast %scan3A_325 : i32 to index
        %swap3A_448 = arith.constant 48 : index
        %swap3A_449 = tpu.vector_load %arg15[%swap3A_447, %swap3A_448] {strides = array<i32>} : memref<128x80xf32, #tpu.memory_space<vmem>>, vector<16xf32>,
        tpu.vector_store %arg15[%swap3A_447, %swap3A_448], %mul3A_446 {strides = array<i32>} : memref<128x80xf32, #tpu.memory_space<vmem>>, vector<16xf32>,
        %eq3A = arith.constant 0 : i32
        %eq3A_450 = vector.broadcast %eq3A : i32 to vector<16xi32>
        %eq3A_451 = arith.cmpi eq, %iota3A, %eq3A_450 : vector<16xi32>
        %select_n3A_452 = arith.select %eq3A_451, %exp3A, %broadcast_in_dim3A_3 : vector<16xi1>, vector<16xf32>
        %swap3A_453 = arith.index_cast %scan3A_325 : i32 to index
        %swap3A_454 = arith.constant 64 : index
        %swap3A_455 = tpu.vector_load %arg15[%swap3A_453, %swap3A_454] {strides = array<i32>} : memref<128x80xf32, #tpu.memory_space<vmem>>, vector<16xf32>,
        tpu.vector_store %arg15[%swap3A_453, %swap3A_454], %select_n3A_452 {strides = array<i32>} : memref<128x80xf32, #tpu.memory_space<vmem>>, vector<16xf32>,
      }
      %scan3A_216 = arith.constant 128 : i32
      %dma_start3A_217 = arith.constant 0 : i32
      %dma_start3A_218 = arith.constant 0 : i32
      %dma_start3A_219 = tpu.memref_slice %arg24[%dma_start3A_217, %dma_start3A_218] : memref<10240x80xf32, #tpu.memory_space<vmem_shared>> -> memref<10240x80xf32, #tpu.memory_space<vmem_shared>>
      tpu.enqueue_indirect_dma source(%arg15 : memref<128x80xf32, #tpu.memory_space<vmem>>) target(%dma_start3A_219 : memref<10240x80xf32, #tpu.memory_space<vmem_shared>>) offsets(%arg9 : memref<128xi32, #tpu.memory_space<vmem>>) semaphore(%arg22 : memref<!tpu.dma_semaphore, #tpu.memory_space<semaphore_mem>>) {add = true}
      %mul3A_220 = arith.constant 2 : i32
      %mul3A_221 = arith.muli %mul3A_220, %scan3A_116 : i32
      %add3A_222 = arith.constant 1 : i32
      %add3A_223 = arith.addi %mul3A_221, %add3A_222 : i32
      %dma_wait3A_224 = arith.constant 0 : i32
      %dma_wait3A_225 = arith.constant 0 : i32
      %dma_wait3A_226 = tpu.memref_slice %arg4[%dma_wait3A_224, %dma_wait3A_225] : memref<2x336128xi32, #tpu.memory_space<hbm>> -> memref<2x128xi32, #tpu.memory_space<hbm>>
      %dma_wait3A_227 = arith.constant 0 : i32
      %dma_wait3A_228 = arith.constant 0 : i32
      %dma_wait3A_229 = tpu.memref_slice %arg4[%dma_wait3A_227, %dma_wait3A_228] : memref<2x336128xi32, #tpu.memory_space<hbm>> -> memref<2x128xi32, #tpu.memory_space<hbm>>
      tpu.wait_dma2 semaphore(%arg18 : memref<!tpu.dma_semaphore, #tpu.memory_space<semaphore_mem>>) src(%dma_wait3A_229 : memref<2x128xi32, #tpu.memory_space<hbm>>) dst(%arg7 : memref<2x128xi32, #tpu.memory_space<vmem>>)
      %dma_start3A_230 = arith.constant 0 : i32
      %dma_start3A_231 = arith.constant 0 : i32
      %dma_start3A_232 = tpu.memref_slice %arg7[%dma_start3A_230, %dma_start3A_231] : memref<2x128xi32, #tpu.memory_space<vmem>> -> memref<1x128xi32, #tpu.memory_space<vmem>>
      %dma_start3A_233 = tpu.memref_squeeze %dma_start3A_232 : memref<1x128xi32, #tpu.memory_space<vmem>> -> memref<128xi32, #tpu.memory_space<vmem>>
      %dma_start3A_234 = arith.constant 0 : i32
      %dma_start3A_235 = arith.constant 0 : i32
      %dma_start3A_236 = tpu.memref_slice %arg2[%dma_start3A_234, %dma_start3A_235] : memref<10240x64xf32, #tpu.memory_space<hbm>> -> memref<10240x64xf32, #tpu.memory_space<hbm>>
      tpu.enqueue_indirect_dma source(%dma_start3A_236 : memref<10240x64xf32, #tpu.memory_space<hbm>>) target(%arg11 : memref<128x64xf32, #tpu.memory_space<vmem>>) offsets(%dma_start3A_233 : memref<128xi32, #tpu.memory_space<vmem>>) semaphore(%arg20 : memref<!tpu.dma_semaphore, #tpu.memory_space<semaphore_mem>>)
      %dma_start3A_237 = arith.constant 1 : i32
      %dma_start3A_238 = arith.constant 0 : i32
      %dma_start3A_239 = tpu.memref_slice %arg7[%dma_start3A_237, %dma_start3A_238] : memref<2x128xi32, #tpu.memory_space<vmem>> -> memref<1x128xi32, #tpu.memory_space<vmem>>
      %dma_start3A_240 = tpu.memref_squeeze %dma_start3A_239 : memref<1x128xi32, #tpu.memory_space<vmem>> -> memref<128xi32, #tpu.memory_space<vmem>>
      %dma_start3A_241 = arith.constant 0 : i32
      %dma_start3A_242 = arith.constant 0 : i32
      %dma_start3A_243 = tpu.memref_slice %arg3[%dma_start3A_241, %dma_start3A_242] : memref<10240x64xf32, #tpu.memory_space<hbm>> -> memref<10240x64xf32, #tpu.memory_space<hbm>>
      tpu.enqueue_indirect_dma source(%dma_start3A_243 : memref<10240x64xf32, #tpu.memory_space<hbm>>) target(%arg13 : memref<128x64xf32, #tpu.memory_space<vmem>>) offsets(%dma_start3A_240 : memref<128xi32, #tpu.memory_space<vmem>>) semaphore(%arg20 : memref<!tpu.dma_semaphore, #tpu.memory_space<semaphore_mem>>)
      %dma_wait3A_244 = arith.constant 0 : i32
      %dma_wait3A_245 = arith.constant 0 : i32
      %dma_wait3A_246 = tpu.memref_slice %arg2[%dma_wait3A_244, %dma_wait3A_245] : memref<10240x64xf32, #tpu.memory_space<hbm>> -> memref<128x64xf32, #tpu.memory_space<hbm>>
      %dma_wait3A_247 = arith.constant 0 : i32
      %dma_wait3A_248 = arith.constant 0 : i32
      %dma_wait3A_249 = tpu.memref_slice %arg2[%dma_wait3A_247, %dma_wait3A_248] : memref<10240x64xf32, #tpu.memory_space<hbm>> -> memref<128x64xf32, #tpu.memory_space<hbm>>
      tpu.wait_dma2 semaphore(%arg21 : memref<!tpu.dma_semaphore, #tpu.memory_space<semaphore_mem>>) src(%dma_wait3A_249 : memref<128x64xf32, #tpu.memory_space<hbm>>) dst(%arg12 : memref<128x64xf32, #tpu.memory_space<vmem>>)
      %dma_wait3A_250 = arith.constant 0 : i32
      %dma_wait3A_251 = arith.constant 0 : i32
      %dma_wait3A_252 = tpu.memref_slice %arg3[%dma_wait3A_250, %dma_wait3A_251] : memref<10240x64xf32, #tpu.memory_space<hbm>> -> memref<128x64xf32, #tpu.memory_space<hbm>>
      %dma_wait3A_253 = arith.constant 0 : i32
      %dma_wait3A_254 = arith.constant 0 : i32
      %dma_wait3A_255 = tpu.memref_slice %arg3[%dma_wait3A_253, %dma_wait3A_254] : memref<10240x64xf32, #tpu.memory_space<hbm>> -> memref<128x64xf32, #tpu.memory_space<hbm>>
      tpu.wait_dma2 semaphore(%arg21 : memref<!tpu.dma_semaphore, #tpu.memory_space<semaphore_mem>>) src(%dma_wait3A_255 : memref<128x64xf32, #tpu.memory_space<hbm>>) dst(%arg14 : memref<128x64xf32, #tpu.memory_space<vmem>>)
      %dma_wait3A_256 = arith.constant 0 : i32
      %dma_wait3A_257 = arith.constant 0 : i32
      %dma_wait3A_258 = tpu.memref_slice %arg24[%dma_wait3A_256, %dma_wait3A_257] : memref<10240x80xf32, #tpu.memory_space<vmem_shared>> -> memref<10240x80xf32, #tpu.memory_space<vmem_shared>>
      tpu.wait_indirect_dma semaphore(%arg23 : memref<!tpu.dma_semaphore, #tpu.memory_space<semaphore_mem>>) src(%arg16 : memref<128x80xf32, #tpu.memory_space<vmem>>) dst(%dma_wait3A_258 : memref<10240x80xf32, #tpu.memory_space<vmem_shared>>)
      %get3A_259 = arith.constant 1 : i32
      %get3A_260 = arith.index_cast %get3A_259 : i32 to index
      %get3A_261 = arith.constant 0 : index
      %get3A_262 = tpu.vector_load %arg8[%get3A_260, %get3A_261] {strides = array<i32>} : memref<2x128xi32, #tpu.memory_space<vmem>>, vector<16xi32>,
      %swap3A_263 = arith.constant 0 : index
      %swap3A_264 = tpu.vector_load %arg10[%swap3A_263] {strides = array<i32>} : memref<128xi32, #tpu.memory_space<vmem>>, vector<16xi32>,
      tpu.vector_store %arg10[%swap3A_263], %get3A_262 {strides = array<i32>} : memref<128xi32, #tpu.memory_space<vmem>>, vector<16xi32>,
      %get3A_265 = arith.constant 1 : i32
      %get3A_266 = arith.index_cast %get3A_265 : i32 to index
      %get3A_267 = arith.constant 16 : index
      %get3A_268 = tpu.vector_load %arg8[%get3A_266, %get3A_267] {strides = array<i32>} : memref<2x128xi32, #tpu.memory_space<vmem>>, vector<16xi32>,
      %swap3A_269 = arith.constant 16 : index
      %swap3A_270 = tpu.vector_load %arg10[%swap3A_269] {strides = array<i32>} : memref<128xi32, #tpu.memory_space<vmem>>, vector<16xi32>,
      tpu.vector_store %arg10[%swap3A_269], %get3A_268 {strides = array<i32>} : memref<128xi32, #tpu.memory_space<vmem>>, vector<16xi32>,
      %get3A_271 = arith.constant 1 : i32
      %get3A_272 = arith.index_cast %get3A_271 : i32 to index
      %get3A_273 = arith.constant 32 : index
      %get3A_274 = tpu.vector_load %arg8[%get3A_272, %get3A_273] {strides = array<i32>} : memref<2x128xi32, #tpu.memory_space<vmem>>, vector<16xi32>,
      %swap3A_275 = arith.constant 32 : index
      %swap3A_276 = tpu.vector_load %arg10[%swap3A_275] {strides = array<i32>} : memref<128xi32, #tpu.memory_space<vmem>>, vector<16xi32>,
      tpu.vector_store %arg10[%swap3A_275], %get3A_274 {strides = array<i32>} : memref<128xi32, #tpu.memory_space<vmem>>, vector<16xi32>,
      %get3A_277 = arith.constant 1 : i32
      %get3A_278 = arith.index_cast %get3A_277 : i32 to index
      %get3A_279 = arith.constant 48 : index
      %get3A_280 = tpu.vector_load %arg8[%get3A_278, %get3A_279] {strides = array<i32>} : memref<2x128xi32, #tpu.memory_space<vmem>>, vector<16xi32>,
      %swap3A_281 = arith.constant 48 : index
      %swap3A_282 = tpu.vector_load %arg10[%swap3A_281] {strides = array<i32>} : memref<128xi32, #tpu.memory_space<vmem>>, vector<16xi32>,
      tpu.vector_store %arg10[%swap3A_281], %get3A_280 {strides = array<i32>} : memref<128xi32, #tpu.memory_space<vmem>>, vector<16xi32>,
      %get3A_283 = arith.constant 1 : i32
      %get3A_284 = arith.index_cast %get3A_283 : i32 to index
      %get3A_285 = arith.constant 64 : index
      %get3A_286 = tpu.vector_load %arg8[%get3A_284, %get3A_285] {strides = array<i32>} : memref<2x128xi32, #tpu.memory_space<vmem>>, vector<16xi32>,
      %swap3A_287 = arith.constant 64 : index
      %swap3A_288 = tpu.vector_load %arg10[%swap3A_287] {strides = array<i32>} : memref<128xi32, #tpu.memory_space<vmem>>, vector<16xi32>,
      tpu.vector_store %arg10[%swap3A_287], %get3A_286 {strides = array<i32>} : memref<128xi32, #tpu.memory_space<vmem>>, vector<16xi32>,
      %get3A_289 = arith.constant 1 : i32
      %get3A_290 = arith.index_cast %get3A_289 : i32 to index
      %get3A_291 = arith.constant 80 : index
      %get3A_292 = tpu.vector_load %arg8[%get3A_290, %get3A_291] {strides = array<i32>} : memref<2x128xi32, #tpu.memory_space<vmem>>, vector<16xi32>,
      %swap3A_293 = arith.constant 80 : index
      %swap3A_294 = tpu.vector_load %arg10[%swap3A_293] {strides = array<i32>} : memref<128xi32, #tpu.memory_space<vmem>>, vector<16xi32>,
      tpu.vector_store %arg10[%swap3A_293], %get3A_292 {strides = array<i32>} : memref<128xi32, #tpu.memory_space<vmem>>, vector<16xi32>,
      %get3A_295 = arith.constant 1 : i32
      %get3A_296 = arith.index_cast %get3A_295 : i32 to index
      %get3A_297 = arith.constant 96 : index
      %get3A_298 = tpu.vector_load %arg8[%get3A_296, %get3A_297] {strides = array<i32>} : memref<2x128xi32, #tpu.memory_space<vmem>>, vector<16xi32>,
      %swap3A_299 = arith.constant 96 : index
      %swap3A_300 = tpu.vector_load %arg10[%swap3A_299] {strides = array<i32>} : memref<128xi32, #tpu.memory_space<vmem>>, vector<16xi32>,
      tpu.vector_store %arg10[%swap3A_299], %get3A_298 {strides = array<i32>} : memref<128xi32, #tpu.memory_space<vmem>>, vector<16xi32>,
      %get3A_301 = arith.constant 1 : i32
      %get3A_302 = arith.index_cast %get3A_301 : i32 to index
      %get3A_303 = arith.constant 112 : index
      %get3A_304 = tpu.vector_load %arg8[%get3A_302, %get3A_303] {strides = array<i32>} : memref<2x128xi32, #tpu.memory_space<vmem>>, vector<16xi32>,
      %swap3A_305 = arith.constant 112 : index
      %swap3A_306 = tpu.vector_load %arg10[%swap3A_305] {strides = array<i32>} : memref<128xi32, #tpu.memory_space<vmem>>, vector<16xi32>,
      tpu.vector_store %arg10[%swap3A_305], %get3A_304 {strides = array<i32>} : memref<128xi32, #tpu.memory_space<vmem>>, vector<16xi32>,
      %add3A_307 = arith.constant 2 : i32
      %add3A_308 = arith.addi %add3A_223, %add3A_307 : i32
      %mul3A_309 = arith.constant 128 : i32
      %mul3A_310 = arith.muli %add3A_308, %mul3A_309 : i32
      %add3A_311 = arith.addi %mul3A_2, %mul3A_310 : i32
      %dma_start3A_312 = arith.constant 0 : i32
      %dma_start3A_313 = tpu.memref_slice %arg4[%dma_start3A_312, %add3A_311] : memref<2x336128xi32, #tpu.memory_space<hbm>> -> memref<2x128xi32, #tpu.memory_space<hbm>>
      %dma_start3A_314 = arith.constant 0 : i32
      %dma_start3A_315 = tpu.memref_slice %arg4[%dma_start3A_314, %add3A_311] : memref<2x336128xi32, #tpu.memory_space<hbm>> -> memref<2x128xi32, #tpu.memory_space<hbm>>
      tpu.enqueue_dma source(%dma_start3A_315 : memref<2x128xi32, #tpu.memory_space<hbm>>) target(%arg8 : memref<2x128xi32, #tpu.memory_space<vmem>>) target_semaphore(%arg19 : memref<!tpu.dma_semaphore, #tpu.memory_space<semaphore_mem>>)
      %scan3A_316 = arith.constant 0 : i32
      %scan3A_317 = arith.constant 0 : i32
      %scan3A_318 = arith.constant 128 : i32
      %scan3A_319 = arith.addi %scan3A_317, %scan3A_318 : i32
      %scan3A_320 = arith.constant 1 : i32
      scf.for %scan3A_325 = %scan3A_317 to %scan3A_319 step %scan3A_320  : i32 {
        %get3A_326 = arith.index_cast %scan3A_325 : i32 to index
        %get3A_327 = arith.constant 0 : index
        %get3A_328 = tpu.vector_load %arg12[%get3A_326, %get3A_327] {strides = array<i32>} : memref<128x64xf32, #tpu.memory_space<vmem>>, vector<16xf32>,
        %get3A_329 = arith.index_cast %scan3A_325 : i32 to index
        %get3A_330 = arith.constant 0 : index
        %get3A_331 = tpu.vector_load %arg14[%get3A_329, %get3A_330] {strides = array<i32>} : memref<128x64xf32, #tpu.memory_space<vmem>>, vector<16xf32>,
        %add3A_332 = arith.addf %get3A_328, %get3A_331 : vector<16xf32>
        %mul3A_333 = arith.constant 2.000000e-01 : f32
        %mul3A_334 = vector.broadcast %mul3A_333 : f32 to vector<16xf32>
        %mul3A_335 = arith.mulf %mul3A_334, %add3A_332 : vector<16xf32>
        %max3A = arith.maximumf %add3A_332, %mul3A_335 : vector<16xf32>
        %get3A_336 = arith.constant 0 : i32
        %get3A_337 = arith.index_cast %get3A_336 : i32 to index
        %get3A_338 = arith.constant 0 : index
        %get3A_339 = tpu.vector_load %arg17[%get3A_337, %get3A_338] {strides = array<i32>} : memref<4x16xf32, #tpu.memory_space<vmem>>, vector<16xf32>,
        %mul3A_340 = arith.mulf %max3A, %get3A_339 : vector<16xf32>
        %add3A_341 = arith.addf %broadcast_in_dim3A_3, %mul3A_340 : vector<16xf32>
        %get3A_342 = arith.index_cast %scan3A_325 : i32 to index
        %get3A_343 = arith.constant 16 : index
        %get3A_344 = tpu.vector_load %arg12[%get3A_342, %get3A_343] {strides = array<i32>} : memref<128x64xf32, #tpu.memory_space<vmem>>, vector<16xf32>,
        %get3A_345 = arith.index_cast %scan3A_325 : i32 to index
        %get3A_346 = arith.constant 16 : index
        %get3A_347 = tpu.vector_load %arg14[%get3A_345, %get3A_346] {strides = array<i32>} : memref<128x64xf32, #tpu.memory_space<vmem>>, vector<16xf32>,
        %add3A_348 = arith.addf %get3A_344, %get3A_347 : vector<16xf32>
        %mul3A_349 = arith.constant 2.000000e-01 : f32
        %mul3A_350 = vector.broadcast %mul3A_349 : f32 to vector<16xf32>
        %mul3A_351 = arith.mulf %mul3A_350, %add3A_348 : vector<16xf32>
        %max3A_352 = arith.maximumf %add3A_348, %mul3A_351 : vector<16xf32>
        %get3A_353 = arith.constant 1 : i32
        %get3A_354 = arith.index_cast %get3A_353 : i32 to index
        %get3A_355 = arith.constant 0 : index
        %get3A_356 = tpu.vector_load %arg17[%get3A_354, %get3A_355] {strides = array<i32>} : memref<4x16xf32, #tpu.memory_space<vmem>>, vector<16xf32>,
        %mul3A_357 = arith.mulf %max3A_352, %get3A_356 : vector<16xf32>
        %add3A_358 = arith.addf %add3A_341, %mul3A_357 : vector<16xf32>
        %get3A_359 = arith.index_cast %scan3A_325 : i32 to index
        %get3A_360 = arith.constant 32 : index
        %get3A_361 = tpu.vector_load %arg12[%get3A_359, %get3A_360] {strides = array<i32>} : memref<128x64xf32, #tpu.memory_space<vmem>>, vector<16xf32>,
        %get3A_362 = arith.index_cast %scan3A_325 : i32 to index
        %get3A_363 = arith.constant 32 : index
        %get3A_364 = tpu.vector_load %arg14[%get3A_362, %get3A_363] {strides = array<i32>} : memref<128x64xf32, #tpu.memory_space<vmem>>, vector<16xf32>,
        %add3A_365 = arith.addf %get3A_361, %get3A_364 : vector<16xf32>
        %mul3A_366 = arith.constant 2.000000e-01 : f32
        %mul3A_367 = vector.broadcast %mul3A_366 : f32 to vector<16xf32>
        %mul3A_368 = arith.mulf %mul3A_367, %add3A_365 : vector<16xf32>
        %max3A_369 = arith.maximumf %add3A_365, %mul3A_368 : vector<16xf32>
        %get3A_370 = arith.constant 2 : i32
        %get3A_371 = arith.index_cast %get3A_370 : i32 to index
        %get3A_372 = arith.constant 0 : index
        %get3A_373 = tpu.vector_load %arg17[%get3A_371, %get3A_372] {strides = array<i32>} : memref<4x16xf32, #tpu.memory_space<vmem>>, vector<16xf32>,
        %mul3A_374 = arith.mulf %max3A_369, %get3A_373 : vector<16xf32>
        %add3A_375 = arith.addf %add3A_358, %mul3A_374 : vector<16xf32>
        %get3A_376 = arith.index_cast %scan3A_325 : i32 to index
        %get3A_377 = arith.constant 48 : index
        %get3A_378 = tpu.vector_load %arg12[%get3A_376, %get3A_377] {strides = array<i32>} : memref<128x64xf32, #tpu.memory_space<vmem>>, vector<16xf32>,
        %get3A_379 = arith.index_cast %scan3A_325 : i32 to index
        %get3A_380 = arith.constant 48 : index
        %get3A_381 = tpu.vector_load %arg14[%get3A_379, %get3A_380] {strides = array<i32>} : memref<128x64xf32, #tpu.memory_space<vmem>>, vector<16xf32>,
        %add3A_382 = arith.addf %get3A_378, %get3A_381 : vector<16xf32>
        %mul3A_383 = arith.constant 2.000000e-01 : f32
        %mul3A_384 = vector.broadcast %mul3A_383 : f32 to vector<16xf32>
        %mul3A_385 = arith.mulf %mul3A_384, %add3A_382 : vector<16xf32>
        %max3A_386 = arith.maximumf %add3A_382, %mul3A_385 : vector<16xf32>
        %get3A_387 = arith.constant 3 : i32
        %get3A_388 = arith.index_cast %get3A_387 : i32 to index
        %get3A_389 = arith.constant 0 : index
        %get3A_390 = tpu.vector_load %arg17[%get3A_388, %get3A_389] {strides = array<i32>} : memref<4x16xf32, #tpu.memory_space<vmem>>, vector<16xf32>,
        %mul3A_391 = arith.mulf %max3A_386, %get3A_390 : vector<16xf32>
        %add3A_392 = arith.addf %add3A_375, %mul3A_391 : vector<16xf32>
        %lt3A = arith.constant 0 : i32
        %lt3A_393 = vector.broadcast %lt3A : i32 to vector<16xi32>
        %lt3A_394 = arith.cmpi slt, %xor3A_10, %lt3A_393 : vector<16xi32>
        %add3A_395 = arith.constant 16 : i32
        %add3A_396 = vector.broadcast %add3A_395 : i32 to vector<16xi32>
        %add3A_397 = arith.addi %xor3A_10, %add3A_396 : vector<16xi32>
        %select_n3A = arith.select %lt3A_394, %add3A_397, %xor3A_10 : vector<16xi1>, vector<16xi32>
        %broadcast_in_dim3A_398 = vector.shape_cast %select_n3A : vector<16xi32> to vector<16x1xi32>
        %gather3A = vector.shape_cast %broadcast_in_dim3A_398 : vector<16x1xi32> to vector<16xi32>
        %gather3A_399 = tpu.dynamic_gather %add3A_392[%gather3A] in [0] : vector<16xf32>, vector<16xi32> -> vector<16xf32>
        %add3A_400 = arith.addf %add3A_392, %gather3A_399 : vector<16xf32>
        %lt3A_401 = arith.constant 0 : i32
        %lt3A_402 = vector.broadcast %lt3A_401 : i32 to vector<16xi32>
        %lt3A_403 = arith.cmpi slt, %xor3A_13, %lt3A_402 : vector<16xi32>
        %add3A_404 = arith.constant 16 : i32
        %add3A_405 = vector.broadcast %add3A_404 : i32 to vector<16xi32>
        %add3A_406 = arith.addi %xor3A_13, %add3A_405 : vector<16xi32>
        %select_n3A_407 = arith.select %lt3A_403, %add3A_406, %xor3A_13 : vector<16xi1>, vector<16xi32>
        %broadcast_in_dim3A_408 = vector.shape_cast %select_n3A_407 : vector<16xi32> to vector<16x1xi32>
        %gather3A_409 = vector.shape_cast %broadcast_in_dim3A_408 : vector<16x1xi32> to vector<16xi32>
        %gather3A_410 = tpu.dynamic_gather %add3A_400[%gather3A_409] in [0] : vector<16xf32>, vector<16xi32> -> vector<16xf32>
        %add3A_411 = arith.addf %add3A_400, %gather3A_410 : vector<16xf32>
        %lt3A_412 = arith.constant 0 : i32
        %lt3A_413 = vector.broadcast %lt3A_412 : i32 to vector<16xi32>
        %lt3A_414 = arith.cmpi slt, %xor3A_16, %lt3A_413 : vector<16xi32>
        %add3A_415 = arith.constant 16 : i32
        %add3A_416 = vector.broadcast %add3A_415 : i32 to vector<16xi32>
        %add3A_417 = arith.addi %xor3A_16, %add3A_416 : vector<16xi32>
        %select_n3A_418 = arith.select %lt3A_414, %add3A_417, %xor3A_16 : vector<16xi1>, vector<16xi32>
        %broadcast_in_dim3A_419 = vector.shape_cast %select_n3A_418 : vector<16xi32> to vector<16x1xi32>
        %gather3A_420 = vector.shape_cast %broadcast_in_dim3A_419 : vector<16x1xi32> to vector<16xi32>
        %gather3A_421 = tpu.dynamic_gather %add3A_411[%gather3A_420] in [0] : vector<16xf32>, vector<16xi32> -> vector<16xf32>
        %add3A_422 = arith.addf %add3A_411, %gather3A_421 : vector<16xf32>
        %lt3A_423 = arith.constant 0 : i32
        %lt3A_424 = vector.broadcast %lt3A_423 : i32 to vector<16xi32>
        %lt3A_425 = arith.cmpi slt, %xor3A_19, %lt3A_424 : vector<16xi32>
        %add3A_426 = arith.constant 16 : i32
        %add3A_427 = vector.broadcast %add3A_426 : i32 to vector<16xi32>
        %add3A_428 = arith.addi %xor3A_19, %add3A_427 : vector<16xi32>
        %select_n3A_429 = arith.select %lt3A_425, %add3A_428, %xor3A_19 : vector<16xi1>, vector<16xi32>
        %broadcast_in_dim3A_430 = vector.shape_cast %select_n3A_429 : vector<16xi32> to vector<16x1xi32>
        %gather3A_431 = vector.shape_cast %broadcast_in_dim3A_430 : vector<16x1xi32> to vector<16xi32>
        %gather3A_432 = tpu.dynamic_gather %add3A_422[%gather3A_431] in [0] : vector<16xf32>, vector<16xi32> -> vector<16xf32>
        %add3A_433 = arith.addf %add3A_422, %gather3A_432 : vector<16xf32>
        %exp3A = math.exp %add3A_433 : vector<16xf32>
        %mul3A_434 = arith.mulf %get3A_328, %exp3A : vector<16xf32>
        %swap3A_435 = arith.index_cast %scan3A_325 : i32 to index
        %swap3A_436 = arith.constant 0 : index
        %swap3A_437 = tpu.vector_load %arg16[%swap3A_435, %swap3A_436] {strides = array<i32>} : memref<128x80xf32, #tpu.memory_space<vmem>>, vector<16xf32>,
        tpu.vector_store %arg16[%swap3A_435, %swap3A_436], %mul3A_434 {strides = array<i32>} : memref<128x80xf32, #tpu.memory_space<vmem>>, vector<16xf32>,
        %mul3A_438 = arith.mulf %get3A_344, %exp3A : vector<16xf32>
        %swap3A_439 = arith.index_cast %scan3A_325 : i32 to index
        %swap3A_440 = arith.constant 16 : index
        %swap3A_441 = tpu.vector_load %arg16[%swap3A_439, %swap3A_440] {strides = array<i32>} : memref<128x80xf32, #tpu.memory_space<vmem>>, vector<16xf32>,
        tpu.vector_store %arg16[%swap3A_439, %swap3A_440], %mul3A_438 {strides = array<i32>} : memref<128x80xf32, #tpu.memory_space<vmem>>, vector<16xf32>,
        %mul3A_442 = arith.mulf %get3A_361, %exp3A : vector<16xf32>
        %swap3A_443 = arith.index_cast %scan3A_325 : i32 to index
        %swap3A_444 = arith.constant 32 : index
        %swap3A_445 = tpu.vector_load %arg16[%swap3A_443, %swap3A_444] {strides = array<i32>} : memref<128x80xf32, #tpu.memory_space<vmem>>, vector<16xf32>,
        tpu.vector_store %arg16[%swap3A_443, %swap3A_444], %mul3A_442 {strides = array<i32>} : memref<128x80xf32, #tpu.memory_space<vmem>>, vector<16xf32>,
        %mul3A_446 = arith.mulf %get3A_378, %exp3A : vector<16xf32>
        %swap3A_447 = arith.index_cast %scan3A_325 : i32 to index
        %swap3A_448 = arith.constant 48 : index
        %swap3A_449 = tpu.vector_load %arg16[%swap3A_447, %swap3A_448] {strides = array<i32>} : memref<128x80xf32, #tpu.memory_space<vmem>>, vector<16xf32>,
        tpu.vector_store %arg16[%swap3A_447, %swap3A_448], %mul3A_446 {strides = array<i32>} : memref<128x80xf32, #tpu.memory_space<vmem>>, vector<16xf32>,
        %eq3A = arith.constant 0 : i32
        %eq3A_450 = vector.broadcast %eq3A : i32 to vector<16xi32>
        %eq3A_451 = arith.cmpi eq, %iota3A, %eq3A_450 : vector<16xi32>
        %select_n3A_452 = arith.select %eq3A_451, %exp3A, %broadcast_in_dim3A_3 : vector<16xi1>, vector<16xf32>
        %swap3A_453 = arith.index_cast %scan3A_325 : i32 to index
        %swap3A_454 = arith.constant 64 : index
        %swap3A_455 = tpu.vector_load %arg16[%swap3A_453, %swap3A_454] {strides = array<i32>} : memref<128x80xf32, #tpu.memory_space<vmem>>, vector<16xf32>,
        tpu.vector_store %arg16[%swap3A_453, %swap3A_454], %select_n3A_452 {strides = array<i32>} : memref<128x80xf32, #tpu.memory_space<vmem>>, vector<16xf32>,
      }
      %scan3A_321 = arith.constant 128 : i32
      %dma_start3A_322 = arith.constant 0 : i32
      %dma_start3A_323 = arith.constant 0 : i32
      %dma_start3A_324 = tpu.memref_slice %arg24[%dma_start3A_322, %dma_start3A_323] : memref<10240x80xf32, #tpu.memory_space<vmem_shared>> -> memref<10240x80xf32, #tpu.memory_space<vmem_shared>>
      tpu.enqueue_indirect_dma source(%arg16 : memref<128x80xf32, #tpu.memory_space<vmem>>) target(%dma_start3A_324 : memref<10240x80xf32, #tpu.memory_space<vmem_shared>>) offsets(%arg10 : memref<128xi32, #tpu.memory_space<vmem>>) semaphore(%arg23 : memref<!tpu.dma_semaphore, #tpu.memory_space<semaphore_mem>>) {add = true}
    }
    %scan3A_85 = arith.constant 41 : i32
    %dma_wait3A_86 = arith.constant 0 : i32
    %dma_wait3A_87 = arith.constant 0 : i32
    %dma_wait3A_88 = tpu.memref_slice %arg2[%dma_wait3A_86, %dma_wait3A_87] : memref<10240x64xf32, #tpu.memory_space<hbm>> -> memref<128x64xf32, #tpu.memory_space<hbm>>
    %dma_wait3A_89 = arith.constant 0 : i32
    %dma_wait3A_90 = arith.constant 0 : i32
    %dma_wait3A_91 = tpu.memref_slice %arg2[%dma_wait3A_89, %dma_wait3A_90] : memref<10240x64xf32, #tpu.memory_space<hbm>> -> memref<128x64xf32, #tpu.memory_space<hbm>>
    tpu.wait_dma2 semaphore(%arg20 : memref<!tpu.dma_semaphore, #tpu.memory_space<semaphore_mem>>) src(%dma_wait3A_91 : memref<128x64xf32, #tpu.memory_space<hbm>>) dst(%arg11 : memref<128x64xf32, #tpu.memory_space<vmem>>)
    %dma_wait3A_92 = arith.constant 0 : i32
    %dma_wait3A_93 = arith.constant 0 : i32
    %dma_wait3A_94 = tpu.memref_slice %arg3[%dma_wait3A_92, %dma_wait3A_93] : memref<10240x64xf32, #tpu.memory_space<hbm>> -> memref<128x64xf32, #tpu.memory_space<hbm>>
    %dma_wait3A_95 = arith.constant 0 : i32
    %dma_wait3A_96 = arith.constant 0 : i32
    %dma_wait3A_97 = tpu.memref_slice %arg3[%dma_wait3A_95, %dma_wait3A_96] : memref<10240x64xf32, #tpu.memory_space<hbm>> -> memref<128x64xf32, #tpu.memory_space<hbm>>
    tpu.wait_dma2 semaphore(%arg20 : memref<!tpu.dma_semaphore, #tpu.memory_space<semaphore_mem>>) src(%dma_wait3A_97 : memref<128x64xf32, #tpu.memory_space<hbm>>) dst(%arg13 : memref<128x64xf32, #tpu.memory_space<vmem>>)
    %dma_wait3A_98 = arith.constant 0 : i32
    %dma_wait3A_99 = arith.constant 0 : i32
    %dma_wait3A_100 = tpu.memref_slice %arg4[%dma_wait3A_98, %dma_wait3A_99] : memref<2x336128xi32, #tpu.memory_space<hbm>> -> memref<2x128xi32, #tpu.memory_space<hbm>>
    %dma_wait3A_101 = arith.constant 0 : i32
    %dma_wait3A_102 = arith.constant 0 : i32
    %dma_wait3A_103 = tpu.memref_slice %arg4[%dma_wait3A_101, %dma_wait3A_102] : memref<2x336128xi32, #tpu.memory_space<hbm>> -> memref<2x128xi32, #tpu.memory_space<hbm>>
    tpu.wait_dma2 semaphore(%arg19 : memref<!tpu.dma_semaphore, #tpu.memory_space<semaphore_mem>>) src(%dma_wait3A_103 : memref<2x128xi32, #tpu.memory_space<hbm>>) dst(%arg8 : memref<2x128xi32, #tpu.memory_space<vmem>>)
    %dma_wait3A_104 = arith.constant 0 : i32
    %dma_wait3A_105 = arith.constant 0 : i32
    %dma_wait3A_106 = tpu.memref_slice %arg24[%dma_wait3A_104, %dma_wait3A_105] : memref<10240x80xf32, #tpu.memory_space<vmem_shared>> -> memref<10240x80xf32, #tpu.memory_space<vmem_shared>>
    tpu.wait_indirect_dma semaphore(%arg22 : memref<!tpu.dma_semaphore, #tpu.memory_space<semaphore_mem>>) src(%arg15 : memref<128x80xf32, #tpu.memory_space<vmem>>) dst(%dma_wait3A_106 : memref<10240x80xf32, #tpu.memory_space<vmem_shared>>)
    %dma_wait3A_107 = arith.constant 0 : i32
    %dma_wait3A_108 = arith.constant 0 : i32
    %dma_wait3A_109 = tpu.memref_slice %arg24[%dma_wait3A_107, %dma_wait3A_108] : memref<10240x80xf32, #tpu.memory_space<vmem_shared>> -> memref<10240x80xf32, #tpu.memory_space<vmem_shared>>
    tpu.wait_indirect_dma semaphore(%arg23 : memref<!tpu.dma_semaphore, #tpu.memory_space<semaphore_mem>>) src(%arg16 : memref<128x80xf32, #tpu.memory_space<vmem>>) dst(%dma_wait3A_109 : memref<10240x80xf32, #tpu.memory_space<vmem_shared>>)
    %barrier3A_110 = arith.constant 0 : index
    tpu.barrier barrier_id(%barrier3A_110)
    %mul3A_111 = arith.constant 640 : i32
    %mul3A_112 = arith.muli %arg1, %mul3A_111 : i32
    %mul3A_113 = arith.constant 640 : i32
    %mul3A_114 = arith.muli %arg1, %mul3A_113 : i32
    %run_scoped3A = arith.constant 0 : i32
    "tpu.region"() ({
      %run_scoped3A_116 = tpu.sem_alloc : memref<!tpu.dma_semaphore, #tpu.memory_space<semaphore_mem>>
      %dma_start3A_117 = arith.constant 0 : i32
      %dma_start3A_118 = tpu.memref_slice %arg6[%run_scoped3A, %arg0, %mul3A_114, %dma_start3A_117] : memref<1x2x10240x80xf32, #tpu.memory_space<hbm>> -> memref<1x1x640x80xf32, #tpu.memory_space<hbm>>
      %dma_start3A_119 = tpu.memref_squeeze %dma_start3A_118 : memref<1x1x640x80xf32, #tpu.memory_space<hbm>> -> memref<640x80xf32, #tpu.memory_space<hbm>>
      %dma_start3A_120 = arith.constant 0 : i32
      %dma_start3A_121 = tpu.memref_slice %arg24[%mul3A_112, %dma_start3A_120] : memref<10240x80xf32, #tpu.memory_space<vmem_shared>> -> memref<640x80xf32, #tpu.memory_space<vmem_shared>>
      tpu.enqueue_dma source(%dma_start3A_121 : memref<640x80xf32, #tpu.memory_space<vmem_shared>>) target(%dma_start3A_119 : memref<640x80xf32, #tpu.memory_space<hbm>>) target_semaphore(%run_scoped3A_116 : memref<!tpu.dma_semaphore, #tpu.memory_space<semaphore_mem>>)
      %dma_wait3A_122 = arith.constant 0 : i32
      %dma_wait3A_123 = tpu.memref_slice %arg6[%run_scoped3A, %arg0, %mul3A_114, %dma_wait3A_122] : memref<1x2x10240x80xf32, #tpu.memory_space<hbm>> -> memref<1x1x640x80xf32, #tpu.memory_space<hbm>>
      %dma_wait3A_124 = tpu.memref_squeeze %dma_wait3A_123 : memref<1x1x640x80xf32, #tpu.memory_space<hbm>> -> memref<640x80xf32, #tpu.memory_space<hbm>>
      %dma_wait3A_125 = arith.constant 0 : i32
      %dma_wait3A_126 = tpu.memref_slice %arg24[%mul3A_112, %dma_wait3A_125] : memref<10240x80xf32, #tpu.memory_space<vmem_shared>> -> memref<640x80xf32, #tpu.memory_space<vmem_shared>>
      tpu.wait_dma2 semaphore(%run_scoped3A_116 : memref<!tpu.dma_semaphore, #tpu.memory_space<semaphore_mem>>) src(%dma_wait3A_126 : memref<640x80xf32, #tpu.memory_space<vmem_shared>>) dst(%dma_wait3A_124 : memref<640x80xf32, #tpu.memory_space<hbm>>)
      tpu.yield
    }) : () -> ()
    %barrier3A_115 = arith.constant 0 : index
    tpu.barrier barrier_id(%barrier3A_115)
    return
  }
}

module attributes {stable_mosaic.version = 14 : i64} {
  func.func @_mm1_body(%arg0: i32, %arg1: memref<1024x128xf32, #tpu.memory_space<vmem>>, %arg2: memref<128x256xf32, #tpu.memory_space<vmem>>, %arg3: memref<1x256xf32, #tpu.memory_space<vmem>>, %arg4: memref<1024x64xf32, #tpu.memory_space<vmem>>, %arg5: memref<1024x64xf32, #tpu.memory_space<vmem>>, %arg6: memref<1024x64xf32, #tpu.memory_space<vmem>>, %arg7: memref<1024x64xf32, #tpu.memory_space<vmem>>) attributes {dimension_semantics = [#tpu.dimension_semantics<arbitrary>], iteration_bounds = array<i64: 10>, scalar_prefetch = 0 : i64, scratch_operands = 0 : i64, tpu.core_type = #tpu.core_type<tc>, window_params = [{transform_indices = @transform_0, window_bounds = array<i64: 1024, 128>}, {pipeline_mode = #tpu.pipeline_mode<synchronous>, transform_indices = @transform_1, window_bounds = array<i64: 128, 256>}, {pipeline_mode = #tpu.pipeline_mode<synchronous>, transform_indices = @transform_2, window_bounds = array<i64: 1, 256>}, {transform_indices = @transform_3, window_bounds = array<i64: 1024, 64>}, {transform_indices = @transform_4, window_bounds = array<i64: 1024, 64>}, {transform_indices = @transform_5, window_bounds = array<i64: 1024, 64>}, {transform_indices = @transform_6, window_bounds = array<i64: 1024, 64>}]} {
    %get3A = arith.constant 0 : index
    %get3A_0 = arith.constant 0 : index
    %get3A_1 = vector.load %arg1[%get3A, %get3A_0] : memref<1024x128xf32, #tpu.memory_space<vmem>>, vector<1024x128xf32>
    %get3A_2 = arith.constant 0 : index
    %get3A_3 = arith.constant 0 : index
    %get3A_4 = vector.load %arg2[%get3A_2, %get3A_3] : memref<128x256xf32, #tpu.memory_space<vmem>>, vector<128x256xf32>
    %dot_general3A = arith.constant dense<0.000000e+00> : vector<1024x256xf32>
    %dot_general3A_5 = tpu.matmul %get3A_1, %get3A_4, %dot_general3A {dimension_numbers = #tpu.dot_dimension_numbers<[1], [0], [0], [1], [0, 0, 1, 1], [], []>, precision = #tpu.contract_precision<fp32>, transpose_lhs_hint = false} : vector<1024x128xf32>, vector<128x256xf32>, vector<1024x256xf32> -> vector<1024x256xf32>
    %get3A_6 = arith.constant 0 : index
    %get3A_7 = arith.constant 0 : index
    %get3A_8 = vector.load %arg3[%get3A_6, %get3A_7] : memref<1x256xf32, #tpu.memory_space<vmem>>, vector<1x256xf32>
    %add3A = vector.broadcast %get3A_8 : vector<1x256xf32> to vector<1024x256xf32>
    %add3A_9 = arith.addf %dot_general3A_5, %add3A : vector<1024x256xf32>
    %slice3A = vector.extract_strided_slice %add3A_9 {offsets = [0, 0], sizes = [1024, 64], strides = [1, 1]} : vector<1024x256xf32> to vector<1024x64xf32>
    %swap3A = arith.constant 0 : index
    %swap3A_10 = arith.constant 0 : index
    %swap3A_11 = vector.load %arg4[%swap3A, %swap3A_10] : memref<1024x64xf32, #tpu.memory_space<vmem>>, vector<1024x64xf32>
    tpu.vector_store %arg4[%swap3A, %swap3A_10], %slice3A {strides = array<i32>} : memref<1024x64xf32, #tpu.memory_space<vmem>>, vector<1024x64xf32>,
    %slice3A_12 = vector.extract_strided_slice %add3A_9 {offsets = [0, 64], sizes = [1024, 64], strides = [1, 1]} : vector<1024x256xf32> to vector<1024x64xf32>
    %swap3A_13 = arith.constant 0 : index
    %swap3A_14 = arith.constant 0 : index
    %swap3A_15 = vector.load %arg5[%swap3A_13, %swap3A_14] : memref<1024x64xf32, #tpu.memory_space<vmem>>, vector<1024x64xf32>
    tpu.vector_store %arg5[%swap3A_13, %swap3A_14], %slice3A_12 {strides = array<i32>} : memref<1024x64xf32, #tpu.memory_space<vmem>>, vector<1024x64xf32>,
    %slice3A_16 = vector.extract_strided_slice %add3A_9 {offsets = [0, 128], sizes = [1024, 64], strides = [1, 1]} : vector<1024x256xf32> to vector<1024x64xf32>
    %swap3A_17 = arith.constant 0 : index
    %swap3A_18 = arith.constant 0 : index
    %swap3A_19 = vector.load %arg6[%swap3A_17, %swap3A_18] : memref<1024x64xf32, #tpu.memory_space<vmem>>, vector<1024x64xf32>
    tpu.vector_store %arg6[%swap3A_17, %swap3A_18], %slice3A_16 {strides = array<i32>} : memref<1024x64xf32, #tpu.memory_space<vmem>>, vector<1024x64xf32>,
    %slice3A_20 = vector.extract_strided_slice %add3A_9 {offsets = [0, 192], sizes = [1024, 64], strides = [1, 1]} : vector<1024x256xf32> to vector<1024x64xf32>
    %swap3A_21 = arith.constant 0 : index
    %swap3A_22 = arith.constant 0 : index
    %swap3A_23 = vector.load %arg7[%swap3A_21, %swap3A_22] : memref<1024x64xf32, #tpu.memory_space<vmem>>, vector<1024x64xf32>
    tpu.vector_store %arg7[%swap3A_21, %swap3A_22], %slice3A_20 {strides = array<i32>} : memref<1024x64xf32, #tpu.memory_space<vmem>>, vector<1024x64xf32>,
    return
  }
  func.func @transform_0(%arg0: i32) -> (i32, i32) {
    %c0_i32 = arith.constant 0 : i32
    %c0_i32_0 = arith.constant 0 : i32
    return %arg0, %c0_i32 : i32, i32
  }
  func.func @transform_1(%arg0: i32) -> (i32, i32) {
    %c0_i32 = arith.constant 0 : i32
    %c0_i32_0 = arith.constant 0 : i32
    %c0_i32_1 = arith.constant 0 : i32
    return %c0_i32, %c0_i32_0 : i32, i32
  }
  func.func @transform_2(%arg0: i32) -> (i32, i32) {
    %c0_i32 = arith.constant 0 : i32
    %c0_i32_0 = arith.constant 0 : i32
    %c0_i32_1 = arith.constant 0 : i32
    return %c0_i32, %c0_i32_0 : i32, i32
  }
  func.func @transform_3(%arg0: i32) -> (i32, i32) {
    %c0_i32 = arith.constant 0 : i32
    %c0_i32_0 = arith.constant 0 : i32
    return %arg0, %c0_i32 : i32, i32
  }
  func.func @transform_4(%arg0: i32) -> (i32, i32) {
    %c0_i32 = arith.constant 0 : i32
    %c0_i32_0 = arith.constant 0 : i32
    return %arg0, %c0_i32 : i32, i32
  }
  func.func @transform_5(%arg0: i32) -> (i32, i32) {
    %c0_i32 = arith.constant 0 : i32
    %c0_i32_0 = arith.constant 0 : i32
    return %arg0, %c0_i32 : i32, i32
  }
  func.func @transform_6(%arg0: i32) -> (i32, i32) {
    %c0_i32 = arith.constant 0 : i32
    %c0_i32_0 = arith.constant 0 : i32
    return %arg0, %c0_i32 : i32, i32
  }
}

module attributes {stable_mosaic.version = 14 : i64} {
  func.func @_mid_body(%arg0: i32, %arg1: memref<2x2x1024x80xf32, #tpu.memory_space<vmem>>, %arg2: memref<4x64xf32, #tpu.memory_space<vmem>>, %arg3: memref<1x128xf32, #tpu.memory_space<vmem>>, %arg4: memref<128x128xf32, #tpu.memory_space<vmem>>, %arg5: memref<1x128xf32, #tpu.memory_space<vmem>>, %arg6: memref<1024x64xf32, #tpu.memory_space<vmem>>, %arg7: memref<1024x64xf32, #tpu.memory_space<vmem>>) attributes {dimension_semantics = [#tpu.dimension_semantics<arbitrary>], iteration_bounds = array<i64: 10>, scalar_prefetch = 0 : i64, scratch_operands = 0 : i64, tpu.core_type = #tpu.core_type<tc>, window_params = [{transform_indices = @transform_0, window_bounds = array<i64: 2, 2, 1024, 80>}, {pipeline_mode = #tpu.pipeline_mode<synchronous>, transform_indices = @transform_1, window_bounds = array<i64: 4, 64>}, {pipeline_mode = #tpu.pipeline_mode<synchronous>, transform_indices = @transform_2, window_bounds = array<i64: 1, 128>}, {pipeline_mode = #tpu.pipeline_mode<synchronous>, transform_indices = @transform_3, window_bounds = array<i64: 128, 128>}, {pipeline_mode = #tpu.pipeline_mode<synchronous>, transform_indices = @transform_4, window_bounds = array<i64: 1, 128>}, {transform_indices = @transform_5, window_bounds = array<i64: 1024, 64>}, {transform_indices = @transform_6, window_bounds = array<i64: 1024, 64>}]} {
    %get3A = arith.constant 0 : index
    %get3A_0 = arith.constant 0 : index
    %get3A_1 = arith.constant 0 : index
    %get3A_2 = arith.constant 0 : index
    %get3A_3 = vector.load %arg1[%get3A, %get3A_0, %get3A_1, %get3A_2] : memref<2x2x1024x80xf32, #tpu.memory_space<vmem>>, vector<1x1x1024x80xf32>
    %get3A_4 = vector.shape_cast %get3A_3 : vector<1x1x1024x80xf32> to vector<1024x80xf32>
    %get3A_5 = arith.constant 0 : index
    %get3A_6 = arith.constant 1 : index
    %get3A_7 = arith.constant 0 : index
    %get3A_8 = arith.constant 0 : index
    %get3A_9 = vector.load %arg1[%get3A_5, %get3A_6, %get3A_7, %get3A_8] : memref<2x2x1024x80xf32, #tpu.memory_space<vmem>>, vector<1x1x1024x80xf32>
    %get3A_10 = vector.shape_cast %get3A_9 : vector<1x1x1024x80xf32> to vector<1024x80xf32>
    %add3A = arith.addf %get3A_4, %get3A_10 : vector<1024x80xf32>
    %slice3A = vector.extract_strided_slice %add3A {offsets = [0, 0], sizes = [1024, 64], strides = [1, 1]} : vector<1024x80xf32> to vector<1024x64xf32>
    %slice3A_11 = vector.extract_strided_slice %add3A {offsets = [0, 64], sizes = [1024, 4], strides = [1, 1]} : vector<1024x80xf32> to vector<1024x4xf32>
    %add3A_12 = arith.constant 1.000000e-16 : f32
    %add3A_13 = vector.broadcast %add3A_12 : f32 to vector<1024x4xf32>
    %add3A_14 = arith.addf %slice3A_11, %add3A_13 : vector<1024x4xf32>
    %div3A = arith.constant 1.000000e+00 : f32
    %div3A_15 = vector.broadcast %div3A : f32 to vector<1024x4xf32>
    %div3A_16 = arith.divf %div3A_15, %add3A_14 : vector<1024x4xf32>
    %get3A_17 = arith.constant 0 : index
    %get3A_18 = arith.constant 0 : index
    %get3A_19 = vector.load %arg2[%get3A_17, %get3A_18] : memref<4x64xf32, #tpu.memory_space<vmem>>, vector<4x64xf32>
    %dot_general3A = arith.constant dense<0.000000e+00> : vector<1024x64xf32>
    %dot_general3A_20 = tpu.matmul %div3A_16, %get3A_19, %dot_general3A {dimension_numbers = #tpu.dot_dimension_numbers<[1], [0], [0], [1], [0, 0, 1, 1], [], []>, precision = #tpu.contract_precision<fp32>, transpose_lhs_hint = false} : vector<1024x4xf32>, vector<4x64xf32>, vector<1024x64xf32> -> vector<1024x64xf32>
    %mul3A = arith.mulf %slice3A, %dot_general3A_20 : vector<1024x64xf32>
    %get3A_21 = arith.constant 1 : index
    %get3A_22 = arith.constant 0 : index
    %get3A_23 = arith.constant 0 : index
    %get3A_24 = arith.constant 0 : index
    %get3A_25 = vector.load %arg1[%get3A_21, %get3A_22, %get3A_23, %get3A_24] : memref<2x2x1024x80xf32, #tpu.memory_space<vmem>>, vector<1x1x1024x80xf32>
    %get3A_26 = vector.shape_cast %get3A_25 : vector<1x1x1024x80xf32> to vector<1024x80xf32>
    %get3A_27 = arith.constant 1 : index
    %get3A_28 = arith.constant 1 : index
    %get3A_29 = arith.constant 0 : index
    %get3A_30 = arith.constant 0 : index
    %get3A_31 = vector.load %arg1[%get3A_27, %get3A_28, %get3A_29, %get3A_30] : memref<2x2x1024x80xf32, #tpu.memory_space<vmem>>, vector<1x1x1024x80xf32>
    %get3A_32 = vector.shape_cast %get3A_31 : vector<1x1x1024x80xf32> to vector<1024x80xf32>
    %add3A_33 = arith.addf %get3A_26, %get3A_32 : vector<1024x80xf32>
    %slice3A_34 = vector.extract_strided_slice %add3A_33 {offsets = [0, 0], sizes = [1024, 64], strides = [1, 1]} : vector<1024x80xf32> to vector<1024x64xf32>
    %slice3A_35 = vector.extract_strided_slice %add3A_33 {offsets = [0, 64], sizes = [1024, 4], strides = [1, 1]} : vector<1024x80xf32> to vector<1024x4xf32>
    %add3A_36 = arith.constant 1.000000e-16 : f32
    %add3A_37 = vector.broadcast %add3A_36 : f32 to vector<1024x4xf32>
    %add3A_38 = arith.addf %slice3A_35, %add3A_37 : vector<1024x4xf32>
    %div3A_39 = arith.constant 1.000000e+00 : f32
    %div3A_40 = vector.broadcast %div3A_39 : f32 to vector<1024x4xf32>
    %div3A_41 = arith.divf %div3A_40, %add3A_38 : vector<1024x4xf32>
    %get3A_42 = arith.constant 0 : index
    %get3A_43 = arith.constant 0 : index
    %get3A_44 = vector.load %arg2[%get3A_42, %get3A_43] : memref<4x64xf32, #tpu.memory_space<vmem>>, vector<4x64xf32>
    %dot_general3A_45 = arith.constant dense<0.000000e+00> : vector<1024x64xf32>
    %dot_general3A_46 = tpu.matmul %div3A_41, %get3A_44, %dot_general3A_45 {dimension_numbers = #tpu.dot_dimension_numbers<[1], [0], [0], [1], [0, 0, 1, 1], [], []>, precision = #tpu.contract_precision<fp32>, transpose_lhs_hint = false} : vector<1024x4xf32>, vector<4x64xf32>, vector<1024x64xf32> -> vector<1024x64xf32>
    %mul3A_47 = arith.mulf %slice3A_34, %dot_general3A_46 : vector<1024x64xf32>
    %concatenate3A = tpu.concatenate %mul3A, %mul3A_47 in 1 : vector<1024x64xf32>, vector<1024x64xf32> -> vector<1024x128xf32>
    %get3A_48 = arith.constant 0 : index
    %get3A_49 = arith.constant 0 : index
    %get3A_50 = vector.load %arg3[%get3A_48, %get3A_49] : memref<1x128xf32, #tpu.memory_space<vmem>>, vector<1x128xf32>
    %add3A_51 = vector.broadcast %get3A_50 : vector<1x128xf32> to vector<1024x128xf32>
    %add3A_52 = arith.addf %concatenate3A, %add3A_51 : vector<1024x128xf32>
    %gt3A = arith.constant 0.000000e+00 : f32
    %gt3A_53 = vector.broadcast %gt3A : f32 to vector<1024x128xf32>
    %gt3A_54 = arith.cmpf ogt, %add3A_52, %gt3A_53 : vector<1024x128xf32>
    %min3A = arith.constant 0.000000e+00 : f32
    %min3A_55 = vector.broadcast %min3A : f32 to vector<1024x128xf32>
    %min3A_56 = arith.minimumf %add3A_52, %min3A_55 : vector<1024x128xf32>
    %exp3A = math.exp %min3A_56 : vector<1024x128xf32>
    %sub3A = arith.constant 1.000000e+00 : f32
    %sub3A_57 = vector.broadcast %sub3A : f32 to vector<1024x128xf32>
    %sub3A_58 = arith.subf %exp3A, %sub3A_57 : vector<1024x128xf32>
    %select_n3A = arith.select %gt3A_54, %add3A_52, %sub3A_58 : vector<1024x128xi1>, vector<1024x128xf32>
    %get3A_59 = arith.constant 0 : index
    %get3A_60 = arith.constant 0 : index
    %get3A_61 = vector.load %arg4[%get3A_59, %get3A_60] : memref<128x128xf32, #tpu.memory_space<vmem>>, vector<128x128xf32>
    %dot_general3A_62 = arith.constant dense<0.000000e+00> : vector<1024x128xf32>
    %dot_general3A_63 = tpu.matmul %select_n3A, %get3A_61, %dot_general3A_62 {dimension_numbers = #tpu.dot_dimension_numbers<[1], [0], [0], [1], [0, 0, 1, 1], [], []>, precision = #tpu.contract_precision<fp32>, transpose_lhs_hint = false} : vector<1024x128xf32>, vector<128x128xf32>, vector<1024x128xf32> -> vector<1024x128xf32>
    %get3A_64 = arith.constant 0 : index
    %get3A_65 = arith.constant 0 : index
    %get3A_66 = vector.load %arg5[%get3A_64, %get3A_65] : memref<1x128xf32, #tpu.memory_space<vmem>>, vector<1x128xf32>
    %add3A_67 = vector.broadcast %get3A_66 : vector<1x128xf32> to vector<1024x128xf32>
    %add3A_68 = arith.addf %dot_general3A_63, %add3A_67 : vector<1024x128xf32>
    %slice3A_69 = vector.extract_strided_slice %add3A_68 {offsets = [0, 0], sizes = [1024, 64], strides = [1, 1]} : vector<1024x128xf32> to vector<1024x64xf32>
    %swap3A = arith.constant 0 : index
    %swap3A_70 = arith.constant 0 : index
    %swap3A_71 = vector.load %arg6[%swap3A, %swap3A_70] : memref<1024x64xf32, #tpu.memory_space<vmem>>, vector<1024x64xf32>
    tpu.vector_store %arg6[%swap3A, %swap3A_70], %slice3A_69 {strides = array<i32>} : memref<1024x64xf32, #tpu.memory_space<vmem>>, vector<1024x64xf32>,
    %slice3A_72 = vector.extract_strided_slice %add3A_68 {offsets = [0, 64], sizes = [1024, 64], strides = [1, 1]} : vector<1024x128xf32> to vector<1024x64xf32>
    %swap3A_73 = arith.constant 0 : index
    %swap3A_74 = arith.constant 0 : index
    %swap3A_75 = vector.load %arg7[%swap3A_73, %swap3A_74] : memref<1024x64xf32, #tpu.memory_space<vmem>>, vector<1024x64xf32>
    tpu.vector_store %arg7[%swap3A_73, %swap3A_74], %slice3A_72 {strides = array<i32>} : memref<1024x64xf32, #tpu.memory_space<vmem>>, vector<1024x64xf32>,
    return
  }
  func.func @transform_0(%arg0: i32) -> (i32, i32, i32, i32) {
    %c0_i32 = arith.constant 0 : i32
    %c0_i32_0 = arith.constant 0 : i32
    %c0_i32_1 = arith.constant 0 : i32
    %c0_i32_2 = arith.constant 0 : i32
    return %c0_i32, %c0_i32_0, %arg0, %c0_i32_1 : i32, i32, i32, i32
  }
  func.func @transform_1(%arg0: i32) -> (i32, i32) {
    %c0_i32 = arith.constant 0 : i32
    %c0_i32_0 = arith.constant 0 : i32
    %c0_i32_1 = arith.constant 0 : i32
    return %c0_i32, %c0_i32_0 : i32, i32
  }
  func.func @transform_2(%arg0: i32) -> (i32, i32) {
    %c0_i32 = arith.constant 0 : i32
    %c0_i32_0 = arith.constant 0 : i32
    %c0_i32_1 = arith.constant 0 : i32
    return %c0_i32, %c0_i32_0 : i32, i32
  }
  func.func @transform_3(%arg0: i32) -> (i32, i32) {
    %c0_i32 = arith.constant 0 : i32
    %c0_i32_0 = arith.constant 0 : i32
    %c0_i32_1 = arith.constant 0 : i32
    return %c0_i32, %c0_i32_0 : i32, i32
  }
  func.func @transform_4(%arg0: i32) -> (i32, i32) {
    %c0_i32 = arith.constant 0 : i32
    %c0_i32_0 = arith.constant 0 : i32
    %c0_i32_1 = arith.constant 0 : i32
    return %c0_i32, %c0_i32_0 : i32, i32
  }
  func.func @transform_5(%arg0: i32) -> (i32, i32) {
    %c0_i32 = arith.constant 0 : i32
    %c0_i32_0 = arith.constant 0 : i32
    return %arg0, %c0_i32 : i32, i32
  }
  func.func @transform_6(%arg0: i32) -> (i32, i32) {
    %c0_i32 = arith.constant 0 : i32
    %c0_i32_0 = arith.constant 0 : i32
    return %arg0, %c0_i32 : i32, i32
  }
}

module attributes {stable_mosaic.version = 14 : i64} {
  func.func @_final_body(%arg0: i32, %arg1: memref<1x2x1024x80xf32, #tpu.memory_space<vmem>>, %arg2: memref<1x64xf32, #tpu.memory_space<vmem>>, %arg3: memref<1024x64xf32, #tpu.memory_space<vmem>>) attributes {dimension_semantics = [#tpu.dimension_semantics<arbitrary>], iteration_bounds = array<i64: 10>, scalar_prefetch = 0 : i64, scratch_operands = 0 : i64, tpu.core_type = #tpu.core_type<tc>, window_params = [{transform_indices = @transform_0, window_bounds = array<i64: 1, 2, 1024, 80>}, {pipeline_mode = #tpu.pipeline_mode<synchronous>, transform_indices = @transform_1, window_bounds = array<i64: 1, 64>}, {transform_indices = @transform_2, window_bounds = array<i64: 1024, 64>}]} {
    %get3A = arith.constant 0 : index
    %get3A_0 = arith.constant 0 : index
    %get3A_1 = arith.constant 0 : index
    %get3A_2 = arith.constant 0 : index
    %get3A_3 = vector.load %arg1[%get3A, %get3A_0, %get3A_1, %get3A_2] : memref<1x2x1024x80xf32, #tpu.memory_space<vmem>>, vector<1x1x1024x80xf32>
    %get3A_4 = vector.shape_cast %get3A_3 : vector<1x1x1024x80xf32> to vector<1024x80xf32>
    %get3A_5 = arith.constant 0 : index
    %get3A_6 = arith.constant 1 : index
    %get3A_7 = arith.constant 0 : index
    %get3A_8 = arith.constant 0 : index
    %get3A_9 = vector.load %arg1[%get3A_5, %get3A_6, %get3A_7, %get3A_8] : memref<1x2x1024x80xf32, #tpu.memory_space<vmem>>, vector<1x1x1024x80xf32>
    %get3A_10 = vector.shape_cast %get3A_9 : vector<1x1x1024x80xf32> to vector<1024x80xf32>
    %add3A = arith.addf %get3A_4, %get3A_10 : vector<1024x80xf32>
    %slice3A = vector.extract_strided_slice %add3A {offsets = [0, 0], sizes = [1024, 64], strides = [1, 1]} : vector<1024x80xf32> to vector<1024x64xf32>
    %slice3A_11 = vector.extract_strided_slice %add3A {offsets = [0, 64], sizes = [1024, 1], strides = [1, 1]} : vector<1024x80xf32> to vector<1024x1xf32>
    %add3A_12 = arith.constant 1.000000e-16 : f32
    %add3A_13 = vector.broadcast %add3A_12 : f32 to vector<1024x1xf32>
    %add3A_14 = arith.addf %slice3A_11, %add3A_13 : vector<1024x1xf32>
    %div3A = vector.broadcast %add3A_14 : vector<1024x1xf32> to vector<1024x64xf32>
    %div3A_15 = arith.divf %slice3A, %div3A : vector<1024x64xf32>
    %get3A_16 = arith.constant 0 : index
    %get3A_17 = arith.constant 0 : index
    %get3A_18 = vector.load %arg2[%get3A_16, %get3A_17] : memref<1x64xf32, #tpu.memory_space<vmem>>, vector<1x64xf32>
    %add3A_19 = vector.broadcast %get3A_18 : vector<1x64xf32> to vector<1024x64xf32>
    %add3A_20 = arith.addf %div3A_15, %add3A_19 : vector<1024x64xf32>
    %reduce_max3A = arith.constant dense<0xFF800000> : vector<1024xf32>
    %reduce_max3A_21 = vector.multi_reduction <maximumf>, %add3A_20, %reduce_max3A [1] : vector<1024x64xf32> to vector<1024xf32>
    %broadcast_in_dim3A = vector.shape_cast %reduce_max3A_21 : vector<1024xf32> to vector<1024x1xf32>
    %sub3A = vector.broadcast %broadcast_in_dim3A : vector<1024x1xf32> to vector<1024x64xf32>
    %sub3A_22 = arith.subf %add3A_20, %sub3A : vector<1024x64xf32>
    %exp3A = math.exp %sub3A_22 : vector<1024x64xf32>
    %reduce_sum3A = arith.constant dense<0.000000e+00> : vector<1024xf32>
    %reduce_sum3A_23 = vector.multi_reduction <add>, %exp3A, %reduce_sum3A [1] : vector<1024x64xf32> to vector<1024xf32>
    %broadcast_in_dim3A_24 = vector.shape_cast %reduce_sum3A_23 : vector<1024xf32> to vector<1024x1xf32>
    %log3A = math.log %broadcast_in_dim3A_24 : vector<1024x1xf32>
    %add3A_25 = arith.addf %broadcast_in_dim3A, %log3A : vector<1024x1xf32>
    %sub3A_26 = vector.broadcast %add3A_25 : vector<1024x1xf32> to vector<1024x64xf32>
    %sub3A_27 = arith.subf %add3A_20, %sub3A_26 : vector<1024x64xf32>
    %swap3A = arith.constant 0 : index
    %swap3A_28 = arith.constant 0 : index
    %swap3A_29 = vector.load %arg3[%swap3A, %swap3A_28] : memref<1024x64xf32, #tpu.memory_space<vmem>>, vector<1024x64xf32>
    tpu.vector_store %arg3[%swap3A, %swap3A_28], %sub3A_27 {strides = array<i32>} : memref<1024x64xf32, #tpu.memory_space<vmem>>, vector<1024x64xf32>,
    return
  }
  func.func @transform_0(%arg0: i32) -> (i32, i32, i32, i32) {
    %c0_i32 = arith.constant 0 : i32
    %c0_i32_0 = arith.constant 0 : i32
    %c0_i32_1 = arith.constant 0 : i32
    %c0_i32_2 = arith.constant 0 : i32
    return %c0_i32, %c0_i32_0, %arg0, %c0_i32_1 : i32, i32, i32, i32
  }
  func.func @transform_1(%arg0: i32) -> (i32, i32) {
    %c0_i32 = arith.constant 0 : i32
    %c0_i32_0 = arith.constant 0 : i32
    %c0_i32_1 = arith.constant 0 : i32
    return %c0_i32, %c0_i32_0 : i32, i32
  }
  func.func @transform_2(%arg0: i32) -> (i32, i32) {
    %c0_i32 = arith.constant 0 : i32
    %c0_i32_0 = arith.constant 0 : i32
    return %arg0, %c0_i32 : i32, i32
  }
}

</mosaic_0001>

<sc_bundles>
// kernel: kernel.10.cloned.1.call-start
scs
__scs_entry_jumppad:
0x0: {  	(pc) =	sbr.rel $0x88, $3  }
0x1: {  	(tag) =	ssettag $0x0;
	lr =	simm.s32 $0x1  }
0x2: {  	[smem:$0x3F93] =	sst lr;
	_ =	strace $0xD0000000  }
0x3: {  	_ = 	snop  }
0x4: {  	_ = 	snop  }
0x5: {  	_ = 	snop  }
0x6: {  	_ = 	snop  }
0x7: {  	_ = 	snop  }
__scs_overlays_trampoline_lowered:
0x8: {  	[smem:$0x3FA2] =	sst s0  }
0x9: {  	[smem:$0x3FA3] =	sst s1  }
0xa: {  	[smem:$0x3FA4] =	sst s2  }
0xb: {  	[smem:$0x3FA5] =	sst s3  }
0xc: {  	[smem:$0x3FA6] =	sst s4  }
0xd: {  	[smem:$0x3FA7] =	sst s5  }
0xe: {  	[smem:$0x3FA8] =	sst s6  }
0xf: {  	[smem:$0x3FA9] =	sst s7  }
0x10: {  	[smem:$0x3FAA] =	sst s8  }
0x11: {  	[smem:$0x3FAB] =	sst s9;
	s0 =	simm.s32 @!p0 $0x0  }
0x12: {  	s1 =	sld [smem:$0x3F91];
	s0 =	simm.s32 @p0 $0x1  }
0x13: {  	[smem:$0x3FAC] =	sst s0;
	s0 =	simm.s32 @!p1 $0x0  }
0x14: {  	s2 =	sld [smem:$0x3F90];
	s0 =	simm.s32 @p1 $0x1  }
0x15: {  	[smem:$0x3FAD] =	sst s0;
	s0 =	simm.s32 @!p2 $0x0  }
0x16: {  	s3 =	sld [smem:$0x3FDB];
	s0 =	simm.s32 @p2 $0x1  }
0x17: {  	s4 =	simm.s32 $0x1BF5;
	[smem:$0x3FAF] =	sst s0  }
0x18: {  	s0 =	sld [smem:$0x3F92];
	_ =	swait.ge [sflag:s4], $0x0  }
0x19: {  	s7 =	sld [smem:$0x3F93]  }
0x1a: {  	s8 =	sadd.s32 $0xFFFFE003, lr  }
0x1b: {  	s9 =	sadd.s32 $0xFFFFFEF7, lr;
	s5 =	simm.s32 $0xFFFFFFFF;
	p2 =	slt.u32 s8, $0xFFFFF086  }
0x1c: {  	p1 =	slt.u32 s9, $0xF7A;
	s5 =	simm.s32 @!p2 $0x0  }
0x1d: {  	s5 =	simm.s32 @p1 $0x1;
	p0 =	seq.s32 s7, s2  }
0x1e: {  	s7 =	smul.u32 @!p0 $0xF7A, s2;
	p2 =	seq.s32 @!p0 s5, $0x0  }
0x1f: {  	s9 =	smul.u32 $0xF7A, s1;
	s8 =	simm.s32 @!p0 $0x1BF5;
	p2 =	por !p2, p0  }
0x20: {  	[sflag:s8] =	ssyncset.s32 @!p0 $0xFFFFF086;
	s6 =	sadd.s32 @!p0 s3, s7;
	s7 =	simm.s32 @!p0 $0x108  }
0x21: {  	s3 =	sadd.s32 s3, s9;
	s6 =	sadd.s32 @!p0 $0x88, s6;
	s7 =	simm.s32 @p2 $0x1082  }
0x22: {  	[simem:s7], [sflag:s8] =	dma.local @!p0 [hbm:s6], $0xF7A  }
0x23: {  	s9 =	sor.u32 $0xD0000000, s2;
	s6 =	simm.s32 $0x108;
	_ =	swait.ge @!p0 [sflag:s8], $0x0  }
0x24: {  	s3 =	sadd.s32 $0x88, s3;
	s6 =	simm.s32 @!p1 $0x1082;
	[sflag:s4] =	ssyncset.s32 $0xFFFFF086  }
0x25: {  	[simem:s6], [sflag:s4] =	dma.local [hbm:s3], $0xF7A  }
0x26: {  	[smem:$0x3F93] =	sst s1;
	(tag) =	ssettag s2;
	_ =	strace s9  }
0x27: {  	s1 =	sld [smem:$0x3FA3]  }
0x28: {  	s2 =	sld [smem:$0x3FA4]  }
0x29: {  	s4 =	sld [smem:$0x3FA6]  }
0x2a: {  	p0 =	seq.s32 s5, $0x0;
	s5 =	sld [smem:$0x3FA7]  }
0x2b: {  	s6 =	sld [smem:$0x3FA8]  }
0x2c: {  	s7 =	sld [smem:$0x3FA9]  }
0x2d: {  	s3 =	simm.s32 $0x108;
	s8 =	sld [smem:$0x3FAA]  }
0x2e: {  	s3 =	simm.s32 @!p0 $0x1082;
	s9 =	sld [smem:$0x3FAB]  }
0x2f: {  	lr =	sadd.s32 s0, s3;
	s0 =	sld [smem:$0x3FA2]  }
0x30: {  	s3 =	sld [smem:$0x3FA5]  }
0x31: {  	[smem:$0x3FAE] =	sst s10  }
0x32: {  	s10 =	sld [smem:$0x3FAC];
	_ =	sdelay $0x3  }
0x33: {  	p0 =	seq.s32 s10, $0x1;
	s10 =	sld [smem:$0x3FAE];
	_ =	sdelay $0x3  }
0x34: {  	[smem:$0x3FAE] =	sst s10  }
0x35: {  	s10 =	sld [smem:$0x3FAD];
	_ =	sdelay $0x3  }
0x36: {  	p1 =	seq.s32 s10, $0x1;
	s10 =	sld [smem:$0x3FAE];
	_ =	sdelay $0x3  }
0x37: {  	[smem:$0x3FAE] =	sst s10  }
0x38: {  	s10 =	sld [smem:$0x3FAF]  }
0x39: {  	_ = 	snop;
	(pc) =	sbr.ind lr, $3  }
0x3a: {  	_ = 	snop  }
0x3b: {  	_ = 	snop  }
0x3c: {  	p2 =	seq.s32 s10, $0x1;
	s10 =	sld [smem:$0x3FAE]  }
0x3d: {  	_ =	shalt  }
0x3e: {  	_ =	shalt  }
0x3f: {  	_ =	shalt  }
0x40: {  	_ =	shalt  }
0x41: {  	_ =	shalt  }
0x42: {  	_ =	shalt  }
0x43: {  	_ =	shalt  }
0x44: {  	_ =	shalt  }
0x45: {  	_ =	shalt  }
0x46: {  	_ =	shalt  }
0x47: {  	_ =	shalt  }
0x48: {  	_ =	shalt  }
0x49: {  	_ =	shalt  }
0x4a: {  	_ =	shalt  }
0x4b: {  	_ =	shalt  }
0x4c: {  	_ =	shalt  }
0x4d: {  	_ =	shalt  }
0x4e: {  	_ =	shalt  }
0x4f: {  	_ =	shalt  }
0x50: {  	_ =	shalt  }
0x51: {  	_ =	shalt  }
0x52: {  	_ =	shalt  }
0x53: {  	_ =	shalt  }
0x54: {  	_ =	shalt  }
0x55: {  	_ =	shalt  }
0x56: {  	_ =	shalt  }
0x57: {  	_ =	shalt  }
0x58: {  	_ =	shalt  }
0x59: {  	_ =	shalt  }
0x5a: {  	_ =	shalt  }
0x5b: {  	_ =	shalt  }
0x5c: {  	_ =	shalt  }
0x5d: {  	_ =	shalt  }
0x5e: {  	_ =	shalt  }
0x5f: {  	_ =	shalt  }
0x60: {  	_ =	shalt  }
0x61: {  	_ =	shalt  }
0x62: {  	_ =	shalt  }
0x63: {  	_ =	shalt  }
0x64: {  	_ =	shalt  }
0x65: {  	_ =	shalt  }
0x66: {  	_ =	shalt  }
0x67: {  	_ =	shalt  }
0x68: {  	_ =	shalt  }
0x69: {  	_ =	shalt  }
0x6a: {  	_ =	shalt  }
0x6b: {  	_ =	shalt  }
0x6c: {  	_ =	shalt  }
0x6d: {  	_ =	shalt  }
0x6e: {  	_ =	shalt  }
0x6f: {  	_ =	shalt  }
0x70: {  	_ =	shalt  }
0x71: {  	_ =	shalt  }
0x72: {  	_ =	shalt  }
0x73: {  	_ =	shalt  }
0x74: {  	_ =	shalt  }
0x75: {  	_ =	shalt  }
0x76: {  	_ =	shalt  }
0x77: {  	_ =	shalt  }
0x78: {  	_ =	shalt  }
0x79: {  	_ =	shalt  }
0x7a: {  	_ =	shalt  }
0x7b: {  	_ =	shalt  }
0x7c: {  	_ =	shalt  }
0x7d: {  	_ =	shalt  }
0x7e: {  	_ =	shalt  }
0x7f: {  	_ =	shalt  }
0x80: {  	_ =	shalt  }
0x81: {  	_ =	shalt  }
0x82: {  	_ =	shalt  }
0x83: {  	_ =	shalt  }
0x84: {  	_ =	shalt  }
0x85: {  	_ =	shalt  }
0x86: {  	_ =	shalt  }
0x87: {  	_ =	shalt  }
.Lfunc_end0:
.L_simem_size_0:
called_computation.1_lowered:
.L_overlay_start_0:
0x88: {  	s2 =	sld [smem:$0x3FD9]  }
0x89: {  	s3 =	sld [smem:$0x3FFE];
	_ =	sdelay $0x1  }
0x8a: {  	s1 =	srdreg.scid  }
0x8b: {  	s0 =	sand.u32 $0x1, s1  }
0x8c: {  	s17 =	sshll.u32 s0, $0xA;
	s2 =	sadd.s32 s3, s2  }
0x8d: {  	s2 =	sadd.s32 s2, s17  }
0x8e: {  	[smem:$0x3FBA] =	sst s2  }
0x8f: {  	_ = 	snop  }
0x90: {  	s2 =	sld [smem:$0x3FBD];
	(tm) =	ssettm $0x1  }
0x91: {  	s18 =	sld [smem:$0x3FFB];
	_ =	sdelay $0x3  }
0x92: {  	_ =	strace s18  }
0x93: {  	s3 =	sld [smem:$0x3FFC];
	_ =	sdelay $0x3  }
0x94: {  	_ =	strace s3  }
0x95: {  	s3 =	sld [smem:$0x3FFD];
	_ =	sdelay $0x3  }
0x96: {  	_ =	strace s3  }
0x97: {  	_ =	strace $0x8FFFFFFF  }
0x98: {  	s19 =	sld [smem:$0x3FDB];
	_ =	sdelay $0x1  }
0x99: {  	s4 =	simm.s32 $_scs_section_size  }
0x9a: {  	s5 =	simm.s32 $_size__tile_overlayer_lowered;
	s6 =	simm.s32 $_tile_overlayer_lowered  }
0x9b: {  	s22 =	simm.s32 $0x1BFF;
	s21 =	sshll.u32 s6, $0x1;
	s3 =	sadd.s32 s4, s19  }
0x9c: {  	s7 =	simm.s32 $0x0;
	s20 =	sshll.u32 s5, $0x1;
	s5 =	sadd.s32 s21, s3  }
0x9d: {  	[timem:s7], [sflag:s22] =	dma.local [hbm:s5], s20  }
0x9e: {  	_ =	swait.ge [sflag:s22], s20  }
0x9f: {  	s4 =	ssub.s32 $0x0, s20;
	[sflag:s22] =	ssyncset.done $0x0  }
0xa0: {  	[sflag:s22] =	ssyncadd.s32 s4;
	_ =	sdelay $0x1  }
0xa1: {  	s23 =	simm.s32 $0x1B8B  }
0xa2: {  	_ =	swait.ge [sflag:s23], $0x1  }
0xa3: {  	[sflag:s23] =	ssyncset.done $0x0  }
0xa4: {  	s25 =	simm.s32 $0x1B8E;
	s24 =	sld [smem:$0x3FFE];
	[sflag:s23] =	ssyncadd.s32 $0xFFFFFFFF  }
0xa5: {  	s26 =	simm.s32 $execute0_lowered;
	[smem:$0x3FD2] =	sst s25  }
0xa6: {  	s5 =	sshll.u32 s26, $0x1;
	_ =	strace $0x80000049;
	[dreg:$0x1] =	wrdreg $0xFFFFFFFF  }
0xa7: {  	s28 =	simm.s32 $_size_execute0_lowered;
	s3 =	sadd.s32 s3, s5;
	[dreg:$0x0] =	wrdreg $0x0  }
0xa8: {  	s5 =	sshll.u32 s28, $0x1;
	[dreg:$0x2] =	wrdreg s3  }
0xa9: {  	[dreg:$0x3] =	wrdreg s5  }
0xaa: {  	[dreg:$0x4] =	wrdreg $0xC0  }
0xab: {  	_ =	task [dreg:s7], $0x5FFFF  }
0xac: {  	[dreg:$0x1] =	wrdreg $0xFFFFFFFF  }
0xad: {  	[dreg:$0x0] =	wrdreg $0x60  }
0xae: {  	[dreg:$0x2] =	wrdreg s24  }
0xaf: {  	[dreg:$0x3] =	wrdreg s2  }
0xb0: {  	[dreg:$0x4] =	wrdreg $0xD3400  }
0xb1: {  	[dreg:$0x5] =	wrdreg $0x9  }
0xb2: {  	_ =	task.clear_ibuf [dreg:s7], $0x6FFFF;
	_ =	strace $0x90000049  }
0xb3: {  	s29 =	simm.s32 $0x9;
	_ =	strace $0x8000004B  }
0xb4: {  	_ =	swait.ge [sflag:s29], $0x1  }
0xb5: {  	[sflag:s29] =	ssyncadd.s32 $0xFFFFFFFF  }
0xb6: {  	_ =	strace $0x9000004B  }
0xb7: {  	_ =	sfence  }
0xb8: {  	s30 =	sld [smem:$0x0];
	_ =	sdelay $0x2  }
0xb9: {  	s31 =	sshll.u32 s1, $0xD;
	s1 =	sshrl.u32 s1, $0x2  }
0xba: {  	s3 =	sand.u32 $0x4000, s31;
	s1 =	sadd.s32 s1, s30  }
0xbb: {  	s0 =	sor.u32 s3, s0;
	s1 =	sshll.u32 s1, $0x11  }
0xbc: {  	s0 =	sor.u32 s1, s0  }
0xbd: {  	s0 =	sadd.s32 $0x8F2B, s0  }
0xbe: {  	[sflag:s0] =	ssyncadd.remote.s32 $0x1  }
0xbf: {  	_ =	sfence.sel $0xFFFF  }
0xc0: {  	[dreg:$0x0] =	wrdreg $0xFFFFFFFF;
	(pc) =	sbr.abs _section_cstart, $3  }
0xc1: {  	[dreg:$0x1] =	wrdreg $0xFFFFFFFF  }
0xc2: {  	_ =	task.clear_ibuf [dreg:s7], $0x2FFFF;
	_ =	strace $0x9FFFFFFF  }
0xc3: {  	(tm) =	ssettm $0x7FFFFFFF  }
tec
execute0_lowered:
.L_overlay_start_1:
0x0: {  	(tag) =	ssettag $0x1  }
0x1: {  	s0 =	rddreg [dreg:$0x0]  }
0x2: {  	s3 =	rddreg [dreg:$0x2];
	s2 =	simm.s32 $0x0  }
0x3: {  	s1 =	srdreg.scid;
	s9 =	stileid.u32;
	s17 =	simm.s32 $0x7  }
0x4: {  	s28 =	simm.s32 $0x100;
	s29 =	simm.s32 $0x1;
	s30 =	simm.s32 $0x300  }
0x5: {  	s31 =	simm.s32 $0x4300;
	s11 =	simm.s32 $0x6;
	s12 =	simm.s32 $0x0  }
0x6: {  	[smem:$0x7FF] =	sst s2;
	s1 =	sand.u32 $0x1, s1;
	s19 =	smul.u32 $0xC800, s9  }
0x7: {  	s5 =	sadd.s32 $0x2AC00, s0;
	s6 =	sadd.s32 $0x16C00, s0;
	s7 =	sadd.s32 $0x2200, s0  }
0x8: {  	s8 =	sshll.u32 s9, $0x1;
	s9 =	smul.u32 $0x32000, s9;
	_ =	strace $0x8000004A  }
0x9: {  	s4 =	smul.u32 $0xC8000, s1;
	s10 =	ssub.s32 $0x2, s1;
	s1 =	sor.u32 s1, s8  }
0xa: {  	s20 =	sshrl.u32 s10, $0x1;
	s1 =	smul.u32 $0x2900, s1;
	s9 =	sshrl.u32 s9, $0x2  }
0xb: {  	s13 =	sadd.s32 s19, s3;
	s4 =	sadd.s32 s19, s4;
	s21 =	ssub.s32 s10, s20  }
0xc: {  	v0 =	vimm.s32 $0xFEDCBA98;
	v1 =	vimm.s32 $0x76543210;
	s22 =	sadd.s32 s9, s3;
	s19 =	simm.s32 $0x6300;
	s10 =	simm.s32 $0x4  }
0xd: {  	v2 =	vimm.s32 $0xBA98FEDC;
	v3 =	vimm.s32 $0x32107654;
	[dreg:$0x4] =	wrdreg s13;
	s4 =	sshrl.u32 s4, $0x3;
	s23 =	sadd.s32 $0x2800, s22  }
0xe: {  	v4 =	vimm.s32 $0xDCFE98BA;
	v5 =	vimm.s32 $0x54761032;
	s24 =	sshrl.u32 s1, $0x3;
	s9 =	sadd.s32 $0x5000, s22;
	s25 =	sadd.s32 $0x7800, s22  }
0xf: {  	v6 =	vimm.s32 $0xEFCDAB89;
	v7 =	vimm.s32 $0x67452301;
	s8 =	sadd.s32 $0xA000, s22;
	s15 =	sadd.s32 $0x100, s1;
	[dreg:$0x5] =	wrdreg s23  }
0x10: {  	vm0 =	vmmov $0x1;
	v0 =	vunpack.c.l.s4.s8 v0;
	v1 =	vunpack.c.l.s4.s8 v1;
	s16 =	sadd.s32 $0x180, s1;
	s26 =	smax.u32 s21, $0x1;
	[dreg:$0x6] =	wrdreg s9  }
0x11: {  	v2 =	vunpack.c.l.s4.s8 v2;
	v3 =	vunpack.c.l.s4.s8 v3;
	v4 =	vunpack.c.l.s4.s8 v4;
	s21 =	simm.s32 $0x8300;
	s22 =	simm.s32 $0x80;
	[dreg:$0x7] =	wrdreg s25  }
0x12: {  	v5 =	vunpack.c.l.s4.s8 v5;
	v6 =	vunpack.c.l.s4.s8 v6;
	v7 =	vunpack.c.l.s4.s8 v7;
	s1 =	simm.s32 $0x2300;
	s0 =	sadd.s32 s4, s0;
	[dreg:$0x9] =	wrdreg s8  }
0x13: {  	v0 =	vunpack.c.0.s8.s32 v0;
	v1 =	vunpack.c.0.s8.s32 v1;
	v2 =	vunpack.c.0.s8.s32 v2;
	s2 =	sadd.s32 s7, s24;
	[dreg:$0xc] =	wrdreg s26;
	s23 =	simm.s32 $0x200  }
0x14: {  	v3 =	vunpack.c.0.s8.s32 v3;
	v4 =	vunpack.c.0.s8.s32 v4;
	v5 =	vunpack.c.0.s8.s32 v5;
	s24 =	simm.s32 $0x280;
	s25 =	simm.s32 $0xAB00;
	s26 =	simm.s32 $0x52100  }
0x15: {  	v6 =	vunpack.c.0.s8.s32 v6;
	v7 =	vunpack.c.0.s8.s32 v7;
	v0 =	vand.u32 $0xF, v0;
	s4 =	simm.s32 $0x180;
	[dreg:$0x8] =	wrdreg s2;
	s2 =	sadd.s32 $0x10, s2  }
0x16: {  	v0 =	vcombine.low v0, v1;
	v1 =	vcombine.low v3, v2;
	v2 =	vimm.f32 $0.0e+00;
	s9 =	simm.s32 $0x5;
	s0 =	sadd.s32 $0x3EC00, s0;
	[dreg:$0xa] =	wrdreg s2  }
0x17: {  	v3 =	vcombine.low v5, v4;
	v4 =	vimm.s32 $0x2710;
	v5 =	vcombine.low v7, v6;
	[dreg:$0xb] =	wrdreg s0;
	s0 =	simm.s32 $0x2;
	s2 =	simm.s32 $0x3  }
.LBB2_1:
0x18: {  	[dreg:$0xd] =	wrdreg s12  }
0x19: {  	s8 =	rddreg [dreg:$0x1];
	s20 =	simm.s32 $0x0;
	s14 =	simm.s32 $0xD300  }
0x1a: {  	[tilespmem:s14], [sflag:$0x7] =	stream.linear.gather [hbm4b:s8+s20], $0x40, $0x38;
	[tilespmem:$0x19B40] =	vst v63  }
0x1b: {  	_ =	swait.ge [sflag:s17], $0x40  }
0x1c: {  	[sflag:s17] =	ssyncset.done $0x0  }
0x1d: {  	s12 =	simm.s32 $0x140;
	s8 =	simm.s32 $0x0;
	[sflag:s17] =	ssyncadd.s32 $0xFFFFFFC0  }
.LBB2_2:
0x1e: {  	p0 =	sne.s32 s12, $0x9EC0;
	[tilespmem:s8+$0xAB40] =	vst v2  }
0x1f: {  	[tilespmem:s8+$0x8300] =	vst v2  }
0x20: {  	[tilespmem:s8+$0xAB00] =	vst v2  }
0x21: {  	[tilespmem:s8+$0x8310] =	vst v2  }
0x22: {  	[tilespmem:s8+$0xAB10] =	vst v2  }
.Ltmp0:
0x23: {  	[tilespmem:s8+$0x8320] =	vst v2;
	(pc) =	sbr.rel @p0 .LBB2_2-.Ltmp0, $4  }
0x24: {  	[tilespmem:s8+$0xAB20] =	vst v2  }
0x25: {  	[tilespmem:s8+$0x8330] =	vst v2  }
0x26: {  	[tilespmem:s8+$0xAB30] =	vst v2  }
0x27: {  	[tilespmem:s8+$0x8340] =	vst v2;
	s8 =	sshra.s32 s12, $0x2;
	s12 =	sadd.s32 $0x140, s12  }
0x28: {  	[tilespmem:s8+$0xAB40] =	vst v2  }
0x29: {  	[tilespmem:s8+$0x8300] =	vst v2  }
0x2a: {  	[tilespmem:s8+$0xAB00] =	vst v2  }
0x2b: {  	[tilespmem:s8+$0x8310] =	vst v2  }
0x2c: {  	[tilespmem:s8+$0xAB10] =	vst v2  }
0x2d: {  	[tilespmem:s8+$0x8320] =	vst v2  }
0x2e: {  	[tilespmem:s8+$0xAB20] =	vst v2  }
0x2f: {  	[tilespmem:s8+$0x8330] =	vst v2  }
0x30: {  	[tilespmem:s8+$0xAB30] =	vst v2  }
0x31: {  	[tilespmem:s8+$0x8340] =	vst v2  }
0x32: {  	[spmem:s13] =	stream.linear.scatter [tilespmem:s21], [sflag:$0x7], $0x2800, $0x38;
	[tilespmem:$0x19B40] =	vst v63  }
0x33: {  	_ =	swait.ge [sflag:s17], $0x2800  }
0x34: {  	[sflag:s17] =	ssyncset.done $0x0  }
0x35: {  	s20 =	rddreg [dreg:$0x5];
	[sflag:s17] =	ssyncadd.s32 $0xFFFFD800  }
0x36: {  	[spmem:s20] =	stream.linear.scatter [tilespmem:s21], [sflag:$0x7], $0x2800, $0x38;
	[tilespmem:$0x19B40] =	vst v63  }
0x37: {  	_ =	swait.ge [sflag:s17], $0x2800  }
0x38: {  	[sflag:s17] =	ssyncset.done $0x0  }
0x39: {  	s12 =	rddreg [dreg:$0x6];
	[sflag:s17] =	ssyncadd.s32 $0xFFFFD800  }
0x3a: {  	[spmem:s12] =	stream.linear.scatter [tilespmem:s21], [sflag:$0x7], $0x2800, $0x38;
	[tilespmem:$0x19B40] =	vst v63  }
0x3b: {  	_ =	swait.ge [sflag:s17], $0x2800  }
0x3c: {  	[sflag:s17] =	ssyncset.done $0x0  }
0x3d: {  	s13 =	rddreg [dreg:$0x7];
	[sflag:s17] =	ssyncadd.s32 $0xFFFFD800  }
0x3e: {  	[spmem:s13] =	stream.linear.scatter [tilespmem:s21], [sflag:$0x7], $0x2800, $0x38;
	[tilespmem:$0x19B40] =	vst v63  }
0x3f: {  	_ =	swait.ge [sflag:s17], $0x2800  }
0x40: {  	[sflag:s17] =	ssyncset.done $0x0  }
0x41: {  	s14 =	rddreg [dreg:$0x9];
	[sflag:s17] =	ssyncadd.s32 $0xFFFFD800  }
0x42: {  	[spmem:s14] =	stream.linear.scatter [tilespmem:s21], [sflag:$0x7], $0x2800, $0x38;
	[tilespmem:$0x19B40] =	vst v63  }
0x43: {  	_ =	swait.ge [sflag:s17], $0x2800  }
0x44: {  	[sflag:s17] =	ssyncset.done $0x0  }
0x45: {  	[sflag:s17] =	ssyncadd.s32 $0xFFFFD800  }
0x46: {  	[bflag:$0x0] =	sbarrier.arrive $0xFFFF  }
0x47: {  	[tilespmem:$0x200] =	vst v4  }
0x48: {  	[tilespmem:$0x280] =	vst v4  }
0x49: {  	[tilespmem:$0x210] =	vst v4  }
0x4a: {  	[tilespmem:$0x290] =	vst v4  }
0x4b: {  	[tilespmem:$0x220] =	vst v4  }
0x4c: {  	[tilespmem:$0x2A0] =	vst v4  }
0x4d: {  	[tilespmem:$0x230] =	vst v4  }
0x4e: {  	[tilespmem:$0x2B0] =	vst v4  }
0x4f: {  	[tilespmem:$0x240] =	vst v4  }
0x50: {  	[tilespmem:$0x2C0] =	vst v4  }
0x51: {  	[tilespmem:$0x250] =	vst v4  }
0x52: {  	[tilespmem:$0x2D0] =	vst v4  }
0x53: {  	[tilespmem:$0x260] =	vst v4  }
0x54: {  	[tilespmem:$0x2E0] =	vst v4  }
0x55: {  	[tilespmem:$0x270] =	vst v4  }
0x56: {  	[tilespmem:$0x2F0] =	vst v4  }
0x57: {  	[spmem:s3] =	stream.indirect.scatter.add.f32 [tilespmem:s21], [sflag:$0x5], $0x50, s23, s22, $0xb8;
	[tilespmem:$0x19B40] =	vst v63  }
0x58: {  	_ = 	snop  }
0x59: {  	[spmem:s3] =	stream.indirect.scatter.add.f32 [tilespmem:s25], [sflag:$0x6], $0x50, s24, s22, $0xb8;
	[tilespmem:$0x19B40] =	vst v63  }
0x5a: {  	s14 =	simm.s32 $0x0;
	s18 =	rddreg [dreg:$0x8]  }
0x5b: {  	[tilespmem:s14], [sflag:$0x1] =	stream.strided.gather [hbm4b:s18+s22], $0x100, s26, s22, $0x38;
	[tilespmem:$0x19B40] =	vst v63  }
0x5c: {  	s20 =	rddreg [dreg:$0xa]  }
0x5d: {  	[tilespmem:s28], [sflag:$0x2] =	stream.strided.gather [hbm4b:s20+s22], $0x100, s26, s22, $0x38;
	[tilespmem:$0x19B40] =	vst v63  }
0x5e: {  	_ =	swait.ge [sflag:s29], $0x100  }
0x5f: {  	[sflag:s29] =	ssyncset.done $0x0  }
0x60: {  	[sflag:s29] =	ssyncadd.s32 $0xFFFFFF00  }
0x61: {  	[tilespmem:s30], [sflag:$0x3] =	stream.indirect.gather [hbm4b:s5+s22], $0x40, s14, s22, $0xb8;
	[tilespmem:$0x19B40] =	vst v63  }
0x62: {  	s17 =	simm.s32 $0x0  }
0x63: {  	[tilespmem:s31], [sflag:$0x3] =	stream.indirect.gather [hbm4b:s6+s22], $0x40, s22, s22, $0xb8;
	[tilespmem:$0x19B40] =	vst v63  }
.LBB2_4:
0x64: {  	_ =	swait.ge [sflag:s0], $0x100  }
0x65: {  	[sflag:s0] =	ssyncset.done $0x0  }
0x66: {  	[sflag:s0] =	ssyncadd.s32 $0xFFFFFF00  }
0x67: {  	[tilespmem:s1], [sflag:$0x4] =	stream.indirect.gather [hbm4b:s5+s22], $0x40, s28, s22, $0xb8;
	[tilespmem:$0x19B40] =	vst v63  }
0x68: {  	_ = 	snop  }
0x69: {  	[tilespmem:s19], [sflag:$0x4] =	stream.indirect.gather [hbm4b:s6+s22], $0x40, s4, s22, $0xb8;
	[tilespmem:$0x19B40] =	vst v63  }
0x6a: {  	_ =	swait.ge [sflag:s2], $0x2000  }
0x6b: {  	[sflag:s2] =	ssyncset.done $0x0  }
0x6c: {  	[sflag:s2] =	ssyncadd.s32 $0xFFFFE000  }
0x6d: {  	_ =	swait.ge [sflag:s2], $0x2000  }
0x6e: {  	[sflag:s2] =	ssyncset.done $0x0  }
0x6f: {  	[sflag:s2] =	ssyncadd.s32 $0xFFFFE000  }
0x70: {  	_ =	swait.ge [sflag:s9], $0x2800  }
0x71: {  	[sflag:s9] =	ssyncset.done $0x0  }
0x72: {  	[sflag:s9] =	ssyncadd.s32 $0xFFFFD800  }
0x73: {  	v6 =	vld [tilespmem:$0x80]  }
0x74: {  	v7 =	vld [tilespmem:$0x90]  }
0x75: {  	v8 =	vld [tilespmem:$0xA0]  }
0x76: {  	v9 =	vld [tilespmem:$0xB0]  }
0x77: {  	v10 =	vld [tilespmem:$0xC0]  }
0x78: {  	[tilespmem:$0x200] =	vst v6;
	v6 =	vld [tilespmem:$0xD0]  }
0x79: {  	[tilespmem:$0x210] =	vst v7;
	v7 =	vld [tilespmem:$0xE0]  }
0x7a: {  	[tilespmem:$0x220] =	vst v8;
	v8 =	vld [tilespmem:$0xF0]  }
0x7b: {  	[tilespmem:$0x230] =	vst v9  }
0x7c: {  	s18 =	sshll.u32 s17, $0x8;
	[tilespmem:$0x240] =	vst v10  }
0x7d: {  	s8 =	sadd.s32 s18, s15;
	[tilespmem:$0x250] =	vst v6  }
0x7e: {  	s8 =	sshrl.u32 s8, $0x3;
	[tilespmem:$0x260] =	vst v7  }
0x7f: {  	s20 =	simm.s32 $0x0;
	s8 =	sadd.s32 s7, s8;
	[tilespmem:$0x270] =	vst v8  }
0x80: {  	[tilespmem:s14], [sflag:$0x1] =	stream.strided.gather [hbm4b:s8+s22], $0x100, s26, s22, $0x38;
	[tilespmem:$0x19B40] =	vst v63  }
0x81: {  	v6 =	vld [tilespmem:s20+$0x310]  }
0x82: {  	v7 =	vld [tilespmem:s20+$0x300]  }
0x83: {  	v9 =	vld [tilespmem:s20+$0x4300]  }
0x84: {  	v10 =	vld [tilespmem:s20+$0x4310]  }
0x85: {  	v11 =	vld [tilespmem:s20+$0x4330]  }
0x86: {  	v12 =	vld [tilespmem:s20+$0x4320]  }
0x87: {  	v8 =	vld [tilespmem:s20+$0x320]  }
0x88: {  	v14 =	vld [tilespmem:$0xD300];
	v13 =	vadd.f32 v9, v7  }
0x89: {  	v9 =	vld [tilespmem:s20+$0x330]  }
0x8a: {  	v16 =	vld [tilespmem:$0xD310];
	v10 =	vadd.f32 v10, v6;
	v15 =	vmul.f32 $2.000000030e-01, v13;
	_ =	sdelay $0x1  }
0x8b: {  	v60 =	vld [tilespmem:$0xD320];
	v12 =	vadd.f32 v12, v8;
	v17 =	vmul.f32 $2.000000030e-01, v10;
	v13 =	vmax.f32 v13, v15  }
0x8c: {  	v13 =	vmul.f32 v13, v14  }
0x8d: {  	v62 =	vld [tilespmem:$0xD330];
	v61 =	vmul.f32 $2.000000030e-01, v12;
	v10 =	vmax.f32 v10, v17;
	v11 =	vadd.f32 v11, v9  }
0x8e: {  	v10 =	vmul.f32 v10, v16;
	v13 =	vadd.f32 $0.0e+00, v13  }
0x8f: {  	v12 =	vmax.f32 v12, v61;
	v63 =	vmul.f32 $2.000000030e-01, v11  }
0x90: {  	v12 =	vmul.f32 v12, v60;
	v10 =	vadd.f32 v10, v13  }
0x91: {  	v11 =	vmax.f32 v11, v63  }
0x92: {  	v11 =	vmul.f32 v11, v62;
	v10 =	vadd.f32 v12, v10;
	_ =	sdelay $0x1  }
0x93: {  	v10 =	vadd.f32 v11, v10;
	_ =	sdelay $0x1  }
0x94: {  	v11 =	vperm.xlane v10, v0;
	_ =	sdelay $0x1  }
0x95: {  	v10 =	vadd.f32 v10, v11;
	_ =	sdelay $0x1  }
0x96: {  	v11 =	vperm.xlane v10, v1;
	_ =	sdelay $0x1  }
0x97: {  	v10 =	vadd.f32 v10, v11;
	_ =	sdelay $0x1  }
0x98: {  	v11 =	vperm.xlane v10, v3;
	_ =	sdelay $0x1  }
0x99: {  	v10 =	vadd.f32 v10, v11;
	_ =	sdelay $0x1  }
0x9a: {  	v11 =	vperm.xlane v10, v5;
	_ =	sdelay $0x1  }
0x9b: {  	v10 =	vadd.f32 v10, v11;
	_ =	sdelay $0x1  }
0x9c: {  	v10 =	vmul.f32 $1.442695020e+00, v10;
	_ =	sdelay $0x1  }
0x9d: {  	s13 =	simm.s32 $0x100;
	s12 =	simm.s32 $0x8320;
	s8 =	simm.s32 $0x8320;
	(erf) = vpow2.f32 v10  }
.LBB2_5:
0x9e: {  	_ =	sdelay $0x1  }
0x9f: {  	p0 =	sne.s32 s13, $0x7F00  }
0xa0: {  	s8 =	sadd.s32 $0x50, s8;
	s20 =	smov.u32 s13;
	s13 =	sadd.s32 $0x100, s13  }
0xa1: {  	_ =	sdelay $0x3  }
0xa2: {  	s20 =	sshra.s32 s20, $0x2;
	v10 =	vpop (erf)  }
0xa3: {  	v7 =	vmul.f32 v10, v7;
	v6 =	vmul.f32 v10, v6;
	v11 =	vnsel vm0, $0x0, v10  }
0xa4: {  	v8 =	vmul.f32 v10, v8;
	v9 =	vmul.f32 v10, v9;
	[tilespmem:s12+$0x20] =	vst v11  }
0xa5: {  	[tilespmem:s12+$0xFFFFFFE0] =	vst v7  }
0xa6: {  	[tilespmem:s12+$0x10] =	vst v9  }
0xa7: {  	[tilespmem:s12+$0x0] =	vst v8  }
0xa8: {  	[tilespmem:s12+$0xFFFFFFF0] =	vst v6;
	s12 =	smov.u32 s8  }
0xa9: {  	v6 =	vld [tilespmem:s20+$0x310]  }
0xaa: {  	v7 =	vld [tilespmem:s20+$0x300]  }
0xab: {  	v9 =	vld [tilespmem:s20+$0x4300]  }
0xac: {  	v10 =	vld [tilespmem:s20+$0x4310]  }
0xad: {  	v11 =	vld [tilespmem:s20+$0x4330]  }
0xae: {  	v12 =	vld [tilespmem:s20+$0x4320]  }
0xaf: {  	v8 =	vld [tilespmem:s20+$0x320]  }
0xb0: {  	v13 =	vadd.f32 v9, v7;
	v14 =	vld [tilespmem:$0xD300]  }
0xb1: {  	v10 =	vadd.f32 v10, v6;
	v9 =	vld [tilespmem:s20+$0x330]  }
0xb2: {  	v15 =	vmul.f32 $2.000000030e-01, v13;
	v16 =	vld [tilespmem:$0xD310]  }
0xb3: {  	v17 =	vmul.f32 $2.000000030e-01, v10  }
0xb4: {  	v13 =	vmax.f32 v13, v15;
	v12 =	vadd.f32 v12, v8;
	v15 =	vld [tilespmem:$0xD320]  }
0xb5: {  	v13 =	vmul.f32 v13, v14;
	v10 =	vmax.f32 v10, v17  }
0xb6: {  	v14 =	vmul.f32 $2.000000030e-01, v12;
	v11 =	vadd.f32 v11, v9;
	v17 =	vld [tilespmem:$0xD330]  }
0xb7: {  	v13 =	vadd.f32 $0.0e+00, v13;
	v10 =	vmul.f32 v10, v16  }
0xb8: {  	v12 =	vmax.f32 v12, v14;
	v14 =	vmul.f32 $2.000000030e-01, v11  }
0xb9: {  	v10 =	vadd.f32 v10, v13;
	v12 =	vmul.f32 v12, v15  }
0xba: {  	v11 =	vmax.f32 v11, v14  }
0xbb: {  	v10 =	vadd.f32 v12, v10;
	v11 =	vmul.f32 v11, v17;
	_ =	sdelay $0x1  }
0xbc: {  	v10 =	vadd.f32 v11, v10;
	_ =	sdelay $0x1  }
0xbd: {  	v11 =	vperm.xlane v10, v0;
	_ =	sdelay $0x1  }
0xbe: {  	v10 =	vadd.f32 v10, v11;
	_ =	sdelay $0x1  }
0xbf: {  	v11 =	vperm.xlane v10, v1;
	_ =	sdelay $0x1  }
0xc0: {  	v10 =	vadd.f32 v10, v11;
	_ =	sdelay $0x1  }
0xc1: {  	v11 =	vperm.xlane v10, v3;
	_ =	sdelay $0x1  }
0xc2: {  	v10 =	vadd.f32 v10, v11;
	_ =	sdelay $0x1  }
0xc3: {  	v11 =	vperm.xlane v10, v5;
	_ =	sdelay $0x1  }
.Ltmp1:
0xc4: {  	v10 =	vadd.f32 v10, v11;
	(pc) =	sbr.rel @p0 .LBB2_5-.Ltmp1, $3  }
0xc5: {  	_ = 	snop  }
0xc6: {  	v10 =	vmul.f32 $1.442695020e+00, v10;
	_ =	sdelay $0x1  }
0xc7: {  	(erf) = vpow2.f32 v10  }
0xc8: {  	_ =	sdelay $0x7  }
0xc9: {  	v10 =	vpop (erf)  }
0xca: {  	v7 =	vmul.f32 v10, v7;
	v11 =	vnsel vm0, $0x0, v10  }
0xcb: {  	v9 =	vmul.f32 v10, v9;
	[tilespmem:s12+$0x20] =	vst v11  }
0xcc: {  	v8 =	vmul.f32 v10, v8;
	[tilespmem:s12+$0xFFFFFFE0] =	vst v7  }
0xcd: {  	v6 =	vmul.f32 v10, v6;
	[tilespmem:s12+$0x10] =	vst v9  }
0xce: {  	[tilespmem:s12+$0x0] =	vst v8  }
0xcf: {  	[tilespmem:s12+$0xFFFFFFF0] =	vst v6  }
0xd0: {  	[spmem:s3] =	stream.indirect.scatter.add.f32 [tilespmem:s21], [sflag:$0x5], $0x50, s23, s22, $0xb8;
	[tilespmem:$0x19B40] =	vst v63  }
0xd1: {  	_ =	swait.ge [sflag:s29], $0x100  }
0xd2: {  	[sflag:s29] =	ssyncset.done $0x0  }
0xd3: {  	s8 =	simm.s32 $0x0;
	[sflag:s29] =	ssyncadd.s32 $0xFFFFFF00  }
0xd4: {  	[tilespmem:s30], [sflag:$0x3] =	stream.indirect.gather [hbm4b:s5+s22], $0x40, s8, s22, $0xb8;
	[tilespmem:$0x19B40] =	vst v63  }
0xd5: {  	_ = 	snop  }
0xd6: {  	[tilespmem:s31], [sflag:$0x3] =	stream.indirect.gather [hbm4b:s6+s22], $0x40, s22, s22, $0xb8;
	[tilespmem:$0x19B40] =	vst v63  }
0xd7: {  	_ =	swait.ge [sflag:s10], $0x2000  }
0xd8: {  	[sflag:s10] =	ssyncset.done $0x0  }
0xd9: {  	[sflag:s10] =	ssyncadd.s32 $0xFFFFE000  }
0xda: {  	_ =	swait.ge [sflag:s10], $0x2000  }
0xdb: {  	[sflag:s10] =	ssyncset.done $0x0  }
0xdc: {  	[sflag:s10] =	ssyncadd.s32 $0xFFFFE000  }
0xdd: {  	_ =	swait.ge [sflag:s11], $0x2800  }
0xde: {  	[sflag:s11] =	ssyncset.done $0x0  }
0xdf: {  	[sflag:s11] =	ssyncadd.s32 $0xFFFFD800  }
0xe0: {  	v6 =	vld [tilespmem:$0x180]  }
0xe1: {  	v7 =	vld [tilespmem:$0x190]  }
0xe2: {  	v8 =	vld [tilespmem:$0x1A0]  }
0xe3: {  	v9 =	vld [tilespmem:$0x1B0]  }
0xe4: {  	v10 =	vld [tilespmem:$0x1C0]  }
0xe5: {  	[tilespmem:$0x280] =	vst v6;
	v6 =	vld [tilespmem:$0x1D0]  }
0xe6: {  	[tilespmem:$0x290] =	vst v7;
	v7 =	vld [tilespmem:$0x1E0]  }
0xe7: {  	[tilespmem:$0x2A0] =	vst v8;
	v8 =	vld [tilespmem:$0x1F0]  }
0xe8: {  	[tilespmem:$0x2B0] =	vst v9  }
0xe9: {  	[tilespmem:$0x2C0] =	vst v10  }
0xea: {  	s18 =	sadd.s32 s18, s16;
	[tilespmem:$0x2D0] =	vst v6  }
0xeb: {  	s8 =	sshrl.u32 s18, $0x3;
	[tilespmem:$0x2E0] =	vst v7  }
0xec: {  	s20 =	simm.s32 $0x0;
	s8 =	sadd.s32 s7, s8;
	[tilespmem:$0x2F0] =	vst v8  }
0xed: {  	[tilespmem:s28], [sflag:$0x2] =	stream.strided.gather [hbm4b:s8+s22], $0x100, s26, s22, $0x38;
	[tilespmem:$0x19B40] =	vst v63  }
0xee: {  	v6 =	vld [tilespmem:s20+$0x2310]  }
0xef: {  	v7 =	vld [tilespmem:s20+$0x2300]  }
0xf0: {  	v9 =	vld [tilespmem:s20+$0x6300]  }
0xf1: {  	v10 =	vld [tilespmem:s20+$0x6310]  }
0xf2: {  	v11 =	vld [tilespmem:s20+$0x6330]  }
0xf3: {  	v12 =	vld [tilespmem:s20+$0x6320]  }
0xf4: {  	v8 =	vld [tilespmem:s20+$0x2320]  }
0xf5: {  	v14 =	vld [tilespmem:$0xD300];
	v13 =	vadd.f32 v9, v7  }
0xf6: {  	v9 =	vld [tilespmem:s20+$0x2330]  }
0xf7: {  	v16 =	vld [tilespmem:$0xD310];
	v10 =	vadd.f32 v10, v6;
	v15 =	vmul.f32 $2.000000030e-01, v13;
	_ =	sdelay $0x1  }
0xf8: {  	v60 =	vld [tilespmem:$0xD320];
	v12 =	vadd.f32 v12, v8;
	v17 =	vmul.f32 $2.000000030e-01, v10;
	v13 =	vmax.f32 v13, v15  }
0xf9: {  	v13 =	vmul.f32 v13, v14  }
0xfa: {  	v62 =	vld [tilespmem:$0xD330];
	v61 =	vmul.f32 $2.000000030e-01, v12;
	v10 =	vmax.f32 v10, v17;
	v11 =	vadd.f32 v11, v9  }
0xfb: {  	v10 =	vmul.f32 v10, v16;
	v13 =	vadd.f32 $0.0e+00, v13  }
0xfc: {  	v12 =	vmax.f32 v12, v61;
	v63 =	vmul.f32 $2.000000030e-01, v11  }
0xfd: {  	v12 =	vmul.f32 v12, v60;
	v10 =	vadd.f32 v10, v13  }
0xfe: {  	v11 =	vmax.f32 v11, v63  }
0xff: {  	v11 =	vmul.f32 v11, v62;
	v10 =	vadd.f32 v12, v10;
	_ =	sdelay $0x1  }
0x100: {  	v10 =	vadd.f32 v11, v10;
	_ =	sdelay $0x1  }
0x101: {  	v11 =	vperm.xlane v10, v0;
	_ =	sdelay $0x1  }
0x102: {  	v10 =	vadd.f32 v10, v11;
	_ =	sdelay $0x1  }
0x103: {  	v11 =	vperm.xlane v10, v1;
	_ =	sdelay $0x1  }
0x104: {  	v10 =	vadd.f32 v10, v11;
	_ =	sdelay $0x1  }
0x105: {  	v11 =	vperm.xlane v10, v3;
	_ =	sdelay $0x1  }
0x106: {  	v10 =	vadd.f32 v10, v11;
	_ =	sdelay $0x1  }
0x107: {  	v11 =	vperm.xlane v10, v5;
	_ =	sdelay $0x1  }
0x108: {  	v10 =	vadd.f32 v10, v11;
	_ =	sdelay $0x1  }
0x109: {  	v10 =	vmul.f32 $1.442695020e+00, v10;
	_ =	sdelay $0x1  }
0x10a: {  	s13 =	simm.s32 $0x100;
	s12 =	simm.s32 $0xAB20;
	s8 =	simm.s32 $0xAB20;
	(erf) = vpow2.f32 v10  }
.LBB2_7:
0x10b: {  	_ =	sdelay $0x1  }
0x10c: {  	p0 =	sne.s32 s13, $0x7F00  }
0x10d: {  	s8 =	sadd.s32 $0x50, s8;
	s18 =	smov.u32 s13;
	s13 =	sadd.s32 $0x100, s13  }
0x10e: {  	_ =	sdelay $0x3  }
0x10f: {  	s18 =	sshra.s32 s18, $0x2;
	v10 =	vpop (erf)  }
0x110: {  	v7 =	vmul.f32 v10, v7;
	v6 =	vmul.f32 v10, v6;
	v11 =	vnsel vm0, $0x0, v10  }
0x111: {  	v8 =	vmul.f32 v10, v8;
	v9 =	vmul.f32 v10, v9;
	[tilespmem:s12+$0x20] =	vst v11  }
0x112: {  	[tilespmem:s12+$0xFFFFFFE0] =	vst v7  }
0x113: {  	[tilespmem:s12+$0x10] =	vst v9  }
0x114: {  	[tilespmem:s12+$0x0] =	vst v8  }
0x115: {  	[tilespmem:s12+$0xFFFFFFF0] =	vst v6;
	s12 =	smov.u32 s8  }
0x116: {  	v6 =	vld [tilespmem:s18+$0x2310]  }
0x117: {  	v7 =	vld [tilespmem:s18+$0x2300]  }
0x118: {  	v9 =	vld [tilespmem:s18+$0x6300]  }
0x119: {  	v10 =	vld [tilespmem:s18+$0x6310]  }
0x11a: {  	v11 =	vld [tilespmem:s18+$0x6330]  }
0x11b: {  	v12 =	vld [tilespmem:s18+$0x6320]  }
0x11c: {  	v8 =	vld [tilespmem:s18+$0x2320]  }
0x11d: {  	v13 =	vadd.f32 v9, v7;
	v14 =	vld [tilespmem:$0xD300]  }
0x11e: {  	v10 =	vadd.f32 v10, v6;
	v9 =	vld [tilespmem:s18+$0x2330]  }
0x11f: {  	v15 =	vmul.f32 $2.000000030e-01, v13;
	v16 =	vld [tilespmem:$0xD310]  }
0x120: {  	v17 =	vmul.f32 $2.000000030e-01, v10  }
0x121: {  	v13 =	vmax.f32 v13, v15;
	v12 =	vadd.f32 v12, v8;
	v15 =	vld [tilespmem:$0xD320]  }
0x122: {  	v13 =	vmul.f32 v13, v14;
	v10 =	vmax.f32 v10, v17  }
0x123: {  	v14 =	vmul.f32 $2.000000030e-01, v12;
	v11 =	vadd.f32 v11, v9;
	v17 =	vld [tilespmem:$0xD330]  }
0x124: {  	v13 =	vadd.f32 $0.0e+00, v13;
	v10 =	vmul.f32 v10, v16  }
0x125: {  	v12 =	vmax.f32 v12, v14;
	v14 =	vmul.f32 $2.000000030e-01, v11  }
0x126: {  	v10 =	vadd.f32 v10, v13;
	v12 =	vmul.f32 v12, v15  }
0x127: {  	v11 =	vmax.f32 v11, v14  }
0x128: {  	v10 =	vadd.f32 v12, v10;
	v11 =	vmul.f32 v11, v17;
	_ =	sdelay $0x1  }
0x129: {  	v10 =	vadd.f32 v11, v10;
	_ =	sdelay $0x1  }
0x12a: {  	v11 =	vperm.xlane v10, v0;
	_ =	sdelay $0x1  }
0x12b: {  	v10 =	vadd.f32 v10, v11;
	_ =	sdelay $0x1  }
0x12c: {  	v11 =	vperm.xlane v10, v1;
	_ =	sdelay $0x1  }
0x12d: {  	v10 =	vadd.f32 v10, v11;
	_ =	sdelay $0x1  }
0x12e: {  	v11 =	vperm.xlane v10, v3;
	_ =	sdelay $0x1  }
0x12f: {  	v10 =	vadd.f32 v10, v11;
	_ =	sdelay $0x1  }
0x130: {  	v11 =	vperm.xlane v10, v5;
	_ =	sdelay $0x1  }
.Ltmp2:
0x131: {  	v10 =	vadd.f32 v10, v11;
	(pc) =	sbr.rel @p0 .LBB2_7-.Ltmp2, $3  }
0x132: {  	_ = 	snop  }
0x133: {  	v10 =	vmul.f32 $1.442695020e+00, v10;
	_ =	sdelay $0x1  }
0x134: {  	(erf) = vpow2.f32 v10  }
0x135: {  	_ =	sdelay $0x7  }
0x136: {  	v10 =	vpop (erf)  }
0x137: {  	s17 =	sadd.s32 $0x1, s17;
	v7 =	vmul.f32 v10, v7;
	v11 =	vnsel vm0, $0x0, v10  }
0x138: {  	p0 =	sne.s32 s17, $0x29;
	v9 =	vmul.f32 v10, v9;
	[tilespmem:s12+$0x20] =	vst v11  }
.Ltmp3:
0x139: {  	v8 =	vmul.f32 v10, v8;
	[tilespmem:s12+$0xFFFFFFE0] =	vst v7;
	(pc) =	sbr.rel @p0 .LBB2_4-.Ltmp3, $4  }
0x13a: {  	v6 =	vmul.f32 v10, v6;
	[tilespmem:s12+$0x10] =	vst v9  }
0x13b: {  	[tilespmem:s12+$0x0] =	vst v8  }
0x13c: {  	[tilespmem:s12+$0xFFFFFFF0] =	vst v6  }
0x13d: {  	[spmem:s3] =	stream.indirect.scatter.add.f32 [tilespmem:s25], [sflag:$0x6], $0x50, s24, s22, $0xb8;
	[tilespmem:$0x19B40] =	vst v63  }
0x13e: {  	_ =	swait.ge [sflag:s2], $0x2000  }
0x13f: {  	[sflag:s2] =	ssyncset.done $0x0  }
0x140: {  	[sflag:s2] =	ssyncadd.s32 $0xFFFFE000  }
0x141: {  	_ =	swait.ge [sflag:s2], $0x2000  }
0x142: {  	[sflag:s2] =	ssyncset.done $0x0  }
0x143: {  	[sflag:s2] =	ssyncadd.s32 $0xFFFFE000  }
0x144: {  	_ =	swait.ge [sflag:s0], $0x100  }
0x145: {  	[sflag:s0] =	ssyncset.done $0x0  }
0x146: {  	[sflag:s0] =	ssyncadd.s32 $0xFFFFFF00  }
0x147: {  	_ =	swait.ge [sflag:s9], $0x2800  }
0x148: {  	[sflag:s9] =	ssyncset.done $0x0  }
0x149: {  	[sflag:s9] =	ssyncadd.s32 $0xFFFFD800  }
0x14a: {  	_ =	swait.ge [sflag:s11], $0x2800  }
0x14b: {  	[sflag:s11] =	ssyncset.done $0x0  }
0x14c: {  	[sflag:s11] =	ssyncadd.s32 $0xFFFFD800  }
0x14d: {  	s8 =	stileid.u32;
	[bflag:$0x0] =	sbarrier.arrive $0xFFFF  }
0x14e: {  	s17 =	simm.s32 $0x7;
	s8 =	sshll.u32 s8, $0x6;
	s13 =	rddreg [dreg:$0x4]  }
0x14f: {  	s8 =	sor.u32 $0x1C07, s8;
	s14 =	rddreg [dreg:$0xb];
	s12 =	sshrl.u32 s13, $0x3  }
0x150: {  	[hbm:s14], [sflag:s8] =	dma.local [spmem:s12], $0x1900  }
0x151: {  	_ =	swait.ge [sflag:s17], $0x1900  }
0x152: {  	s18 =	rddreg [dreg:$0xd]  }
0x153: {  	s20 =	rddreg [dreg:$0xc];
	s12 =	sadd.s32 $0x1, s18  }
0x154: {  	p0 =	sne.s32 s12, s20  }
.Ltmp4:
0x155: {  	_ = 	snop;
	(pc) =	sbr.rel @p0 .LBB2_1-.Ltmp4, $3  }
0x156: {  	[sflag:s17] =	ssyncset.done $0x0  }
0x157: {  	[sflag:s17] =	ssyncadd.s32 $0xFFFFE700  }
0x158: {  	[bflag:$0x0] =	sbarrier.arrive $0xFFFF;
	_ =	sdelay $0x1  }
0x159: {  	_ =	sfence.sel $0x180000  }
0x15a: {  	[bflag:$0x0] =	sbarrier.arrive $0xFFFF  }
0x15b: {  	_ =	strace $0x9000004A  }
0x15c: {  	s0 =	stileid.u32;
	[bflag:$0x2] =	sbarrier.arrive $0xFFFF  }
0x15d: {  	p0 =	sne.s32 s0, $0x0;
	s0 =	rddreg [dreg:$0x3]  }
0x15e: {  	s0 =	sadd.s32 @!p0 $0x100000, s0  }
0x15f: {  	[sflag:s0] =	ssyncadd.tile.s32 @!p0 $0x1;
	_ =	shalt  }
.Lfunc_end2:
_tile_overlayer_lowered:
.L_overlay_start_2:
0x160: {  	(tag) =	ssettag $0x2  }
0x161: {  	s0 =	rddreg [dreg:$0x0];
	s2 =	stileid.u32  }
0x162: {  	s1 =	rddreg [dreg:$0x1];
	p0 =	sne.s32 s2, $0x0  }
0x163: {  	s3 =	rddreg [dreg:$0x2];
	[bflag:$0x3] =	sbarrier.arrive $0xFFFF;
	s2 =	simm.s32 @!p0 $0x1C07  }
0x164: {  	[timem:s3], [sflag:s2] =	dma.local @!p0 [hbm:s0], s1  }
0x165: {  	s0 =	simm.s32 @!p0 $0x7  }
0x166: {  	_ =	swait.ge @!p0 [sflag:s0], s1  }
0x167: {  	s1 =	ssub.s32 @!p0 $0x0, s1;
	[sflag:s0] =	ssyncset.done @!p0 $0x0  }
0x168: {  	[sflag:s0] =	ssyncadd.s32 @!p0 s1  }
0x169: {  	[bflag:$0x3] =	sbarrier.arrive $0xFFFF  }
0x16a: {  	_ =	shalt  }

// kernel: kernel.7.cloned.1.call-start
scs
__scs_entry_jumppad:
0x0: {  	(pc) =	sbr.rel $0x88, $3  }
0x1: {  	(tag) =	ssettag $0x0;
	lr =	simm.s32 $0x1  }
0x2: {  	[smem:$0x3F93] =	sst lr;
	_ =	strace $0xD0000000  }
0x3: {  	_ = 	snop  }
0x4: {  	_ = 	snop  }
0x5: {  	_ = 	snop  }
0x6: {  	_ = 	snop  }
0x7: {  	_ = 	snop  }
__scs_overlays_trampoline_lowered:
0x8: {  	[smem:$0x3FA2] =	sst s0  }
0x9: {  	[smem:$0x3FA3] =	sst s1  }
0xa: {  	[smem:$0x3FA4] =	sst s2  }
0xb: {  	[smem:$0x3FA5] =	sst s3  }
0xc: {  	[smem:$0x3FA6] =	sst s4  }
0xd: {  	[smem:$0x3FA7] =	sst s5  }
0xe: {  	[smem:$0x3FA8] =	sst s6  }
0xf: {  	[smem:$0x3FA9] =	sst s7  }
0x10: {  	[smem:$0x3FAA] =	sst s8  }
0x11: {  	[smem:$0x3FAB] =	sst s9;
	s0 =	simm.s32 @!p0 $0x0  }
0x12: {  	s1 =	sld [smem:$0x3F91];
	s0 =	simm.s32 @p0 $0x1  }
0x13: {  	[smem:$0x3FAC] =	sst s0;
	s0 =	simm.s32 @!p1 $0x0  }
0x14: {  	s2 =	sld [smem:$0x3F90];
	s0 =	simm.s32 @p1 $0x1  }
0x15: {  	[smem:$0x3FAD] =	sst s0;
	s0 =	simm.s32 @!p2 $0x0  }
0x16: {  	s3 =	sld [smem:$0x3FDB];
	s0 =	simm.s32 @p2 $0x1  }
0x17: {  	s4 =	simm.s32 $0x1BF5;
	[smem:$0x3FAF] =	sst s0  }
0x18: {  	s0 =	sld [smem:$0x3F92];
	_ =	swait.ge [sflag:s4], $0x0  }
0x19: {  	s7 =	sld [smem:$0x3F93]  }
0x1a: {  	s8 =	sadd.s32 $0xFFFFE003, lr  }
0x1b: {  	s9 =	sadd.s32 $0xFFFFFEF7, lr;
	s5 =	simm.s32 $0xFFFFFFFF;
	p2 =	slt.u32 s8, $0xFFFFF086  }
0x1c: {  	p1 =	slt.u32 s9, $0xF7A;
	s5 =	simm.s32 @!p2 $0x0  }
0x1d: {  	s5 =	simm.s32 @p1 $0x1;
	p0 =	seq.s32 s7, s2  }
0x1e: {  	s7 =	smul.u32 @!p0 $0xF7A, s2;
	p2 =	seq.s32 @!p0 s5, $0x0  }
0x1f: {  	s9 =	smul.u32 $0xF7A, s1;
	s8 =	simm.s32 @!p0 $0x1BF5;
	p2 =	por !p2, p0  }
0x20: {  	[sflag:s8] =	ssyncset.s32 @!p0 $0xFFFFF086;
	s6 =	sadd.s32 @!p0 s3, s7;
	s7 =	simm.s32 @!p0 $0x108  }
0x21: {  	s3 =	sadd.s32 s3, s9;
	s6 =	sadd.s32 @!p0 $0x88, s6;
	s7 =	simm.s32 @p2 $0x1082  }
0x22: {  	[simem:s7], [sflag:s8] =	dma.local @!p0 [hbm:s6], $0xF7A  }
0x23: {  	s9 =	sor.u32 $0xD0000000, s2;
	s6 =	simm.s32 $0x108;
	_ =	swait.ge @!p0 [sflag:s8], $0x0  }
0x24: {  	s3 =	sadd.s32 $0x88, s3;
	s6 =	simm.s32 @!p1 $0x1082;
	[sflag:s4] =	ssyncset.s32 $0xFFFFF086  }
0x25: {  	[simem:s6], [sflag:s4] =	dma.local [hbm:s3], $0xF7A  }
0x26: {  	[smem:$0x3F93] =	sst s1;
	(tag) =	ssettag s2;
	_ =	strace s9  }
0x27: {  	s1 =	sld [smem:$0x3FA3]  }
0x28: {  	s2 =	sld [smem:$0x3FA4]  }
0x29: {  	s4 =	sld [smem:$0x3FA6]  }
0x2a: {  	p0 =	seq.s32 s5, $0x0;
	s5 =	sld [smem:$0x3FA7]  }
0x2b: {  	s6 =	sld [smem:$0x3FA8]  }
0x2c: {  	s7 =	sld [smem:$0x3FA9]  }
0x2d: {  	s3 =	simm.s32 $0x108;
	s8 =	sld [smem:$0x3FAA]  }
0x2e: {  	s3 =	simm.s32 @!p0 $0x1082;
	s9 =	sld [smem:$0x3FAB]  }
0x2f: {  	lr =	sadd.s32 s0, s3;
	s0 =	sld [smem:$0x3FA2]  }
0x30: {  	s3 =	sld [smem:$0x3FA5]  }
0x31: {  	[smem:$0x3FAE] =	sst s10  }
0x32: {  	s10 =	sld [smem:$0x3FAC];
	_ =	sdelay $0x3  }
0x33: {  	p0 =	seq.s32 s10, $0x1;
	s10 =	sld [smem:$0x3FAE];
	_ =	sdelay $0x3  }
0x34: {  	[smem:$0x3FAE] =	sst s10  }
0x35: {  	s10 =	sld [smem:$0x3FAD];
	_ =	sdelay $0x3  }
0x36: {  	p1 =	seq.s32 s10, $0x1;
	s10 =	sld [smem:$0x3FAE];
	_ =	sdelay $0x3  }
0x37: {  	[smem:$0x3FAE] =	sst s10  }
0x38: {  	s10 =	sld [smem:$0x3FAF]  }
0x39: {  	_ = 	snop;
	(pc) =	sbr.ind lr, $3  }
0x3a: {  	_ = 	snop  }
0x3b: {  	_ = 	snop  }
0x3c: {  	p2 =	seq.s32 s10, $0x1;
	s10 =	sld [smem:$0x3FAE]  }
0x3d: {  	_ =	shalt  }
0x3e: {  	_ =	shalt  }
0x3f: {  	_ =	shalt  }
0x40: {  	_ =	shalt  }
0x41: {  	_ =	shalt  }
0x42: {  	_ =	shalt  }
0x43: {  	_ =	shalt  }
0x44: {  	_ =	shalt  }
0x45: {  	_ =	shalt  }
0x46: {  	_ =	shalt  }
0x47: {  	_ =	shalt  }
0x48: {  	_ =	shalt  }
0x49: {  	_ =	shalt  }
0x4a: {  	_ =	shalt  }
0x4b: {  	_ =	shalt  }
0x4c: {  	_ =	shalt  }
0x4d: {  	_ =	shalt  }
0x4e: {  	_ =	shalt  }
0x4f: {  	_ =	shalt  }
0x50: {  	_ =	shalt  }
0x51: {  	_ =	shalt  }
0x52: {  	_ =	shalt  }
0x53: {  	_ =	shalt  }
0x54: {  	_ =	shalt  }
0x55: {  	_ =	shalt  }
0x56: {  	_ =	shalt  }
0x57: {  	_ =	shalt  }
0x58: {  	_ =	shalt  }
0x59: {  	_ =	shalt  }
0x5a: {  	_ =	shalt  }
0x5b: {  	_ =	shalt  }
0x5c: {  	_ =	shalt  }
0x5d: {  	_ =	shalt  }
0x5e: {  	_ =	shalt  }
0x5f: {  	_ =	shalt  }
0x60: {  	_ =	shalt  }
0x61: {  	_ =	shalt  }
0x62: {  	_ =	shalt  }
0x63: {  	_ =	shalt  }
0x64: {  	_ =	shalt  }
0x65: {  	_ =	shalt  }
0x66: {  	_ =	shalt  }
0x67: {  	_ =	shalt  }
0x68: {  	_ =	shalt  }
0x69: {  	_ =	shalt  }
0x6a: {  	_ =	shalt  }
0x6b: {  	_ =	shalt  }
0x6c: {  	_ =	shalt  }
0x6d: {  	_ =	shalt  }
0x6e: {  	_ =	shalt  }
0x6f: {  	_ =	shalt  }
0x70: {  	_ =	shalt  }
0x71: {  	_ =	shalt  }
0x72: {  	_ =	shalt  }
0x73: {  	_ =	shalt  }
0x74: {  	_ =	shalt  }
0x75: {  	_ =	shalt  }
0x76: {  	_ =	shalt  }
0x77: {  	_ =	shalt  }
0x78: {  	_ =	shalt  }
0x79: {  	_ =	shalt  }
0x7a: {  	_ =	shalt  }
0x7b: {  	_ =	shalt  }
0x7c: {  	_ =	shalt  }
0x7d: {  	_ =	shalt  }
0x7e: {  	_ =	shalt  }
0x7f: {  	_ =	shalt  }
0x80: {  	_ =	shalt  }
0x81: {  	_ =	shalt  }
0x82: {  	_ =	shalt  }
0x83: {  	_ =	shalt  }
0x84: {  	_ =	shalt  }
0x85: {  	_ =	shalt  }
0x86: {  	_ =	shalt  }
0x87: {  	_ =	shalt  }
.Lfunc_end0:
.L_simem_size_0:
called_computation_lowered:
.L_overlay_start_0:
0x88: {  	s2 =	sld [smem:$0x3FD9]  }
0x89: {  	s3 =	sld [smem:$0x3FFE];
	_ =	sdelay $0x1  }
0x8a: {  	s1 =	srdreg.scid  }
0x8b: {  	s0 =	sand.u32 $0x1, s1  }
0x8c: {  	s17 =	sshll.u32 s0, $0xA;
	s2 =	sadd.s32 s3, s2  }
0x8d: {  	s2 =	sadd.s32 s2, s17  }
0x8e: {  	[smem:$0x3FBA] =	sst s2  }
0x8f: {  	_ = 	snop  }
0x90: {  	s2 =	sld [smem:$0x3FD0];
	(tm) =	ssettm $0x1  }
0x91: {  	s18 =	sld [smem:$0x3FFB];
	_ =	sdelay $0x3  }
0x92: {  	_ =	strace s18  }
0x93: {  	s3 =	sld [smem:$0x3FFC];
	_ =	sdelay $0x3  }
0x94: {  	_ =	strace s3  }
0x95: {  	s3 =	sld [smem:$0x3FFD];
	_ =	sdelay $0x3  }
0x96: {  	_ =	strace s3  }
0x97: {  	_ =	strace $0x8FFFFFFF  }
0x98: {  	s19 =	sld [smem:$0x3FDB];
	_ =	sdelay $0x1  }
0x99: {  	s4 =	simm.s32 $_scs_section_size  }
0x9a: {  	s5 =	simm.s32 $_size__tile_overlayer_lowered;
	s6 =	simm.s32 $_tile_overlayer_lowered  }
0x9b: {  	s22 =	simm.s32 $0x1BFF;
	s21 =	sshll.u32 s6, $0x1;
	s3 =	sadd.s32 s4, s19  }
0x9c: {  	s7 =	simm.s32 $0x0;
	s20 =	sshll.u32 s5, $0x1;
	s5 =	sadd.s32 s21, s3  }
0x9d: {  	[timem:s7], [sflag:s22] =	dma.local [hbm:s5], s20  }
0x9e: {  	_ =	swait.ge [sflag:s22], s20  }
0x9f: {  	s4 =	ssub.s32 $0x0, s20;
	[sflag:s22] =	ssyncset.done $0x0  }
0xa0: {  	[sflag:s22] =	ssyncadd.s32 s4;
	_ =	sdelay $0x1  }
0xa1: {  	s23 =	simm.s32 $0x1B8B  }
0xa2: {  	_ =	swait.ge [sflag:s23], $0x1  }
0xa3: {  	[sflag:s23] =	ssyncset.done $0x0  }
0xa4: {  	s25 =	simm.s32 $0x1B8E;
	s24 =	sld [smem:$0x3FFE];
	[sflag:s23] =	ssyncadd.s32 $0xFFFFFFFF  }
0xa5: {  	s26 =	simm.s32 $execute0_lowered;
	[smem:$0x3FD2] =	sst s25  }
0xa6: {  	s5 =	sshll.u32 s26, $0x1;
	_ =	strace $0x80000046;
	[dreg:$0x1] =	wrdreg $0xFFFFFFFF  }
0xa7: {  	s28 =	simm.s32 $_size_execute0_lowered;
	s3 =	sadd.s32 s3, s5;
	[dreg:$0x0] =	wrdreg $0x0  }
0xa8: {  	s5 =	sshll.u32 s28, $0x1;
	[dreg:$0x2] =	wrdreg s3  }
0xa9: {  	[dreg:$0x3] =	wrdreg s5  }
0xaa: {  	[dreg:$0x4] =	wrdreg $0xC0  }
0xab: {  	_ =	task [dreg:s7], $0x5FFFF  }
0xac: {  	[dreg:$0x1] =	wrdreg $0xFFFFFFFF  }
0xad: {  	[dreg:$0x0] =	wrdreg $0x60  }
0xae: {  	[dreg:$0x2] =	wrdreg s24  }
0xaf: {  	[dreg:$0x3] =	wrdreg s2  }
0xb0: {  	[dreg:$0x4] =	wrdreg $0xD3800  }
0xb1: {  	[dreg:$0x5] =	wrdreg $0x9  }
0xb2: {  	_ =	task.clear_ibuf [dreg:s7], $0x6FFFF;
	_ =	strace $0x90000046  }
0xb3: {  	s29 =	simm.s32 $0x9;
	_ =	strace $0x80000048  }
0xb4: {  	_ =	swait.ge [sflag:s29], $0x1  }
0xb5: {  	[sflag:s29] =	ssyncadd.s32 $0xFFFFFFFF  }
0xb6: {  	_ =	strace $0x90000048  }
0xb7: {  	_ =	sfence  }
0xb8: {  	s30 =	sld [smem:$0x0];
	_ =	sdelay $0x2  }
0xb9: {  	s31 =	sshll.u32 s1, $0xD;
	s1 =	sshrl.u32 s1, $0x2  }
0xba: {  	s3 =	sand.u32 $0x4000, s31;
	s1 =	sadd.s32 s1, s30  }
0xbb: {  	s0 =	sor.u32 s3, s0;
	s1 =	sshll.u32 s1, $0x11  }
0xbc: {  	s0 =	sor.u32 s1, s0  }
0xbd: {  	s0 =	sadd.s32 $0x8F2B, s0  }
0xbe: {  	[sflag:s0] =	ssyncadd.remote.s32 $0x1  }
0xbf: {  	_ =	sfence.sel $0xFFFF  }
0xc0: {  	[dreg:$0x0] =	wrdreg $0xFFFFFFFF;
	(pc) =	sbr.abs _section_cstart, $3  }
0xc1: {  	[dreg:$0x1] =	wrdreg $0xFFFFFFFF  }
0xc2: {  	_ =	task.clear_ibuf [dreg:s7], $0x2FFFF;
	_ =	strace $0x9FFFFFFF  }
0xc3: {  	(tm) =	ssettm $0x7FFFFFFF  }
tec
execute0_lowered:
.L_overlay_start_1:
0x0: {  	(tag) =	ssettag $0x1  }
0x1: {  	s0 =	rddreg [dreg:$0x0]  }
0x2: {  	s3 =	rddreg [dreg:$0x2]  }
0x3: {  	s2 =	simm.s32 $0x0;
	s1 =	srdreg.scid;
	s11 =	stileid.u32  }
0x4: {  	s15 =	simm.s32 $0x7;
	s28 =	simm.s32 $0x280;
	s29 =	simm.s32 $0xAB00  }
0x5: {  	s30 =	simm.s32 $0x52100;
	s31 =	simm.s32 $0x100;
	s12 =	simm.s32 $0x4  }
0x6: {  	s13 =	simm.s32 $0x6;
	[smem:$0x7FF] =	sst s2;
	s1 =	sand.u32 $0x1, s1  }
0x7: {  	s17 =	smul.u32 $0xC800, s11;
	s5 =	sadd.s32 $0x2AC00, s0;
	s6 =	sadd.s32 $0x16C00, s0  }
0x8: {  	s7 =	sadd.s32 $0x52C00, s0;
	s8 =	sadd.s32 $0x3EC00, s0;
	s9 =	sadd.s32 $0x2200, s0  }
0x9: {  	s10 =	sshll.u32 s11, $0x1;
	s11 =	smul.u32 $0x32000, s11;
	_ =	strace $0x80000047  }
0xa: {  	s4 =	smul.u32 $0xC8000, s1;
	s18 =	ssub.s32 $0x2, s1;
	s1 =	sor.u32 s1, s10  }
0xb: {  	s10 =	simm.s32 $0x0;
	s19 =	sshrl.u32 s18, $0x1;
	s1 =	smul.u32 $0x2900, s1  }
0xc: {  	v0 =	vimm.s32 $0x76543210;
	v1 =	vimm.s32 $0xFEDCBA98;
	v2 =	vimm.s32 $0xBA98FEDC;
	s11 =	sshrl.u32 s11, $0x2;
	s2 =	sadd.s32 s17, s3;
	s4 =	sadd.s32 s17, s4  }
0xd: {  	v3 =	vimm.s32 $0x32107654;
	v4 =	vimm.s32 $0xDCFE98BA;
	v5 =	vimm.s32 $0x54761032;
	[dreg:$0x4] =	wrdreg s2;
	s20 =	sadd.s32 s11, s3;
	s4 =	sshrl.u32 s4, $0x3  }
0xe: {  	v6 =	vimm.s32 $0xEFCDAB89;
	v7 =	vimm.s32 $0x67452301;
	s21 =	sadd.s32 $0x2800, s20;
	s22 =	sadd.s32 $0x5000, s20;
	s23 =	sshrl.u32 s1, $0x3  }
0xf: {  	vm0 =	vmmov $0x1;
	vm1 =	vcmask $0x310;
	vm2 =	vcmask $0x710;
	s11 =	sadd.s32 $0x7800, s20;
	s2 =	sadd.s32 $0xA000, s20;
	[dreg:$0x5] =	wrdreg s21  }
0x10: {  	v0 =	vunpack.c.l.s4.s8 v0;
	v1 =	vunpack.c.l.s4.s8 v1;
	v2 =	vunpack.c.l.s4.s8 v2;
	s17 =	sadd.s32 $0x100, s1;
	s20 =	simm.s32 $0x6300;
	[dreg:$0x6] =	wrdreg s22  }
0x11: {  	v3 =	vunpack.c.l.s4.s8 v3;
	v4 =	vunpack.c.l.s4.s8 v4;
	v5 =	vunpack.c.l.s4.s8 v5;
	s0 =	sadd.s32 s4, s0;
	s4 =	ssub.s32 s18, s19;
	[dreg:$0x7] =	wrdreg s11  }
0x12: {  	v6 =	vunpack.c.l.s4.s8 v6;
	v7 =	vunpack.c.l.s4.s8 v7;
	v2 =	vunpack.c.0.s8.s32 v2;
	[dreg:$0x8] =	wrdreg s2;
	s24 =	sadd.s32 s9, s23;
	s18 =	sadd.s32 $0x180, s1  }
0x13: {  	v3 =	vunpack.c.0.s8.s32 v3;
	v4 =	vunpack.c.0.s8.s32 v4;
	v5 =	vunpack.c.0.s8.s32 v5;
	s1 =	simm.s32 $0x300;
	[dreg:$0x9] =	wrdreg s24;
	s2 =	sadd.s32 $0x10, s24  }
0x14: {  	v1 =	vunpack.c.0.s8.s32 v1;
	v6 =	vunpack.c.0.s8.s32 v6;
	v7 =	vunpack.c.0.s8.s32 v7;
	s22 =	simm.s32 $0x4300;
	s25 =	sadd.s32 $0x66C00, s0;
	[dreg:$0xa] =	wrdreg s2  }
0x15: {  	vm3 =	vcmask $0xB10;
	v3 =	vcombine.low v3, v2;
	v2 =	vunpack.c.0.s8.s32 v0;
	s21 =	simm.s32 $0x3;
	s0 =	sadd.s32 $0x98C00, s0;
	[dreg:$0xb] =	wrdreg s25  }
0x16: {  	v4 =	vcombine.low v5, v4;
	v5 =	vand.u32 $0xF, v1;
	v6 =	vcombine.low v7, v6;
	s11 =	simm.s32 $0x5;
	s26 =	smax.u32 s4, $0x1;
	[dreg:$0xc] =	wrdreg s0  }
0x17: {  	v0 =	vimm.f32 $0.0e+00;
	v1 =	vimm.s32 $0x2710;
	s24 =	simm.s32 $0x8300;
	v2 =	vcombine.low v5, v2;
	s4 =	simm.s32 $0x2;
	[dreg:$0xd] =	wrdreg s26  }
0x18: {  	v3 =	vand.u32 $0xF, v3;
	v4 =	vand.u32 $0xF, v4;
	v5 =	vand.u32 $0xF, v6;
	s25 =	simm.s32 $0x80;
	s26 =	simm.s32 $0x200;
	s0 =	simm.s32 $0x1  }
.LBB2_1:
0x19: {  	[dreg:$0xe] =	wrdreg s10  }
0x1a: {  	s2 =	rddreg [dreg:$0x1];
	s23 =	simm.s32 $0x0;
	s14 =	simm.s32 $0xD300  }
0x1b: {  	[tilespmem:s14], [sflag:$0x7] =	stream.linear.gather [hbm4b:s2+s23], $0x80, $0x38;
	[tilespmem:$0x19B80] =	vst v63  }
0x1c: {  	_ =	swait.ge [sflag:s15], $0x80  }
0x1d: {  	[sflag:s15] =	ssyncset.done $0x0  }
0x1e: {  	s10 =	simm.s32 $0x140;
	s2 =	simm.s32 $0x0;
	[sflag:s15] =	ssyncadd.s32 $0xFFFFFF80  }
.LBB2_2:
0x1f: {  	p0 =	sne.s32 s10, $0x9EC0;
	[tilespmem:s2+$0xAB40] =	vst v0  }
0x20: {  	[tilespmem:s2+$0x8300] =	vst v0  }
0x21: {  	[tilespmem:s2+$0xAB00] =	vst v0  }
0x22: {  	[tilespmem:s2+$0x8310] =	vst v0  }
0x23: {  	[tilespmem:s2+$0xAB10] =	vst v0  }
.Ltmp0:
0x24: {  	[tilespmem:s2+$0x8320] =	vst v0;
	(pc) =	sbr.rel @p0 .LBB2_2-.Ltmp0, $4  }
0x25: {  	[tilespmem:s2+$0xAB20] =	vst v0  }
0x26: {  	[tilespmem:s2+$0x8330] =	vst v0  }
0x27: {  	[tilespmem:s2+$0xAB30] =	vst v0  }
0x28: {  	[tilespmem:s2+$0x8340] =	vst v0;
	s2 =	sshra.s32 s10, $0x2;
	s10 =	sadd.s32 $0x140, s10  }
0x29: {  	[tilespmem:s2+$0xAB40] =	vst v0  }
0x2a: {  	[tilespmem:s2+$0x8300] =	vst v0  }
0x2b: {  	[tilespmem:s2+$0xAB00] =	vst v0  }
0x2c: {  	[tilespmem:s2+$0x8310] =	vst v0  }
0x2d: {  	[tilespmem:s2+$0xAB10] =	vst v0  }
0x2e: {  	[tilespmem:s2+$0x8320] =	vst v0  }
0x2f: {  	[tilespmem:s2+$0xAB20] =	vst v0  }
0x30: {  	[tilespmem:s2+$0x8330] =	vst v0  }
0x31: {  	[tilespmem:s2+$0xAB30] =	vst v0  }
0x32: {  	[tilespmem:s2+$0x8340] =	vst v0;
	s19 =	rddreg [dreg:$0x4]  }
0x33: {  	[spmem:s19] =	stream.linear.scatter [tilespmem:s24], [sflag:$0x7], $0x2800, $0x38;
	[tilespmem:$0x19B80] =	vst v63  }
0x34: {  	_ =	swait.ge [sflag:s15], $0x2800  }
0x35: {  	[sflag:s15] =	ssyncset.done $0x0  }
0x36: {  	s23 =	rddreg [dreg:$0x5];
	[sflag:s15] =	ssyncadd.s32 $0xFFFFD800  }
0x37: {  	[spmem:s23] =	stream.linear.scatter [tilespmem:s24], [sflag:$0x7], $0x2800, $0x38;
	[tilespmem:$0x19B80] =	vst v63  }
0x38: {  	_ =	swait.ge [sflag:s15], $0x2800  }
0x39: {  	[sflag:s15] =	ssyncset.done $0x0  }
0x3a: {  	s10 =	rddreg [dreg:$0x6];
	[sflag:s15] =	ssyncadd.s32 $0xFFFFD800  }
0x3b: {  	[spmem:s10] =	stream.linear.scatter [tilespmem:s24], [sflag:$0x7], $0x2800, $0x38;
	[tilespmem:$0x19B80] =	vst v63  }
0x3c: {  	_ =	swait.ge [sflag:s15], $0x2800  }
0x3d: {  	[sflag:s15] =	ssyncset.done $0x0  }
0x3e: {  	s14 =	rddreg [dreg:$0x7];
	[sflag:s15] =	ssyncadd.s32 $0xFFFFD800  }
0x3f: {  	[spmem:s14] =	stream.linear.scatter [tilespmem:s24], [sflag:$0x7], $0x2800, $0x38;
	[tilespmem:$0x19B80] =	vst v63  }
0x40: {  	_ =	swait.ge [sflag:s15], $0x2800  }
0x41: {  	[sflag:s15] =	ssyncset.done $0x0  }
0x42: {  	s16 =	rddreg [dreg:$0x8];
	[sflag:s15] =	ssyncadd.s32 $0xFFFFD800  }
0x43: {  	[spmem:s16] =	stream.linear.scatter [tilespmem:s24], [sflag:$0x7], $0x2800, $0x38;
	[tilespmem:$0x19B80] =	vst v63  }
0x44: {  	_ =	swait.ge [sflag:s15], $0x2800  }
0x45: {  	[sflag:s15] =	ssyncset.done $0x0  }
0x46: {  	[sflag:s15] =	ssyncadd.s32 $0xFFFFD800  }
0x47: {  	[bflag:$0x0] =	sbarrier.arrive $0xFFFF  }
0x48: {  	[tilespmem:$0x200] =	vst v1  }
0x49: {  	[tilespmem:$0x280] =	vst v1  }
0x4a: {  	[tilespmem:$0x210] =	vst v1  }
0x4b: {  	[tilespmem:$0x290] =	vst v1  }
0x4c: {  	[tilespmem:$0x220] =	vst v1  }
0x4d: {  	[tilespmem:$0x2A0] =	vst v1  }
0x4e: {  	[tilespmem:$0x230] =	vst v1  }
0x4f: {  	[tilespmem:$0x2B0] =	vst v1  }
0x50: {  	[tilespmem:$0x240] =	vst v1  }
0x51: {  	[tilespmem:$0x2C0] =	vst v1  }
0x52: {  	[tilespmem:$0x250] =	vst v1  }
0x53: {  	[tilespmem:$0x2D0] =	vst v1  }
0x54: {  	[tilespmem:$0x260] =	vst v1  }
0x55: {  	[tilespmem:$0x2E0] =	vst v1  }
0x56: {  	[tilespmem:$0x270] =	vst v1  }
0x57: {  	[tilespmem:$0x2F0] =	vst v1  }
0x58: {  	[spmem:s3] =	stream.indirect.scatter.add.f32 [tilespmem:s24], [sflag:$0x5], $0x50, s26, s25, $0xb8;
	[tilespmem:$0x19B80] =	vst v63  }
0x59: {  	_ = 	snop  }
0x5a: {  	[spmem:s3] =	stream.indirect.scatter.add.f32 [tilespmem:s29], [sflag:$0x6], $0x50, s28, s25, $0xb8;
	[tilespmem:$0x19B80] =	vst v63  }
0x5b: {  	s15 =	simm.s32 $0x0;
	s19 =	rddreg [dreg:$0x9]  }
0x5c: {  	[tilespmem:s15], [sflag:$0x1] =	stream.strided.gather [hbm4b:s19+s25], $0x100, s30, s25, $0x38;
	[tilespmem:$0x19B80] =	vst v63  }
0x5d: {  	s23 =	rddreg [dreg:$0xa]  }
0x5e: {  	[tilespmem:s31], [sflag:$0x2] =	stream.strided.gather [hbm4b:s23+s25], $0x100, s30, s25, $0x38;
	[tilespmem:$0x19B80] =	vst v63  }
0x5f: {  	_ =	swait.ge [sflag:s0], $0x100  }
0x60: {  	[sflag:s0] =	ssyncset.done $0x0  }
0x61: {  	[sflag:s0] =	ssyncadd.s32 $0xFFFFFF00  }
0x62: {  	[tilespmem:s1], [sflag:$0x3] =	stream.indirect.gather [hbm4b:s5+s25], $0x40, s15, s25, $0xb8;
	[tilespmem:$0x19B80] =	vst v63  }
0x63: {  	s10 =	simm.s32 $0x0  }
0x64: {  	[tilespmem:s22], [sflag:$0x3] =	stream.indirect.gather [hbm4b:s7+s25], $0x40, s25, s25, $0xb8;
	[tilespmem:$0x19B80] =	vst v63  }
.LBB2_4:
0x65: {  	_ =	swait.ge [sflag:s4], $0x100  }
0x66: {  	[sflag:s4] =	ssyncset.done $0x0  }
0x67: {  	s2 =	simm.s32 $0x2300;
	[sflag:s4] =	ssyncadd.s32 $0xFFFFFF00  }
0x68: {  	[tilespmem:s2], [sflag:$0x4] =	stream.indirect.gather [hbm4b:s5+s25], $0x40, s31, s25, $0xb8;
	[tilespmem:$0x19B80] =	vst v63  }
0x69: {  	s16 =	simm.s32 $0x180  }
0x6a: {  	[tilespmem:s20], [sflag:$0x4] =	stream.indirect.gather [hbm4b:s7+s25], $0x40, s16, s25, $0xb8;
	[tilespmem:$0x19B80] =	vst v63  }
0x6b: {  	_ =	swait.ge [sflag:s21], $0x2000  }
0x6c: {  	[sflag:s21] =	ssyncset.done $0x0  }
0x6d: {  	[sflag:s21] =	ssyncadd.s32 $0xFFFFE000  }
0x6e: {  	_ =	swait.ge [sflag:s21], $0x2000  }
0x6f: {  	[sflag:s21] =	ssyncset.done $0x0  }
0x70: {  	[sflag:s21] =	ssyncadd.s32 $0xFFFFE000  }
0x71: {  	_ =	swait.ge [sflag:s11], $0x2800  }
0x72: {  	[sflag:s11] =	ssyncset.done $0x0  }
0x73: {  	[sflag:s11] =	ssyncadd.s32 $0xFFFFD800  }
0x74: {  	v6 =	vld [tilespmem:$0x80]  }
0x75: {  	v7 =	vld [tilespmem:$0x90]  }
0x76: {  	v8 =	vld [tilespmem:$0xA0]  }
0x77: {  	v9 =	vld [tilespmem:$0xB0]  }
0x78: {  	v10 =	vld [tilespmem:$0xC0]  }
0x79: {  	[tilespmem:$0x200] =	vst v6;
	v6 =	vld [tilespmem:$0xD0]  }
0x7a: {  	[tilespmem:$0x210] =	vst v7;
	v7 =	vld [tilespmem:$0xE0]  }
0x7b: {  	[tilespmem:$0x220] =	vst v8;
	v8 =	vld [tilespmem:$0xF0]  }
0x7c: {  	[tilespmem:$0x230] =	vst v9  }
0x7d: {  	s16 =	sshll.u32 s10, $0x8;
	[tilespmem:$0x240] =	vst v10  }
0x7e: {  	s19 =	sadd.s32 s16, s17;
	[tilespmem:$0x250] =	vst v6  }
0x7f: {  	s2 =	sshrl.u32 s19, $0x3;
	[tilespmem:$0x260] =	vst v7  }
0x80: {  	s23 =	simm.s32 $0x0;
	s2 =	sadd.s32 s9, s2;
	[tilespmem:$0x270] =	vst v8  }
0x81: {  	[tilespmem:s15], [sflag:$0x1] =	stream.strided.gather [hbm4b:s2+s25], $0x100, s30, s25, $0x38;
	[tilespmem:$0x19B80] =	vst v63  }
0x82: {  	v6 =	vld [tilespmem:s23+$0x300]  }
0x83: {  	v7 =	vld [tilespmem:s23+$0x4300];
	_ =	sdelay $0x4  }
0x84: {  	v8 =	vld [tilespmem:$0xD300];
	v7 =	vadd.f32 v7, v6;
	_ =	sdelay $0x1  }
0x85: {  	v9 =	vmul.f32 $2.000000030e-01, v7;
	_ =	sdelay $0x1  }
0x86: {  	v7 =	vmax.f32 v7, v9  }
0x87: {  	v7 =	vmul.f32 v7, v8;
	_ =	sdelay $0x1  }
0x88: {  	v7 =	vadd.f32 $0.0e+00, v7;
	_ =	sdelay $0x1  }
0x89: {  	v8 =	vperm.xlane v7, v2;
	_ =	sdelay $0x1  }
0x8a: {  	v7 =	vadd.f32 v7, v8;
	_ =	sdelay $0x1  }
0x8b: {  	v8 =	vperm.xlane v7, v3;
	_ =	sdelay $0x1  }
0x8c: {  	v7 =	vadd.f32 v7, v8;
	_ =	sdelay $0x1  }
0x8d: {  	v8 =	vperm.xlane v7, v4;
	_ =	sdelay $0x1  }
0x8e: {  	v7 =	vadd.f32 v7, v8;
	_ =	sdelay $0x1  }
0x8f: {  	v8 =	vperm.xlane v7, v5;
	_ =	sdelay $0x1  }
0x90: {  	v7 =	vadd.f32 v7, v8;
	_ =	sdelay $0x1  }
0x91: {  	v7 =	vmul.f32 $1.442695020e+00, v7;
	_ =	sdelay $0x1  }
0x92: {  	(erf) = vpow2.f32 v7;
	_ =	sdelay $0x8  }
0x93: {  	v7 =	vpop (erf)  }
0x94: {  	v6 =	vmul.f32 v7, v6  }
0x95: {  	s14 =	simm.s32 $0x8320  }
0x96: {  	[tilespmem:s14+$0xFFFFFFE0] =	vst v6  }
0x97: {  	v6 =	vld [tilespmem:s23+$0x310]  }
0x98: {  	v8 =	vld [tilespmem:s23+$0x4310];
	_ =	sdelay $0x4  }
0x99: {  	v9 =	vld [tilespmem:$0xD310];
	v8 =	vadd.f32 v8, v6;
	_ =	sdelay $0x1  }
0x9a: {  	v10 =	vmul.f32 $2.000000030e-01, v8;
	_ =	sdelay $0x1  }
0x9b: {  	v8 =	vmax.f32 v8, v10  }
0x9c: {  	v8 =	vmul.f32 v8, v9;
	_ =	sdelay $0x1  }
0x9d: {  	v8 =	vadd.f32 $0.0e+00, v8;
	_ =	sdelay $0x1  }
0x9e: {  	v9 =	vperm.xlane v8, v2;
	_ =	sdelay $0x1  }
0x9f: {  	v8 =	vadd.f32 v8, v9;
	_ =	sdelay $0x1  }
0xa0: {  	v9 =	vperm.xlane v8, v3;
	_ =	sdelay $0x1  }
0xa1: {  	v8 =	vadd.f32 v8, v9;
	_ =	sdelay $0x1  }
0xa2: {  	v9 =	vperm.xlane v8, v4;
	_ =	sdelay $0x1  }
0xa3: {  	v8 =	vadd.f32 v8, v9;
	_ =	sdelay $0x1  }
0xa4: {  	v9 =	vperm.xlane v8, v5;
	_ =	sdelay $0x1  }
0xa5: {  	v8 =	vadd.f32 v8, v9;
	_ =	sdelay $0x1  }
0xa6: {  	v8 =	vmul.f32 $1.442695020e+00, v8;
	_ =	sdelay $0x1  }
0xa7: {  	(erf) = vpow2.f32 v8;
	_ =	sdelay $0x8  }
0xa8: {  	v9 =	vpop (erf)  }
0xa9: {  	v6 =	vmul.f32 v9, v6;
	_ =	sdelay $0x1  }
0xaa: {  	[tilespmem:s14+$0xFFFFFFF0] =	vst v6  }
0xab: {  	v6 =	vld [tilespmem:s23+$0x320]  }
0xac: {  	v8 =	vld [tilespmem:s23+$0x4320];
	_ =	sdelay $0x4  }
0xad: {  	v10 =	vld [tilespmem:$0xD320];
	v8 =	vadd.f32 v8, v6;
	_ =	sdelay $0x1  }
0xae: {  	v11 =	vmul.f32 $2.000000030e-01, v8;
	_ =	sdelay $0x1  }
0xaf: {  	v8 =	vmax.f32 v8, v11  }
0xb0: {  	v8 =	vmul.f32 v8, v10;
	_ =	sdelay $0x1  }
0xb1: {  	v8 =	vadd.f32 $0.0e+00, v8;
	_ =	sdelay $0x1  }
0xb2: {  	v10 =	vperm.xlane v8, v2;
	_ =	sdelay $0x1  }
0xb3: {  	v8 =	vadd.f32 v8, v10;
	_ =	sdelay $0x1  }
0xb4: {  	v10 =	vperm.xlane v8, v3;
	_ =	sdelay $0x1  }
0xb5: {  	v8 =	vadd.f32 v8, v10;
	_ =	sdelay $0x1  }
0xb6: {  	v10 =	vperm.xlane v8, v4;
	_ =	sdelay $0x1  }
0xb7: {  	v8 =	vadd.f32 v8, v10;
	_ =	sdelay $0x1  }
0xb8: {  	v10 =	vperm.xlane v8, v5;
	_ =	sdelay $0x1  }
0xb9: {  	v8 =	vadd.f32 v8, v10;
	_ =	sdelay $0x1  }
0xba: {  	v8 =	vmul.f32 $1.442695020e+00, v8;
	_ =	sdelay $0x1  }
0xbb: {  	(erf) = vpow2.f32 v8;
	_ =	sdelay $0x8  }
0xbc: {  	v10 =	vpop (erf)  }
0xbd: {  	v6 =	vmul.f32 v10, v6;
	_ =	sdelay $0x1  }
0xbe: {  	[tilespmem:s14+$0x0] =	vst v6  }
0xbf: {  	v8 =	vld [tilespmem:s23+$0x330]  }
0xc0: {  	v6 =	vld [tilespmem:s23+$0x4330];
	_ =	sdelay $0x4  }
0xc1: {  	v11 =	vld [tilespmem:$0xD330];
	v6 =	vadd.f32 v6, v8;
	_ =	sdelay $0x1  }
0xc2: {  	v12 =	vmul.f32 $2.000000030e-01, v6;
	_ =	sdelay $0x1  }
0xc3: {  	v6 =	vmax.f32 v6, v12  }
0xc4: {  	v6 =	vmul.f32 v6, v11;
	_ =	sdelay $0x1  }
0xc5: {  	v6 =	vadd.f32 $0.0e+00, v6;
	_ =	sdelay $0x1  }
0xc6: {  	v11 =	vperm.xlane v6, v2;
	_ =	sdelay $0x1  }
0xc7: {  	v6 =	vadd.f32 v6, v11;
	_ =	sdelay $0x1  }
0xc8: {  	v11 =	vperm.xlane v6, v3;
	_ =	sdelay $0x1  }
0xc9: {  	v6 =	vadd.f32 v6, v11;
	_ =	sdelay $0x1  }
0xca: {  	v11 =	vperm.xlane v6, v4;
	_ =	sdelay $0x1  }
0xcb: {  	v6 =	vadd.f32 v6, v11;
	_ =	sdelay $0x1  }
0xcc: {  	v11 =	vperm.xlane v6, v5;
	_ =	sdelay $0x1  }
0xcd: {  	v6 =	vadd.f32 v6, v11;
	_ =	sdelay $0x1  }
0xce: {  	v6 =	vmul.f32 $1.442695020e+00, v6;
	_ =	sdelay $0x1  }
0xcf: {  	(erf) = vpow2.f32 v6;
	_ =	sdelay $0x3  }
0xd0: {  	v7 =	vnsel vm0, $0x0, v7  }
0xd1: {  	v7 =	vsel vm1, v7, v9  }
0xd2: {  	s2 =	simm.s32 $0x100;
	s23 =	simm.s32 $0x8320;
	v6 =	vsel vm2, v7, v10  }
.LBB2_5:
0xd3: {  	p0 =	sne.s32 s2, $0x7F00  }
0xd4: {  	s14 =	sadd.s32 $0x50, s14;
	s19 =	smov.u32 s2;
	s2 =	sadd.s32 $0x100, s2  }
0xd5: {  	v7 =	vpop (erf)  }
0xd6: {  	v8 =	vmul.f32 v7, v8;
	v6 =	vsel vm3, v6, v7  }
0xd7: {  	[tilespmem:s23+$0x20] =	vst v6  }
0xd8: {  	s19 =	sshra.s32 s19, $0x2;
	[tilespmem:s23+$0x10] =	vst v8;
	s23 =	smov.u32 s14  }
0xd9: {  	v7 =	vld [tilespmem:s19+$0x300]  }
0xda: {  	v6 =	vld [tilespmem:s19+$0x4300];
	_ =	sdelay $0x3  }
0xdb: {  	v8 =	vld [tilespmem:$0xD300]  }
0xdc: {  	v6 =	vadd.f32 v6, v7;
	_ =	sdelay $0x1  }
0xdd: {  	v9 =	vmul.f32 $2.000000030e-01, v6;
	_ =	sdelay $0x1  }
0xde: {  	v6 =	vmax.f32 v6, v9  }
0xdf: {  	v6 =	vmul.f32 v6, v8;
	_ =	sdelay $0x1  }
0xe0: {  	v6 =	vadd.f32 $0.0e+00, v6;
	_ =	sdelay $0x1  }
0xe1: {  	v8 =	vperm.xlane v6, v2;
	_ =	sdelay $0x1  }
0xe2: {  	v6 =	vadd.f32 v6, v8;
	_ =	sdelay $0x1  }
0xe3: {  	v8 =	vperm.xlane v6, v3;
	_ =	sdelay $0x1  }
0xe4: {  	v6 =	vadd.f32 v6, v8;
	_ =	sdelay $0x1  }
0xe5: {  	v8 =	vperm.xlane v6, v4;
	_ =	sdelay $0x1  }
0xe6: {  	v6 =	vadd.f32 v6, v8;
	_ =	sdelay $0x1  }
0xe7: {  	v8 =	vperm.xlane v6, v5;
	_ =	sdelay $0x1  }
0xe8: {  	v6 =	vadd.f32 v6, v8;
	_ =	sdelay $0x1  }
0xe9: {  	v6 =	vmul.f32 $1.442695020e+00, v6;
	_ =	sdelay $0x1  }
0xea: {  	(erf) = vpow2.f32 v6;
	_ =	sdelay $0x8  }
0xeb: {  	v6 =	vpop (erf)  }
0xec: {  	v7 =	vmul.f32 v6, v7;
	_ =	sdelay $0x1  }
0xed: {  	[tilespmem:s14+$0xFFFFFFE0] =	vst v7  }
0xee: {  	v8 =	vld [tilespmem:s19+$0x310]  }
0xef: {  	v7 =	vld [tilespmem:s19+$0x4310];
	_ =	sdelay $0x2  }
0xf0: {  	v9 =	vld [tilespmem:$0xD310];
	_ =	sdelay $0x1  }
0xf1: {  	v7 =	vadd.f32 v7, v8;
	_ =	sdelay $0x1  }
0xf2: {  	v10 =	vmul.f32 $2.000000030e-01, v7;
	_ =	sdelay $0x1  }
0xf3: {  	v7 =	vmax.f32 v7, v10  }
0xf4: {  	v7 =	vmul.f32 v7, v9;
	_ =	sdelay $0x1  }
0xf5: {  	v7 =	vadd.f32 $0.0e+00, v7;
	_ =	sdelay $0x1  }
0xf6: {  	v9 =	vperm.xlane v7, v2;
	_ =	sdelay $0x1  }
0xf7: {  	v7 =	vadd.f32 v7, v9;
	_ =	sdelay $0x1  }
0xf8: {  	v9 =	vperm.xlane v7, v3;
	_ =	sdelay $0x1  }
0xf9: {  	v7 =	vadd.f32 v7, v9;
	_ =	sdelay $0x1  }
0xfa: {  	v9 =	vperm.xlane v7, v4;
	_ =	sdelay $0x1  }
0xfb: {  	v7 =	vadd.f32 v7, v9;
	_ =	sdelay $0x1  }
0xfc: {  	v9 =	vperm.xlane v7, v5;
	_ =	sdelay $0x1  }
0xfd: {  	v7 =	vadd.f32 v7, v9;
	_ =	sdelay $0x1  }
0xfe: {  	v7 =	vmul.f32 $1.442695020e+00, v7;
	_ =	sdelay $0x1  }
0xff: {  	(erf) = vpow2.f32 v7;
	_ =	sdelay $0x8  }
0x100: {  	v7 =	vpop (erf)  }
0x101: {  	v8 =	vmul.f32 v7, v8;
	_ =	sdelay $0x1  }
0x102: {  	[tilespmem:s14+$0xFFFFFFF0] =	vst v8  }
0x103: {  	v8 =	vld [tilespmem:s19+$0x320]  }
0x104: {  	v9 =	vld [tilespmem:s19+$0x4320];
	_ =	sdelay $0x1  }
0x105: {  	v10 =	vld [tilespmem:$0xD320];
	_ =	sdelay $0x2  }
0x106: {  	v9 =	vadd.f32 v9, v8;
	_ =	sdelay $0x1  }
0x107: {  	v11 =	vmul.f32 $2.000000030e-01, v9;
	_ =	sdelay $0x1  }
0x108: {  	v9 =	vmax.f32 v9, v11  }
0x109: {  	v9 =	vmul.f32 v9, v10;
	_ =	sdelay $0x1  }
0x10a: {  	v9 =	vadd.f32 $0.0e+00, v9;
	_ =	sdelay $0x1  }
0x10b: {  	v10 =	vperm.xlane v9, v2;
	_ =	sdelay $0x1  }
0x10c: {  	v9 =	vadd.f32 v9, v10;
	_ =	sdelay $0x1  }
0x10d: {  	v10 =	vperm.xlane v9, v3;
	_ =	sdelay $0x1  }
0x10e: {  	v9 =	vadd.f32 v9, v10;
	_ =	sdelay $0x1  }
0x10f: {  	v10 =	vperm.xlane v9, v4;
	_ =	sdelay $0x1  }
0x110: {  	v9 =	vadd.f32 v9, v10;
	_ =	sdelay $0x1  }
0x111: {  	v10 =	vperm.xlane v9, v5;
	_ =	sdelay $0x1  }
0x112: {  	v9 =	vadd.f32 v9, v10;
	_ =	sdelay $0x1  }
0x113: {  	v9 =	vmul.f32 $1.442695020e+00, v9;
	_ =	sdelay $0x1  }
0x114: {  	(erf) = vpow2.f32 v9;
	_ =	sdelay $0x8  }
0x115: {  	v9 =	vpop (erf)  }
0x116: {  	v8 =	vmul.f32 v9, v8;
	_ =	sdelay $0x1  }
0x117: {  	[tilespmem:s14+$0x0] =	vst v8  }
0x118: {  	v8 =	vld [tilespmem:s19+$0x330]  }
0x119: {  	v10 =	vld [tilespmem:s19+$0x4330]  }
0x11a: {  	v11 =	vld [tilespmem:$0xD330];
	_ =	sdelay $0x3  }
0x11b: {  	v10 =	vadd.f32 v10, v8;
	_ =	sdelay $0x1  }
0x11c: {  	v12 =	vmul.f32 $2.000000030e-01, v10;
	_ =	sdelay $0x1  }
0x11d: {  	v10 =	vmax.f32 v10, v12  }
0x11e: {  	v10 =	vmul.f32 v10, v11;
	_ =	sdelay $0x1  }
0x11f: {  	v10 =	vadd.f32 $0.0e+00, v10;
	_ =	sdelay $0x1  }
0x120: {  	v11 =	vperm.xlane v10, v2;
	_ =	sdelay $0x1  }
0x121: {  	v10 =	vadd.f32 v10, v11;
	_ =	sdelay $0x1  }
0x122: {  	v11 =	vperm.xlane v10, v3;
	_ =	sdelay $0x1  }
0x123: {  	v10 =	vadd.f32 v10, v11;
	_ =	sdelay $0x1  }
0x124: {  	v11 =	vperm.xlane v10, v4;
	_ =	sdelay $0x1  }
0x125: {  	v10 =	vadd.f32 v10, v11;
	_ =	sdelay $0x1  }
0x126: {  	v11 =	vperm.xlane v10, v5;
	_ =	sdelay $0x1  }
0x127: {  	v10 =	vadd.f32 v10, v11;
	_ =	sdelay $0x1  }
0x128: {  	v10 =	vmul.f32 $1.442695020e+00, v10;
	_ =	sdelay $0x1  }
0x129: {  	(erf) = vpow2.f32 v10;
	_ =	sdelay $0x1  }
.Ltmp1:
0x12a: {  	(pc) =	sbr.rel @p0 .LBB2_5-.Ltmp1, $4  }
0x12b: {  	_ = 	snop  }
0x12c: {  	v6 =	vnsel vm0, $0x0, v6  }
0x12d: {  	v6 =	vsel vm1, v6, v7  }
0x12e: {  	v6 =	vsel vm2, v6, v9  }
0x12f: {  	_ =	sdelay $0x1  }
0x130: {  	v7 =	vpop (erf)  }
0x131: {  	v8 =	vmul.f32 v7, v8;
	v6 =	vsel vm3, v6, v7  }
0x132: {  	[tilespmem:s23+$0x20] =	vst v6  }
0x133: {  	[tilespmem:s23+$0x10] =	vst v8  }
0x134: {  	[spmem:s3] =	stream.indirect.scatter.add.f32 [tilespmem:s24], [sflag:$0x5], $0x50, s26, s25, $0xb8;
	[tilespmem:$0x19B80] =	vst v63  }
0x135: {  	_ =	swait.ge [sflag:s0], $0x100  }
0x136: {  	[sflag:s0] =	ssyncset.done $0x0  }
0x137: {  	s2 =	simm.s32 $0x0;
	[sflag:s0] =	ssyncadd.s32 $0xFFFFFF00  }
0x138: {  	[tilespmem:s1], [sflag:$0x3] =	stream.indirect.gather [hbm4b:s5+s25], $0x40, s2, s25, $0xb8;
	[tilespmem:$0x19B80] =	vst v63  }
0x139: {  	_ = 	snop  }
0x13a: {  	[tilespmem:s22], [sflag:$0x3] =	stream.indirect.gather [hbm4b:s7+s25], $0x40, s25, s25, $0xb8;
	[tilespmem:$0x19B80] =	vst v63  }
0x13b: {  	_ =	swait.ge [sflag:s12], $0x2000  }
0x13c: {  	[sflag:s12] =	ssyncset.done $0x0  }
0x13d: {  	[sflag:s12] =	ssyncadd.s32 $0xFFFFE000  }
0x13e: {  	_ =	swait.ge [sflag:s12], $0x2000  }
0x13f: {  	[sflag:s12] =	ssyncset.done $0x0  }
0x140: {  	[sflag:s12] =	ssyncadd.s32 $0xFFFFE000  }
0x141: {  	_ =	swait.ge [sflag:s13], $0x2800  }
0x142: {  	[sflag:s13] =	ssyncset.done $0x0  }
0x143: {  	[sflag:s13] =	ssyncadd.s32 $0xFFFFD800  }
0x144: {  	v6 =	vld [tilespmem:$0x180]  }
0x145: {  	v7 =	vld [tilespmem:$0x190]  }
0x146: {  	v8 =	vld [tilespmem:$0x1A0]  }
0x147: {  	v9 =	vld [tilespmem:$0x1B0]  }
0x148: {  	v10 =	vld [tilespmem:$0x1C0]  }
0x149: {  	[tilespmem:$0x280] =	vst v6;
	v6 =	vld [tilespmem:$0x1D0]  }
0x14a: {  	[tilespmem:$0x290] =	vst v7;
	v7 =	vld [tilespmem:$0x1E0]  }
0x14b: {  	[tilespmem:$0x2A0] =	vst v8;
	v8 =	vld [tilespmem:$0x1F0]  }
0x14c: {  	[tilespmem:$0x2B0] =	vst v9  }
0x14d: {  	[tilespmem:$0x2C0] =	vst v10  }
0x14e: {  	s19 =	sadd.s32 s16, s18;
	[tilespmem:$0x2D0] =	vst v6  }
0x14f: {  	s2 =	sshrl.u32 s19, $0x3;
	[tilespmem:$0x2E0] =	vst v7  }
0x150: {  	s23 =	simm.s32 $0x0;
	s2 =	sadd.s32 s9, s2;
	[tilespmem:$0x2F0] =	vst v8  }
0x151: {  	[tilespmem:s31], [sflag:$0x2] =	stream.strided.gather [hbm4b:s2+s25], $0x100, s30, s25, $0x38;
	[tilespmem:$0x19B80] =	vst v63  }
0x152: {  	v6 =	vld [tilespmem:s23+$0x2300]  }
0x153: {  	v7 =	vld [tilespmem:s23+$0x6300];
	_ =	sdelay $0x4  }
0x154: {  	v8 =	vld [tilespmem:$0xD300];
	v7 =	vadd.f32 v7, v6;
	_ =	sdelay $0x1  }
0x155: {  	v9 =	vmul.f32 $2.000000030e-01, v7;
	_ =	sdelay $0x1  }
0x156: {  	v7 =	vmax.f32 v7, v9  }
0x157: {  	v7 =	vmul.f32 v7, v8;
	_ =	sdelay $0x1  }
0x158: {  	v7 =	vadd.f32 $0.0e+00, v7;
	_ =	sdelay $0x1  }
0x159: {  	v8 =	vperm.xlane v7, v2;
	_ =	sdelay $0x1  }
0x15a: {  	v7 =	vadd.f32 v7, v8;
	_ =	sdelay $0x1  }
0x15b: {  	v8 =	vperm.xlane v7, v3;
	_ =	sdelay $0x1  }
0x15c: {  	v7 =	vadd.f32 v7, v8;
	_ =	sdelay $0x1  }
0x15d: {  	v8 =	vperm.xlane v7, v4;
	_ =	sdelay $0x1  }
0x15e: {  	v7 =	vadd.f32 v7, v8;
	_ =	sdelay $0x1  }
0x15f: {  	v8 =	vperm.xlane v7, v5;
	_ =	sdelay $0x1  }
0x160: {  	v7 =	vadd.f32 v7, v8;
	_ =	sdelay $0x1  }
0x161: {  	v7 =	vmul.f32 $1.442695020e+00, v7;
	_ =	sdelay $0x1  }
0x162: {  	(erf) = vpow2.f32 v7;
	_ =	sdelay $0x8  }
0x163: {  	v7 =	vpop (erf)  }
0x164: {  	v6 =	vmul.f32 v7, v6  }
0x165: {  	s14 =	simm.s32 $0xAB20  }
0x166: {  	[tilespmem:s14+$0xFFFFFFE0] =	vst v6  }
0x167: {  	v6 =	vld [tilespmem:s23+$0x2310]  }
0x168: {  	v8 =	vld [tilespmem:s23+$0x6310];
	_ =	sdelay $0x4  }
0x169: {  	v9 =	vld [tilespmem:$0xD310];
	v8 =	vadd.f32 v8, v6;
	_ =	sdelay $0x1  }
0x16a: {  	v10 =	vmul.f32 $2.000000030e-01, v8;
	_ =	sdelay $0x1  }
0x16b: {  	v8 =	vmax.f32 v8, v10  }
0x16c: {  	v8 =	vmul.f32 v8, v9;
	_ =	sdelay $0x1  }
0x16d: {  	v8 =	vadd.f32 $0.0e+00, v8;
	_ =	sdelay $0x1  }
0x16e: {  	v9 =	vperm.xlane v8, v2;
	_ =	sdelay $0x1  }
0x16f: {  	v8 =	vadd.f32 v8, v9;
	_ =	sdelay $0x1  }
0x170: {  	v9 =	vperm.xlane v8, v3;
	_ =	sdelay $0x1  }
0x171: {  	v8 =	vadd.f32 v8, v9;
	_ =	sdelay $0x1  }
0x172: {  	v9 =	vperm.xlane v8, v4;
	_ =	sdelay $0x1  }
0x173: {  	v8 =	vadd.f32 v8, v9;
	_ =	sdelay $0x1  }
0x174: {  	v9 =	vperm.xlane v8, v5;
	_ =	sdelay $0x1  }
0x175: {  	v8 =	vadd.f32 v8, v9;
	_ =	sdelay $0x1  }
0x176: {  	v8 =	vmul.f32 $1.442695020e+00, v8;
	_ =	sdelay $0x1  }
0x177: {  	(erf) = vpow2.f32 v8;
	_ =	sdelay $0x8  }
0x178: {  	v9 =	vpop (erf)  }
0x179: {  	v6 =	vmul.f32 v9, v6;
	_ =	sdelay $0x1  }
0x17a: {  	[tilespmem:s14+$0xFFFFFFF0] =	vst v6  }
0x17b: {  	v6 =	vld [tilespmem:s23+$0x2320]  }
0x17c: {  	v8 =	vld [tilespmem:s23+$0x6320];
	_ =	sdelay $0x4  }
0x17d: {  	v10 =	vld [tilespmem:$0xD320];
	v8 =	vadd.f32 v8, v6;
	_ =	sdelay $0x1  }
0x17e: {  	v11 =	vmul.f32 $2.000000030e-01, v8;
	_ =	sdelay $0x1  }
0x17f: {  	v8 =	vmax.f32 v8, v11  }
0x180: {  	v8 =	vmul.f32 v8, v10;
	_ =	sdelay $0x1  }
0x181: {  	v8 =	vadd.f32 $0.0e+00, v8;
	_ =	sdelay $0x1  }
0x182: {  	v10 =	vperm.xlane v8, v2;
	_ =	sdelay $0x1  }
0x183: {  	v8 =	vadd.f32 v8, v10;
	_ =	sdelay $0x1  }
0x184: {  	v10 =	vperm.xlane v8, v3;
	_ =	sdelay $0x1  }
0x185: {  	v8 =	vadd.f32 v8, v10;
	_ =	sdelay $0x1  }
0x186: {  	v10 =	vperm.xlane v8, v4;
	_ =	sdelay $0x1  }
0x187: {  	v8 =	vadd.f32 v8, v10;
	_ =	sdelay $0x1  }
0x188: {  	v10 =	vperm.xlane v8, v5;
	_ =	sdelay $0x1  }
0x189: {  	v8 =	vadd.f32 v8, v10;
	_ =	sdelay $0x1  }
0x18a: {  	v8 =	vmul.f32 $1.442695020e+00, v8;
	_ =	sdelay $0x1  }
0x18b: {  	(erf) = vpow2.f32 v8;
	_ =	sdelay $0x8  }
0x18c: {  	v10 =	vpop (erf)  }
0x18d: {  	v6 =	vmul.f32 v10, v6;
	_ =	sdelay $0x1  }
0x18e: {  	[tilespmem:s14+$0x0] =	vst v6  }
0x18f: {  	v8 =	vld [tilespmem:s23+$0x2330]  }
0x190: {  	v6 =	vld [tilespmem:s23+$0x6330];
	_ =	sdelay $0x4  }
0x191: {  	v11 =	vld [tilespmem:$0xD330];
	v6 =	vadd.f32 v6, v8;
	_ =	sdelay $0x1  }
0x192: {  	v12 =	vmul.f32 $2.000000030e-01, v6;
	_ =	sdelay $0x1  }
0x193: {  	v6 =	vmax.f32 v6, v12  }
0x194: {  	v6 =	vmul.f32 v6, v11;
	_ =	sdelay $0x1  }
0x195: {  	v6 =	vadd.f32 $0.0e+00, v6;
	_ =	sdelay $0x1  }
0x196: {  	v11 =	vperm.xlane v6, v2;
	_ =	sdelay $0x1  }
0x197: {  	v6 =	vadd.f32 v6, v11;
	_ =	sdelay $0x1  }
0x198: {  	v11 =	vperm.xlane v6, v3;
	_ =	sdelay $0x1  }
0x199: {  	v6 =	vadd.f32 v6, v11;
	_ =	sdelay $0x1  }
0x19a: {  	v11 =	vperm.xlane v6, v4;
	_ =	sdelay $0x1  }
0x19b: {  	v6 =	vadd.f32 v6, v11;
	_ =	sdelay $0x1  }
0x19c: {  	v11 =	vperm.xlane v6, v5;
	_ =	sdelay $0x1  }
0x19d: {  	v6 =	vadd.f32 v6, v11;
	_ =	sdelay $0x1  }
0x19e: {  	v6 =	vmul.f32 $1.442695020e+00, v6;
	_ =	sdelay $0x1  }
0x19f: {  	(erf) = vpow2.f32 v6;
	_ =	sdelay $0x3  }
0x1a0: {  	v7 =	vnsel vm0, $0x0, v7  }
0x1a1: {  	v7 =	vsel vm1, v7, v9  }
0x1a2: {  	s16 =	simm.s32 $0xAB20;
	s2 =	simm.s32 $0x100;
	v6 =	vsel vm2, v7, v10  }
.LBB2_7:
0x1a3: {  	p0 =	sne.s32 s2, $0x7F00  }
0x1a4: {  	s14 =	sadd.s32 $0x50, s14;
	s19 =	smov.u32 s2;
	s2 =	sadd.s32 $0x100, s2  }
0x1a5: {  	v7 =	vpop (erf)  }
0x1a6: {  	v8 =	vmul.f32 v7, v8;
	v6 =	vsel vm3, v6, v7  }
0x1a7: {  	[tilespmem:s16+$0x20] =	vst v6  }
0x1a8: {  	s19 =	sshra.s32 s19, $0x2;
	[tilespmem:s16+$0x10] =	vst v8;
	s16 =	smov.u32 s14  }
0x1a9: {  	v7 =	vld [tilespmem:s19+$0x2300]  }
0x1aa: {  	v6 =	vld [tilespmem:s19+$0x6300];
	_ =	sdelay $0x3  }
0x1ab: {  	v8 =	vld [tilespmem:$0xD300]  }
0x1ac: {  	v6 =	vadd.f32 v6, v7;
	_ =	sdelay $0x1  }
0x1ad: {  	v9 =	vmul.f32 $2.000000030e-01, v6;
	_ =	sdelay $0x1  }
0x1ae: {  	v6 =	vmax.f32 v6, v9  }
0x1af: {  	v6 =	vmul.f32 v6, v8;
	_ =	sdelay $0x1  }
0x1b0: {  	v6 =	vadd.f32 $0.0e+00, v6;
	_ =	sdelay $0x1  }
0x1b1: {  	v8 =	vperm.xlane v6, v2;
	_ =	sdelay $0x1  }
0x1b2: {  	v6 =	vadd.f32 v6, v8;
	_ =	sdelay $0x1  }
0x1b3: {  	v8 =	vperm.xlane v6, v3;
	_ =	sdelay $0x1  }
0x1b4: {  	v6 =	vadd.f32 v6, v8;
	_ =	sdelay $0x1  }
0x1b5: {  	v8 =	vperm.xlane v6, v4;
	_ =	sdelay $0x1  }
0x1b6: {  	v6 =	vadd.f32 v6, v8;
	_ =	sdelay $0x1  }
0x1b7: {  	v8 =	vperm.xlane v6, v5;
	_ =	sdelay $0x1  }
0x1b8: {  	v6 =	vadd.f32 v6, v8;
	_ =	sdelay $0x1  }
0x1b9: {  	v6 =	vmul.f32 $1.442695020e+00, v6;
	_ =	sdelay $0x1  }
0x1ba: {  	(erf) = vpow2.f32 v6;
	_ =	sdelay $0x8  }
0x1bb: {  	v6 =	vpop (erf)  }
0x1bc: {  	v7 =	vmul.f32 v6, v7;
	_ =	sdelay $0x1  }
0x1bd: {  	[tilespmem:s14+$0xFFFFFFE0] =	vst v7  }
0x1be: {  	v8 =	vld [tilespmem:s19+$0x2310]  }
0x1bf: {  	v7 =	vld [tilespmem:s19+$0x6310];
	_ =	sdelay $0x2  }
0x1c0: {  	v9 =	vld [tilespmem:$0xD310];
	_ =	sdelay $0x1  }
0x1c1: {  	v7 =	vadd.f32 v7, v8;
	_ =	sdelay $0x1  }
0x1c2: {  	v10 =	vmul.f32 $2.000000030e-01, v7;
	_ =	sdelay $0x1  }
0x1c3: {  	v7 =	vmax.f32 v7, v10  }
0x1c4: {  	v7 =	vmul.f32 v7, v9;
	_ =	sdelay $0x1  }
0x1c5: {  	v7 =	vadd.f32 $0.0e+00, v7;
	_ =	sdelay $0x1  }
0x1c6: {  	v9 =	vperm.xlane v7, v2;
	_ =	sdelay $0x1  }
0x1c7: {  	v7 =	vadd.f32 v7, v9;
	_ =	sdelay $0x1  }
0x1c8: {  	v9 =	vperm.xlane v7, v3;
	_ =	sdelay $0x1  }
0x1c9: {  	v7 =	vadd.f32 v7, v9;
	_ =	sdelay $0x1  }
0x1ca: {  	v9 =	vperm.xlane v7, v4;
	_ =	sdelay $0x1  }
0x1cb: {  	v7 =	vadd.f32 v7, v9;
	_ =	sdelay $0x1  }
0x1cc: {  	v9 =	vperm.xlane v7, v5;
	_ =	sdelay $0x1  }
0x1cd: {  	v7 =	vadd.f32 v7, v9;
	_ =	sdelay $0x1  }
0x1ce: {  	v7 =	vmul.f32 $1.442695020e+00, v7;
	_ =	sdelay $0x1  }
0x1cf: {  	(erf) = vpow2.f32 v7;
	_ =	sdelay $0x8  }
0x1d0: {  	v7 =	vpop (erf)  }
0x1d1: {  	v8 =	vmul.f32 v7, v8;
	_ =	sdelay $0x1  }
0x1d2: {  	[tilespmem:s14+$0xFFFFFFF0] =	vst v8  }
0x1d3: {  	v8 =	vld [tilespmem:s19+$0x2320]  }
0x1d4: {  	v9 =	vld [tilespmem:s19+$0x6320];
	_ =	sdelay $0x1  }
0x1d5: {  	v10 =	vld [tilespmem:$0xD320];
	_ =	sdelay $0x2  }
0x1d6: {  	v9 =	vadd.f32 v9, v8;
	_ =	sdelay $0x1  }
0x1d7: {  	v11 =	vmul.f32 $2.000000030e-01, v9;
	_ =	sdelay $0x1  }
0x1d8: {  	v9 =	vmax.f32 v9, v11  }
0x1d9: {  	v9 =	vmul.f32 v9, v10;
	_ =	sdelay $0x1  }
0x1da: {  	v9 =	vadd.f32 $0.0e+00, v9;
	_ =	sdelay $0x1  }
0x1db: {  	v10 =	vperm.xlane v9, v2;
	_ =	sdelay $0x1  }
0x1dc: {  	v9 =	vadd.f32 v9, v10;
	_ =	sdelay $0x1  }
0x1dd: {  	v10 =	vperm.xlane v9, v3;
	_ =	sdelay $0x1  }
0x1de: {  	v9 =	vadd.f32 v9, v10;
	_ =	sdelay $0x1  }
0x1df: {  	v10 =	vperm.xlane v9, v4;
	_ =	sdelay $0x1  }
0x1e0: {  	v9 =	vadd.f32 v9, v10;
	_ =	sdelay $0x1  }
0x1e1: {  	v10 =	vperm.xlane v9, v5;
	_ =	sdelay $0x1  }
0x1e2: {  	v9 =	vadd.f32 v9, v10;
	_ =	sdelay $0x1  }
0x1e3: {  	v9 =	vmul.f32 $1.442695020e+00, v9;
	_ =	sdelay $0x1  }
0x1e4: {  	(erf) = vpow2.f32 v9;
	_ =	sdelay $0x8  }
0x1e5: {  	v9 =	vpop (erf)  }
0x1e6: {  	v8 =	vmul.f32 v9, v8;
	_ =	sdelay $0x1  }
0x1e7: {  	[tilespmem:s14+$0x0] =	vst v8  }
0x1e8: {  	v8 =	vld [tilespmem:s19+$0x2330]  }
0x1e9: {  	v10 =	vld [tilespmem:s19+$0x6330]  }
0x1ea: {  	v11 =	vld [tilespmem:$0xD330];
	_ =	sdelay $0x3  }
0x1eb: {  	v10 =	vadd.f32 v10, v8;
	_ =	sdelay $0x1  }
0x1ec: {  	v12 =	vmul.f32 $2.000000030e-01, v10;
	_ =	sdelay $0x1  }
0x1ed: {  	v10 =	vmax.f32 v10, v12  }
0x1ee: {  	v10 =	vmul.f32 v10, v11;
	_ =	sdelay $0x1  }
0x1ef: {  	v10 =	vadd.f32 $0.0e+00, v10;
	_ =	sdelay $0x1  }
0x1f0: {  	v11 =	vperm.xlane v10, v2;
	_ =	sdelay $0x1  }
0x1f1: {  	v10 =	vadd.f32 v10, v11;
	_ =	sdelay $0x1  }
0x1f2: {  	v11 =	vperm.xlane v10, v3;
	_ =	sdelay $0x1  }
0x1f3: {  	v10 =	vadd.f32 v10, v11;
	_ =	sdelay $0x1  }
0x1f4: {  	v11 =	vperm.xlane v10, v4;
	_ =	sdelay $0x1  }
0x1f5: {  	v10 =	vadd.f32 v10, v11;
	_ =	sdelay $0x1  }
0x1f6: {  	v11 =	vperm.xlane v10, v5;
	_ =	sdelay $0x1  }
0x1f7: {  	v10 =	vadd.f32 v10, v11;
	_ =	sdelay $0x1  }
0x1f8: {  	v10 =	vmul.f32 $1.442695020e+00, v10;
	_ =	sdelay $0x1  }
0x1f9: {  	(erf) = vpow2.f32 v10;
	_ =	sdelay $0x1  }
.Ltmp2:
0x1fa: {  	(pc) =	sbr.rel @p0 .LBB2_7-.Ltmp2, $4  }
0x1fb: {  	_ = 	snop  }
0x1fc: {  	v6 =	vnsel vm0, $0x0, v6  }
0x1fd: {  	v6 =	vsel vm1, v6, v7  }
0x1fe: {  	v6 =	vsel vm2, v6, v9  }
0x1ff: {  	s10 =	sadd.s32 $0x1, s10  }
0x200: {  	p0 =	sne.s32 s10, $0x29  }
.Ltmp3:
0x201: {  	v7 =	vpop (erf);
	(pc) =	sbr.rel @p0 .LBB2_4-.Ltmp3, $4  }
0x202: {  	v8 =	vmul.f32 v7, v8;
	v6 =	vsel vm3, v6, v7  }
0x203: {  	[tilespmem:s16+$0x20] =	vst v6  }
0x204: {  	[tilespmem:s16+$0x10] =	vst v8  }
0x205: {  	[spmem:s3] =	stream.indirect.scatter.add.f32 [tilespmem:s29], [sflag:$0x6], $0x50, s28, s25, $0xb8;
	[tilespmem:$0x19B80] =	vst v63  }
0x206: {  	_ =	swait.ge [sflag:s21], $0x2000  }
0x207: {  	[sflag:s21] =	ssyncset.done $0x0  }
0x208: {  	[sflag:s21] =	ssyncadd.s32 $0xFFFFE000  }
0x209: {  	_ =	swait.ge [sflag:s21], $0x2000  }
0x20a: {  	[sflag:s21] =	ssyncset.done $0x0  }
0x20b: {  	[sflag:s21] =	ssyncadd.s32 $0xFFFFE000  }
0x20c: {  	_ =	swait.ge [sflag:s4], $0x100  }
0x20d: {  	[sflag:s4] =	ssyncset.done $0x0  }
0x20e: {  	[sflag:s4] =	ssyncadd.s32 $0xFFFFFF00  }
0x20f: {  	_ =	swait.ge [sflag:s11], $0x2800  }
0x210: {  	[sflag:s11] =	ssyncset.done $0x0  }
0x211: {  	[sflag:s11] =	ssyncadd.s32 $0xFFFFD800  }
0x212: {  	_ =	swait.ge [sflag:s13], $0x2800  }
0x213: {  	[sflag:s13] =	ssyncset.done $0x0  }
0x214: {  	[sflag:s13] =	ssyncadd.s32 $0xFFFFD800  }
0x215: {  	s2 =	stileid.u32;
	[bflag:$0x0] =	sbarrier.arrive $0xFFFF  }
0x216: {  	s2 =	sshll.u32 s2, $0x6;
	s16 =	rddreg [dreg:$0x4]  }
0x217: {  	s14 =	sor.u32 $0x1C07, s2;
	s10 =	rddreg [dreg:$0xb]  }
0x218: {  	[dreg:$0xf] =	wrdreg s14;
	s15 =	sshrl.u32 s16, $0x3  }
0x219: {  	s19 =	simm.s32 $0x7;
	[dreg:$0x10] =	wrdreg s15  }
0x21a: {  	[hbm:s10], [sflag:s14] =	dma.local [spmem:s15], $0x1900  }
0x21b: {  	_ =	swait.ge [sflag:s19], $0x1900  }
0x21c: {  	[sflag:s19] =	ssyncset.done $0x0  }
0x21d: {  	[sflag:s19] =	ssyncadd.s32 $0xFFFFE700  }
0x21e: {  	[bflag:$0x0] =	sbarrier.arrive $0xFFFF  }
0x21f: {  	[spmem:s16] =	stream.linear.scatter [tilespmem:s24], [sflag:$0x7], $0x2800, $0x38;
	[tilespmem:$0x19B80] =	vst v63  }
0x220: {  	_ =	swait.ge [sflag:s19], $0x2800  }
0x221: {  	[sflag:s19] =	ssyncset.done $0x0  }
0x222: {  	s23 =	rddreg [dreg:$0x5];
	[sflag:s19] =	ssyncadd.s32 $0xFFFFD800  }
0x223: {  	[spmem:s23] =	stream.linear.scatter [tilespmem:s24], [sflag:$0x7], $0x2800, $0x38;
	[tilespmem:$0x19B80] =	vst v63  }
0x224: {  	_ =	swait.ge [sflag:s19], $0x2800  }
0x225: {  	[sflag:s19] =	ssyncset.done $0x0  }
0x226: {  	s14 =	rddreg [dreg:$0x6];
	[sflag:s19] =	ssyncadd.s32 $0xFFFFD800  }
0x227: {  	[spmem:s14] =	stream.linear.scatter [tilespmem:s24], [sflag:$0x7], $0x2800, $0x38;
	[tilespmem:$0x19B80] =	vst v63  }
0x228: {  	_ =	swait.ge [sflag:s19], $0x2800  }
0x229: {  	[sflag:s19] =	ssyncset.done $0x0  }
0x22a: {  	s15 =	rddreg [dreg:$0x7];
	[sflag:s19] =	ssyncadd.s32 $0xFFFFD800  }
0x22b: {  	[spmem:s15] =	stream.linear.scatter [tilespmem:s24], [sflag:$0x7], $0x2800, $0x38;
	[tilespmem:$0x19B80] =	vst v63  }
0x22c: {  	_ =	swait.ge [sflag:s19], $0x2800  }
0x22d: {  	[sflag:s19] =	ssyncset.done $0x0  }
0x22e: {  	s16 =	rddreg [dreg:$0x8];
	[sflag:s19] =	ssyncadd.s32 $0xFFFFD800  }
0x22f: {  	[spmem:s16] =	stream.linear.scatter [tilespmem:s24], [sflag:$0x7], $0x2800, $0x38;
	[tilespmem:$0x19B80] =	vst v63  }
0x230: {  	_ =	swait.ge [sflag:s19], $0x2800  }
0x231: {  	[sflag:s19] =	ssyncset.done $0x0  }
0x232: {  	[sflag:s19] =	ssyncadd.s32 $0xFFFFD800  }
0x233: {  	[bflag:$0x0] =	sbarrier.arrive $0xFFFF  }
0x234: {  	[tilespmem:$0x200] =	vst v1  }
0x235: {  	[tilespmem:$0x280] =	vst v1  }
0x236: {  	[tilespmem:$0x210] =	vst v1  }
0x237: {  	[tilespmem:$0x290] =	vst v1  }
0x238: {  	[tilespmem:$0x220] =	vst v1  }
0x239: {  	[tilespmem:$0x2A0] =	vst v1  }
0x23a: {  	[tilespmem:$0x230] =	vst v1  }
0x23b: {  	[tilespmem:$0x2B0] =	vst v1  }
0x23c: {  	[tilespmem:$0x240] =	vst v1  }
0x23d: {  	[tilespmem:$0x2C0] =	vst v1  }
0x23e: {  	[tilespmem:$0x250] =	vst v1  }
0x23f: {  	[tilespmem:$0x2D0] =	vst v1  }
0x240: {  	[tilespmem:$0x260] =	vst v1  }
0x241: {  	[tilespmem:$0x2E0] =	vst v1  }
0x242: {  	[tilespmem:$0x270] =	vst v1  }
0x243: {  	[tilespmem:$0x2F0] =	vst v1  }
0x244: {  	[spmem:s3] =	stream.indirect.scatter.add.f32 [tilespmem:s24], [sflag:$0x5], $0x50, s26, s25, $0xb8;
	[tilespmem:$0x19B80] =	vst v63  }
0x245: {  	_ = 	snop  }
0x246: {  	[spmem:s3] =	stream.indirect.scatter.add.f32 [tilespmem:s29], [sflag:$0x6], $0x50, s28, s25, $0xb8;
	[tilespmem:$0x19B80] =	vst v63  }
0x247: {  	s10 =	simm.s32 $0x0;
	s19 =	rddreg [dreg:$0x9]  }
0x248: {  	[tilespmem:s10], [sflag:$0x1] =	stream.strided.gather [hbm4b:s19+s25], $0x100, s30, s25, $0x38;
	[tilespmem:$0x19B80] =	vst v63  }
0x249: {  	s23 =	rddreg [dreg:$0xa]  }
0x24a: {  	[tilespmem:s31], [sflag:$0x2] =	stream.strided.gather [hbm4b:s23+s25], $0x100, s30, s25, $0x38;
	[tilespmem:$0x19B80] =	vst v63  }
0x24b: {  	_ =	swait.ge [sflag:s0], $0x100  }
0x24c: {  	[sflag:s0] =	ssyncset.done $0x0  }
0x24d: {  	[sflag:s0] =	ssyncadd.s32 $0xFFFFFF00  }
0x24e: {  	[tilespmem:s1], [sflag:$0x3] =	stream.indirect.gather [hbm4b:s6+s25], $0x40, s10, s25, $0xb8;
	[tilespmem:$0x19B80] =	vst v63  }
0x24f: {  	s16 =	simm.s32 $0x0  }
0x250: {  	[tilespmem:s22], [sflag:$0x3] =	stream.indirect.gather [hbm4b:s8+s25], $0x40, s25, s25, $0xb8;
	[tilespmem:$0x19B80] =	vst v63  }
.LBB2_10:
0x251: {  	_ =	swait.ge [sflag:s4], $0x100  }
0x252: {  	[sflag:s4] =	ssyncset.done $0x0  }
0x253: {  	s2 =	simm.s32 $0x2300;
	[sflag:s4] =	ssyncadd.s32 $0xFFFFFF00  }
0x254: {  	[tilespmem:s2], [sflag:$0x4] =	stream.indirect.gather [hbm4b:s6+s25], $0x40, s31, s25, $0xb8;
	[tilespmem:$0x19B80] =	vst v63  }
0x255: {  	s15 =	simm.s32 $0x180  }
0x256: {  	[tilespmem:s20], [sflag:$0x4] =	stream.indirect.gather [hbm4b:s8+s25], $0x40, s15, s25, $0xb8;
	[tilespmem:$0x19B80] =	vst v63  }
0x257: {  	_ =	swait.ge [sflag:s21], $0x2000  }
0x258: {  	[sflag:s21] =	ssyncset.done $0x0  }
0x259: {  	[sflag:s21] =	ssyncadd.s32 $0xFFFFE000  }
0x25a: {  	_ =	swait.ge [sflag:s21], $0x2000  }
0x25b: {  	[sflag:s21] =	ssyncset.done $0x0  }
0x25c: {  	[sflag:s21] =	ssyncadd.s32 $0xFFFFE000  }
0x25d: {  	_ =	swait.ge [sflag:s11], $0x2800  }
0x25e: {  	[sflag:s11] =	ssyncset.done $0x0  }
0x25f: {  	[sflag:s11] =	ssyncadd.s32 $0xFFFFD800  }
0x260: {  	v6 =	vld [tilespmem:$0x80]  }
0x261: {  	v7 =	vld [tilespmem:$0x90]  }
0x262: {  	v8 =	vld [tilespmem:$0xA0]  }
0x263: {  	v9 =	vld [tilespmem:$0xB0]  }
0x264: {  	v10 =	vld [tilespmem:$0xC0]  }
0x265: {  	[tilespmem:$0x200] =	vst v6;
	v6 =	vld [tilespmem:$0xD0]  }
0x266: {  	[tilespmem:$0x210] =	vst v7;
	v7 =	vld [tilespmem:$0xE0]  }
0x267: {  	[tilespmem:$0x220] =	vst v8;
	v8 =	vld [tilespmem:$0xF0]  }
0x268: {  	[tilespmem:$0x230] =	vst v9  }
0x269: {  	s15 =	sshll.u32 s16, $0x8;
	[tilespmem:$0x240] =	vst v10  }
0x26a: {  	s19 =	sadd.s32 s15, s17;
	[tilespmem:$0x250] =	vst v6  }
0x26b: {  	s2 =	sshrl.u32 s19, $0x3;
	[tilespmem:$0x260] =	vst v7  }
0x26c: {  	s23 =	simm.s32 $0x0;
	s2 =	sadd.s32 s9, s2;
	[tilespmem:$0x270] =	vst v8  }
0x26d: {  	[tilespmem:s10], [sflag:$0x1] =	stream.strided.gather [hbm4b:s2+s25], $0x100, s30, s25, $0x38;
	[tilespmem:$0x19B80] =	vst v63  }
0x26e: {  	v6 =	vld [tilespmem:s23+$0x300]  }
0x26f: {  	v7 =	vld [tilespmem:s23+$0x4300];
	_ =	sdelay $0x4  }
0x270: {  	v8 =	vld [tilespmem:$0xD340];
	v7 =	vadd.f32 v7, v6;
	_ =	sdelay $0x1  }
0x271: {  	v9 =	vmul.f32 $2.000000030e-01, v7;
	_ =	sdelay $0x1  }
0x272: {  	v7 =	vmax.f32 v7, v9  }
0x273: {  	v7 =	vmul.f32 v7, v8;
	_ =	sdelay $0x1  }
0x274: {  	v7 =	vadd.f32 $0.0e+00, v7;
	_ =	sdelay $0x1  }
0x275: {  	v8 =	vperm.xlane v7, v2;
	_ =	sdelay $0x1  }
0x276: {  	v7 =	vadd.f32 v7, v8;
	_ =	sdelay $0x1  }
0x277: {  	v8 =	vperm.xlane v7, v3;
	_ =	sdelay $0x1  }
0x278: {  	v7 =	vadd.f32 v7, v8;
	_ =	sdelay $0x1  }
0x279: {  	v8 =	vperm.xlane v7, v4;
	_ =	sdelay $0x1  }
0x27a: {  	v7 =	vadd.f32 v7, v8;
	_ =	sdelay $0x1  }
0x27b: {  	v8 =	vperm.xlane v7, v5;
	_ =	sdelay $0x1  }
0x27c: {  	v7 =	vadd.f32 v7, v8;
	_ =	sdelay $0x1  }
0x27d: {  	v7 =	vmul.f32 $1.442695020e+00, v7;
	_ =	sdelay $0x1  }
0x27e: {  	(erf) = vpow2.f32 v7;
	_ =	sdelay $0x8  }
0x27f: {  	v7 =	vpop (erf)  }
0x280: {  	v6 =	vmul.f32 v7, v6  }
0x281: {  	s14 =	simm.s32 $0x8320  }
0x282: {  	[tilespmem:s14+$0xFFFFFFE0] =	vst v6  }
0x283: {  	v6 =	vld [tilespmem:s23+$0x310]  }
0x284: {  	v8 =	vld [tilespmem:s23+$0x4310];
	_ =	sdelay $0x4  }
0x285: {  	v9 =	vld [tilespmem:$0xD350];
	v8 =	vadd.f32 v8, v6;
	_ =	sdelay $0x1  }
0x286: {  	v10 =	vmul.f32 $2.000000030e-01, v8;
	_ =	sdelay $0x1  }
0x287: {  	v8 =	vmax.f32 v8, v10  }
0x288: {  	v8 =	vmul.f32 v8, v9;
	_ =	sdelay $0x1  }
0x289: {  	v8 =	vadd.f32 $0.0e+00, v8;
	_ =	sdelay $0x1  }
0x28a: {  	v9 =	vperm.xlane v8, v2;
	_ =	sdelay $0x1  }
0x28b: {  	v8 =	vadd.f32 v8, v9;
	_ =	sdelay $0x1  }
0x28c: {  	v9 =	vperm.xlane v8, v3;
	_ =	sdelay $0x1  }
0x28d: {  	v8 =	vadd.f32 v8, v9;
	_ =	sdelay $0x1  }
0x28e: {  	v9 =	vperm.xlane v8, v4;
	_ =	sdelay $0x1  }
0x28f: {  	v8 =	vadd.f32 v8, v9;
	_ =	sdelay $0x1  }
0x290: {  	v9 =	vperm.xlane v8, v5;
	_ =	sdelay $0x1  }
0x291: {  	v8 =	vadd.f32 v8, v9;
	_ =	sdelay $0x1  }
0x292: {  	v8 =	vmul.f32 $1.442695020e+00, v8;
	_ =	sdelay $0x1  }
0x293: {  	(erf) = vpow2.f32 v8;
	_ =	sdelay $0x8  }
0x294: {  	v9 =	vpop (erf)  }
0x295: {  	v6 =	vmul.f32 v9, v6;
	_ =	sdelay $0x1  }
0x296: {  	[tilespmem:s14+$0xFFFFFFF0] =	vst v6  }
0x297: {  	v6 =	vld [tilespmem:s23+$0x320]  }
0x298: {  	v8 =	vld [tilespmem:s23+$0x4320];
	_ =	sdelay $0x4  }
0x299: {  	v10 =	vld [tilespmem:$0xD360];
	v8 =	vadd.f32 v8, v6;
	_ =	sdelay $0x1  }
0x29a: {  	v11 =	vmul.f32 $2.000000030e-01, v8;
	_ =	sdelay $0x1  }
0x29b: {  	v8 =	vmax.f32 v8, v11  }
0x29c: {  	v8 =	vmul.f32 v8, v10;
	_ =	sdelay $0x1  }
0x29d: {  	v8 =	vadd.f32 $0.0e+00, v8;
	_ =	sdelay $0x1  }
0x29e: {  	v10 =	vperm.xlane v8, v2;
	_ =	sdelay $0x1  }
0x29f: {  	v8 =	vadd.f32 v8, v10;
	_ =	sdelay $0x1  }
0x2a0: {  	v10 =	vperm.xlane v8, v3;
	_ =	sdelay $0x1  }
0x2a1: {  	v8 =	vadd.f32 v8, v10;
	_ =	sdelay $0x1  }
0x2a2: {  	v10 =	vperm.xlane v8, v4;
	_ =	sdelay $0x1  }
0x2a3: {  	v8 =	vadd.f32 v8, v10;
	_ =	sdelay $0x1  }
0x2a4: {  	v10 =	vperm.xlane v8, v5;
	_ =	sdelay $0x1  }
0x2a5: {  	v8 =	vadd.f32 v8, v10;
	_ =	sdelay $0x1  }
0x2a6: {  	v8 =	vmul.f32 $1.442695020e+00, v8;
	_ =	sdelay $0x1  }
0x2a7: {  	(erf) = vpow2.f32 v8;
	_ =	sdelay $0x8  }
0x2a8: {  	v10 =	vpop (erf)  }
0x2a9: {  	v6 =	vmul.f32 v10, v6;
	_ =	sdelay $0x1  }
0x2aa: {  	[tilespmem:s14+$0x0] =	vst v6  }
0x2ab: {  	v8 =	vld [tilespmem:s23+$0x330]  }
0x2ac: {  	v6 =	vld [tilespmem:s23+$0x4330];
	_ =	sdelay $0x4  }
0x2ad: {  	v11 =	vld [tilespmem:$0xD370];
	v6 =	vadd.f32 v6, v8;
	_ =	sdelay $0x1  }
0x2ae: {  	v12 =	vmul.f32 $2.000000030e-01, v6;
	_ =	sdelay $0x1  }
0x2af: {  	v6 =	vmax.f32 v6, v12  }
0x2b0: {  	v6 =	vmul.f32 v6, v11;
	_ =	sdelay $0x1  }
0x2b1: {  	v6 =	vadd.f32 $0.0e+00, v6;
	_ =	sdelay $0x1  }
0x2b2: {  	v11 =	vperm.xlane v6, v2;
	_ =	sdelay $0x1  }
0x2b3: {  	v6 =	vadd.f32 v6, v11;
	_ =	sdelay $0x1  }
0x2b4: {  	v11 =	vperm.xlane v6, v3;
	_ =	sdelay $0x1  }
0x2b5: {  	v6 =	vadd.f32 v6, v11;
	_ =	sdelay $0x1  }
0x2b6: {  	v11 =	vperm.xlane v6, v4;
	_ =	sdelay $0x1  }
0x2b7: {  	v6 =	vadd.f32 v6, v11;
	_ =	sdelay $0x1  }
0x2b8: {  	v11 =	vperm.xlane v6, v5;
	_ =	sdelay $0x1  }
0x2b9: {  	v6 =	vadd.f32 v6, v11;
	_ =	sdelay $0x1  }
0x2ba: {  	v6 =	vmul.f32 $1.442695020e+00, v6;
	_ =	sdelay $0x1  }
0x2bb: {  	(erf) = vpow2.f32 v6;
	_ =	sdelay $0x3  }
0x2bc: {  	v7 =	vnsel vm0, $0x0, v7  }
0x2bd: {  	v7 =	vsel vm1, v7, v9  }
0x2be: {  	s2 =	simm.s32 $0x100;
	s23 =	simm.s32 $0x8320;
	v6 =	vsel vm2, v7, v10  }
.LBB2_11:
0x2bf: {  	p0 =	sne.s32 s2, $0x7F00  }
0x2c0: {  	s14 =	sadd.s32 $0x50, s14;
	s19 =	smov.u32 s2;
	s2 =	sadd.s32 $0x100, s2  }
0x2c1: {  	v7 =	vpop (erf)  }
0x2c2: {  	v8 =	vmul.f32 v7, v8;
	v6 =	vsel vm3, v6, v7  }
0x2c3: {  	[tilespmem:s23+$0x20] =	vst v6  }
0x2c4: {  	s19 =	sshra.s32 s19, $0x2;
	[tilespmem:s23+$0x10] =	vst v8;
	s23 =	smov.u32 s14  }
0x2c5: {  	v7 =	vld [tilespmem:s19+$0x300]  }
0x2c6: {  	v6 =	vld [tilespmem:s19+$0x4300];
	_ =	sdelay $0x3  }
0x2c7: {  	v8 =	vld [tilespmem:$0xD340]  }
0x2c8: {  	v6 =	vadd.f32 v6, v7;
	_ =	sdelay $0x1  }
0x2c9: {  	v9 =	vmul.f32 $2.000000030e-01, v6;
	_ =	sdelay $0x1  }
0x2ca: {  	v6 =	vmax.f32 v6, v9  }
0x2cb: {  	v6 =	vmul.f32 v6, v8;
	_ =	sdelay $0x1  }
0x2cc: {  	v6 =	vadd.f32 $0.0e+00, v6;
	_ =	sdelay $0x1  }
0x2cd: {  	v8 =	vperm.xlane v6, v2;
	_ =	sdelay $0x1  }
0x2ce: {  	v6 =	vadd.f32 v6, v8;
	_ =	sdelay $0x1  }
0x2cf: {  	v8 =	vperm.xlane v6, v3;
	_ =	sdelay $0x1  }
0x2d0: {  	v6 =	vadd.f32 v6, v8;
	_ =	sdelay $0x1  }
0x2d1: {  	v8 =	vperm.xlane v6, v4;
	_ =	sdelay $0x1  }
0x2d2: {  	v6 =	vadd.f32 v6, v8;
	_ =	sdelay $0x1  }
0x2d3: {  	v8 =	vperm.xlane v6, v5;
	_ =	sdelay $0x1  }
0x2d4: {  	v6 =	vadd.f32 v6, v8;
	_ =	sdelay $0x1  }
0x2d5: {  	v6 =	vmul.f32 $1.442695020e+00, v6;
	_ =	sdelay $0x1  }
0x2d6: {  	(erf) = vpow2.f32 v6;
	_ =	sdelay $0x8  }
0x2d7: {  	v6 =	vpop (erf)  }
0x2d8: {  	v7 =	vmul.f32 v6, v7;
	_ =	sdelay $0x1  }
0x2d9: {  	[tilespmem:s14+$0xFFFFFFE0] =	vst v7  }
0x2da: {  	v8 =	vld [tilespmem:s19+$0x310]  }
0x2db: {  	v7 =	vld [tilespmem:s19+$0x4310];
	_ =	sdelay $0x2  }
0x2dc: {  	v9 =	vld [tilespmem:$0xD350];
	_ =	sdelay $0x1  }
0x2dd: {  	v7 =	vadd.f32 v7, v8;
	_ =	sdelay $0x1  }
0x2de: {  	v10 =	vmul.f32 $2.000000030e-01, v7;
	_ =	sdelay $0x1  }
0x2df: {  	v7 =	vmax.f32 v7, v10  }
0x2e0: {  	v7 =	vmul.f32 v7, v9;
	_ =	sdelay $0x1  }
0x2e1: {  	v7 =	vadd.f32 $0.0e+00, v7;
	_ =	sdelay $0x1  }
0x2e2: {  	v9 =	vperm.xlane v7, v2;
	_ =	sdelay $0x1  }
0x2e3: {  	v7 =	vadd.f32 v7, v9;
	_ =	sdelay $0x1  }
0x2e4: {  	v9 =	vperm.xlane v7, v3;
	_ =	sdelay $0x1  }
0x2e5: {  	v7 =	vadd.f32 v7, v9;
	_ =	sdelay $0x1  }
0x2e6: {  	v9 =	vperm.xlane v7, v4;
	_ =	sdelay $0x1  }
0x2e7: {  	v7 =	vadd.f32 v7, v9;
	_ =	sdelay $0x1  }
0x2e8: {  	v9 =	vperm.xlane v7, v5;
	_ =	sdelay $0x1  }
0x2e9: {  	v7 =	vadd.f32 v7, v9;
	_ =	sdelay $0x1  }
0x2ea: {  	v7 =	vmul.f32 $1.442695020e+00, v7;
	_ =	sdelay $0x1  }
0x2eb: {  	(erf) = vpow2.f32 v7;
	_ =	sdelay $0x8  }
0x2ec: {  	v7 =	vpop (erf)  }
0x2ed: {  	v8 =	vmul.f32 v7, v8;
	_ =	sdelay $0x1  }
0x2ee: {  	[tilespmem:s14+$0xFFFFFFF0] =	vst v8  }
0x2ef: {  	v8 =	vld [tilespmem:s19+$0x320]  }
0x2f0: {  	v9 =	vld [tilespmem:s19+$0x4320];
	_ =	sdelay $0x1  }
0x2f1: {  	v10 =	vld [tilespmem:$0xD360];
	_ =	sdelay $0x2  }
0x2f2: {  	v9 =	vadd.f32 v9, v8;
	_ =	sdelay $0x1  }
0x2f3: {  	v11 =	vmul.f32 $2.000000030e-01, v9;
	_ =	sdelay $0x1  }
0x2f4: {  	v9 =	vmax.f32 v9, v11  }
0x2f5: {  	v9 =	vmul.f32 v9, v10;
	_ =	sdelay $0x1  }
0x2f6: {  	v9 =	vadd.f32 $0.0e+00, v9;
	_ =	sdelay $0x1  }
0x2f7: {  	v10 =	vperm.xlane v9, v2;
	_ =	sdelay $0x1  }
0x2f8: {  	v9 =	vadd.f32 v9, v10;
	_ =	sdelay $0x1  }
0x2f9: {  	v10 =	vperm.xlane v9, v3;
	_ =	sdelay $0x1  }
0x2fa: {  	v9 =	vadd.f32 v9, v10;
	_ =	sdelay $0x1  }
0x2fb: {  	v10 =	vperm.xlane v9, v4;
	_ =	sdelay $0x1  }
0x2fc: {  	v9 =	vadd.f32 v9, v10;
	_ =	sdelay $0x1  }
0x2fd: {  	v10 =	vperm.xlane v9, v5;
	_ =	sdelay $0x1  }
0x2fe: {  	v9 =	vadd.f32 v9, v10;
	_ =	sdelay $0x1  }
0x2ff: {  	v9 =	vmul.f32 $1.442695020e+00, v9;
	_ =	sdelay $0x1  }
0x300: {  	(erf) = vpow2.f32 v9;
	_ =	sdelay $0x8  }
0x301: {  	v9 =	vpop (erf)  }
0x302: {  	v8 =	vmul.f32 v9, v8;
	_ =	sdelay $0x1  }
0x303: {  	[tilespmem:s14+$0x0] =	vst v8  }
0x304: {  	v8 =	vld [tilespmem:s19+$0x330]  }
0x305: {  	v10 =	vld [tilespmem:s19+$0x4330]  }
0x306: {  	v11 =	vld [tilespmem:$0xD370];
	_ =	sdelay $0x3  }
0x307: {  	v10 =	vadd.f32 v10, v8;
	_ =	sdelay $0x1  }
0x308: {  	v12 =	vmul.f32 $2.000000030e-01, v10;
	_ =	sdelay $0x1  }
0x309: {  	v10 =	vmax.f32 v10, v12  }
0x30a: {  	v10 =	vmul.f32 v10, v11;
	_ =	sdelay $0x1  }
0x30b: {  	v10 =	vadd.f32 $0.0e+00, v10;
	_ =	sdelay $0x1  }
0x30c: {  	v11 =	vperm.xlane v10, v2;
	_ =	sdelay $0x1  }
0x30d: {  	v10 =	vadd.f32 v10, v11;
	_ =	sdelay $0x1  }
0x30e: {  	v11 =	vperm.xlane v10, v3;
	_ =	sdelay $0x1  }
0x30f: {  	v10 =	vadd.f32 v10, v11;
	_ =	sdelay $0x1  }
0x310: {  	v11 =	vperm.xlane v10, v4;
	_ =	sdelay $0x1  }
0x311: {  	v10 =	vadd.f32 v10, v11;
	_ =	sdelay $0x1  }
0x312: {  	v11 =	vperm.xlane v10, v5;
	_ =	sdelay $0x1  }
0x313: {  	v10 =	vadd.f32 v10, v11;
	_ =	sdelay $0x1  }
0x314: {  	v10 =	vmul.f32 $1.442695020e+00, v10;
	_ =	sdelay $0x1  }
0x315: {  	(erf) = vpow2.f32 v10;
	_ =	sdelay $0x1  }
.Ltmp4:
0x316: {  	(pc) =	sbr.rel @p0 .LBB2_11-.Ltmp4, $4  }
0x317: {  	_ = 	snop  }
0x318: {  	v6 =	vnsel vm0, $0x0, v6  }
0x319: {  	v6 =	vsel vm1, v6, v7  }
0x31a: {  	v6 =	vsel vm2, v6, v9  }
0x31b: {  	_ =	sdelay $0x1  }
0x31c: {  	v7 =	vpop (erf)  }
0x31d: {  	v8 =	vmul.f32 v7, v8;
	v6 =	vsel vm3, v6, v7  }
0x31e: {  	[tilespmem:s23+$0x20] =	vst v6  }
0x31f: {  	[tilespmem:s23+$0x10] =	vst v8  }
0x320: {  	[spmem:s3] =	stream.indirect.scatter.add.f32 [tilespmem:s24], [sflag:$0x5], $0x50, s26, s25, $0xb8;
	[tilespmem:$0x19B80] =	vst v63  }
0x321: {  	_ =	swait.ge [sflag:s0], $0x100  }
0x322: {  	[sflag:s0] =	ssyncset.done $0x0  }
0x323: {  	s2 =	simm.s32 $0x0;
	[sflag:s0] =	ssyncadd.s32 $0xFFFFFF00  }
0x324: {  	[tilespmem:s1], [sflag:$0x3] =	stream.indirect.gather [hbm4b:s6+s25], $0x40, s2, s25, $0xb8;
	[tilespmem:$0x19B80] =	vst v63  }
0x325: {  	_ = 	snop  }
0x326: {  	[tilespmem:s22], [sflag:$0x3] =	stream.indirect.gather [hbm4b:s8+s25], $0x40, s25, s25, $0xb8;
	[tilespmem:$0x19B80] =	vst v63  }
0x327: {  	_ =	swait.ge [sflag:s12], $0x2000  }
0x328: {  	[sflag:s12] =	ssyncset.done $0x0  }
0x329: {  	[sflag:s12] =	ssyncadd.s32 $0xFFFFE000  }
0x32a: {  	_ =	swait.ge [sflag:s12], $0x2000  }
0x32b: {  	[sflag:s12] =	ssyncset.done $0x0  }
0x32c: {  	[sflag:s12] =	ssyncadd.s32 $0xFFFFE000  }
0x32d: {  	_ =	swait.ge [sflag:s13], $0x2800  }
0x32e: {  	[sflag:s13] =	ssyncset.done $0x0  }
0x32f: {  	[sflag:s13] =	ssyncadd.s32 $0xFFFFD800  }
0x330: {  	v6 =	vld [tilespmem:$0x180]  }
0x331: {  	v7 =	vld [tilespmem:$0x190]  }
0x332: {  	v8 =	vld [tilespmem:$0x1A0]  }
0x333: {  	v9 =	vld [tilespmem:$0x1B0]  }
0x334: {  	v10 =	vld [tilespmem:$0x1C0]  }
0x335: {  	[tilespmem:$0x280] =	vst v6;
	v6 =	vld [tilespmem:$0x1D0]  }
0x336: {  	[tilespmem:$0x290] =	vst v7;
	v7 =	vld [tilespmem:$0x1E0]  }
0x337: {  	[tilespmem:$0x2A0] =	vst v8;
	v8 =	vld [tilespmem:$0x1F0]  }
0x338: {  	[tilespmem:$0x2B0] =	vst v9  }
0x339: {  	[tilespmem:$0x2C0] =	vst v10  }
0x33a: {  	s19 =	sadd.s32 s15, s18;
	[tilespmem:$0x2D0] =	vst v6  }
0x33b: {  	s2 =	sshrl.u32 s19, $0x3;
	[tilespmem:$0x2E0] =	vst v7  }
0x33c: {  	s23 =	simm.s32 $0x0;
	s2 =	sadd.s32 s9, s2;
	[tilespmem:$0x2F0] =	vst v8  }
0x33d: {  	[tilespmem:s31], [sflag:$0x2] =	stream.strided.gather [hbm4b:s2+s25], $0x100, s30, s25, $0x38;
	[tilespmem:$0x19B80] =	vst v63  }
0x33e: {  	v6 =	vld [tilespmem:s23+$0x2300]  }
0x33f: {  	v7 =	vld [tilespmem:s23+$0x6300];
	_ =	sdelay $0x4  }
0x340: {  	v8 =	vld [tilespmem:$0xD340];
	v7 =	vadd.f32 v7, v6;
	_ =	sdelay $0x1  }
0x341: {  	v9 =	vmul.f32 $2.000000030e-01, v7;
	_ =	sdelay $0x1  }
0x342: {  	v7 =	vmax.f32 v7, v9  }
0x343: {  	v7 =	vmul.f32 v7, v8;
	_ =	sdelay $0x1  }
0x344: {  	v7 =	vadd.f32 $0.0e+00, v7;
	_ =	sdelay $0x1  }
0x345: {  	v8 =	vperm.xlane v7, v2;
	_ =	sdelay $0x1  }
0x346: {  	v7 =	vadd.f32 v7, v8;
	_ =	sdelay $0x1  }
0x347: {  	v8 =	vperm.xlane v7, v3;
	_ =	sdelay $0x1  }
0x348: {  	v7 =	vadd.f32 v7, v8;
	_ =	sdelay $0x1  }
0x349: {  	v8 =	vperm.xlane v7, v4;
	_ =	sdelay $0x1  }
0x34a: {  	v7 =	vadd.f32 v7, v8;
	_ =	sdelay $0x1  }
0x34b: {  	v8 =	vperm.xlane v7, v5;
	_ =	sdelay $0x1  }
0x34c: {  	v7 =	vadd.f32 v7, v8;
	_ =	sdelay $0x1  }
0x34d: {  	v7 =	vmul.f32 $1.442695020e+00, v7;
	_ =	sdelay $0x1  }
0x34e: {  	(erf) = vpow2.f32 v7;
	_ =	sdelay $0x8  }
0x34f: {  	v7 =	vpop (erf)  }
0x350: {  	v6 =	vmul.f32 v7, v6  }
0x351: {  	s14 =	simm.s32 $0xAB20  }
0x352: {  	[tilespmem:s14+$0xFFFFFFE0] =	vst v6  }
0x353: {  	v6 =	vld [tilespmem:s23+$0x2310]  }
0x354: {  	v8 =	vld [tilespmem:s23+$0x6310];
	_ =	sdelay $0x4  }
0x355: {  	v9 =	vld [tilespmem:$0xD350];
	v8 =	vadd.f32 v8, v6;
	_ =	sdelay $0x1  }
0x356: {  	v10 =	vmul.f32 $2.000000030e-01, v8;
	_ =	sdelay $0x1  }
0x357: {  	v8 =	vmax.f32 v8, v10  }
0x358: {  	v8 =	vmul.f32 v8, v9;
	_ =	sdelay $0x1  }
0x359: {  	v8 =	vadd.f32 $0.0e+00, v8;
	_ =	sdelay $0x1  }
0x35a: {  	v9 =	vperm.xlane v8, v2;
	_ =	sdelay $0x1  }
0x35b: {  	v8 =	vadd.f32 v8, v9;
	_ =	sdelay $0x1  }
0x35c: {  	v9 =	vperm.xlane v8, v3;
	_ =	sdelay $0x1  }
0x35d: {  	v8 =	vadd.f32 v8, v9;
	_ =	sdelay $0x1  }
0x35e: {  	v9 =	vperm.xlane v8, v4;
	_ =	sdelay $0x1  }
0x35f: {  	v8 =	vadd.f32 v8, v9;
	_ =	sdelay $0x1  }
0x360: {  	v9 =	vperm.xlane v8, v5;
	_ =	sdelay $0x1  }
0x361: {  	v8 =	vadd.f32 v8, v9;
	_ =	sdelay $0x1  }
0x362: {  	v8 =	vmul.f32 $1.442695020e+00, v8;
	_ =	sdelay $0x1  }
0x363: {  	(erf) = vpow2.f32 v8;
	_ =	sdelay $0x8  }
0x364: {  	v9 =	vpop (erf)  }
0x365: {  	v6 =	vmul.f32 v9, v6;
	_ =	sdelay $0x1  }
0x366: {  	[tilespmem:s14+$0xFFFFFFF0] =	vst v6  }
0x367: {  	v6 =	vld [tilespmem:s23+$0x2320]  }
0x368: {  	v8 =	vld [tilespmem:s23+$0x6320];
	_ =	sdelay $0x4  }
0x369: {  	v10 =	vld [tilespmem:$0xD360];
	v8 =	vadd.f32 v8, v6;
	_ =	sdelay $0x1  }
0x36a: {  	v11 =	vmul.f32 $2.000000030e-01, v8;
	_ =	sdelay $0x1  }
0x36b: {  	v8 =	vmax.f32 v8, v11  }
0x36c: {  	v8 =	vmul.f32 v8, v10;
	_ =	sdelay $0x1  }
0x36d: {  	v8 =	vadd.f32 $0.0e+00, v8;
	_ =	sdelay $0x1  }
0x36e: {  	v10 =	vperm.xlane v8, v2;
	_ =	sdelay $0x1  }
0x36f: {  	v8 =	vadd.f32 v8, v10;
	_ =	sdelay $0x1  }
0x370: {  	v10 =	vperm.xlane v8, v3;
	_ =	sdelay $0x1  }
0x371: {  	v8 =	vadd.f32 v8, v10;
	_ =	sdelay $0x1  }
0x372: {  	v10 =	vperm.xlane v8, v4;
	_ =	sdelay $0x1  }
0x373: {  	v8 =	vadd.f32 v8, v10;
	_ =	sdelay $0x1  }
0x374: {  	v10 =	vperm.xlane v8, v5;
	_ =	sdelay $0x1  }
0x375: {  	v8 =	vadd.f32 v8, v10;
	_ =	sdelay $0x1  }
0x376: {  	v8 =	vmul.f32 $1.442695020e+00, v8;
	_ =	sdelay $0x1  }
0x377: {  	(erf) = vpow2.f32 v8;
	_ =	sdelay $0x8  }
0x378: {  	v10 =	vpop (erf)  }
0x379: {  	v6 =	vmul.f32 v10, v6;
	_ =	sdelay $0x1  }
0x37a: {  	[tilespmem:s14+$0x0] =	vst v6  }
0x37b: {  	v8 =	vld [tilespmem:s23+$0x2330]  }
0x37c: {  	v6 =	vld [tilespmem:s23+$0x6330];
	_ =	sdelay $0x4  }
0x37d: {  	v11 =	vld [tilespmem:$0xD370];
	v6 =	vadd.f32 v6, v8;
	_ =	sdelay $0x1  }
0x37e: {  	v12 =	vmul.f32 $2.000000030e-01, v6;
	_ =	sdelay $0x1  }
0x37f: {  	v6 =	vmax.f32 v6, v12  }
0x380: {  	v6 =	vmul.f32 v6, v11;
	_ =	sdelay $0x1  }
0x381: {  	v6 =	vadd.f32 $0.0e+00, v6;
	_ =	sdelay $0x1  }
0x382: {  	v11 =	vperm.xlane v6, v2;
	_ =	sdelay $0x1  }
0x383: {  	v6 =	vadd.f32 v6, v11;
	_ =	sdelay $0x1  }
0x384: {  	v11 =	vperm.xlane v6, v3;
	_ =	sdelay $0x1  }
0x385: {  	v6 =	vadd.f32 v6, v11;
	_ =	sdelay $0x1  }
0x386: {  	v11 =	vperm.xlane v6, v4;
	_ =	sdelay $0x1  }
0x387: {  	v6 =	vadd.f32 v6, v11;
	_ =	sdelay $0x1  }
0x388: {  	v11 =	vperm.xlane v6, v5;
	_ =	sdelay $0x1  }
0x389: {  	v6 =	vadd.f32 v6, v11;
	_ =	sdelay $0x1  }
0x38a: {  	v6 =	vmul.f32 $1.442695020e+00, v6;
	_ =	sdelay $0x1  }
0x38b: {  	(erf) = vpow2.f32 v6;
	_ =	sdelay $0x3  }
0x38c: {  	v7 =	vnsel vm0, $0x0, v7  }
0x38d: {  	v7 =	vsel vm1, v7, v9  }
0x38e: {  	s15 =	simm.s32 $0xAB20;
	s2 =	simm.s32 $0x100;
	v6 =	vsel vm2, v7, v10  }
.LBB2_13:
0x38f: {  	p0 =	sne.s32 s2, $0x7F00  }
0x390: {  	s14 =	sadd.s32 $0x50, s14;
	s19 =	smov.u32 s2;
	s2 =	sadd.s32 $0x100, s2  }
0x391: {  	v7 =	vpop (erf)  }
0x392: {  	v8 =	vmul.f32 v7, v8;
	v6 =	vsel vm3, v6, v7  }
0x393: {  	[tilespmem:s15+$0x20] =	vst v6  }
0x394: {  	s19 =	sshra.s32 s19, $0x2;
	[tilespmem:s15+$0x10] =	vst v8;
	s15 =	smov.u32 s14  }
0x395: {  	v7 =	vld [tilespmem:s19+$0x2300]  }
0x396: {  	v6 =	vld [tilespmem:s19+$0x6300];
	_ =	sdelay $0x3  }
0x397: {  	v8 =	vld [tilespmem:$0xD340]  }
0x398: {  	v6 =	vadd.f32 v6, v7;
	_ =	sdelay $0x1  }
0x399: {  	v9 =	vmul.f32 $2.000000030e-01, v6;
	_ =	sdelay $0x1  }
0x39a: {  	v6 =	vmax.f32 v6, v9  }
0x39b: {  	v6 =	vmul.f32 v6, v8;
	_ =	sdelay $0x1  }
0x39c: {  	v6 =	vadd.f32 $0.0e+00, v6;
	_ =	sdelay $0x1  }
0x39d: {  	v8 =	vperm.xlane v6, v2;
	_ =	sdelay $0x1  }
0x39e: {  	v6 =	vadd.f32 v6, v8;
	_ =	sdelay $0x1  }
0x39f: {  	v8 =	vperm.xlane v6, v3;
	_ =	sdelay $0x1  }
0x3a0: {  	v6 =	vadd.f32 v6, v8;
	_ =	sdelay $0x1  }
0x3a1: {  	v8 =	vperm.xlane v6, v4;
	_ =	sdelay $0x1  }
0x3a2: {  	v6 =	vadd.f32 v6, v8;
	_ =	sdelay $0x1  }
0x3a3: {  	v8 =	vperm.xlane v6, v5;
	_ =	sdelay $0x1  }
0x3a4: {  	v6 =	vadd.f32 v6, v8;
	_ =	sdelay $0x1  }
0x3a5: {  	v6 =	vmul.f32 $1.442695020e+00, v6;
	_ =	sdelay $0x1  }
0x3a6: {  	(erf) = vpow2.f32 v6;
	_ =	sdelay $0x8  }
0x3a7: {  	v6 =	vpop (erf)  }
0x3a8: {  	v7 =	vmul.f32 v6, v7;
	_ =	sdelay $0x1  }
0x3a9: {  	[tilespmem:s14+$0xFFFFFFE0] =	vst v7  }
0x3aa: {  	v8 =	vld [tilespmem:s19+$0x2310]  }
0x3ab: {  	v7 =	vld [tilespmem:s19+$0x6310];
	_ =	sdelay $0x2  }
0x3ac: {  	v9 =	vld [tilespmem:$0xD350];
	_ =	sdelay $0x1  }
0x3ad: {  	v7 =	vadd.f32 v7, v8;
	_ =	sdelay $0x1  }
0x3ae: {  	v10 =	vmul.f32 $2.000000030e-01, v7;
	_ =	sdelay $0x1  }
0x3af: {  	v7 =	vmax.f32 v7, v10  }
0x3b0: {  	v7 =	vmul.f32 v7, v9;
	_ =	sdelay $0x1  }
0x3b1: {  	v7 =	vadd.f32 $0.0e+00, v7;
	_ =	sdelay $0x1  }
0x3b2: {  	v9 =	vperm.xlane v7, v2;
	_ =	sdelay $0x1  }
0x3b3: {  	v7 =	vadd.f32 v7, v9;
	_ =	sdelay $0x1  }
0x3b4: {  	v9 =	vperm.xlane v7, v3;
	_ =	sdelay $0x1  }
0x3b5: {  	v7 =	vadd.f32 v7, v9;
	_ =	sdelay $0x1  }
0x3b6: {  	v9 =	vperm.xlane v7, v4;
	_ =	sdelay $0x1  }
0x3b7: {  	v7 =	vadd.f32 v7, v9;
	_ =	sdelay $0x1  }
0x3b8: {  	v9 =	vperm.xlane v7, v5;
	_ =	sdelay $0x1  }
0x3b9: {  	v7 =	vadd.f32 v7, v9;
	_ =	sdelay $0x1  }
0x3ba: {  	v7 =	vmul.f32 $1.442695020e+00, v7;
	_ =	sdelay $0x1  }
0x3bb: {  	(erf) = vpow2.f32 v7;
	_ =	sdelay $0x8  }
0x3bc: {  	v7 =	vpop (erf)  }
0x3bd: {  	v8 =	vmul.f32 v7, v8;
	_ =	sdelay $0x1  }
0x3be: {  	[tilespmem:s14+$0xFFFFFFF0] =	vst v8  }
0x3bf: {  	v8 =	vld [tilespmem:s19+$0x2320]  }
0x3c0: {  	v9 =	vld [tilespmem:s19+$0x6320];
	_ =	sdelay $0x1  }
0x3c1: {  	v10 =	vld [tilespmem:$0xD360];
	_ =	sdelay $0x2  }
0x3c2: {  	v9 =	vadd.f32 v9, v8;
	_ =	sdelay $0x1  }
0x3c3: {  	v11 =	vmul.f32 $2.000000030e-01, v9;
	_ =	sdelay $0x1  }
0x3c4: {  	v9 =	vmax.f32 v9, v11  }
0x3c5: {  	v9 =	vmul.f32 v9, v10;
	_ =	sdelay $0x1  }
0x3c6: {  	v9 =	vadd.f32 $0.0e+00, v9;
	_ =	sdelay $0x1  }
0x3c7: {  	v10 =	vperm.xlane v9, v2;
	_ =	sdelay $0x1  }
0x3c8: {  	v9 =	vadd.f32 v9, v10;
	_ =	sdelay $0x1  }
0x3c9: {  	v10 =	vperm.xlane v9, v3;
	_ =	sdelay $0x1  }
0x3ca: {  	v9 =	vadd.f32 v9, v10;
	_ =	sdelay $0x1  }
0x3cb: {  	v10 =	vperm.xlane v9, v4;
	_ =	sdelay $0x1  }
0x3cc: {  	v9 =	vadd.f32 v9, v10;
	_ =	sdelay $0x1  }
0x3cd: {  	v10 =	vperm.xlane v9, v5;
	_ =	sdelay $0x1  }
0x3ce: {  	v9 =	vadd.f32 v9, v10;
	_ =	sdelay $0x1  }
0x3cf: {  	v9 =	vmul.f32 $1.442695020e+00, v9;
	_ =	sdelay $0x1  }
0x3d0: {  	(erf) = vpow2.f32 v9;
	_ =	sdelay $0x8  }
0x3d1: {  	v9 =	vpop (erf)  }
0x3d2: {  	v8 =	vmul.f32 v9, v8;
	_ =	sdelay $0x1  }
0x3d3: {  	[tilespmem:s14+$0x0] =	vst v8  }
0x3d4: {  	v8 =	vld [tilespmem:s19+$0x2330]  }
0x3d5: {  	v10 =	vld [tilespmem:s19+$0x6330]  }
0x3d6: {  	v11 =	vld [tilespmem:$0xD370];
	_ =	sdelay $0x3  }
0x3d7: {  	v10 =	vadd.f32 v10, v8;
	_ =	sdelay $0x1  }
0x3d8: {  	v12 =	vmul.f32 $2.000000030e-01, v10;
	_ =	sdelay $0x1  }
0x3d9: {  	v10 =	vmax.f32 v10, v12  }
0x3da: {  	v10 =	vmul.f32 v10, v11;
	_ =	sdelay $0x1  }
0x3db: {  	v10 =	vadd.f32 $0.0e+00, v10;
	_ =	sdelay $0x1  }
0x3dc: {  	v11 =	vperm.xlane v10, v2;
	_ =	sdelay $0x1  }
0x3dd: {  	v10 =	vadd.f32 v10, v11;
	_ =	sdelay $0x1  }
0x3de: {  	v11 =	vperm.xlane v10, v3;
	_ =	sdelay $0x1  }
0x3df: {  	v10 =	vadd.f32 v10, v11;
	_ =	sdelay $0x1  }
0x3e0: {  	v11 =	vperm.xlane v10, v4;
	_ =	sdelay $0x1  }
0x3e1: {  	v10 =	vadd.f32 v10, v11;
	_ =	sdelay $0x1  }
0x3e2: {  	v11 =	vperm.xlane v10, v5;
	_ =	sdelay $0x1  }
0x3e3: {  	v10 =	vadd.f32 v10, v11;
	_ =	sdelay $0x1  }
0x3e4: {  	v10 =	vmul.f32 $1.442695020e+00, v10;
	_ =	sdelay $0x1  }
0x3e5: {  	(erf) = vpow2.f32 v10;
	_ =	sdelay $0x1  }
.Ltmp5:
0x3e6: {  	(pc) =	sbr.rel @p0 .LBB2_13-.Ltmp5, $4  }
0x3e7: {  	_ = 	snop  }
0x3e8: {  	v6 =	vnsel vm0, $0x0, v6  }
0x3e9: {  	v6 =	vsel vm1, v6, v7  }
0x3ea: {  	v6 =	vsel vm2, v6, v9  }
0x3eb: {  	s16 =	sadd.s32 $0x1, s16  }
0x3ec: {  	p0 =	sne.s32 s16, $0x29  }
.Ltmp6:
0x3ed: {  	v7 =	vpop (erf);
	(pc) =	sbr.rel @p0 .LBB2_10-.Ltmp6, $4  }
0x3ee: {  	v8 =	vmul.f32 v7, v8;
	v6 =	vsel vm3, v6, v7  }
0x3ef: {  	[tilespmem:s15+$0x20] =	vst v6  }
0x3f0: {  	[tilespmem:s15+$0x10] =	vst v8  }
0x3f1: {  	[spmem:s3] =	stream.indirect.scatter.add.f32 [tilespmem:s29], [sflag:$0x6], $0x50, s28, s25, $0xb8;
	[tilespmem:$0x19B80] =	vst v63  }
0x3f2: {  	_ =	swait.ge [sflag:s21], $0x2000  }
0x3f3: {  	[sflag:s21] =	ssyncset.done $0x0  }
0x3f4: {  	[sflag:s21] =	ssyncadd.s32 $0xFFFFE000  }
0x3f5: {  	_ =	swait.ge [sflag:s21], $0x2000  }
0x3f6: {  	[sflag:s21] =	ssyncset.done $0x0  }
0x3f7: {  	[sflag:s21] =	ssyncadd.s32 $0xFFFFE000  }
0x3f8: {  	_ =	swait.ge [sflag:s4], $0x100  }
0x3f9: {  	[sflag:s4] =	ssyncset.done $0x0  }
0x3fa: {  	[sflag:s4] =	ssyncadd.s32 $0xFFFFFF00  }
0x3fb: {  	_ =	swait.ge [sflag:s11], $0x2800  }
0x3fc: {  	[sflag:s11] =	ssyncset.done $0x0  }
0x3fd: {  	[sflag:s11] =	ssyncadd.s32 $0xFFFFD800  }
0x3fe: {  	_ =	swait.ge [sflag:s13], $0x2800  }
0x3ff: {  	[sflag:s13] =	ssyncset.done $0x0  }
0x400: {  	[sflag:s13] =	ssyncadd.s32 $0xFFFFD800  }
0x401: {  	[bflag:$0x0] =	sbarrier.arrive $0xFFFF  }
0x402: {  	s2 =	rddreg [dreg:$0xc]  }
0x403: {  	s10 =	rddreg [dreg:$0xf]  }
0x404: {  	s15 =	simm.s32 $0x7;
	s14 =	rddreg [dreg:$0x10]  }
0x405: {  	[hbm:s2], [sflag:s10] =	dma.local [spmem:s14], $0x1900  }
0x406: {  	_ =	swait.ge [sflag:s15], $0x1900  }
0x407: {  	s19 =	rddreg [dreg:$0xe]  }
0x408: {  	s23 =	rddreg [dreg:$0xd];
	s10 =	sadd.s32 $0x1, s19  }
0x409: {  	p0 =	sne.s32 s10, s23  }
.Ltmp7:
0x40a: {  	_ = 	snop;
	(pc) =	sbr.rel @p0 .LBB2_1-.Ltmp7, $3  }
0x40b: {  	[sflag:s15] =	ssyncset.done $0x0  }
0x40c: {  	[sflag:s15] =	ssyncadd.s32 $0xFFFFE700  }
0x40d: {  	[bflag:$0x0] =	sbarrier.arrive $0xFFFF;
	_ =	sdelay $0x1  }
0x40e: {  	_ =	sfence.sel $0x180000  }
0x40f: {  	[bflag:$0x0] =	sbarrier.arrive $0xFFFF  }
0x410: {  	_ =	strace $0x90000047  }
0x411: {  	s0 =	stileid.u32;
	[bflag:$0x2] =	sbarrier.arrive $0xFFFF  }
0x412: {  	p0 =	sne.s32 s0, $0x0;
	s0 =	rddreg [dreg:$0x3]  }
0x413: {  	s0 =	sadd.s32 @!p0 $0x100000, s0  }
0x414: {  	[sflag:s0] =	ssyncadd.tile.s32 @!p0 $0x1;
	_ =	shalt  }
.Lfunc_end2:
_tile_overlayer_lowered:
.L_overlay_start_2:
0x415: {  	(tag) =	ssettag $0x2  }
0x416: {  	s0 =	rddreg [dreg:$0x0];
	s2 =	stileid.u32  }
0x417: {  	s1 =	rddreg [dreg:$0x1];
	p0 =	sne.s32 s2, $0x0  }
0x418: {  	s3 =	rddreg [dreg:$0x2];
	[bflag:$0x3] =	sbarrier.arrive $0xFFFF;
	s2 =	simm.s32 @!p0 $0x1C07  }
0x419: {  	[timem:s3], [sflag:s2] =	dma.local @!p0 [hbm:s0], s1  }
0x41a: {  	s0 =	simm.s32 @!p0 $0x7  }
0x41b: {  	_ =	swait.ge @!p0 [sflag:s0], s1  }
0x41c: {  	s1 =	ssub.s32 @!p0 $0x0, s1;
	[sflag:s0] =	ssyncset.done @!p0 $0x0  }
0x41d: {  	[sflag:s0] =	ssyncadd.s32 @!p0 s1  }
0x41e: {  	[bflag:$0x3] =	sbarrier.arrive $0xFFFF  }
0x41f: {  	_ =	shalt  }

</sc_bundles>
